<compile_context>
chip_gen: v7x
topology: tpu7x:2x2x1
jax: 0.10.2.dev20260603
libtpu: 0.0.44.dev20260713+nightly
codegen_flags: <defaults>
</compile_context>

<pallas_src>
import functools

import numpy as np
import jax
import jax.numpy as jnp
from jax import lax
from jax.experimental import pallas as pl
from jax.experimental.pallas import tpu as pltpu
from jax.experimental.pallas import tpu_sc as plsc

F32 = jnp.float32

_H = np.float32(2.0) / np.float32(5.0)
_G = [np.float32(t) * _H - np.float32(1.0) for t in range(-3, 9)]

_NC, _NS = 2, 16
_NW = _NC * _NS
_NP = 10240


def _bases8(x):
    b = [((x >= _G[j]) & (x < _G[j + 1])).astype(x.dtype) for j in range(11)]
    for k in range(1, 4):
        b = [
            (x - _G[j]) / np.float32(_G[j + k] - _G[j]) * b[j]
            + (np.float32(_G[j + k + 1]) - x)
            / np.float32(_G[j + k + 1] - _G[j + 1]) * b[j + 1]
            for j in range(11 - k)
        ]
    return b


def _silu(x):
    return x * jax.nn.sigmoid(x)


def _kan(x, bT, sT):
    bs = jnp.concatenate(_bases8(x), axis=1)
    return (jnp.dot(_silu(x), bT, preferred_element_type=F32)
            + jnp.dot(bs, sT, preferred_element_type=F32))


def _kan_out1(x, b_row, s_rows):
    acc = jnp.sum(_silu(x) * b_row, axis=1, keepdims=True)
    bs = _bases8(x)
    for k in range(8):
        acc = acc + jnp.sum(bs[k] * s_rows[k:k + 1, :], axis=1, keepdims=True)
    return acc


def _dinv_of(cnt):
    return lax.rsqrt(cnt[0, :, 0:1] + cnt[1, :, 0:1] + 1.0)



_BN = 400
_BE = 1000


def _tc_scale_matmul(x, W, cnt):
    N, Fi = x.shape
    nb = N // _BN

    def body(x_ref, w_ref, c_ref, o_ref):
        dinv = _dinv_of(c_ref[...])
        o_ref[...] = jnp.dot(x_ref[...], w_ref[...],
                             preferred_element_type=F32) * dinv

    return pl.pallas_call(
        body,
        grid=(nb,),
        in_specs=[
            pl.BlockSpec((_BN, Fi), lambda i: (i, 0)),
            pl.BlockSpec((Fi, 128), lambda i: (0, 0)),
            pl.BlockSpec((2, _BN, 128), lambda i: (0, i, 0)),
        ],
        out_specs=pl.BlockSpec((_BN, 128), lambda i: (i, 0)),
        out_shape=jax.ShapeDtypeStruct((N, 128), F32),
    )(x, W, cnt)


def _tc_combine_matmul(parts, xws, cnt, b, W):
    N = xws.shape[0]
    nb = N // _BN

    def body(p_ref, x_ref, c_ref, b_ref, w_ref, o_ref):
        pv = p_ref[...]
        dinv = _dinv_of(c_ref[...])
        h = jax.nn.relu(dinv * (pv[0] + pv[1] + x_ref[...]) + b_ref[...])
        o_ref[...] = jnp.dot(h, w_ref[...], preferred_element_type=F32) * dinv

    return pl.pallas_call(
        body,
        grid=(nb,),
        in_specs=[
            pl.BlockSpec((2, _BN, 128), lambda i: (0, i, 0)),
            pl.BlockSpec((_BN, 128), lambda i: (i, 0)),
            pl.BlockSpec((2, _BN, 128), lambda i: (0, i, 0)),
            pl.BlockSpec((1, 128), lambda i: (0, 0)),
            pl.BlockSpec((128, 128), lambda i: (0, 0)),
        ],
        out_specs=pl.BlockSpec((_BN, 128), lambda i: (i, 0)),
        out_shape=jax.ShapeDtypeStruct((N, 128), F32),
    )(parts, xws, cnt, b, W)


def _tc_combine_kan_matmul(parts, xws, cnt, b, ekbT, eksT, Wf):
    N = xws.shape[0]
    nb = N // _BN

    def body(p_ref, x_ref, c_ref, b_ref, ekb_ref, eks_ref, wf_ref,
             z_ref, zp_ref, o_ref):
        pv = p_ref[...]
        dinv = _dinv_of(c_ref[...])
        h2 = jax.nn.relu(dinv * (pv[0] + pv[1] + x_ref[...]) + b_ref[...])
        z = _kan(h2, ekb_ref[...], eks_ref[...])
        z_ref[...] = z
        zp_ref[...] = jnp.concatenate([z, jnp.zeros_like(z)], axis=1)
        o_ref[...] = jnp.dot(z, wf_ref[...], preferred_element_type=F32) * dinv

    return pl.pallas_call(
        body,
        grid=(nb,),
        in_specs=[
            pl.BlockSpec((2, _BN, 128), lambda i: (0, i, 0)),
            pl.BlockSpec((_BN, 128), lambda i: (i, 0)),
            pl.BlockSpec((2, _BN, 128), lambda i: (0, i, 0)),
            pl.BlockSpec((1, 128), lambda i: (0, 0)),
            pl.BlockSpec((128, 64), lambda i: (0, 0)),
            pl.BlockSpec((1024, 64), lambda i: (0, 0)),
            pl.BlockSpec((64, 128), lambda i: (0, 0)),
        ],
        out_specs=[
            pl.BlockSpec((_BN, 64), lambda i: (i, 0)),
            pl.BlockSpec((_BN, 128), lambda i: (i, 0)),
            pl.BlockSpec((_BN, 128), lambda i: (i, 0)),
        ],
        out_shape=[
            jax.ShapeDtypeStruct((N, 64), F32),
            jax.ShapeDtypeStruct((N, 128), F32),
            jax.ShapeDtypeStruct((N, 128), F32),
        ],
    )(parts, xws, cnt, b, ekbT, eksT, Wf)


def _tc_combine_kan(parts, xws, cnt, b, fkbT, fksT):
    N = xws.shape[0]
    nb = N // _BN

    def body(p_ref, x_ref, c_ref, b_ref, fkb_ref, fks_ref, o_ref):
        pv = p_ref[...]
        dinv = _dinv_of(c_ref[...])
        h = jax.nn.relu(dinv * (pv[0] + pv[1] + x_ref[...]) + b_ref[...])
        o_ref[...] = _kan(h, fkb_ref[...], fks_ref[...])

    return pl.pallas_call(
        body,
        grid=(nb,),
        in_specs=[
            pl.BlockSpec((2, _BN, 128), lambda i: (0, i, 0)),
            pl.BlockSpec((_BN, 128), lambda i: (i, 0)),
            pl.BlockSpec((2, _BN, 128), lambda i: (0, i, 0)),
            pl.BlockSpec((1, 128), lambda i: (0, 0)),
            pl.BlockSpec((128, 128), lambda i: (0, 0)),
            pl.BlockSpec((1024, 128), lambda i: (0, 0)),
        ],
        out_specs=pl.BlockSpec((_BN, 128), lambda i: (i, 0)),
        out_shape=jax.ShapeDtypeStruct((N, 128), F32),
    )(parts, xws, cnt, b, fkbT, fksT)


def _tc_degree_decode(z, dk1bT, dk1sT, dk2b, dk2sv):
    N = z.shape[0]
    nb = N // _BN

    def body(z_ref, b1_ref, s1_ref, b2_ref, s2_ref, o_ref):
        dh = jax.nn.relu(_kan(z_ref[...], b1_ref[...], s1_ref[...]))
        o_ref[...] = jax.nn.relu(_kan_out1(dh, b2_ref[...], s2_ref[...]))

    return pl.pallas_call(
        body,
        grid=(nb,),
        in_specs=[
            pl.BlockSpec((_BN, 64), lambda i: (i, 0)),
            pl.BlockSpec((64, 128), lambda i: (0, 0)),
            pl.BlockSpec((512, 128), lambda i: (0, 0)),
            pl.BlockSpec((1, 128), lambda i: (0, 0)),
            pl.BlockSpec((8, 128), lambda i: (0, 0)),
        ],
        out_specs=pl.BlockSpec((_BN, 1), lambda i: (i, 0)),
        out_shape=jax.ShapeDtypeStruct((N, 1), F32),
    )(z, dk1bT, dk1sT, dk2b, dk2sv)


def _tc_edge_decode(ef, e1bT, e1sT, e2b, e2sv):
    E = ef.shape[0]
    nb = E // _BE

    def body(ef_ref, b1_ref, s1_ref, b2_ref, s2_ref, o_ref):
        t = _kan(ef_ref[...][:, :64], b1_ref[...], s1_ref[...])
        o_ref[...] = jax.nn.sigmoid(_kan_out1(t, b2_ref[...], s2_ref[...]))

    return pl.pallas_call(
        body,
        grid=(nb,),
        in_specs=[
            pl.BlockSpec((_BE, 128), lambda i: (i, 0)),
            pl.BlockSpec((64, 128), lambda i: (0, 0)),
            pl.BlockSpec((512, 128), lambda i: (0, 0)),
            pl.BlockSpec((1, 128), lambda i: (0, 0)),
            pl.BlockSpec((8, 128), lambda i: (0, 0)),
        ],
        out_specs=pl.BlockSpec((_BE, 1), lambda i: (i, 0)),
        out_shape=jax.ShapeDtypeStruct((E, 1), F32),
    )(ef, e1bT, e1sT, e2b, e2sv)



def _sc_degree(dst3, ones_in, zeros16):
    nch, ch = dst3.shape[1], dst3.shape[2]
    stripe = _NP // _NS
    mesh = plsc.VectorSubcoreMesh(core_axis_name="c", subcore_axis_name="s")

    @functools.partial(
        pl.kernel,
        out_type=jax.ShapeDtypeStruct((_NC, _NP, 128), F32),
        mesh=mesh,
        scratch_types=[
            pltpu.VMEM((nch, ch), jnp.int32),
            pltpu.VMEM((ch, 128), F32),
            pltpu.VMEM_SHARED((_NP, 128), F32),
        ],
    )
    def k(dst_h, ones_h, zero_h, out_h, dst_v, ones_v, acc_sh):
        c = lax.axis_index("c")
        s = lax.axis_index("s")
        w = c * _NS + s
        pltpu.sync_copy(dst_h.at[w], dst_v)
        pltpu.sync_copy(ones_h, ones_v)
        pltpu.sync_copy(zero_h, acc_sh.at[pl.ds(s * stripe, stripe)])
        plsc.subcore_barrier()

        def body(i, carry):
            pltpu.sync_copy(ones_v, acc_sh.at[dst_v.at[i]], add=True)
            return carry

        lax.fori_loop(0, nch, body, 0)
        plsc.subcore_barrier()
        pltpu.sync_copy(acc_sh.at[pl.ds(s * stripe, stripe)],
                        out_h.at[c, pl.ds(s * stripe, stripe)])

    return k(dst3, ones_in, zeros16)


def _sc_conv(table, src3, dst3, zeros_stage):
    N, D = table.shape
    nch, ch = src3.shape[1], src3.shape[2]
    stripe = _NP // _NS
    mesh = plsc.VectorSubcoreMesh(core_axis_name="c", subcore_axis_name="s")

    @functools.partial(
        pl.kernel,
        out_type=jax.ShapeDtypeStruct((_NC, _NP, D), F32),
        mesh=mesh,
        scratch_types=[
            pltpu.VMEM((nch, ch), jnp.int32),
            pltpu.VMEM((nch, ch), jnp.int32),
            pltpu.VMEM((ch, D), F32),
            pltpu.VMEM_SHARED((_NP, D), F32),
            pltpu.SemaphoreType.DMA,
        ],
    )
    def k(table_h, src_h, dst_h, zero_h, out_h,
          src_v, dst_v, rows_v, acc_sh, sem):
        c = lax.axis_index("c")
        s = lax.axis_index("s")
        w = c * _NS + s
        pltpu.sync_copy(src_h.at[w], src_v)
        pltpu.sync_copy(dst_h.at[w], dst_v)
        pltpu.sync_copy(zero_h, acc_sh.at[pl.ds(s * stripe, stripe)])
        plsc.subcore_barrier()

        def body(i, carry):
            pltpu.async_copy(table_h.at[src_v.at[i]], rows_v, sem).wait()
            pltpu.sync_copy(rows_v, acc_sh.at[dst_v.at[i]], add=True)
            return carry

        lax.fori_loop(0, nch, body, 0)
        plsc.subcore_barrier()
        pltpu.sync_copy(acc_sh.at[pl.ds(s * stripe, stripe)],
                        out_h.at[c, pl.ds(s * stripe, stripe)])

    return k(table, src3, dst3, zeros_stage)


def _sc_edge_features(z, p03, p13):
    N, D = z.shape
    nch, ch = p03.shape[1], p03.shape[2]
    per_w = nch * ch
    E = _NW * per_w
    mesh = plsc.VectorSubcoreMesh(core_axis_name="c", subcore_axis_name="s")

    @functools.partial(
        pl.kernel,
        out_type=jax.ShapeDtypeStruct((E, D), F32),
        mesh=mesh,
        scratch_types=[
            pltpu.VMEM((nch, ch), jnp.int32),
            pltpu.VMEM((nch, ch), jnp.int32),
            pltpu.VMEM((ch, D), F32),
            pltpu.VMEM((ch, D), F32),
            pltpu.VMEM((ch, D), F32),
            pltpu.SemaphoreType.DMA,
            pltpu.SemaphoreType.DMA,
        ],
    )
    def k(z_h, p0_h, p1_h, out_h, p0_v, p1_v, za_v, zb_v, ef_v, sem0, sem1):
        c = lax.axis_index("c")
        s = lax.axis_index("s")
        w = c * _NS + s
        pltpu.sync_copy(p0_h.at[w], p0_v)
        pltpu.sync_copy(p1_h.at[w], p1_v)

        def body(i, carry):
            cpa = pltpu.async_copy(z_h.at[p0_v.at[i]], za_v, sem0)
            cpb = pltpu.async_copy(z_h.at[p1_v.at[i]], zb_v, sem1)
            cpa.wait()
            cpb.wait()

            def row(r, carry2):
                for j in range(D // 16):
                    sl = pl.ds(j * 16, 16)
                    ef_v[r, sl] = za_v[r, sl] * zb_v[r, sl]
                return carry2

            lax.fori_loop(0, ch, row, 0)
            pltpu.sync_copy(ef_v, out_h.at[pl.ds(w * per_w + i * ch, ch)])
            return carry

        lax.fori_loop(0, nch, body, 0)

    return k(z, p03, p13)



def kernel(x, edge_index, edge_index_for_edge_prediction, W1, b1, W2, b2,
           ek_b, ek_s, Wf, bf, fk_b, fk_s, edk1_b, edk1_s, edk2_b, edk2_s,
           dk1_b, dk1_s, dk2_b, dk2_s):
    N = x.shape[0]
    E = edge_index.shape[1]
    per_w = E // _NW
    ch = 80
    nch = per_w // ch

    src3 = edge_index[0].reshape(_NW, nch, ch)
    dst3 = edge_index[1].reshape(_NW, nch, ch)
    p03 = edge_index_for_edge_prediction[0].reshape(_NW, nch, ch)
    p13 = edge_index_for_edge_prediction[1].reshape(_NW, nch, ch)

    zeros128 = jnp.zeros((_NP // _NS, 128), F32)
    ones128 = jnp.ones((ch, 128), F32)

    ekbT = ek_b.T
    eksT = ek_s.transpose(2, 1, 0).reshape(8 * 128, 64)
    fkbT = fk_b.T
    fksT = fk_s.transpose(2, 1, 0).reshape(8 * 128, 128)
    e1bT = edk1_b.T
    e1sT = edk1_s.transpose(2, 1, 0).reshape(8 * 64, 128)
    e2sv = edk2_s.transpose(2, 1, 0).reshape(8, 128)
    d1bT = dk1_b.T
    d1sT = dk1_s.transpose(2, 1, 0).reshape(8 * 64, 128)
    d2sv = dk2_s.transpose(2, 1, 0).reshape(8, 128)

    b1r = b1.reshape(1, 128)
    b2r = b2.reshape(1, 128)
    bfr = bf.reshape(1, 128)

    cnt = _sc_degree(dst3, ones128, zeros128)

    xws1 = _tc_scale_matmul(x, W1, cnt)
    parts1 = _sc_conv(xws1, src3, dst3, zeros128)
    xws2 = _tc_combine_matmul(parts1, xws1, cnt, b1r, W2)
    parts2 = _sc_conv(xws2, src3, dst3, zeros128)
    z, z128, xws3 = _tc_combine_kan_matmul(parts2, xws2, cnt, b2r, ekbT, eksT,
                                           Wf)
    parts3 = _sc_conv(xws3, src3, dst3, zeros128)
    ef = _sc_edge_features(z128, p03, p13)
    rx = _tc_combine_kan(parts3, xws3, cnt, bfr, fkbT, fksT)
    pd = _tc_degree_decode(z, d1bT, d1sT, dk2_b, d2sv)
    probs = _tc_edge_decode(ef, e1bT, e1sT, edk2_b, e2sv)

    return (rx, probs[:, 0], pd[:, 0], z)

# --- scband reference (transcript-rebuilt; emitter-appended) ---
"""Pipeline reference for scband-tgae-29111288332322 (READ-ONLY COPY).

The authoritative reference and input builder live on the scoring server;
editing this copy changes nothing except your own understanding.
"""

import jax, jax.numpy as jnp
import numpy as np

GRID_SIZE = 5
SPLINE_ORDER = 3
NUM_COEFF = GRID_SIZE + SPLINE_ORDER


def make_grid(in_features):
    h = 2.0 / GRID_SIZE
    g = jnp.arange(-SPLINE_ORDER, GRID_SIZE + SPLINE_ORDER + 1, dtype=jnp.float32) * h - 1.0
    return jnp.tile(g[None, :], (in_features, 1))


def b_splines(x, grid):
    xe = x[..., None]
    bases = ((xe >= grid[:, :-1]) & (xe < grid[:, 1:])).astype(x.dtype)
    for k in range(1, SPLINE_ORDER + 1):
        bases = ((xe - grid[:, :-(k + 1)]) / (grid[:, k:-1] - grid[:, :-(k + 1)]) * bases[..., :-1]
                 + (grid[:, k + 1:] - xe) / (grid[:, k + 1:] - grid[:, 1:-k]) * bases[..., 1:])
    return bases


def kan_linear(x, base_w, spline_w):
    grid = make_grid(x.shape[-1])
    base = jax.nn.silu(x) @ base_w.T
    spline = jnp.einsum('nik,oik->no', b_splines(x, grid), spline_w)
    return base + spline


def gcn_conv(x, edge_index, W, b):
    n = x.shape[0]
    loops = jnp.arange(n, dtype=edge_index.dtype)
    src = jnp.concatenate([edge_index[0], loops])
    dst = jnp.concatenate([edge_index[1], loops])
    deg = jax.ops.segment_sum(jnp.ones(src.shape[0], dtype=x.dtype), dst, num_segments=n)
    dinv = jnp.where(deg > 0.0, deg ** -0.5, 0.0)
    norm = (dinv[src] * dinv[dst])[:, None]
    xw = x @ W
    return jax.ops.segment_sum(xw[src] * norm, dst, num_segments=n) + b


def forward(x, W1, b1, W2, b2, ek_b, ek_s, Wf, bf, fk_b, fk_s,
            edk1_b, edk1_s, edk2_b, edk2_s, dk1_b, dk1_s, dk2_b, dk2_s,
            edge_index, edge_index_pred):
    # encode (dropout is identity at inference)
    h1 = jax.nn.relu(gcn_conv(x, edge_index, W1, b1))
    h2 = jax.nn.relu(gcn_conv(h1, edge_index, W2, b2))
    z = kan_linear(h2, ek_b, ek_s)
    # decode features
    h = jax.nn.relu(gcn_conv(z, edge_index, Wf, bf))
    reconstructed_x = kan_linear(h, fk_b, fk_s)
    # decode edges
    ef = z[edge_index_pred[0]] * z[edge_index_pred[1]]
    edge_logits = kan_linear(kan_linear(ef, edk1_b, edk1_s), edk2_b, edk2_s).squeeze(-1)
    edge_probabilities = jax.nn.sigmoid(edge_logits)
    # decode degree
    dh = jax.nn.relu(kan_linear(z, dk1_b, dk1_s))
    predicted_degrees = jax.nn.relu(kan_linear(dh, dk2_b, dk2_s)).squeeze(-1)
    return (reconstructed_x, edge_probabilities, predicted_degrees, z)


def setup_inputs(seed: int = 0) -> dict:
    key = jax.random.key(seed)
    ks = jax.random.split(key, 24)
    N, E, F, H, L, K = 10000, 320000, 128, 128, 64, NUM_COEFF
    inp = {}
    inp['x'] = jax.random.normal(ks[0], (N, F), dtype=jnp.float32)
    inp['edge_index'] = jax.random.randint(ks[1], (2, E), 0, N)
    inp['edge_index_for_edge_prediction'] = jax.random.randint(ks[2], (2, E), 0, N)
    inp['W1'] = jax.random.normal(ks[3], (F, H), dtype=jnp.float32) * 0.05
    inp['b1'] = jnp.zeros((H,), dtype=jnp.float32)
    inp['W2'] = jax.random.normal(ks[4], (H, H), dtype=jnp.float32) * 0.05
    inp['b2'] = jnp.zeros((H,), dtype=jnp.float32)
    inp['ek_b'] = jax.random.normal(ks[5], (L, H), dtype=jnp.float32) * 0.05
    inp['ek_s'] = jax.random.normal(ks[6], (L, H, K), dtype=jnp.float32) * 0.02
    inp['Wf'] = jax.random.normal(ks[7], (L, H), dtype=jnp.float32) * 0.05
    inp['bf'] = jnp.zeros((H,), dtype=jnp.float32)
    inp['fk_b'] = jax.random.normal(ks[8], (F, H), dtype=jnp.float32) * 0.05
    inp['fk_s'] = jax.random.normal(ks[9], (F, H, K), dtype=jnp.float32) * 0.02
    inp['edk1_b'] = jax.random.normal(ks[10], (H, L), dtype=jnp.float32) * 0.05
    inp['edk1_s'] = jax.random.normal(ks[11], (H, L, K), dtype=jnp.float32) * 0.02
    inp['edk2_b'] = jax.random.normal(ks[12], (1, H), dtype=jnp.float32) * 0.05
    inp['edk2_s'] = jax.random.normal(ks[13], (1, H, K), dtype=jnp.float32) * 0.02
    inp['dk1_b'] = jax.random.normal(ks[14], (H, L), dtype=jnp.float32) * 0.05
    inp['dk1_s'] = jax.random.normal(ks[15], (H, L, K), dtype=jnp.float32) * 0.02
    inp['dk2_b'] = jax.random.normal(ks[16], (1, H), dtype=jnp.float32) * 0.05
    inp['dk2_s'] = jax.random.normal(ks[17], (1, H, K), dtype=jnp.float32) * 0.02
    return inp


def reference(x, edge_index, edge_index_for_edge_prediction, W1, b1, W2, b2,
              ek_b, ek_s, Wf, bf, fk_b, fk_s, edk1_b, edk1_s, edk2_b, edk2_s,
              dk1_b, dk1_s, dk2_b, dk2_s):
    return forward(x, W1, b1, W2, b2, ek_b, ek_s, Wf, bf, fk_b, fk_s,
                   edk1_b, edk1_s, edk2_b, edk2_s, dk1_b, dk1_s, dk2_b, dk2_s,
                   edge_index, edge_index_for_edge_prediction)

if __name__ == "__main__":
    import jax
    _d = setup_inputs()
    print(jax.jit(kernel)(*tuple(_d.values())))

</pallas_src>

<mosaic_0001>
#map = affine_map<(d0, d1) -> (0, 0)>
#map1 = affine_map<(d0, d1) -> (0, 0, 0)>
module attributes {stable_mosaic.version = 14 : i64} {
  func.func @k(%arg0: i32, %arg1: i32, %arg2: memref<10000x128xf32, #tpu.memory_space<hbm>>, %arg3: memref<32x125x80xi32, #tpu.memory_space<hbm>>, %arg4: memref<32x125x80xi32, #tpu.memory_space<hbm>>, %arg5: memref<320000x128xf32, #tpu.memory_space<hbm>>, %arg6: memref<125x80xi32, #tpu.memory_space<vmem>>, %arg7: memref<125x80xi32, #tpu.memory_space<vmem>>, %arg8: memref<80x128xf32, #tpu.memory_space<vmem>>, %arg9: memref<80x128xf32, #tpu.memory_space<vmem>>, %arg10: memref<80x128xf32, #tpu.memory_space<vmem>>, %arg11: memref<!tpu.dma_semaphore, #tpu.memory_space<semaphore_mem>>, %arg12: memref<!tpu.dma_semaphore, #tpu.memory_space<semaphore_mem>>) attributes {dimension_semantics = [#tpu.dimension_semantics<core_parallel>, #tpu.dimension_semantics<subcore_parallel>], iteration_bounds = array<i64: 2, 16>, scalar_prefetch = 0 : i64, scratch_operands = 7 : i64, tpu.core_type = #tpu.core_type<sc_vector_subcore>, window_params = [{transform_indices = #map}, {transform_indices = #map1}, {transform_indices = #map1}, {transform_indices = #map}]} {
    %mul3A = arith.constant 16 : i32
    %mul3A_0 = arith.muli %arg0, %mul3A : i32
    %add3A = arith.addi %mul3A_0, %arg1 : i32
    "tpu.region"() ({
      %run_scoped3A = tpu.sem_alloc : memref<!tpu.dma_semaphore, #tpu.memory_space<semaphore_mem>>
      %dma_start3A = arith.constant 0 : i32
      %dma_start3A_6 = arith.constant 0 : i32
      %dma_start3A_7 = tpu.memref_slice %arg3[%add3A, %dma_start3A, %dma_start3A_6] : memref<32x125x80xi32, #tpu.memory_space<hbm>> -> memref<1x125x80xi32, #tpu.memory_space<hbm>>
      %dma_start3A_8 = tpu.memref_squeeze %dma_start3A_7 : memref<1x125x80xi32, #tpu.memory_space<hbm>> -> memref<125x80xi32, #tpu.memory_space<hbm>>
      %dma_start3A_9 = arith.constant 0 : i32
      %dma_start3A_10 = arith.constant 0 : i32
      %dma_start3A_11 = tpu.memref_slice %arg3[%add3A, %dma_start3A_9, %dma_start3A_10] : memref<32x125x80xi32, #tpu.memory_space<hbm>> -> memref<1x125x80xi32, #tpu.memory_space<hbm>>
      %dma_start3A_12 = tpu.memref_squeeze %dma_start3A_11 : memref<1x125x80xi32, #tpu.memory_space<hbm>> -> memref<125x80xi32, #tpu.memory_space<hbm>>
      tpu.enqueue_dma source(%dma_start3A_12 : memref<125x80xi32, #tpu.memory_space<hbm>>) target(%arg6 : memref<125x80xi32, #tpu.memory_space<vmem>>) target_semaphore(%run_scoped3A : memref<!tpu.dma_semaphore, #tpu.memory_space<semaphore_mem>>)
      %dma_wait3A = arith.constant 0 : i32
      %dma_wait3A_13 = arith.constant 0 : i32
      %dma_wait3A_14 = tpu.memref_slice %arg3[%add3A, %dma_wait3A, %dma_wait3A_13] : memref<32x125x80xi32, #tpu.memory_space<hbm>> -> memref<1x125x80xi32, #tpu.memory_space<hbm>>
      %dma_wait3A_15 = tpu.memref_squeeze %dma_wait3A_14 : memref<1x125x80xi32, #tpu.memory_space<hbm>> -> memref<125x80xi32, #tpu.memory_space<hbm>>
      %dma_wait3A_16 = arith.constant 0 : i32
      %dma_wait3A_17 = arith.constant 0 : i32
      %dma_wait3A_18 = tpu.memref_slice %arg3[%add3A, %dma_wait3A_16, %dma_wait3A_17] : memref<32x125x80xi32, #tpu.memory_space<hbm>> -> memref<1x125x80xi32, #tpu.memory_space<hbm>>
      %dma_wait3A_19 = tpu.memref_squeeze %dma_wait3A_18 : memref<1x125x80xi32, #tpu.memory_space<hbm>> -> memref<125x80xi32, #tpu.memory_space<hbm>>
      tpu.wait_dma2 semaphore(%run_scoped3A : memref<!tpu.dma_semaphore, #tpu.memory_space<semaphore_mem>>) src(%dma_wait3A_19 : memref<125x80xi32, #tpu.memory_space<hbm>>) dst(%arg6 : memref<125x80xi32, #tpu.memory_space<vmem>>)
      tpu.yield
    }) : () -> ()
    "tpu.region"() ({
      %run_scoped3A = tpu.sem_alloc : memref<!tpu.dma_semaphore, #tpu.memory_space<semaphore_mem>>
      %dma_start3A = arith.constant 0 : i32
      %dma_start3A_6 = arith.constant 0 : i32
      %dma_start3A_7 = tpu.memref_slice %arg4[%add3A, %dma_start3A, %dma_start3A_6] : memref<32x125x80xi32, #tpu.memory_space<hbm>> -> memref<1x125x80xi32, #tpu.memory_space<hbm>>
      %dma_start3A_8 = tpu.memref_squeeze %dma_start3A_7 : memref<1x125x80xi32, #tpu.memory_space<hbm>> -> memref<125x80xi32, #tpu.memory_space<hbm>>
      %dma_start3A_9 = arith.constant 0 : i32
      %dma_start3A_10 = arith.constant 0 : i32
      %dma_start3A_11 = tpu.memref_slice %arg4[%add3A, %dma_start3A_9, %dma_start3A_10] : memref<32x125x80xi32, #tpu.memory_space<hbm>> -> memref<1x125x80xi32, #tpu.memory_space<hbm>>
      %dma_start3A_12 = tpu.memref_squeeze %dma_start3A_11 : memref<1x125x80xi32, #tpu.memory_space<hbm>> -> memref<125x80xi32, #tpu.memory_space<hbm>>
      tpu.enqueue_dma source(%dma_start3A_12 : memref<125x80xi32, #tpu.memory_space<hbm>>) target(%arg7 : memref<125x80xi32, #tpu.memory_space<vmem>>) target_semaphore(%run_scoped3A : memref<!tpu.dma_semaphore, #tpu.memory_space<semaphore_mem>>)
      %dma_wait3A = arith.constant 0 : i32
      %dma_wait3A_13 = arith.constant 0 : i32
      %dma_wait3A_14 = tpu.memref_slice %arg4[%add3A, %dma_wait3A, %dma_wait3A_13] : memref<32x125x80xi32, #tpu.memory_space<hbm>> -> memref<1x125x80xi32, #tpu.memory_space<hbm>>
      %dma_wait3A_15 = tpu.memref_squeeze %dma_wait3A_14 : memref<1x125x80xi32, #tpu.memory_space<hbm>> -> memref<125x80xi32, #tpu.memory_space<hbm>>
      %dma_wait3A_16 = arith.constant 0 : i32
      %dma_wait3A_17 = arith.constant 0 : i32
      %dma_wait3A_18 = tpu.memref_slice %arg4[%add3A, %dma_wait3A_16, %dma_wait3A_17] : memref<32x125x80xi32, #tpu.memory_space<hbm>> -> memref<1x125x80xi32, #tpu.memory_space<hbm>>
      %dma_wait3A_19 = tpu.memref_squeeze %dma_wait3A_18 : memref<1x125x80xi32, #tpu.memory_space<hbm>> -> memref<125x80xi32, #tpu.memory_space<hbm>>
      tpu.wait_dma2 semaphore(%run_scoped3A : memref<!tpu.dma_semaphore, #tpu.memory_space<semaphore_mem>>) src(%dma_wait3A_19 : memref<125x80xi32, #tpu.memory_space<hbm>>) dst(%arg7 : memref<125x80xi32, #tpu.memory_space<vmem>>)
      tpu.yield
    }) : () -> ()
    %scan3A = arith.constant 0 : i32
    %scan3A_1 = arith.constant 0 : i32
    %scan3A_2 = arith.constant 125 : i32
    %scan3A_3 = arith.addi %scan3A_1, %scan3A_2 : i32
    %scan3A_4 = arith.constant 1 : i32
    scf.for %scan3A_6 = %scan3A_1 to %scan3A_3 step %scan3A_4  : i32 {
      %dma_start3A = arith.constant 0 : i32
      %dma_start3A_7 = tpu.memref_slice %arg6[%scan3A_6, %dma_start3A] : memref<125x80xi32, #tpu.memory_space<vmem>> -> memref<1x80xi32, #tpu.memory_space<vmem>>
      %dma_start3A_8 = tpu.memref_squeeze %dma_start3A_7 : memref<1x80xi32, #tpu.memory_space<vmem>> -> memref<80xi32, #tpu.memory_space<vmem>>
      %dma_start3A_9 = arith.constant 0 : i32
      %dma_start3A_10 = arith.constant 0 : i32
      %dma_start3A_11 = tpu.memref_slice %arg2[%dma_start3A_9, %dma_start3A_10] : memref<10000x128xf32, #tpu.memory_space<hbm>> -> memref<10000x128xf32, #tpu.memory_space<hbm>>
      tpu.enqueue_indirect_dma source(%dma_start3A_11 : memref<10000x128xf32, #tpu.memory_space<hbm>>) target(%arg8 : memref<80x128xf32, #tpu.memory_space<vmem>>) offsets(%dma_start3A_8 : memref<80xi32, #tpu.memory_space<vmem>>) semaphore(%arg11 : memref<!tpu.dma_semaphore, #tpu.memory_space<semaphore_mem>>)
      %dma_start3A_12 = arith.constant 0 : i32
      %dma_start3A_13 = tpu.memref_slice %arg7[%scan3A_6, %dma_start3A_12] : memref<125x80xi32, #tpu.memory_space<vmem>> -> memref<1x80xi32, #tpu.memory_space<vmem>>
      %dma_start3A_14 = tpu.memref_squeeze %dma_start3A_13 : memref<1x80xi32, #tpu.memory_space<vmem>> -> memref<80xi32, #tpu.memory_space<vmem>>
      %dma_start3A_15 = arith.constant 0 : i32
      %dma_start3A_16 = arith.constant 0 : i32
      %dma_start3A_17 = tpu.memref_slice %arg2[%dma_start3A_15, %dma_start3A_16] : memref<10000x128xf32, #tpu.memory_space<hbm>> -> memref<10000x128xf32, #tpu.memory_space<hbm>>
      tpu.enqueue_indirect_dma source(%dma_start3A_17 : memref<10000x128xf32, #tpu.memory_space<hbm>>) target(%arg9 : memref<80x128xf32, #tpu.memory_space<vmem>>) offsets(%dma_start3A_14 : memref<80xi32, #tpu.memory_space<vmem>>) semaphore(%arg12 : memref<!tpu.dma_semaphore, #tpu.memory_space<semaphore_mem>>)
      %dma_wait3A = arith.constant 0 : i32
      %dma_wait3A_18 = tpu.memref_slice %arg6[%scan3A_6, %dma_wait3A] : memref<125x80xi32, #tpu.memory_space<vmem>> -> memref<1x80xi32, #tpu.memory_space<vmem>>
      %dma_wait3A_19 = tpu.memref_squeeze %dma_wait3A_18 : memref<1x80xi32, #tpu.memory_space<vmem>> -> memref<80xi32, #tpu.memory_space<vmem>>
      %dma_wait3A_20 = arith.constant 0 : i32
      %dma_wait3A_21 = arith.constant 0 : i32
      %dma_wait3A_22 = tpu.memref_slice %arg2[%dma_wait3A_20, %dma_wait3A_21] : memref<10000x128xf32, #tpu.memory_space<hbm>> -> memref<10000x128xf32, #tpu.memory_space<hbm>>
      tpu.wait_indirect_dma semaphore(%arg11 : memref<!tpu.dma_semaphore, #tpu.memory_space<semaphore_mem>>) src(%dma_wait3A_22 : memref<10000x128xf32, #tpu.memory_space<hbm>>) dst(%arg8 : memref<80x128xf32, #tpu.memory_space<vmem>>)
      %dma_wait3A_23 = arith.constant 0 : i32
      %dma_wait3A_24 = tpu.memref_slice %arg7[%scan3A_6, %dma_wait3A_23] : memref<125x80xi32, #tpu.memory_space<vmem>> -> memref<1x80xi32, #tpu.memory_space<vmem>>
      %dma_wait3A_25 = tpu.memref_squeeze %dma_wait3A_24 : memref<1x80xi32, #tpu.memory_space<vmem>> -> memref<80xi32, #tpu.memory_space<vmem>>
      %dma_wait3A_26 = arith.constant 0 : i32
      %dma_wait3A_27 = arith.constant 0 : i32
      %dma_wait3A_28 = tpu.memref_slice %arg2[%dma_wait3A_26, %dma_wait3A_27] : memref<10000x128xf32, #tpu.memory_space<hbm>> -> memref<10000x128xf32, #tpu.memory_space<hbm>>
      tpu.wait_indirect_dma semaphore(%arg12 : memref<!tpu.dma_semaphore, #tpu.memory_space<semaphore_mem>>) src(%dma_wait3A_28 : memref<10000x128xf32, #tpu.memory_space<hbm>>) dst(%arg9 : memref<80x128xf32, #tpu.memory_space<vmem>>)
      %scan3A_29 = arith.constant 0 : i32
      %scan3A_30 = arith.constant 0 : i32
      %scan3A_31 = arith.constant 80 : i32
      %scan3A_32 = arith.addi %scan3A_30, %scan3A_31 : i32
      %scan3A_33 = arith.constant 1 : i32
      scf.for %scan3A_40 = %scan3A_30 to %scan3A_32 step %scan3A_33  : i32 {
        %get3A = arith.index_cast %scan3A_40 : i32 to index
        %get3A_41 = arith.constant 0 : index
        %get3A_42 = tpu.vector_load %arg8[%get3A, %get3A_41] {strides = array<i32>} : memref<80x128xf32, #tpu.memory_space<vmem>>, vector<1x16xf32>,
        %get3A_43 = vector.shape_cast %get3A_42 : vector<1x16xf32> to vector<16xf32>
        %get3A_44 = arith.index_cast %scan3A_40 : i32 to index
        %get3A_45 = arith.constant 0 : index
        %get3A_46 = tpu.vector_load %arg9[%get3A_44, %get3A_45] {strides = array<i32>} : memref<80x128xf32, #tpu.memory_space<vmem>>, vector<1x16xf32>,
        %get3A_47 = vector.shape_cast %get3A_46 : vector<1x16xf32> to vector<16xf32>
        %mul3A_48 = arith.mulf %get3A_43, %get3A_47 : vector<16xf32>
        %swap3A = arith.index_cast %scan3A_40 : i32 to index
        %swap3A_49 = arith.constant 0 : index
        %swap3A_50 = tpu.vector_load %arg10[%swap3A, %swap3A_49] {strides = array<i32>} : memref<80x128xf32, #tpu.memory_space<vmem>>, vector<1x16xf32>,
        %swap3A_51 = vector.shape_cast %swap3A_50 : vector<1x16xf32> to vector<16xf32>
        %swap3A_52 = vector.shape_cast %mul3A_48 : vector<16xf32> to vector<1x16xf32>
        tpu.vector_store %arg10[%swap3A, %swap3A_49], %swap3A_52 {strides = array<i32>} : memref<80x128xf32, #tpu.memory_space<vmem>>, vector<1x16xf32>,
        %get3A_53 = arith.index_cast %scan3A_40 : i32 to index
        %get3A_54 = arith.constant 16 : index
        %get3A_55 = tpu.vector_load %arg8[%get3A_53, %get3A_54] {strides = array<i32>} : memref<80x128xf32, #tpu.memory_space<vmem>>, vector<1x16xf32>,
        %get3A_56 = vector.shape_cast %get3A_55 : vector<1x16xf32> to vector<16xf32>
        %get3A_57 = arith.index_cast %scan3A_40 : i32 to index
        %get3A_58 = arith.constant 16 : index
        %get3A_59 = tpu.vector_load %arg9[%get3A_57, %get3A_58] {strides = array<i32>} : memref<80x128xf32, #tpu.memory_space<vmem>>, vector<1x16xf32>,
        %get3A_60 = vector.shape_cast %get3A_59 : vector<1x16xf32> to vector<16xf32>
        %mul3A_61 = arith.mulf %get3A_56, %get3A_60 : vector<16xf32>
        %swap3A_62 = arith.index_cast %scan3A_40 : i32 to index
        %swap3A_63 = arith.constant 16 : index
        %swap3A_64 = tpu.vector_load %arg10[%swap3A_62, %swap3A_63] {strides = array<i32>} : memref<80x128xf32, #tpu.memory_space<vmem>>, vector<1x16xf32>,
        %swap3A_65 = vector.shape_cast %swap3A_64 : vector<1x16xf32> to vector<16xf32>
        %swap3A_66 = vector.shape_cast %mul3A_61 : vector<16xf32> to vector<1x16xf32>
        tpu.vector_store %arg10[%swap3A_62, %swap3A_63], %swap3A_66 {strides = array<i32>} : memref<80x128xf32, #tpu.memory_space<vmem>>, vector<1x16xf32>,
        %get3A_67 = arith.index_cast %scan3A_40 : i32 to index
        %get3A_68 = arith.constant 32 : index
        %get3A_69 = tpu.vector_load %arg8[%get3A_67, %get3A_68] {strides = array<i32>} : memref<80x128xf32, #tpu.memory_space<vmem>>, vector<1x16xf32>,
        %get3A_70 = vector.shape_cast %get3A_69 : vector<1x16xf32> to vector<16xf32>
        %get3A_71 = arith.index_cast %scan3A_40 : i32 to index
        %get3A_72 = arith.constant 32 : index
        %get3A_73 = tpu.vector_load %arg9[%get3A_71, %get3A_72] {strides = array<i32>} : memref<80x128xf32, #tpu.memory_space<vmem>>, vector<1x16xf32>,
        %get3A_74 = vector.shape_cast %get3A_73 : vector<1x16xf32> to vector<16xf32>
        %mul3A_75 = arith.mulf %get3A_70, %get3A_74 : vector<16xf32>
        %swap3A_76 = arith.index_cast %scan3A_40 : i32 to index
        %swap3A_77 = arith.constant 32 : index
        %swap3A_78 = tpu.vector_load %arg10[%swap3A_76, %swap3A_77] {strides = array<i32>} : memref<80x128xf32, #tpu.memory_space<vmem>>, vector<1x16xf32>,
        %swap3A_79 = vector.shape_cast %swap3A_78 : vector<1x16xf32> to vector<16xf32>
        %swap3A_80 = vector.shape_cast %mul3A_75 : vector<16xf32> to vector<1x16xf32>
        tpu.vector_store %arg10[%swap3A_76, %swap3A_77], %swap3A_80 {strides = array<i32>} : memref<80x128xf32, #tpu.memory_space<vmem>>, vector<1x16xf32>,
        %get3A_81 = arith.index_cast %scan3A_40 : i32 to index
        %get3A_82 = arith.constant 48 : index
        %get3A_83 = tpu.vector_load %arg8[%get3A_81, %get3A_82] {strides = array<i32>} : memref<80x128xf32, #tpu.memory_space<vmem>>, vector<1x16xf32>,
        %get3A_84 = vector.shape_cast %get3A_83 : vector<1x16xf32> to vector<16xf32>
        %get3A_85 = arith.index_cast %scan3A_40 : i32 to index
        %get3A_86 = arith.constant 48 : index
        %get3A_87 = tpu.vector_load %arg9[%get3A_85, %get3A_86] {strides = array<i32>} : memref<80x128xf32, #tpu.memory_space<vmem>>, vector<1x16xf32>,
        %get3A_88 = vector.shape_cast %get3A_87 : vector<1x16xf32> to vector<16xf32>
        %mul3A_89 = arith.mulf %get3A_84, %get3A_88 : vector<16xf32>
        %swap3A_90 = arith.index_cast %scan3A_40 : i32 to index
        %swap3A_91 = arith.constant 48 : index
        %swap3A_92 = tpu.vector_load %arg10[%swap3A_90, %swap3A_91] {strides = array<i32>} : memref<80x128xf32, #tpu.memory_space<vmem>>, vector<1x16xf32>,
        %swap3A_93 = vector.shape_cast %swap3A_92 : vector<1x16xf32> to vector<16xf32>
        %swap3A_94 = vector.shape_cast %mul3A_89 : vector<16xf32> to vector<1x16xf32>
        tpu.vector_store %arg10[%swap3A_90, %swap3A_91], %swap3A_94 {strides = array<i32>} : memref<80x128xf32, #tpu.memory_space<vmem>>, vector<1x16xf32>,
        %get3A_95 = arith.index_cast %scan3A_40 : i32 to index
        %get3A_96 = arith.constant 64 : index
        %get3A_97 = tpu.vector_load %arg8[%get3A_95, %get3A_96] {strides = array<i32>} : memref<80x128xf32, #tpu.memory_space<vmem>>, vector<1x16xf32>,
        %get3A_98 = vector.shape_cast %get3A_97 : vector<1x16xf32> to vector<16xf32>
        %get3A_99 = arith.index_cast %scan3A_40 : i32 to index
        %get3A_100 = arith.constant 64 : index
        %get3A_101 = tpu.vector_load %arg9[%get3A_99, %get3A_100] {strides = array<i32>} : memref<80x128xf32, #tpu.memory_space<vmem>>, vector<1x16xf32>,
        %get3A_102 = vector.shape_cast %get3A_101 : vector<1x16xf32> to vector<16xf32>
        %mul3A_103 = arith.mulf %get3A_98, %get3A_102 : vector<16xf32>
        %swap3A_104 = arith.index_cast %scan3A_40 : i32 to index
        %swap3A_105 = arith.constant 64 : index
        %swap3A_106 = tpu.vector_load %arg10[%swap3A_104, %swap3A_105] {strides = array<i32>} : memref<80x128xf32, #tpu.memory_space<vmem>>, vector<1x16xf32>,
        %swap3A_107 = vector.shape_cast %swap3A_106 : vector<1x16xf32> to vector<16xf32>
        %swap3A_108 = vector.shape_cast %mul3A_103 : vector<16xf32> to vector<1x16xf32>
        tpu.vector_store %arg10[%swap3A_104, %swap3A_105], %swap3A_108 {strides = array<i32>} : memref<80x128xf32, #tpu.memory_space<vmem>>, vector<1x16xf32>,
        %get3A_109 = arith.index_cast %scan3A_40 : i32 to index
        %get3A_110 = arith.constant 80 : index
        %get3A_111 = tpu.vector_load %arg8[%get3A_109, %get3A_110] {strides = array<i32>} : memref<80x128xf32, #tpu.memory_space<vmem>>, vector<1x16xf32>,
        %get3A_112 = vector.shape_cast %get3A_111 : vector<1x16xf32> to vector<16xf32>
        %get3A_113 = arith.index_cast %scan3A_40 : i32 to index
        %get3A_114 = arith.constant 80 : index
        %get3A_115 = tpu.vector_load %arg9[%get3A_113, %get3A_114] {strides = array<i32>} : memref<80x128xf32, #tpu.memory_space<vmem>>, vector<1x16xf32>,
        %get3A_116 = vector.shape_cast %get3A_115 : vector<1x16xf32> to vector<16xf32>
        %mul3A_117 = arith.mulf %get3A_112, %get3A_116 : vector<16xf32>
        %swap3A_118 = arith.index_cast %scan3A_40 : i32 to index
        %swap3A_119 = arith.constant 80 : index
        %swap3A_120 = tpu.vector_load %arg10[%swap3A_118, %swap3A_119] {strides = array<i32>} : memref<80x128xf32, #tpu.memory_space<vmem>>, vector<1x16xf32>,
        %swap3A_121 = vector.shape_cast %swap3A_120 : vector<1x16xf32> to vector<16xf32>
        %swap3A_122 = vector.shape_cast %mul3A_117 : vector<16xf32> to vector<1x16xf32>
        tpu.vector_store %arg10[%swap3A_118, %swap3A_119], %swap3A_122 {strides = array<i32>} : memref<80x128xf32, #tpu.memory_space<vmem>>, vector<1x16xf32>,
        %get3A_123 = arith.index_cast %scan3A_40 : i32 to index
        %get3A_124 = arith.constant 96 : index
        %get3A_125 = tpu.vector_load %arg8[%get3A_123, %get3A_124] {strides = array<i32>} : memref<80x128xf32, #tpu.memory_space<vmem>>, vector<1x16xf32>,
        %get3A_126 = vector.shape_cast %get3A_125 : vector<1x16xf32> to vector<16xf32>
        %get3A_127 = arith.index_cast %scan3A_40 : i32 to index
        %get3A_128 = arith.constant 96 : index
        %get3A_129 = tpu.vector_load %arg9[%get3A_127, %get3A_128] {strides = array<i32>} : memref<80x128xf32, #tpu.memory_space<vmem>>, vector<1x16xf32>,
        %get3A_130 = vector.shape_cast %get3A_129 : vector<1x16xf32> to vector<16xf32>
        %mul3A_131 = arith.mulf %get3A_126, %get3A_130 : vector<16xf32>
        %swap3A_132 = arith.index_cast %scan3A_40 : i32 to index
        %swap3A_133 = arith.constant 96 : index
        %swap3A_134 = tpu.vector_load %arg10[%swap3A_132, %swap3A_133] {strides = array<i32>} : memref<80x128xf32, #tpu.memory_space<vmem>>, vector<1x16xf32>,
        %swap3A_135 = vector.shape_cast %swap3A_134 : vector<1x16xf32> to vector<16xf32>
        %swap3A_136 = vector.shape_cast %mul3A_131 : vector<16xf32> to vector<1x16xf32>
        tpu.vector_store %arg10[%swap3A_132, %swap3A_133], %swap3A_136 {strides = array<i32>} : memref<80x128xf32, #tpu.memory_space<vmem>>, vector<1x16xf32>,
        %get3A_137 = arith.index_cast %scan3A_40 : i32 to index
        %get3A_138 = arith.constant 112 : index
        %get3A_139 = tpu.vector_load %arg8[%get3A_137, %get3A_138] {strides = array<i32>} : memref<80x128xf32, #tpu.memory_space<vmem>>, vector<1x16xf32>,
        %get3A_140 = vector.shape_cast %get3A_139 : vector<1x16xf32> to vector<16xf32>
        %get3A_141 = arith.index_cast %scan3A_40 : i32 to index
        %get3A_142 = arith.constant 112 : index
        %get3A_143 = tpu.vector_load %arg9[%get3A_141, %get3A_142] {strides = array<i32>} : memref<80x128xf32, #tpu.memory_space<vmem>>, vector<1x16xf32>,
        %get3A_144 = vector.shape_cast %get3A_143 : vector<1x16xf32> to vector<16xf32>
        %mul3A_145 = arith.mulf %get3A_140, %get3A_144 : vector<16xf32>
        %swap3A_146 = arith.index_cast %scan3A_40 : i32 to index
        %swap3A_147 = arith.constant 112 : index
        %swap3A_148 = tpu.vector_load %arg10[%swap3A_146, %swap3A_147] {strides = array<i32>} : memref<80x128xf32, #tpu.memory_space<vmem>>, vector<1x16xf32>,
        %swap3A_149 = vector.shape_cast %swap3A_148 : vector<1x16xf32> to vector<16xf32>
        %swap3A_150 = vector.shape_cast %mul3A_145 : vector<16xf32> to vector<1x16xf32>
        tpu.vector_store %arg10[%swap3A_146, %swap3A_147], %swap3A_150 {strides = array<i32>} : memref<80x128xf32, #tpu.memory_space<vmem>>, vector<1x16xf32>,
      }
      %scan3A_34 = arith.constant 80 : i32
      %mul3A_35 = arith.constant 10000 : i32
      %mul3A_36 = arith.muli %add3A, %mul3A_35 : i32
      %mul3A_37 = arith.constant 80 : i32
      %mul3A_38 = arith.muli %scan3A_6, %mul3A_37 : i32
      %add3A_39 = arith.addi %mul3A_36, %mul3A_38 : i32
      "tpu.region"() ({
        %run_scoped3A = tpu.sem_alloc : memref<!tpu.dma_semaphore, #tpu.memory_space<semaphore_mem>>
        %dma_start3A_40 = arith.constant 0 : i32
        %dma_start3A_41 = tpu.memref_slice %arg5[%add3A_39, %dma_start3A_40] : memref<320000x128xf32, #tpu.memory_space<hbm>> -> memref<80x128xf32, #tpu.memory_space<hbm>>
        %dma_start3A_42 = arith.constant 0 : i32
        %dma_start3A_43 = tpu.memref_slice %arg5[%add3A_39, %dma_start3A_42] : memref<320000x128xf32, #tpu.memory_space<hbm>> -> memref<80x128xf32, #tpu.memory_space<hbm>>
        tpu.enqueue_dma source(%arg10 : memref<80x128xf32, #tpu.memory_space<vmem>>) target(%dma_start3A_43 : memref<80x128xf32, #tpu.memory_space<hbm>>) target_semaphore(%run_scoped3A : memref<!tpu.dma_semaphore, #tpu.memory_space<semaphore_mem>>)
        %dma_wait3A_44 = arith.constant 0 : i32
        %dma_wait3A_45 = tpu.memref_slice %arg5[%add3A_39, %dma_wait3A_44] : memref<320000x128xf32, #tpu.memory_space<hbm>> -> memref<80x128xf32, #tpu.memory_space<hbm>>
        %dma_wait3A_46 = arith.constant 0 : i32
        %dma_wait3A_47 = tpu.memref_slice %arg5[%add3A_39, %dma_wait3A_46] : memref<320000x128xf32, #tpu.memory_space<hbm>> -> memref<80x128xf32, #tpu.memory_space<hbm>>
        tpu.wait_dma2 semaphore(%run_scoped3A : memref<!tpu.dma_semaphore, #tpu.memory_space<semaphore_mem>>) src(%arg10 : memref<80x128xf32, #tpu.memory_space<vmem>>) dst(%dma_wait3A_47 : memref<80x128xf32, #tpu.memory_space<hbm>>)
        tpu.yield
      }) : () -> ()
    }
    %scan3A_5 = arith.constant 125 : i32
    return
  }
}

#map = affine_map<(d0, d1) -> (0, 0, 0)>
#map1 = affine_map<(d0, d1) -> (0, 0)>
module attributes {stable_mosaic.version = 14 : i64} {
  func.func @k(%arg0: i32, %arg1: i32, %arg2: memref<32x125x80xi32, #tpu.memory_space<hbm>>, %arg3: memref<80x128xf32, #tpu.memory_space<hbm>>, %arg4: memref<640x128xf32, #tpu.memory_space<hbm>>, %arg5: memref<2x10240x128xf32, #tpu.memory_space<hbm>>, %arg6: memref<125x80xi32, #tpu.memory_space<vmem>>, %arg7: memref<80x128xf32, #tpu.memory_space<vmem>>, %arg8: memref<10240x128xf32, #tpu.memory_space<vmem_shared>>) attributes {dimension_semantics = [#tpu.dimension_semantics<core_parallel>, #tpu.dimension_semantics<subcore_parallel>], iteration_bounds = array<i64: 2, 16>, scalar_prefetch = 0 : i64, scratch_operands = 3 : i64, tpu.core_type = #tpu.core_type<sc_vector_subcore>, window_params = [{transform_indices = #map}, {transform_indices = #map1}, {transform_indices = #map1}, {transform_indices = #map}]} {
    %mul3A = arith.constant 16 : i32
    %mul3A_0 = arith.muli %arg0, %mul3A : i32
    %add3A = arith.addi %mul3A_0, %arg1 : i32
    "tpu.region"() ({
      %run_scoped3A = tpu.sem_alloc : memref<!tpu.dma_semaphore, #tpu.memory_space<semaphore_mem>>
      %dma_start3A = arith.constant 0 : i32
      %dma_start3A_13 = arith.constant 0 : i32
      %dma_start3A_14 = tpu.memref_slice %arg2[%add3A, %dma_start3A, %dma_start3A_13] : memref<32x125x80xi32, #tpu.memory_space<hbm>> -> memref<1x125x80xi32, #tpu.memory_space<hbm>>
      %dma_start3A_15 = tpu.memref_squeeze %dma_start3A_14 : memref<1x125x80xi32, #tpu.memory_space<hbm>> -> memref<125x80xi32, #tpu.memory_space<hbm>>
      %dma_start3A_16 = arith.constant 0 : i32
      %dma_start3A_17 = arith.constant 0 : i32
      %dma_start3A_18 = tpu.memref_slice %arg2[%add3A, %dma_start3A_16, %dma_start3A_17] : memref<32x125x80xi32, #tpu.memory_space<hbm>> -> memref<1x125x80xi32, #tpu.memory_space<hbm>>
      %dma_start3A_19 = tpu.memref_squeeze %dma_start3A_18 : memref<1x125x80xi32, #tpu.memory_space<hbm>> -> memref<125x80xi32, #tpu.memory_space<hbm>>
      tpu.enqueue_dma source(%dma_start3A_19 : memref<125x80xi32, #tpu.memory_space<hbm>>) target(%arg6 : memref<125x80xi32, #tpu.memory_space<vmem>>) target_semaphore(%run_scoped3A : memref<!tpu.dma_semaphore, #tpu.memory_space<semaphore_mem>>)
      %dma_wait3A = arith.constant 0 : i32
      %dma_wait3A_20 = arith.constant 0 : i32
      %dma_wait3A_21 = tpu.memref_slice %arg2[%add3A, %dma_wait3A, %dma_wait3A_20] : memref<32x125x80xi32, #tpu.memory_space<hbm>> -> memref<1x125x80xi32, #tpu.memory_space<hbm>>
      %dma_wait3A_22 = tpu.memref_squeeze %dma_wait3A_21 : memref<1x125x80xi32, #tpu.memory_space<hbm>> -> memref<125x80xi32, #tpu.memory_space<hbm>>
      %dma_wait3A_23 = arith.constant 0 : i32
      %dma_wait3A_24 = arith.constant 0 : i32
      %dma_wait3A_25 = tpu.memref_slice %arg2[%add3A, %dma_wait3A_23, %dma_wait3A_24] : memref<32x125x80xi32, #tpu.memory_space<hbm>> -> memref<1x125x80xi32, #tpu.memory_space<hbm>>
      %dma_wait3A_26 = tpu.memref_squeeze %dma_wait3A_25 : memref<1x125x80xi32, #tpu.memory_space<hbm>> -> memref<125x80xi32, #tpu.memory_space<hbm>>
      tpu.wait_dma2 semaphore(%run_scoped3A : memref<!tpu.dma_semaphore, #tpu.memory_space<semaphore_mem>>) src(%dma_wait3A_26 : memref<125x80xi32, #tpu.memory_space<hbm>>) dst(%arg6 : memref<125x80xi32, #tpu.memory_space<vmem>>)
      tpu.yield
    }) : () -> ()
    "tpu.region"() ({
      %run_scoped3A = tpu.sem_alloc : memref<!tpu.dma_semaphore, #tpu.memory_space<semaphore_mem>>
      tpu.enqueue_dma source(%arg3 : memref<80x128xf32, #tpu.memory_space<hbm>>) target(%arg7 : memref<80x128xf32, #tpu.memory_space<vmem>>) target_semaphore(%run_scoped3A : memref<!tpu.dma_semaphore, #tpu.memory_space<semaphore_mem>>)
      tpu.wait_dma2 semaphore(%run_scoped3A : memref<!tpu.dma_semaphore, #tpu.memory_space<semaphore_mem>>) src(%arg3 : memref<80x128xf32, #tpu.memory_space<hbm>>) dst(%arg7 : memref<80x128xf32, #tpu.memory_space<vmem>>)
      tpu.yield
    }) : () -> ()
    %mul3A_1 = arith.constant 640 : i32
    %mul3A_2 = arith.muli %arg1, %mul3A_1 : i32
    "tpu.region"() ({
      %run_scoped3A = tpu.sem_alloc : memref<!tpu.dma_semaphore, #tpu.memory_space<semaphore_mem>>
      %dma_start3A = arith.constant 0 : i32
      %dma_start3A_13 = tpu.memref_slice %arg8[%mul3A_2, %dma_start3A] : memref<10240x128xf32, #tpu.memory_space<vmem_shared>> -> memref<640x128xf32, #tpu.memory_space<vmem_shared>>
      tpu.enqueue_dma source(%arg4 : memref<640x128xf32, #tpu.memory_space<hbm>>) target(%dma_start3A_13 : memref<640x128xf32, #tpu.memory_space<vmem_shared>>) target_semaphore(%run_scoped3A : memref<!tpu.dma_semaphore, #tpu.memory_space<semaphore_mem>>)
      %dma_wait3A = arith.constant 0 : i32
      %dma_wait3A_14 = tpu.memref_slice %arg8[%mul3A_2, %dma_wait3A] : memref<10240x128xf32, #tpu.memory_space<vmem_shared>> -> memref<640x128xf32, #tpu.memory_space<vmem_shared>>
      tpu.wait_dma2 semaphore(%run_scoped3A : memref<!tpu.dma_semaphore, #tpu.memory_space<semaphore_mem>>) src(%arg4 : memref<640x128xf32, #tpu.memory_space<hbm>>) dst(%dma_wait3A_14 : memref<640x128xf32, #tpu.memory_space<vmem_shared>>)
      tpu.yield
    }) : () -> ()
    %barrier3A = arith.constant 0 : index
    tpu.barrier barrier_id(%barrier3A)
    %scan3A = arith.constant 0 : i32
    %scan3A_3 = arith.constant 0 : i32
    %scan3A_4 = arith.constant 125 : i32
    %scan3A_5 = arith.addi %scan3A_3, %scan3A_4 : i32
    %scan3A_6 = arith.constant 1 : i32
    scf.for %scan3A_13 = %scan3A_3 to %scan3A_5 step %scan3A_6  : i32 {
      "tpu.region"() ({
        %run_scoped3A = tpu.sem_alloc : memref<!tpu.dma_semaphore, #tpu.memory_space<semaphore_mem>>
        %dma_start3A = arith.constant 0 : i32
        %dma_start3A_14 = tpu.memref_slice %arg6[%scan3A_13, %dma_start3A] : memref<125x80xi32, #tpu.memory_space<vmem>> -> memref<1x80xi32, #tpu.memory_space<vmem>>
        %dma_start3A_15 = tpu.memref_squeeze %dma_start3A_14 : memref<1x80xi32, #tpu.memory_space<vmem>> -> memref<80xi32, #tpu.memory_space<vmem>>
        %dma_start3A_16 = arith.constant 0 : i32
        %dma_start3A_17 = arith.constant 0 : i32
        %dma_start3A_18 = tpu.memref_slice %arg8[%dma_start3A_16, %dma_start3A_17] : memref<10240x128xf32, #tpu.memory_space<vmem_shared>> -> memref<10240x128xf32, #tpu.memory_space<vmem_shared>>
        tpu.enqueue_indirect_dma source(%arg7 : memref<80x128xf32, #tpu.memory_space<vmem>>) target(%dma_start3A_18 : memref<10240x128xf32, #tpu.memory_space<vmem_shared>>) offsets(%dma_start3A_15 : memref<80xi32, #tpu.memory_space<vmem>>) semaphore(%run_scoped3A : memref<!tpu.dma_semaphore, #tpu.memory_space<semaphore_mem>>) {add = true}
        %dma_wait3A = arith.constant 0 : i32
        %dma_wait3A_19 = tpu.memref_slice %arg6[%scan3A_13, %dma_wait3A] : memref<125x80xi32, #tpu.memory_space<vmem>> -> memref<1x80xi32, #tpu.memory_space<vmem>>
        %dma_wait3A_20 = tpu.memref_squeeze %dma_wait3A_19 : memref<1x80xi32, #tpu.memory_space<vmem>> -> memref<80xi32, #tpu.memory_space<vmem>>
        %dma_wait3A_21 = arith.constant 0 : i32
        %dma_wait3A_22 = arith.constant 0 : i32
        %dma_wait3A_23 = tpu.memref_slice %arg8[%dma_wait3A_21, %dma_wait3A_22] : memref<10240x128xf32, #tpu.memory_space<vmem_shared>> -> memref<10240x128xf32, #tpu.memory_space<vmem_shared>>
        tpu.wait_indirect_dma semaphore(%run_scoped3A : memref<!tpu.dma_semaphore, #tpu.memory_space<semaphore_mem>>) src(%arg7 : memref<80x128xf32, #tpu.memory_space<vmem>>) dst(%dma_wait3A_23 : memref<10240x128xf32, #tpu.memory_space<vmem_shared>>)
        tpu.yield
      }) : () -> ()
    }
    %scan3A_7 = arith.constant 125 : i32
    %barrier3A_8 = arith.constant 0 : index
    tpu.barrier barrier_id(%barrier3A_8)
    %mul3A_9 = arith.constant 640 : i32
    %mul3A_10 = arith.muli %arg1, %mul3A_9 : i32
    %mul3A_11 = arith.constant 640 : i32
    %mul3A_12 = arith.muli %arg1, %mul3A_11 : i32
    "tpu.region"() ({
      %run_scoped3A = tpu.sem_alloc : memref<!tpu.dma_semaphore, #tpu.memory_space<semaphore_mem>>
      %dma_start3A = arith.constant 0 : i32
      %dma_start3A_13 = tpu.memref_slice %arg5[%arg0, %mul3A_12, %dma_start3A] : memref<2x10240x128xf32, #tpu.memory_space<hbm>> -> memref<1x640x128xf32, #tpu.memory_space<hbm>>
      %dma_start3A_14 = tpu.memref_squeeze %dma_start3A_13 : memref<1x640x128xf32, #tpu.memory_space<hbm>> -> memref<640x128xf32, #tpu.memory_space<hbm>>
      %dma_start3A_15 = arith.constant 0 : i32
      %dma_start3A_16 = tpu.memref_slice %arg8[%mul3A_10, %dma_start3A_15] : memref<10240x128xf32, #tpu.memory_space<vmem_shared>> -> memref<640x128xf32, #tpu.memory_space<vmem_shared>>
      tpu.enqueue_dma source(%dma_start3A_16 : memref<640x128xf32, #tpu.memory_space<vmem_shared>>) target(%dma_start3A_14 : memref<640x128xf32, #tpu.memory_space<hbm>>) target_semaphore(%run_scoped3A : memref<!tpu.dma_semaphore, #tpu.memory_space<semaphore_mem>>)
      %dma_wait3A = arith.constant 0 : i32
      %dma_wait3A_17 = tpu.memref_slice %arg5[%arg0, %mul3A_12, %dma_wait3A] : memref<2x10240x128xf32, #tpu.memory_space<hbm>> -> memref<1x640x128xf32, #tpu.memory_space<hbm>>
      %dma_wait3A_18 = tpu.memref_squeeze %dma_wait3A_17 : memref<1x640x128xf32, #tpu.memory_space<hbm>> -> memref<640x128xf32, #tpu.memory_space<hbm>>
      %dma_wait3A_19 = arith.constant 0 : i32
      %dma_wait3A_20 = tpu.memref_slice %arg8[%mul3A_10, %dma_wait3A_19] : memref<10240x128xf32, #tpu.memory_space<vmem_shared>> -> memref<640x128xf32, #tpu.memory_space<vmem_shared>>
      tpu.wait_dma2 semaphore(%run_scoped3A : memref<!tpu.dma_semaphore, #tpu.memory_space<semaphore_mem>>) src(%dma_wait3A_20 : memref<640x128xf32, #tpu.memory_space<vmem_shared>>) dst(%dma_wait3A_18 : memref<640x128xf32, #tpu.memory_space<hbm>>)
      tpu.yield
    }) : () -> ()
    return
  }
}

#map = affine_map<(d0, d1) -> (0, 0)>
#map1 = affine_map<(d0, d1) -> (0, 0, 0)>
module attributes {stable_mosaic.version = 14 : i64} {
  func.func @k(%arg0: i32, %arg1: i32, %arg2: memref<10000x128xf32, #tpu.memory_space<hbm>>, %arg3: memref<32x125x80xi32, #tpu.memory_space<hbm>>, %arg4: memref<32x125x80xi32, #tpu.memory_space<hbm>>, %arg5: memref<640x128xf32, #tpu.memory_space<hbm>>, %arg6: memref<2x10240x128xf32, #tpu.memory_space<hbm>>, %arg7: memref<125x80xi32, #tpu.memory_space<vmem>>, %arg8: memref<125x80xi32, #tpu.memory_space<vmem>>, %arg9: memref<80x128xf32, #tpu.memory_space<vmem>>, %arg10: memref<10240x128xf32, #tpu.memory_space<vmem_shared>>, %arg11: memref<!tpu.dma_semaphore, #tpu.memory_space<semaphore_mem>>) attributes {dimension_semantics = [#tpu.dimension_semantics<core_parallel>, #tpu.dimension_semantics<subcore_parallel>], iteration_bounds = array<i64: 2, 16>, scalar_prefetch = 0 : i64, scratch_operands = 5 : i64, tpu.core_type = #tpu.core_type<sc_vector_subcore>, window_params = [{transform_indices = #map}, {transform_indices = #map1}, {transform_indices = #map1}, {transform_indices = #map}, {transform_indices = #map1}]} {
    %mul3A = arith.constant 16 : i32
    %mul3A_0 = arith.muli %arg0, %mul3A : i32
    %add3A = arith.addi %mul3A_0, %arg1 : i32
    "tpu.region"() ({
      %run_scoped3A = tpu.sem_alloc : memref<!tpu.dma_semaphore, #tpu.memory_space<semaphore_mem>>
      %dma_start3A = arith.constant 0 : i32
      %dma_start3A_13 = arith.constant 0 : i32
      %dma_start3A_14 = tpu.memref_slice %arg3[%add3A, %dma_start3A, %dma_start3A_13] : memref<32x125x80xi32, #tpu.memory_space<hbm>> -> memref<1x125x80xi32, #tpu.memory_space<hbm>>
      %dma_start3A_15 = tpu.memref_squeeze %dma_start3A_14 : memref<1x125x80xi32, #tpu.memory_space<hbm>> -> memref<125x80xi32, #tpu.memory_space<hbm>>
      %dma_start3A_16 = arith.constant 0 : i32
      %dma_start3A_17 = arith.constant 0 : i32
      %dma_start3A_18 = tpu.memref_slice %arg3[%add3A, %dma_start3A_16, %dma_start3A_17] : memref<32x125x80xi32, #tpu.memory_space<hbm>> -> memref<1x125x80xi32, #tpu.memory_space<hbm>>
      %dma_start3A_19 = tpu.memref_squeeze %dma_start3A_18 : memref<1x125x80xi32, #tpu.memory_space<hbm>> -> memref<125x80xi32, #tpu.memory_space<hbm>>
      tpu.enqueue_dma source(%dma_start3A_19 : memref<125x80xi32, #tpu.memory_space<hbm>>) target(%arg7 : memref<125x80xi32, #tpu.memory_space<vmem>>) target_semaphore(%run_scoped3A : memref<!tpu.dma_semaphore, #tpu.memory_space<semaphore_mem>>)
      %dma_wait3A = arith.constant 0 : i32
      %dma_wait3A_20 = arith.constant 0 : i32
      %dma_wait3A_21 = tpu.memref_slice %arg3[%add3A, %dma_wait3A, %dma_wait3A_20] : memref<32x125x80xi32, #tpu.memory_space<hbm>> -> memref<1x125x80xi32, #tpu.memory_space<hbm>>
      %dma_wait3A_22 = tpu.memref_squeeze %dma_wait3A_21 : memref<1x125x80xi32, #tpu.memory_space<hbm>> -> memref<125x80xi32, #tpu.memory_space<hbm>>
      %dma_wait3A_23 = arith.constant 0 : i32
      %dma_wait3A_24 = arith.constant 0 : i32
      %dma_wait3A_25 = tpu.memref_slice %arg3[%add3A, %dma_wait3A_23, %dma_wait3A_24] : memref<32x125x80xi32, #tpu.memory_space<hbm>> -> memref<1x125x80xi32, #tpu.memory_space<hbm>>
      %dma_wait3A_26 = tpu.memref_squeeze %dma_wait3A_25 : memref<1x125x80xi32, #tpu.memory_space<hbm>> -> memref<125x80xi32, #tpu.memory_space<hbm>>
      tpu.wait_dma2 semaphore(%run_scoped3A : memref<!tpu.dma_semaphore, #tpu.memory_space<semaphore_mem>>) src(%dma_wait3A_26 : memref<125x80xi32, #tpu.memory_space<hbm>>) dst(%arg7 : memref<125x80xi32, #tpu.memory_space<vmem>>)
      tpu.yield
    }) : () -> ()
    "tpu.region"() ({
      %run_scoped3A = tpu.sem_alloc : memref<!tpu.dma_semaphore, #tpu.memory_space<semaphore_mem>>
      %dma_start3A = arith.constant 0 : i32
      %dma_start3A_13 = arith.constant 0 : i32
      %dma_start3A_14 = tpu.memref_slice %arg4[%add3A, %dma_start3A, %dma_start3A_13] : memref<32x125x80xi32, #tpu.memory_space<hbm>> -> memref<1x125x80xi32, #tpu.memory_space<hbm>>
      %dma_start3A_15 = tpu.memref_squeeze %dma_start3A_14 : memref<1x125x80xi32, #tpu.memory_space<hbm>> -> memref<125x80xi32, #tpu.memory_space<hbm>>
      %dma_start3A_16 = arith.constant 0 : i32
      %dma_start3A_17 = arith.constant 0 : i32
      %dma_start3A_18 = tpu.memref_slice %arg4[%add3A, %dma_start3A_16, %dma_start3A_17] : memref<32x125x80xi32, #tpu.memory_space<hbm>> -> memref<1x125x80xi32, #tpu.memory_space<hbm>>
      %dma_start3A_19 = tpu.memref_squeeze %dma_start3A_18 : memref<1x125x80xi32, #tpu.memory_space<hbm>> -> memref<125x80xi32, #tpu.memory_space<hbm>>
      tpu.enqueue_dma source(%dma_start3A_19 : memref<125x80xi32, #tpu.memory_space<hbm>>) target(%arg8 : memref<125x80xi32, #tpu.memory_space<vmem>>) target_semaphore(%run_scoped3A : memref<!tpu.dma_semaphore, #tpu.memory_space<semaphore_mem>>)
      %dma_wait3A = arith.constant 0 : i32
      %dma_wait3A_20 = arith.constant 0 : i32
      %dma_wait3A_21 = tpu.memref_slice %arg4[%add3A, %dma_wait3A, %dma_wait3A_20] : memref<32x125x80xi32, #tpu.memory_space<hbm>> -> memref<1x125x80xi32, #tpu.memory_space<hbm>>
      %dma_wait3A_22 = tpu.memref_squeeze %dma_wait3A_21 : memref<1x125x80xi32, #tpu.memory_space<hbm>> -> memref<125x80xi32, #tpu.memory_space<hbm>>
      %dma_wait3A_23 = arith.constant 0 : i32
      %dma_wait3A_24 = arith.constant 0 : i32
      %dma_wait3A_25 = tpu.memref_slice %arg4[%add3A, %dma_wait3A_23, %dma_wait3A_24] : memref<32x125x80xi32, #tpu.memory_space<hbm>> -> memref<1x125x80xi32, #tpu.memory_space<hbm>>
      %dma_wait3A_26 = tpu.memref_squeeze %dma_wait3A_25 : memref<1x125x80xi32, #tpu.memory_space<hbm>> -> memref<125x80xi32, #tpu.memory_space<hbm>>
      tpu.wait_dma2 semaphore(%run_scoped3A : memref<!tpu.dma_semaphore, #tpu.memory_space<semaphore_mem>>) src(%dma_wait3A_26 : memref<125x80xi32, #tpu.memory_space<hbm>>) dst(%arg8 : memref<125x80xi32, #tpu.memory_space<vmem>>)
      tpu.yield
    }) : () -> ()
    %mul3A_1 = arith.constant 640 : i32
    %mul3A_2 = arith.muli %arg1, %mul3A_1 : i32
    "tpu.region"() ({
      %run_scoped3A = tpu.sem_alloc : memref<!tpu.dma_semaphore, #tpu.memory_space<semaphore_mem>>
      %dma_start3A = arith.constant 0 : i32
      %dma_start3A_13 = tpu.memref_slice %arg10[%mul3A_2, %dma_start3A] : memref<10240x128xf32, #tpu.memory_space<vmem_shared>> -> memref<640x128xf32, #tpu.memory_space<vmem_shared>>
      tpu.enqueue_dma source(%arg5 : memref<640x128xf32, #tpu.memory_space<hbm>>) target(%dma_start3A_13 : memref<640x128xf32, #tpu.memory_space<vmem_shared>>) target_semaphore(%run_scoped3A : memref<!tpu.dma_semaphore, #tpu.memory_space<semaphore_mem>>)
      %dma_wait3A = arith.constant 0 : i32
      %dma_wait3A_14 = tpu.memref_slice %arg10[%mul3A_2, %dma_wait3A] : memref<10240x128xf32, #tpu.memory_space<vmem_shared>> -> memref<640x128xf32, #tpu.memory_space<vmem_shared>>
      tpu.wait_dma2 semaphore(%run_scoped3A : memref<!tpu.dma_semaphore, #tpu.memory_space<semaphore_mem>>) src(%arg5 : memref<640x128xf32, #tpu.memory_space<hbm>>) dst(%dma_wait3A_14 : memref<640x128xf32, #tpu.memory_space<vmem_shared>>)
      tpu.yield
    }) : () -> ()
    %barrier3A = arith.constant 0 : index
    tpu.barrier barrier_id(%barrier3A)
    %scan3A = arith.constant 0 : i32
    %scan3A_3 = arith.constant 0 : i32
    %scan3A_4 = arith.constant 125 : i32
    %scan3A_5 = arith.addi %scan3A_3, %scan3A_4 : i32
    %scan3A_6 = arith.constant 1 : i32
    scf.for %scan3A_13 = %scan3A_3 to %scan3A_5 step %scan3A_6  : i32 {
      %dma_start3A = arith.constant 0 : i32
      %dma_start3A_14 = tpu.memref_slice %arg7[%scan3A_13, %dma_start3A] : memref<125x80xi32, #tpu.memory_space<vmem>> -> memref<1x80xi32, #tpu.memory_space<vmem>>
      %dma_start3A_15 = tpu.memref_squeeze %dma_start3A_14 : memref<1x80xi32, #tpu.memory_space<vmem>> -> memref<80xi32, #tpu.memory_space<vmem>>
      %dma_start3A_16 = arith.constant 0 : i32
      %dma_start3A_17 = arith.constant 0 : i32
      %dma_start3A_18 = tpu.memref_slice %arg2[%dma_start3A_16, %dma_start3A_17] : memref<10000x128xf32, #tpu.memory_space<hbm>> -> memref<10000x128xf32, #tpu.memory_space<hbm>>
      tpu.enqueue_indirect_dma source(%dma_start3A_18 : memref<10000x128xf32, #tpu.memory_space<hbm>>) target(%arg9 : memref<80x128xf32, #tpu.memory_space<vmem>>) offsets(%dma_start3A_15 : memref<80xi32, #tpu.memory_space<vmem>>) semaphore(%arg11 : memref<!tpu.dma_semaphore, #tpu.memory_space<semaphore_mem>>)
      %dma_wait3A = arith.constant 0 : i32
      %dma_wait3A_19 = tpu.memref_slice %arg7[%scan3A_13, %dma_wait3A] : memref<125x80xi32, #tpu.memory_space<vmem>> -> memref<1x80xi32, #tpu.memory_space<vmem>>
      %dma_wait3A_20 = tpu.memref_squeeze %dma_wait3A_19 : memref<1x80xi32, #tpu.memory_space<vmem>> -> memref<80xi32, #tpu.memory_space<vmem>>
      %dma_wait3A_21 = arith.constant 0 : i32
      %dma_wait3A_22 = arith.constant 0 : i32
      %dma_wait3A_23 = tpu.memref_slice %arg2[%dma_wait3A_21, %dma_wait3A_22] : memref<10000x128xf32, #tpu.memory_space<hbm>> -> memref<10000x128xf32, #tpu.memory_space<hbm>>
      tpu.wait_indirect_dma semaphore(%arg11 : memref<!tpu.dma_semaphore, #tpu.memory_space<semaphore_mem>>) src(%dma_wait3A_23 : memref<10000x128xf32, #tpu.memory_space<hbm>>) dst(%arg9 : memref<80x128xf32, #tpu.memory_space<vmem>>)
      "tpu.region"() ({
        %run_scoped3A = tpu.sem_alloc : memref<!tpu.dma_semaphore, #tpu.memory_space<semaphore_mem>>
        %dma_start3A_24 = arith.constant 0 : i32
        %dma_start3A_25 = tpu.memref_slice %arg8[%scan3A_13, %dma_start3A_24] : memref<125x80xi32, #tpu.memory_space<vmem>> -> memref<1x80xi32, #tpu.memory_space<vmem>>
        %dma_start3A_26 = tpu.memref_squeeze %dma_start3A_25 : memref<1x80xi32, #tpu.memory_space<vmem>> -> memref<80xi32, #tpu.memory_space<vmem>>
        %dma_start3A_27 = arith.constant 0 : i32
        %dma_start3A_28 = arith.constant 0 : i32
        %dma_start3A_29 = tpu.memref_slice %arg10[%dma_start3A_27, %dma_start3A_28] : memref<10240x128xf32, #tpu.memory_space<vmem_shared>> -> memref<10240x128xf32, #tpu.memory_space<vmem_shared>>
        tpu.enqueue_indirect_dma source(%arg9 : memref<80x128xf32, #tpu.memory_space<vmem>>) target(%dma_start3A_29 : memref<10240x128xf32, #tpu.memory_space<vmem_shared>>) offsets(%dma_start3A_26 : memref<80xi32, #tpu.memory_space<vmem>>) semaphore(%run_scoped3A : memref<!tpu.dma_semaphore, #tpu.memory_space<semaphore_mem>>) {add = true}
        %dma_wait3A_30 = arith.constant 0 : i32
        %dma_wait3A_31 = tpu.memref_slice %arg8[%scan3A_13, %dma_wait3A_30] : memref<125x80xi32, #tpu.memory_space<vmem>> -> memref<1x80xi32, #tpu.memory_space<vmem>>
        %dma_wait3A_32 = tpu.memref_squeeze %dma_wait3A_31 : memref<1x80xi32, #tpu.memory_space<vmem>> -> memref<80xi32, #tpu.memory_space<vmem>>
        %dma_wait3A_33 = arith.constant 0 : i32
        %dma_wait3A_34 = arith.constant 0 : i32
        %dma_wait3A_35 = tpu.memref_slice %arg10[%dma_wait3A_33, %dma_wait3A_34] : memref<10240x128xf32, #tpu.memory_space<vmem_shared>> -> memref<10240x128xf32, #tpu.memory_space<vmem_shared>>
        tpu.wait_indirect_dma semaphore(%run_scoped3A : memref<!tpu.dma_semaphore, #tpu.memory_space<semaphore_mem>>) src(%arg9 : memref<80x128xf32, #tpu.memory_space<vmem>>) dst(%dma_wait3A_35 : memref<10240x128xf32, #tpu.memory_space<vmem_shared>>)
        tpu.yield
      }) : () -> ()
    }
    %scan3A_7 = arith.constant 125 : i32
    %barrier3A_8 = arith.constant 0 : index
    tpu.barrier barrier_id(%barrier3A_8)
    %mul3A_9 = arith.constant 640 : i32
    %mul3A_10 = arith.muli %arg1, %mul3A_9 : i32
    %mul3A_11 = arith.constant 640 : i32
    %mul3A_12 = arith.muli %arg1, %mul3A_11 : i32
    "tpu.region"() ({
      %run_scoped3A = tpu.sem_alloc : memref<!tpu.dma_semaphore, #tpu.memory_space<semaphore_mem>>
      %dma_start3A = arith.constant 0 : i32
      %dma_start3A_13 = tpu.memref_slice %arg6[%arg0, %mul3A_12, %dma_start3A] : memref<2x10240x128xf32, #tpu.memory_space<hbm>> -> memref<1x640x128xf32, #tpu.memory_space<hbm>>
      %dma_start3A_14 = tpu.memref_squeeze %dma_start3A_13 : memref<1x640x128xf32, #tpu.memory_space<hbm>> -> memref<640x128xf32, #tpu.memory_space<hbm>>
      %dma_start3A_15 = arith.constant 0 : i32
      %dma_start3A_16 = tpu.memref_slice %arg10[%mul3A_10, %dma_start3A_15] : memref<10240x128xf32, #tpu.memory_space<vmem_shared>> -> memref<640x128xf32, #tpu.memory_space<vmem_shared>>
      tpu.enqueue_dma source(%dma_start3A_16 : memref<640x128xf32, #tpu.memory_space<vmem_shared>>) target(%dma_start3A_14 : memref<640x128xf32, #tpu.memory_space<hbm>>) target_semaphore(%run_scoped3A : memref<!tpu.dma_semaphore, #tpu.memory_space<semaphore_mem>>)
      %dma_wait3A = arith.constant 0 : i32
      %dma_wait3A_17 = tpu.memref_slice %arg6[%arg0, %mul3A_12, %dma_wait3A] : memref<2x10240x128xf32, #tpu.memory_space<hbm>> -> memref<1x640x128xf32, #tpu.memory_space<hbm>>
      %dma_wait3A_18 = tpu.memref_squeeze %dma_wait3A_17 : memref<1x640x128xf32, #tpu.memory_space<hbm>> -> memref<640x128xf32, #tpu.memory_space<hbm>>
      %dma_wait3A_19 = arith.constant 0 : i32
      %dma_wait3A_20 = tpu.memref_slice %arg10[%mul3A_10, %dma_wait3A_19] : memref<10240x128xf32, #tpu.memory_space<vmem_shared>> -> memref<640x128xf32, #tpu.memory_space<vmem_shared>>
      tpu.wait_dma2 semaphore(%run_scoped3A : memref<!tpu.dma_semaphore, #tpu.memory_space<semaphore_mem>>) src(%dma_wait3A_20 : memref<640x128xf32, #tpu.memory_space<vmem_shared>>) dst(%dma_wait3A_18 : memref<640x128xf32, #tpu.memory_space<hbm>>)
      tpu.yield
    }) : () -> ()
    return
  }
}

#map = affine_map<(d0, d1) -> (0, 0)>
#map1 = affine_map<(d0, d1) -> (0, 0, 0)>
module attributes {stable_mosaic.version = 14 : i64} {
  func.func @k(%arg0: i32, %arg1: i32, %arg2: memref<10000x128xf32, #tpu.memory_space<hbm>>, %arg3: memref<32x125x80xi32, #tpu.memory_space<hbm>>, %arg4: memref<32x125x80xi32, #tpu.memory_space<hbm>>, %arg5: memref<640x128xf32, #tpu.memory_space<hbm>>, %arg6: memref<2x10240x128xf32, #tpu.memory_space<hbm>>, %arg7: memref<125x80xi32, #tpu.memory_space<vmem>>, %arg8: memref<125x80xi32, #tpu.memory_space<vmem>>, %arg9: memref<80x128xf32, #tpu.memory_space<vmem>>, %arg10: memref<10240x128xf32, #tpu.memory_space<vmem_shared>>, %arg11: memref<!tpu.dma_semaphore, #tpu.memory_space<semaphore_mem>>) attributes {dimension_semantics = [#tpu.dimension_semantics<core_parallel>, #tpu.dimension_semantics<subcore_parallel>], iteration_bounds = array<i64: 2, 16>, scalar_prefetch = 0 : i64, scratch_operands = 5 : i64, tpu.core_type = #tpu.core_type<sc_vector_subcore>, window_params = [{transform_indices = #map}, {transform_indices = #map1}, {transform_indices = #map1}, {transform_indices = #map}, {transform_indices = #map1}]} {
    %mul3A = arith.constant 16 : i32
    %mul3A_0 = arith.muli %arg0, %mul3A : i32
    %add3A = arith.addi %mul3A_0, %arg1 : i32
    "tpu.region"() ({
      %run_scoped3A = tpu.sem_alloc : memref<!tpu.dma_semaphore, #tpu.memory_space<semaphore_mem>>
      %dma_start3A = arith.constant 0 : i32
      %dma_start3A_13 = arith.constant 0 : i32
      %dma_start3A_14 = tpu.memref_slice %arg3[%add3A, %dma_start3A, %dma_start3A_13] : memref<32x125x80xi32, #tpu.memory_space<hbm>> -> memref<1x125x80xi32, #tpu.memory_space<hbm>>
      %dma_start3A_15 = tpu.memref_squeeze %dma_start3A_14 : memref<1x125x80xi32, #tpu.memory_space<hbm>> -> memref<125x80xi32, #tpu.memory_space<hbm>>
      %dma_start3A_16 = arith.constant 0 : i32
      %dma_start3A_17 = arith.constant 0 : i32
      %dma_start3A_18 = tpu.memref_slice %arg3[%add3A, %dma_start3A_16, %dma_start3A_17] : memref<32x125x80xi32, #tpu.memory_space<hbm>> -> memref<1x125x80xi32, #tpu.memory_space<hbm>>
      %dma_start3A_19 = tpu.memref_squeeze %dma_start3A_18 : memref<1x125x80xi32, #tpu.memory_space<hbm>> -> memref<125x80xi32, #tpu.memory_space<hbm>>
      tpu.enqueue_dma source(%dma_start3A_19 : memref<125x80xi32, #tpu.memory_space<hbm>>) target(%arg7 : memref<125x80xi32, #tpu.memory_space<vmem>>) target_semaphore(%run_scoped3A : memref<!tpu.dma_semaphore, #tpu.memory_space<semaphore_mem>>)
      %dma_wait3A = arith.constant 0 : i32
      %dma_wait3A_20 = arith.constant 0 : i32
      %dma_wait3A_21 = tpu.memref_slice %arg3[%add3A, %dma_wait3A, %dma_wait3A_20] : memref<32x125x80xi32, #tpu.memory_space<hbm>> -> memref<1x125x80xi32, #tpu.memory_space<hbm>>
      %dma_wait3A_22 = tpu.memref_squeeze %dma_wait3A_21 : memref<1x125x80xi32, #tpu.memory_space<hbm>> -> memref<125x80xi32, #tpu.memory_space<hbm>>
      %dma_wait3A_23 = arith.constant 0 : i32
      %dma_wait3A_24 = arith.constant 0 : i32
      %dma_wait3A_25 = tpu.memref_slice %arg3[%add3A, %dma_wait3A_23, %dma_wait3A_24] : memref<32x125x80xi32, #tpu.memory_space<hbm>> -> memref<1x125x80xi32, #tpu.memory_space<hbm>>
      %dma_wait3A_26 = tpu.memref_squeeze %dma_wait3A_25 : memref<1x125x80xi32, #tpu.memory_space<hbm>> -> memref<125x80xi32, #tpu.memory_space<hbm>>
      tpu.wait_dma2 semaphore(%run_scoped3A : memref<!tpu.dma_semaphore, #tpu.memory_space<semaphore_mem>>) src(%dma_wait3A_26 : memref<125x80xi32, #tpu.memory_space<hbm>>) dst(%arg7 : memref<125x80xi32, #tpu.memory_space<vmem>>)
      tpu.yield
    }) : () -> ()
    "tpu.region"() ({
      %run_scoped3A = tpu.sem_alloc : memref<!tpu.dma_semaphore, #tpu.memory_space<semaphore_mem>>
      %dma_start3A = arith.constant 0 : i32
      %dma_start3A_13 = arith.constant 0 : i32
      %dma_start3A_14 = tpu.memref_slice %arg4[%add3A, %dma_start3A, %dma_start3A_13] : memref<32x125x80xi32, #tpu.memory_space<hbm>> -> memref<1x125x80xi32, #tpu.memory_space<hbm>>
      %dma_start3A_15 = tpu.memref_squeeze %dma_start3A_14 : memref<1x125x80xi32, #tpu.memory_space<hbm>> -> memref<125x80xi32, #tpu.memory_space<hbm>>
      %dma_start3A_16 = arith.constant 0 : i32
      %dma_start3A_17 = arith.constant 0 : i32
      %dma_start3A_18 = tpu.memref_slice %arg4[%add3A, %dma_start3A_16, %dma_start3A_17] : memref<32x125x80xi32, #tpu.memory_space<hbm>> -> memref<1x125x80xi32, #tpu.memory_space<hbm>>
      %dma_start3A_19 = tpu.memref_squeeze %dma_start3A_18 : memref<1x125x80xi32, #tpu.memory_space<hbm>> -> memref<125x80xi32, #tpu.memory_space<hbm>>
      tpu.enqueue_dma source(%dma_start3A_19 : memref<125x80xi32, #tpu.memory_space<hbm>>) target(%arg8 : memref<125x80xi32, #tpu.memory_space<vmem>>) target_semaphore(%run_scoped3A : memref<!tpu.dma_semaphore, #tpu.memory_space<semaphore_mem>>)
      %dma_wait3A = arith.constant 0 : i32
      %dma_wait3A_20 = arith.constant 0 : i32
      %dma_wait3A_21 = tpu.memref_slice %arg4[%add3A, %dma_wait3A, %dma_wait3A_20] : memref<32x125x80xi32, #tpu.memory_space<hbm>> -> memref<1x125x80xi32, #tpu.memory_space<hbm>>
      %dma_wait3A_22 = tpu.memref_squeeze %dma_wait3A_21 : memref<1x125x80xi32, #tpu.memory_space<hbm>> -> memref<125x80xi32, #tpu.memory_space<hbm>>
      %dma_wait3A_23 = arith.constant 0 : i32
      %dma_wait3A_24 = arith.constant 0 : i32
      %dma_wait3A_25 = tpu.memref_slice %arg4[%add3A, %dma_wait3A_23, %dma_wait3A_24] : memref<32x125x80xi32, #tpu.memory_space<hbm>> -> memref<1x125x80xi32, #tpu.memory_space<hbm>>
      %dma_wait3A_26 = tpu.memref_squeeze %dma_wait3A_25 : memref<1x125x80xi32, #tpu.memory_space<hbm>> -> memref<125x80xi32, #tpu.memory_space<hbm>>
      tpu.wait_dma2 semaphore(%run_scoped3A : memref<!tpu.dma_semaphore, #tpu.memory_space<semaphore_mem>>) src(%dma_wait3A_26 : memref<125x80xi32, #tpu.memory_space<hbm>>) dst(%arg8 : memref<125x80xi32, #tpu.memory_space<vmem>>)
      tpu.yield
    }) : () -> ()
    %mul3A_1 = arith.constant 640 : i32
    %mul3A_2 = arith.muli %arg1, %mul3A_1 : i32
    "tpu.region"() ({
      %run_scoped3A = tpu.sem_alloc : memref<!tpu.dma_semaphore, #tpu.memory_space<semaphore_mem>>
      %dma_start3A = arith.constant 0 : i32
      %dma_start3A_13 = tpu.memref_slice %arg10[%mul3A_2, %dma_start3A] : memref<10240x128xf32, #tpu.memory_space<vmem_shared>> -> memref<640x128xf32, #tpu.memory_space<vmem_shared>>
      tpu.enqueue_dma source(%arg5 : memref<640x128xf32, #tpu.memory_space<hbm>>) target(%dma_start3A_13 : memref<640x128xf32, #tpu.memory_space<vmem_shared>>) target_semaphore(%run_scoped3A : memref<!tpu.dma_semaphore, #tpu.memory_space<semaphore_mem>>)
      %dma_wait3A = arith.constant 0 : i32
      %dma_wait3A_14 = tpu.memref_slice %arg10[%mul3A_2, %dma_wait3A] : memref<10240x128xf32, #tpu.memory_space<vmem_shared>> -> memref<640x128xf32, #tpu.memory_space<vmem_shared>>
      tpu.wait_dma2 semaphore(%run_scoped3A : memref<!tpu.dma_semaphore, #tpu.memory_space<semaphore_mem>>) src(%arg5 : memref<640x128xf32, #tpu.memory_space<hbm>>) dst(%dma_wait3A_14 : memref<640x128xf32, #tpu.memory_space<vmem_shared>>)
      tpu.yield
    }) : () -> ()
    %barrier3A = arith.constant 0 : index
    tpu.barrier barrier_id(%barrier3A)
    %scan3A = arith.constant 0 : i32
    %scan3A_3 = arith.constant 0 : i32
    %scan3A_4 = arith.constant 125 : i32
    %scan3A_5 = arith.addi %scan3A_3, %scan3A_4 : i32
    %scan3A_6 = arith.constant 1 : i32
    scf.for %scan3A_13 = %scan3A_3 to %scan3A_5 step %scan3A_6  : i32 {
      %dma_start3A = arith.constant 0 : i32
      %dma_start3A_14 = tpu.memref_slice %arg7[%scan3A_13, %dma_start3A] : memref<125x80xi32, #tpu.memory_space<vmem>> -> memref<1x80xi32, #tpu.memory_space<vmem>>
      %dma_start3A_15 = tpu.memref_squeeze %dma_start3A_14 : memref<1x80xi32, #tpu.memory_space<vmem>> -> memref<80xi32, #tpu.memory_space<vmem>>
      %dma_start3A_16 = arith.constant 0 : i32
      %dma_start3A_17 = arith.constant 0 : i32
      %dma_start3A_18 = tpu.memref_slice %arg2[%dma_start3A_16, %dma_start3A_17] : memref<10000x128xf32, #tpu.memory_space<hbm>> -> memref<10000x128xf32, #tpu.memory_space<hbm>>
      tpu.enqueue_indirect_dma source(%dma_start3A_18 : memref<10000x128xf32, #tpu.memory_space<hbm>>) target(%arg9 : memref<80x128xf32, #tpu.memory_space<vmem>>) offsets(%dma_start3A_15 : memref<80xi32, #tpu.memory_space<vmem>>) semaphore(%arg11 : memref<!tpu.dma_semaphore, #tpu.memory_space<semaphore_mem>>)
      %dma_wait3A = arith.constant 0 : i32
      %dma_wait3A_19 = tpu.memref_slice %arg7[%scan3A_13, %dma_wait3A] : memref<125x80xi32, #tpu.memory_space<vmem>> -> memref<1x80xi32, #tpu.memory_space<vmem>>
      %dma_wait3A_20 = tpu.memref_squeeze %dma_wait3A_19 : memref<1x80xi32, #tpu.memory_space<vmem>> -> memref<80xi32, #tpu.memory_space<vmem>>
      %dma_wait3A_21 = arith.constant 0 : i32
      %dma_wait3A_22 = arith.constant 0 : i32
      %dma_wait3A_23 = tpu.memref_slice %arg2[%dma_wait3A_21, %dma_wait3A_22] : memref<10000x128xf32, #tpu.memory_space<hbm>> -> memref<10000x128xf32, #tpu.memory_space<hbm>>
      tpu.wait_indirect_dma semaphore(%arg11 : memref<!tpu.dma_semaphore, #tpu.memory_space<semaphore_mem>>) src(%dma_wait3A_23 : memref<10000x128xf32, #tpu.memory_space<hbm>>) dst(%arg9 : memref<80x128xf32, #tpu.memory_space<vmem>>)
      "tpu.region"() ({
        %run_scoped3A = tpu.sem_alloc : memref<!tpu.dma_semaphore, #tpu.memory_space<semaphore_mem>>
        %dma_start3A_24 = arith.constant 0 : i32
        %dma_start3A_25 = tpu.memref_slice %arg8[%scan3A_13, %dma_start3A_24] : memref<125x80xi32, #tpu.memory_space<vmem>> -> memref<1x80xi32, #tpu.memory_space<vmem>>
        %dma_start3A_26 = tpu.memref_squeeze %dma_start3A_25 : memref<1x80xi32, #tpu.memory_space<vmem>> -> memref<80xi32, #tpu.memory_space<vmem>>
        %dma_start3A_27 = arith.constant 0 : i32
        %dma_start3A_28 = arith.constant 0 : i32
        %dma_start3A_29 = tpu.memref_slice %arg10[%dma_start3A_27, %dma_start3A_28] : memref<10240x128xf32, #tpu.memory_space<vmem_shared>> -> memref<10240x128xf32, #tpu.memory_space<vmem_shared>>
        tpu.enqueue_indirect_dma source(%arg9 : memref<80x128xf32, #tpu.memory_space<vmem>>) target(%dma_start3A_29 : memref<10240x128xf32, #tpu.memory_space<vmem_shared>>) offsets(%dma_start3A_26 : memref<80xi32, #tpu.memory_space<vmem>>) semaphore(%run_scoped3A : memref<!tpu.dma_semaphore, #tpu.memory_space<semaphore_mem>>) {add = true}
        %dma_wait3A_30 = arith.constant 0 : i32
        %dma_wait3A_31 = tpu.memref_slice %arg8[%scan3A_13, %dma_wait3A_30] : memref<125x80xi32, #tpu.memory_space<vmem>> -> memref<1x80xi32, #tpu.memory_space<vmem>>
        %dma_wait3A_32 = tpu.memref_squeeze %dma_wait3A_31 : memref<1x80xi32, #tpu.memory_space<vmem>> -> memref<80xi32, #tpu.memory_space<vmem>>
        %dma_wait3A_33 = arith.constant 0 : i32
        %dma_wait3A_34 = arith.constant 0 : i32
        %dma_wait3A_35 = tpu.memref_slice %arg10[%dma_wait3A_33, %dma_wait3A_34] : memref<10240x128xf32, #tpu.memory_space<vmem_shared>> -> memref<10240x128xf32, #tpu.memory_space<vmem_shared>>
        tpu.wait_indirect_dma semaphore(%run_scoped3A : memref<!tpu.dma_semaphore, #tpu.memory_space<semaphore_mem>>) src(%arg9 : memref<80x128xf32, #tpu.memory_space<vmem>>) dst(%dma_wait3A_35 : memref<10240x128xf32, #tpu.memory_space<vmem_shared>>)
        tpu.yield
      }) : () -> ()
    }
    %scan3A_7 = arith.constant 125 : i32
    %barrier3A_8 = arith.constant 0 : index
    tpu.barrier barrier_id(%barrier3A_8)
    %mul3A_9 = arith.constant 640 : i32
    %mul3A_10 = arith.muli %arg1, %mul3A_9 : i32
    %mul3A_11 = arith.constant 640 : i32
    %mul3A_12 = arith.muli %arg1, %mul3A_11 : i32
    "tpu.region"() ({
      %run_scoped3A = tpu.sem_alloc : memref<!tpu.dma_semaphore, #tpu.memory_space<semaphore_mem>>
      %dma_start3A = arith.constant 0 : i32
      %dma_start3A_13 = tpu.memref_slice %arg6[%arg0, %mul3A_12, %dma_start3A] : memref<2x10240x128xf32, #tpu.memory_space<hbm>> -> memref<1x640x128xf32, #tpu.memory_space<hbm>>
      %dma_start3A_14 = tpu.memref_squeeze %dma_start3A_13 : memref<1x640x128xf32, #tpu.memory_space<hbm>> -> memref<640x128xf32, #tpu.memory_space<hbm>>
      %dma_start3A_15 = arith.constant 0 : i32
      %dma_start3A_16 = tpu.memref_slice %arg10[%mul3A_10, %dma_start3A_15] : memref<10240x128xf32, #tpu.memory_space<vmem_shared>> -> memref<640x128xf32, #tpu.memory_space<vmem_shared>>
      tpu.enqueue_dma source(%dma_start3A_16 : memref<640x128xf32, #tpu.memory_space<vmem_shared>>) target(%dma_start3A_14 : memref<640x128xf32, #tpu.memory_space<hbm>>) target_semaphore(%run_scoped3A : memref<!tpu.dma_semaphore, #tpu.memory_space<semaphore_mem>>)
      %dma_wait3A = arith.constant 0 : i32
      %dma_wait3A_17 = tpu.memref_slice %arg6[%arg0, %mul3A_12, %dma_wait3A] : memref<2x10240x128xf32, #tpu.memory_space<hbm>> -> memref<1x640x128xf32, #tpu.memory_space<hbm>>
      %dma_wait3A_18 = tpu.memref_squeeze %dma_wait3A_17 : memref<1x640x128xf32, #tpu.memory_space<hbm>> -> memref<640x128xf32, #tpu.memory_space<hbm>>
      %dma_wait3A_19 = arith.constant 0 : i32
      %dma_wait3A_20 = tpu.memref_slice %arg10[%mul3A_10, %dma_wait3A_19] : memref<10240x128xf32, #tpu.memory_space<vmem_shared>> -> memref<640x128xf32, #tpu.memory_space<vmem_shared>>
      tpu.wait_dma2 semaphore(%run_scoped3A : memref<!tpu.dma_semaphore, #tpu.memory_space<semaphore_mem>>) src(%dma_wait3A_20 : memref<640x128xf32, #tpu.memory_space<vmem_shared>>) dst(%dma_wait3A_18 : memref<640x128xf32, #tpu.memory_space<hbm>>)
      tpu.yield
    }) : () -> ()
    return
  }
}

#map = affine_map<(d0, d1) -> (0, 0)>
#map1 = affine_map<(d0, d1) -> (0, 0, 0)>
module attributes {stable_mosaic.version = 14 : i64} {
  func.func @k(%arg0: i32, %arg1: i32, %arg2: memref<10000x128xf32, #tpu.memory_space<hbm>>, %arg3: memref<32x125x80xi32, #tpu.memory_space<hbm>>, %arg4: memref<32x125x80xi32, #tpu.memory_space<hbm>>, %arg5: memref<640x128xf32, #tpu.memory_space<hbm>>, %arg6: memref<2x10240x128xf32, #tpu.memory_space<hbm>>, %arg7: memref<125x80xi32, #tpu.memory_space<vmem>>, %arg8: memref<125x80xi32, #tpu.memory_space<vmem>>, %arg9: memref<80x128xf32, #tpu.memory_space<vmem>>, %arg10: memref<10240x128xf32, #tpu.memory_space<vmem_shared>>, %arg11: memref<!tpu.dma_semaphore, #tpu.memory_space<semaphore_mem>>) attributes {dimension_semantics = [#tpu.dimension_semantics<core_parallel>, #tpu.dimension_semantics<subcore_parallel>], iteration_bounds = array<i64: 2, 16>, scalar_prefetch = 0 : i64, scratch_operands = 5 : i64, tpu.core_type = #tpu.core_type<sc_vector_subcore>, window_params = [{transform_indices = #map}, {transform_indices = #map1}, {transform_indices = #map1}, {transform_indices = #map}, {transform_indices = #map1}]} {
    %mul3A = arith.constant 16 : i32
    %mul3A_0 = arith.muli %arg0, %mul3A : i32
    %add3A = arith.addi %mul3A_0, %arg1 : i32
    "tpu.region"() ({
      %run_scoped3A = tpu.sem_alloc : memref<!tpu.dma_semaphore, #tpu.memory_space<semaphore_mem>>
      %dma_start3A = arith.constant 0 : i32
      %dma_start3A_13 = arith.constant 0 : i32
      %dma_start3A_14 = tpu.memref_slice %arg3[%add3A, %dma_start3A, %dma_start3A_13] : memref<32x125x80xi32, #tpu.memory_space<hbm>> -> memref<1x125x80xi32, #tpu.memory_space<hbm>>
      %dma_start3A_15 = tpu.memref_squeeze %dma_start3A_14 : memref<1x125x80xi32, #tpu.memory_space<hbm>> -> memref<125x80xi32, #tpu.memory_space<hbm>>
      %dma_start3A_16 = arith.constant 0 : i32
      %dma_start3A_17 = arith.constant 0 : i32
      %dma_start3A_18 = tpu.memref_slice %arg3[%add3A, %dma_start3A_16, %dma_start3A_17] : memref<32x125x80xi32, #tpu.memory_space<hbm>> -> memref<1x125x80xi32, #tpu.memory_space<hbm>>
      %dma_start3A_19 = tpu.memref_squeeze %dma_start3A_18 : memref<1x125x80xi32, #tpu.memory_space<hbm>> -> memref<125x80xi32, #tpu.memory_space<hbm>>
      tpu.enqueue_dma source(%dma_start3A_19 : memref<125x80xi32, #tpu.memory_space<hbm>>) target(%arg7 : memref<125x80xi32, #tpu.memory_space<vmem>>) target_semaphore(%run_scoped3A : memref<!tpu.dma_semaphore, #tpu.memory_space<semaphore_mem>>)
      %dma_wait3A = arith.constant 0 : i32
      %dma_wait3A_20 = arith.constant 0 : i32
      %dma_wait3A_21 = tpu.memref_slice %arg3[%add3A, %dma_wait3A, %dma_wait3A_20] : memref<32x125x80xi32, #tpu.memory_space<hbm>> -> memref<1x125x80xi32, #tpu.memory_space<hbm>>
      %dma_wait3A_22 = tpu.memref_squeeze %dma_wait3A_21 : memref<1x125x80xi32, #tpu.memory_space<hbm>> -> memref<125x80xi32, #tpu.memory_space<hbm>>
      %dma_wait3A_23 = arith.constant 0 : i32
      %dma_wait3A_24 = arith.constant 0 : i32
      %dma_wait3A_25 = tpu.memref_slice %arg3[%add3A, %dma_wait3A_23, %dma_wait3A_24] : memref<32x125x80xi32, #tpu.memory_space<hbm>> -> memref<1x125x80xi32, #tpu.memory_space<hbm>>
      %dma_wait3A_26 = tpu.memref_squeeze %dma_wait3A_25 : memref<1x125x80xi32, #tpu.memory_space<hbm>> -> memref<125x80xi32, #tpu.memory_space<hbm>>
      tpu.wait_dma2 semaphore(%run_scoped3A : memref<!tpu.dma_semaphore, #tpu.memory_space<semaphore_mem>>) src(%dma_wait3A_26 : memref<125x80xi32, #tpu.memory_space<hbm>>) dst(%arg7 : memref<125x80xi32, #tpu.memory_space<vmem>>)
      tpu.yield
    }) : () -> ()
    "tpu.region"() ({
      %run_scoped3A = tpu.sem_alloc : memref<!tpu.dma_semaphore, #tpu.memory_space<semaphore_mem>>
      %dma_start3A = arith.constant 0 : i32
      %dma_start3A_13 = arith.constant 0 : i32
      %dma_start3A_14 = tpu.memref_slice %arg4[%add3A, %dma_start3A, %dma_start3A_13] : memref<32x125x80xi32, #tpu.memory_space<hbm>> -> memref<1x125x80xi32, #tpu.memory_space<hbm>>
      %dma_start3A_15 = tpu.memref_squeeze %dma_start3A_14 : memref<1x125x80xi32, #tpu.memory_space<hbm>> -> memref<125x80xi32, #tpu.memory_space<hbm>>
      %dma_start3A_16 = arith.constant 0 : i32
      %dma_start3A_17 = arith.constant 0 : i32
      %dma_start3A_18 = tpu.memref_slice %arg4[%add3A, %dma_start3A_16, %dma_start3A_17] : memref<32x125x80xi32, #tpu.memory_space<hbm>> -> memref<1x125x80xi32, #tpu.memory_space<hbm>>
      %dma_start3A_19 = tpu.memref_squeeze %dma_start3A_18 : memref<1x125x80xi32, #tpu.memory_space<hbm>> -> memref<125x80xi32, #tpu.memory_space<hbm>>
      tpu.enqueue_dma source(%dma_start3A_19 : memref<125x80xi32, #tpu.memory_space<hbm>>) target(%arg8 : memref<125x80xi32, #tpu.memory_space<vmem>>) target_semaphore(%run_scoped3A : memref<!tpu.dma_semaphore, #tpu.memory_space<semaphore_mem>>)
      %dma_wait3A = arith.constant 0 : i32
      %dma_wait3A_20 = arith.constant 0 : i32
      %dma_wait3A_21 = tpu.memref_slice %arg4[%add3A, %dma_wait3A, %dma_wait3A_20] : memref<32x125x80xi32, #tpu.memory_space<hbm>> -> memref<1x125x80xi32, #tpu.memory_space<hbm>>
      %dma_wait3A_22 = tpu.memref_squeeze %dma_wait3A_21 : memref<1x125x80xi32, #tpu.memory_space<hbm>> -> memref<125x80xi32, #tpu.memory_space<hbm>>
      %dma_wait3A_23 = arith.constant 0 : i32
      %dma_wait3A_24 = arith.constant 0 : i32
      %dma_wait3A_25 = tpu.memref_slice %arg4[%add3A, %dma_wait3A_23, %dma_wait3A_24] : memref<32x125x80xi32, #tpu.memory_space<hbm>> -> memref<1x125x80xi32, #tpu.memory_space<hbm>>
      %dma_wait3A_26 = tpu.memref_squeeze %dma_wait3A_25 : memref<1x125x80xi32, #tpu.memory_space<hbm>> -> memref<125x80xi32, #tpu.memory_space<hbm>>
      tpu.wait_dma2 semaphore(%run_scoped3A : memref<!tpu.dma_semaphore, #tpu.memory_space<semaphore_mem>>) src(%dma_wait3A_26 : memref<125x80xi32, #tpu.memory_space<hbm>>) dst(%arg8 : memref<125x80xi32, #tpu.memory_space<vmem>>)
      tpu.yield
    }) : () -> ()
    %mul3A_1 = arith.constant 640 : i32
    %mul3A_2 = arith.muli %arg1, %mul3A_1 : i32
    "tpu.region"() ({
      %run_scoped3A = tpu.sem_alloc : memref<!tpu.dma_semaphore, #tpu.memory_space<semaphore_mem>>
      %dma_start3A = arith.constant 0 : i32
      %dma_start3A_13 = tpu.memref_slice %arg10[%mul3A_2, %dma_start3A] : memref<10240x128xf32, #tpu.memory_space<vmem_shared>> -> memref<640x128xf32, #tpu.memory_space<vmem_shared>>
      tpu.enqueue_dma source(%arg5 : memref<640x128xf32, #tpu.memory_space<hbm>>) target(%dma_start3A_13 : memref<640x128xf32, #tpu.memory_space<vmem_shared>>) target_semaphore(%run_scoped3A : memref<!tpu.dma_semaphore, #tpu.memory_space<semaphore_mem>>)
      %dma_wait3A = arith.constant 0 : i32
      %dma_wait3A_14 = tpu.memref_slice %arg10[%mul3A_2, %dma_wait3A] : memref<10240x128xf32, #tpu.memory_space<vmem_shared>> -> memref<640x128xf32, #tpu.memory_space<vmem_shared>>
      tpu.wait_dma2 semaphore(%run_scoped3A : memref<!tpu.dma_semaphore, #tpu.memory_space<semaphore_mem>>) src(%arg5 : memref<640x128xf32, #tpu.memory_space<hbm>>) dst(%dma_wait3A_14 : memref<640x128xf32, #tpu.memory_space<vmem_shared>>)
      tpu.yield
    }) : () -> ()
    %barrier3A = arith.constant 0 : index
    tpu.barrier barrier_id(%barrier3A)
    %scan3A = arith.constant 0 : i32
    %scan3A_3 = arith.constant 0 : i32
    %scan3A_4 = arith.constant 125 : i32
    %scan3A_5 = arith.addi %scan3A_3, %scan3A_4 : i32
    %scan3A_6 = arith.constant 1 : i32
    scf.for %scan3A_13 = %scan3A_3 to %scan3A_5 step %scan3A_6  : i32 {
      %dma_start3A = arith.constant 0 : i32
      %dma_start3A_14 = tpu.memref_slice %arg7[%scan3A_13, %dma_start3A] : memref<125x80xi32, #tpu.memory_space<vmem>> -> memref<1x80xi32, #tpu.memory_space<vmem>>
      %dma_start3A_15 = tpu.memref_squeeze %dma_start3A_14 : memref<1x80xi32, #tpu.memory_space<vmem>> -> memref<80xi32, #tpu.memory_space<vmem>>
      %dma_start3A_16 = arith.constant 0 : i32
      %dma_start3A_17 = arith.constant 0 : i32
      %dma_start3A_18 = tpu.memref_slice %arg2[%dma_start3A_16, %dma_start3A_17] : memref<10000x128xf32, #tpu.memory_space<hbm>> -> memref<10000x128xf32, #tpu.memory_space<hbm>>
      tpu.enqueue_indirect_dma source(%dma_start3A_18 : memref<10000x128xf32, #tpu.memory_space<hbm>>) target(%arg9 : memref<80x128xf32, #tpu.memory_space<vmem>>) offsets(%dma_start3A_15 : memref<80xi32, #tpu.memory_space<vmem>>) semaphore(%arg11 : memref<!tpu.dma_semaphore, #tpu.memory_space<semaphore_mem>>)
      %dma_wait3A = arith.constant 0 : i32
      %dma_wait3A_19 = tpu.memref_slice %arg7[%scan3A_13, %dma_wait3A] : memref<125x80xi32, #tpu.memory_space<vmem>> -> memref<1x80xi32, #tpu.memory_space<vmem>>
      %dma_wait3A_20 = tpu.memref_squeeze %dma_wait3A_19 : memref<1x80xi32, #tpu.memory_space<vmem>> -> memref<80xi32, #tpu.memory_space<vmem>>
      %dma_wait3A_21 = arith.constant 0 : i32
      %dma_wait3A_22 = arith.constant 0 : i32
      %dma_wait3A_23 = tpu.memref_slice %arg2[%dma_wait3A_21, %dma_wait3A_22] : memref<10000x128xf32, #tpu.memory_space<hbm>> -> memref<10000x128xf32, #tpu.memory_space<hbm>>
      tpu.wait_indirect_dma semaphore(%arg11 : memref<!tpu.dma_semaphore, #tpu.memory_space<semaphore_mem>>) src(%dma_wait3A_23 : memref<10000x128xf32, #tpu.memory_space<hbm>>) dst(%arg9 : memref<80x128xf32, #tpu.memory_space<vmem>>)
      "tpu.region"() ({
        %run_scoped3A = tpu.sem_alloc : memref<!tpu.dma_semaphore, #tpu.memory_space<semaphore_mem>>
        %dma_start3A_24 = arith.constant 0 : i32
        %dma_start3A_25 = tpu.memref_slice %arg8[%scan3A_13, %dma_start3A_24] : memref<125x80xi32, #tpu.memory_space<vmem>> -> memref<1x80xi32, #tpu.memory_space<vmem>>
        %dma_start3A_26 = tpu.memref_squeeze %dma_start3A_25 : memref<1x80xi32, #tpu.memory_space<vmem>> -> memref<80xi32, #tpu.memory_space<vmem>>
        %dma_start3A_27 = arith.constant 0 : i32
        %dma_start3A_28 = arith.constant 0 : i32
        %dma_start3A_29 = tpu.memref_slice %arg10[%dma_start3A_27, %dma_start3A_28] : memref<10240x128xf32, #tpu.memory_space<vmem_shared>> -> memref<10240x128xf32, #tpu.memory_space<vmem_shared>>
        tpu.enqueue_indirect_dma source(%arg9 : memref<80x128xf32, #tpu.memory_space<vmem>>) target(%dma_start3A_29 : memref<10240x128xf32, #tpu.memory_space<vmem_shared>>) offsets(%dma_start3A_26 : memref<80xi32, #tpu.memory_space<vmem>>) semaphore(%run_scoped3A : memref<!tpu.dma_semaphore, #tpu.memory_space<semaphore_mem>>) {add = true}
        %dma_wait3A_30 = arith.constant 0 : i32
        %dma_wait3A_31 = tpu.memref_slice %arg8[%scan3A_13, %dma_wait3A_30] : memref<125x80xi32, #tpu.memory_space<vmem>> -> memref<1x80xi32, #tpu.memory_space<vmem>>
        %dma_wait3A_32 = tpu.memref_squeeze %dma_wait3A_31 : memref<1x80xi32, #tpu.memory_space<vmem>> -> memref<80xi32, #tpu.memory_space<vmem>>
        %dma_wait3A_33 = arith.constant 0 : i32
        %dma_wait3A_34 = arith.constant 0 : i32
        %dma_wait3A_35 = tpu.memref_slice %arg10[%dma_wait3A_33, %dma_wait3A_34] : memref<10240x128xf32, #tpu.memory_space<vmem_shared>> -> memref<10240x128xf32, #tpu.memory_space<vmem_shared>>
        tpu.wait_indirect_dma semaphore(%run_scoped3A : memref<!tpu.dma_semaphore, #tpu.memory_space<semaphore_mem>>) src(%arg9 : memref<80x128xf32, #tpu.memory_space<vmem>>) dst(%dma_wait3A_35 : memref<10240x128xf32, #tpu.memory_space<vmem_shared>>)
        tpu.yield
      }) : () -> ()
    }
    %scan3A_7 = arith.constant 125 : i32
    %barrier3A_8 = arith.constant 0 : index
    tpu.barrier barrier_id(%barrier3A_8)
    %mul3A_9 = arith.constant 640 : i32
    %mul3A_10 = arith.muli %arg1, %mul3A_9 : i32
    %mul3A_11 = arith.constant 640 : i32
    %mul3A_12 = arith.muli %arg1, %mul3A_11 : i32
    "tpu.region"() ({
      %run_scoped3A = tpu.sem_alloc : memref<!tpu.dma_semaphore, #tpu.memory_space<semaphore_mem>>
      %dma_start3A = arith.constant 0 : i32
      %dma_start3A_13 = tpu.memref_slice %arg6[%arg0, %mul3A_12, %dma_start3A] : memref<2x10240x128xf32, #tpu.memory_space<hbm>> -> memref<1x640x128xf32, #tpu.memory_space<hbm>>
      %dma_start3A_14 = tpu.memref_squeeze %dma_start3A_13 : memref<1x640x128xf32, #tpu.memory_space<hbm>> -> memref<640x128xf32, #tpu.memory_space<hbm>>
      %dma_start3A_15 = arith.constant 0 : i32
      %dma_start3A_16 = tpu.memref_slice %arg10[%mul3A_10, %dma_start3A_15] : memref<10240x128xf32, #tpu.memory_space<vmem_shared>> -> memref<640x128xf32, #tpu.memory_space<vmem_shared>>
      tpu.enqueue_dma source(%dma_start3A_16 : memref<640x128xf32, #tpu.memory_space<vmem_shared>>) target(%dma_start3A_14 : memref<640x128xf32, #tpu.memory_space<hbm>>) target_semaphore(%run_scoped3A : memref<!tpu.dma_semaphore, #tpu.memory_space<semaphore_mem>>)
      %dma_wait3A = arith.constant 0 : i32
      %dma_wait3A_17 = tpu.memref_slice %arg6[%arg0, %mul3A_12, %dma_wait3A] : memref<2x10240x128xf32, #tpu.memory_space<hbm>> -> memref<1x640x128xf32, #tpu.memory_space<hbm>>
      %dma_wait3A_18 = tpu.memref_squeeze %dma_wait3A_17 : memref<1x640x128xf32, #tpu.memory_space<hbm>> -> memref<640x128xf32, #tpu.memory_space<hbm>>
      %dma_wait3A_19 = arith.constant 0 : i32
      %dma_wait3A_20 = tpu.memref_slice %arg10[%mul3A_10, %dma_wait3A_19] : memref<10240x128xf32, #tpu.memory_space<vmem_shared>> -> memref<640x128xf32, #tpu.memory_space<vmem_shared>>
      tpu.wait_dma2 semaphore(%run_scoped3A : memref<!tpu.dma_semaphore, #tpu.memory_space<semaphore_mem>>) src(%dma_wait3A_20 : memref<640x128xf32, #tpu.memory_space<vmem_shared>>) dst(%dma_wait3A_18 : memref<640x128xf32, #tpu.memory_space<hbm>>)
      tpu.yield
    }) : () -> ()
    return
  }
}

module attributes {stable_mosaic.version = 14 : i64} {
  func.func @body(%arg0: i32, %arg1: memref<400x128xf32, #tpu.memory_space<vmem>>, %arg2: memref<128x128xf32, #tpu.memory_space<vmem>>, %arg3: memref<2x400x128xf32, #tpu.memory_space<vmem>>, %arg4: memref<400x128xf32, #tpu.memory_space<vmem>>) attributes {dimension_semantics = [#tpu.dimension_semantics<arbitrary>], iteration_bounds = array<i64: 25>, scalar_prefetch = 0 : i64, scratch_operands = 0 : i64, tpu.core_type = #tpu.core_type<tc>, window_params = [{transform_indices = @transform_0, window_bounds = array<i64: 400, 128>}, {pipeline_mode = #tpu.pipeline_mode<synchronous>, transform_indices = @transform_1, window_bounds = array<i64: 128, 128>}, {transform_indices = @transform_2, window_bounds = array<i64: 2, 400, 128>}, {transform_indices = @transform_3, window_bounds = array<i64: 400, 128>}]} {
    %get3A = arith.constant 0 : index
    %get3A_0 = arith.constant 0 : index
    %get3A_1 = arith.constant 0 : index
    %get3A_2 = vector.load %arg3[%get3A, %get3A_0, %get3A_1] : memref<2x400x128xf32, #tpu.memory_space<vmem>>, vector<2x400x128xf32>
    %slice3A = vector.extract_strided_slice %get3A_2 {offsets = [0, 0, 0], sizes = [1, 400, 1], strides = [1, 1, 1]} : vector<2x400x128xf32> to vector<1x400x1xf32>
    %squeeze3A = vector.shape_cast %slice3A : vector<1x400x1xf32> to vector<400x1xf32>
    %slice3A_3 = vector.extract_strided_slice %get3A_2 {offsets = [1, 0, 0], sizes = [1, 400, 1], strides = [1, 1, 1]} : vector<2x400x128xf32> to vector<1x400x1xf32>
    %squeeze3A_4 = vector.shape_cast %slice3A_3 : vector<1x400x1xf32> to vector<400x1xf32>
    %add3A = arith.addf %squeeze3A, %squeeze3A_4 : vector<400x1xf32>
    %add3A_5 = arith.constant 1.000000e+00 : f32
    %add3A_6 = vector.broadcast %add3A_5 : f32 to vector<400x1xf32>
    %add3A_7 = arith.addf %add3A, %add3A_6 : vector<400x1xf32>
    %rsqrt3A = math.rsqrt %add3A_7 : vector<400x1xf32>
    %get3A_8 = arith.constant 0 : index
    %get3A_9 = arith.constant 0 : index
    %get3A_10 = vector.load %arg1[%get3A_8, %get3A_9] : memref<400x128xf32, #tpu.memory_space<vmem>>, vector<400x128xf32>
    %get3A_11 = arith.constant 0 : index
    %get3A_12 = arith.constant 0 : index
    %get3A_13 = vector.load %arg2[%get3A_11, %get3A_12] : memref<128x128xf32, #tpu.memory_space<vmem>>, vector<128x128xf32>
    %dot_general3A = arith.constant dense<0.000000e+00> : vector<400x128xf32>
    %dot_general3A_14 = tpu.matmul %get3A_10, %get3A_13, %dot_general3A {dimension_numbers = #tpu.dot_dimension_numbers<[1], [0], [0], [1], [0, 0, 1, 1], [], []>, transpose_lhs_hint = false} : vector<400x128xf32>, vector<128x128xf32>, vector<400x128xf32> -> vector<400x128xf32>
    %mul3A = vector.broadcast %rsqrt3A : vector<400x1xf32> to vector<400x128xf32>
    %mul3A_15 = arith.mulf %dot_general3A_14, %mul3A : vector<400x128xf32>
    %swap3A = arith.constant 0 : index
    %swap3A_16 = arith.constant 0 : index
    %swap3A_17 = vector.load %arg4[%swap3A, %swap3A_16] : memref<400x128xf32, #tpu.memory_space<vmem>>, vector<400x128xf32>
    tpu.vector_store %arg4[%swap3A, %swap3A_16], %mul3A_15 {strides = array<i32>} : memref<400x128xf32, #tpu.memory_space<vmem>>, vector<400x128xf32>,
    return
  }
  func.func @transform_0(%arg0: i32) -> (i32, i32) {
    %c0_i32 = arith.constant 0 : i32
    %c0_i32_0 = arith.constant 0 : i32
    return %arg0, %c0_i32 : i32, i32
  }
  func.func @transform_1(%arg0: i32) -> (i32, i32) {
    %c0_i32 = arith.constant 0 : i32
    %c0_i32_0 = arith.constant 0 : i32
    %c0_i32_1 = arith.constant 0 : i32
    return %c0_i32, %c0_i32_0 : i32, i32
  }
  func.func @transform_2(%arg0: i32) -> (i32, i32, i32) {
    %c0_i32 = arith.constant 0 : i32
    %c0_i32_0 = arith.constant 0 : i32
    %c0_i32_1 = arith.constant 0 : i32
    return %c0_i32, %arg0, %c0_i32_0 : i32, i32, i32
  }
  func.func @transform_3(%arg0: i32) -> (i32, i32) {
    %c0_i32 = arith.constant 0 : i32
    %c0_i32_0 = arith.constant 0 : i32
    return %arg0, %c0_i32 : i32, i32
  }
}

module attributes {stable_mosaic.version = 14 : i64} {
  func.func @body(%arg0: i32, %arg1: memref<2x400x128xf32, #tpu.memory_space<vmem>>, %arg2: memref<400x128xf32, #tpu.memory_space<vmem>>, %arg3: memref<2x400x128xf32, #tpu.memory_space<vmem>>, %arg4: memref<1x128xf32, #tpu.memory_space<vmem>>, %arg5: memref<128x128xf32, #tpu.memory_space<vmem>>, %arg6: memref<400x128xf32, #tpu.memory_space<vmem>>) attributes {dimension_semantics = [#tpu.dimension_semantics<arbitrary>], iteration_bounds = array<i64: 25>, scalar_prefetch = 0 : i64, scratch_operands = 0 : i64, tpu.core_type = #tpu.core_type<tc>, window_params = [{transform_indices = @transform_0, window_bounds = array<i64: 2, 400, 128>}, {transform_indices = @transform_1, window_bounds = array<i64: 400, 128>}, {transform_indices = @transform_2, window_bounds = array<i64: 2, 400, 128>}, {pipeline_mode = #tpu.pipeline_mode<synchronous>, transform_indices = @transform_3, window_bounds = array<i64: 1, 128>}, {pipeline_mode = #tpu.pipeline_mode<synchronous>, transform_indices = @transform_4, window_bounds = array<i64: 128, 128>}, {transform_indices = @transform_5, window_bounds = array<i64: 400, 128>}]} {
    %get3A = arith.constant 0 : index
    %get3A_0 = arith.constant 0 : index
    %get3A_1 = arith.constant 0 : index
    %get3A_2 = vector.load %arg1[%get3A, %get3A_0, %get3A_1] : memref<2x400x128xf32, #tpu.memory_space<vmem>>, vector<2x400x128xf32>
    %get3A_3 = arith.constant 0 : index
    %get3A_4 = arith.constant 0 : index
    %get3A_5 = arith.constant 0 : index
    %get3A_6 = vector.load %arg3[%get3A_3, %get3A_4, %get3A_5] : memref<2x400x128xf32, #tpu.memory_space<vmem>>, vector<2x400x128xf32>
    %slice3A = vector.extract_strided_slice %get3A_6 {offsets = [0, 0, 0], sizes = [1, 400, 1], strides = [1, 1, 1]} : vector<2x400x128xf32> to vector<1x400x1xf32>
    %squeeze3A = vector.shape_cast %slice3A : vector<1x400x1xf32> to vector<400x1xf32>
    %slice3A_7 = vector.extract_strided_slice %get3A_6 {offsets = [1, 0, 0], sizes = [1, 400, 1], strides = [1, 1, 1]} : vector<2x400x128xf32> to vector<1x400x1xf32>
    %squeeze3A_8 = vector.shape_cast %slice3A_7 : vector<1x400x1xf32> to vector<400x1xf32>
    %add3A = arith.addf %squeeze3A, %squeeze3A_8 : vector<400x1xf32>
    %add3A_9 = arith.constant 1.000000e+00 : f32
    %add3A_10 = vector.broadcast %add3A_9 : f32 to vector<400x1xf32>
    %add3A_11 = arith.addf %add3A, %add3A_10 : vector<400x1xf32>
    %rsqrt3A = math.rsqrt %add3A_11 : vector<400x1xf32>
    %slice3A_12 = vector.extract_strided_slice %get3A_2 {offsets = [0, 0, 0], sizes = [1, 400, 128], strides = [1, 1, 1]} : vector<2x400x128xf32> to vector<1x400x128xf32>
    %squeeze3A_13 = vector.shape_cast %slice3A_12 : vector<1x400x128xf32> to vector<400x128xf32>
    %slice3A_14 = vector.extract_strided_slice %get3A_2 {offsets = [1, 0, 0], sizes = [1, 400, 128], strides = [1, 1, 1]} : vector<2x400x128xf32> to vector<1x400x128xf32>
    %squeeze3A_15 = vector.shape_cast %slice3A_14 : vector<1x400x128xf32> to vector<400x128xf32>
    %add3A_16 = arith.addf %squeeze3A_13, %squeeze3A_15 : vector<400x128xf32>
    %get3A_17 = arith.constant 0 : index
    %get3A_18 = arith.constant 0 : index
    %get3A_19 = vector.load %arg2[%get3A_17, %get3A_18] : memref<400x128xf32, #tpu.memory_space<vmem>>, vector<400x128xf32>
    %add3A_20 = arith.addf %add3A_16, %get3A_19 : vector<400x128xf32>
    %mul3A = vector.broadcast %rsqrt3A : vector<400x1xf32> to vector<400x128xf32>
    %mul3A_21 = arith.mulf %mul3A, %add3A_20 : vector<400x128xf32>
    %get3A_22 = arith.constant 0 : index
    %get3A_23 = arith.constant 0 : index
    %get3A_24 = vector.load %arg4[%get3A_22, %get3A_23] : memref<1x128xf32, #tpu.memory_space<vmem>>, vector<1x128xf32>
    %add3A_25 = vector.broadcast %get3A_24 : vector<1x128xf32> to vector<400x128xf32>
    %add3A_26 = arith.addf %mul3A_21, %add3A_25 : vector<400x128xf32>
    %max3A = arith.constant 0.000000e+00 : f32
    %max3A_27 = vector.broadcast %max3A : f32 to vector<400x128xf32>
    %max3A_28 = arith.maximumf %add3A_26, %max3A_27 : vector<400x128xf32>
    %get3A_29 = arith.constant 0 : index
    %get3A_30 = arith.constant 0 : index
    %get3A_31 = vector.load %arg5[%get3A_29, %get3A_30] : memref<128x128xf32, #tpu.memory_space<vmem>>, vector<128x128xf32>
    %dot_general3A = arith.constant dense<0.000000e+00> : vector<400x128xf32>
    %dot_general3A_32 = tpu.matmul %max3A_28, %get3A_31, %dot_general3A {dimension_numbers = #tpu.dot_dimension_numbers<[1], [0], [0], [1], [0, 0, 1, 1], [], []>, transpose_lhs_hint = false} : vector<400x128xf32>, vector<128x128xf32>, vector<400x128xf32> -> vector<400x128xf32>
    %mul3A_33 = vector.broadcast %rsqrt3A : vector<400x1xf32> to vector<400x128xf32>
    %mul3A_34 = arith.mulf %dot_general3A_32, %mul3A_33 : vector<400x128xf32>
    %swap3A = arith.constant 0 : index
    %swap3A_35 = arith.constant 0 : index
    %swap3A_36 = vector.load %arg6[%swap3A, %swap3A_35] : memref<400x128xf32, #tpu.memory_space<vmem>>, vector<400x128xf32>
    tpu.vector_store %arg6[%swap3A, %swap3A_35], %mul3A_34 {strides = array<i32>} : memref<400x128xf32, #tpu.memory_space<vmem>>, vector<400x128xf32>,
    return
  }
  func.func @transform_0(%arg0: i32) -> (i32, i32, i32) {
    %c0_i32 = arith.constant 0 : i32
    %c0_i32_0 = arith.constant 0 : i32
    %c0_i32_1 = arith.constant 0 : i32
    return %c0_i32, %arg0, %c0_i32_0 : i32, i32, i32
  }
  func.func @transform_1(%arg0: i32) -> (i32, i32) {
    %c0_i32 = arith.constant 0 : i32
    %c0_i32_0 = arith.constant 0 : i32
    return %arg0, %c0_i32 : i32, i32
  }
  func.func @transform_2(%arg0: i32) -> (i32, i32, i32) {
    %c0_i32 = arith.constant 0 : i32
    %c0_i32_0 = arith.constant 0 : i32
    %c0_i32_1 = arith.constant 0 : i32
    return %c0_i32, %arg0, %c0_i32_0 : i32, i32, i32
  }
  func.func @transform_3(%arg0: i32) -> (i32, i32) {
    %c0_i32 = arith.constant 0 : i32
    %c0_i32_0 = arith.constant 0 : i32
    %c0_i32_1 = arith.constant 0 : i32
    return %c0_i32, %c0_i32_0 : i32, i32
  }
  func.func @transform_4(%arg0: i32) -> (i32, i32) {
    %c0_i32 = arith.constant 0 : i32
    %c0_i32_0 = arith.constant 0 : i32
    %c0_i32_1 = arith.constant 0 : i32
    return %c0_i32, %c0_i32_0 : i32, i32
  }
  func.func @transform_5(%arg0: i32) -> (i32, i32) {
    %c0_i32 = arith.constant 0 : i32
    %c0_i32_0 = arith.constant 0 : i32
    return %arg0, %c0_i32 : i32, i32
  }
}

module attributes {stable_mosaic.version = 14 : i64} {
  func.func @body(%arg0: i32, %arg1: memref<2x400x128xf32, #tpu.memory_space<vmem>>, %arg2: memref<400x128xf32, #tpu.memory_space<vmem>>, %arg3: memref<2x400x128xf32, #tpu.memory_space<vmem>>, %arg4: memref<1x128xf32, #tpu.memory_space<vmem>>, %arg5: memref<128x64xf32, #tpu.memory_space<vmem>>, %arg6: memref<1024x64xf32, #tpu.memory_space<vmem>>, %arg7: memref<64x128xf32, #tpu.memory_space<vmem>>, %arg8: memref<400x64xf32, #tpu.memory_space<vmem>>, %arg9: memref<400x128xf32, #tpu.memory_space<vmem>>, %arg10: memref<400x128xf32, #tpu.memory_space<vmem>>) attributes {dimension_semantics = [#tpu.dimension_semantics<arbitrary>], iteration_bounds = array<i64: 25>, scalar_prefetch = 0 : i64, scratch_operands = 0 : i64, tpu.core_type = #tpu.core_type<tc>, window_params = [{transform_indices = @transform_0, window_bounds = array<i64: 2, 400, 128>}, {transform_indices = @transform_1, window_bounds = array<i64: 400, 128>}, {transform_indices = @transform_2, window_bounds = array<i64: 2, 400, 128>}, {pipeline_mode = #tpu.pipeline_mode<synchronous>, transform_indices = @transform_3, window_bounds = array<i64: 1, 128>}, {pipeline_mode = #tpu.pipeline_mode<synchronous>, transform_indices = @transform_4, window_bounds = array<i64: 128, 64>}, {pipeline_mode = #tpu.pipeline_mode<synchronous>, transform_indices = @transform_5, window_bounds = array<i64: 1024, 64>}, {pipeline_mode = #tpu.pipeline_mode<synchronous>, transform_indices = @transform_6, window_bounds = array<i64: 64, 128>}, {transform_indices = @transform_7, window_bounds = array<i64: 400, 64>}, {transform_indices = @transform_8, window_bounds = array<i64: 400, 128>}, {transform_indices = @transform_9, window_bounds = array<i64: 400, 128>}]} {
    %get3A = arith.constant 0 : index
    %get3A_0 = arith.constant 0 : index
    %get3A_1 = arith.constant 0 : index
    %get3A_2 = vector.load %arg1[%get3A, %get3A_0, %get3A_1] : memref<2x400x128xf32, #tpu.memory_space<vmem>>, vector<2x400x128xf32>
    %get3A_3 = arith.constant 0 : index
    %get3A_4 = arith.constant 0 : index
    %get3A_5 = arith.constant 0 : index
    %get3A_6 = vector.load %arg3[%get3A_3, %get3A_4, %get3A_5] : memref<2x400x128xf32, #tpu.memory_space<vmem>>, vector<2x400x128xf32>
    %slice3A = vector.extract_strided_slice %get3A_6 {offsets = [0, 0, 0], sizes = [1, 400, 1], strides = [1, 1, 1]} : vector<2x400x128xf32> to vector<1x400x1xf32>
    %squeeze3A = vector.shape_cast %slice3A : vector<1x400x1xf32> to vector<400x1xf32>
    %slice3A_7 = vector.extract_strided_slice %get3A_6 {offsets = [1, 0, 0], sizes = [1, 400, 1], strides = [1, 1, 1]} : vector<2x400x128xf32> to vector<1x400x1xf32>
    %squeeze3A_8 = vector.shape_cast %slice3A_7 : vector<1x400x1xf32> to vector<400x1xf32>
    %add3A = arith.addf %squeeze3A, %squeeze3A_8 : vector<400x1xf32>
    %add3A_9 = arith.constant 1.000000e+00 : f32
    %add3A_10 = vector.broadcast %add3A_9 : f32 to vector<400x1xf32>
    %add3A_11 = arith.addf %add3A, %add3A_10 : vector<400x1xf32>
    %rsqrt3A = math.rsqrt %add3A_11 : vector<400x1xf32>
    %slice3A_12 = vector.extract_strided_slice %get3A_2 {offsets = [0, 0, 0], sizes = [1, 400, 128], strides = [1, 1, 1]} : vector<2x400x128xf32> to vector<1x400x128xf32>
    %squeeze3A_13 = vector.shape_cast %slice3A_12 : vector<1x400x128xf32> to vector<400x128xf32>
    %slice3A_14 = vector.extract_strided_slice %get3A_2 {offsets = [1, 0, 0], sizes = [1, 400, 128], strides = [1, 1, 1]} : vector<2x400x128xf32> to vector<1x400x128xf32>
    %squeeze3A_15 = vector.shape_cast %slice3A_14 : vector<1x400x128xf32> to vector<400x128xf32>
    %add3A_16 = arith.addf %squeeze3A_13, %squeeze3A_15 : vector<400x128xf32>
    %get3A_17 = arith.constant 0 : index
    %get3A_18 = arith.constant 0 : index
    %get3A_19 = vector.load %arg2[%get3A_17, %get3A_18] : memref<400x128xf32, #tpu.memory_space<vmem>>, vector<400x128xf32>
    %add3A_20 = arith.addf %add3A_16, %get3A_19 : vector<400x128xf32>
    %mul3A = vector.broadcast %rsqrt3A : vector<400x1xf32> to vector<400x128xf32>
    %mul3A_21 = arith.mulf %mul3A, %add3A_20 : vector<400x128xf32>
    %get3A_22 = arith.constant 0 : index
    %get3A_23 = arith.constant 0 : index
    %get3A_24 = vector.load %arg4[%get3A_22, %get3A_23] : memref<1x128xf32, #tpu.memory_space<vmem>>, vector<1x128xf32>
    %add3A_25 = vector.broadcast %get3A_24 : vector<1x128xf32> to vector<400x128xf32>
    %add3A_26 = arith.addf %mul3A_21, %add3A_25 : vector<400x128xf32>
    %max3A = arith.constant 0.000000e+00 : f32
    %max3A_27 = vector.broadcast %max3A : f32 to vector<400x128xf32>
    %max3A_28 = arith.maximumf %add3A_26, %max3A_27 : vector<400x128xf32>
    %get3A_29 = arith.constant 0 : index
    %get3A_30 = arith.constant 0 : index
    %get3A_31 = vector.load %arg5[%get3A_29, %get3A_30] : memref<128x64xf32, #tpu.memory_space<vmem>>, vector<128x64xf32>
    %get3A_32 = arith.constant 0 : index
    %get3A_33 = arith.constant 0 : index
    %get3A_34 = vector.load %arg6[%get3A_32, %get3A_33] : memref<1024x64xf32, #tpu.memory_space<vmem>>, vector<1024x64xf32>
    %ge3A = arith.constant -2.200000e+00 : f32
    %ge3A_35 = vector.broadcast %ge3A : f32 to vector<400x128xf32>
    %ge3A_36 = arith.cmpf oge, %max3A_28, %ge3A_35 : vector<400x128xf32>
    %lt3A = arith.constant -1.800000e+00 : f32
    %lt3A_37 = vector.broadcast %lt3A : f32 to vector<400x128xf32>
    %lt3A_38 = arith.cmpf olt, %max3A_28, %lt3A_37 : vector<400x128xf32>
    %and3A = arith.andi %ge3A_36, %lt3A_38 : vector<400x128xi1>
    %convert_element_type3A = arith.extui %and3A : vector<400x128xi1> to vector<400x128xi32>
    %convert_element_type3A_39 = arith.sitofp %convert_element_type3A : vector<400x128xi32> to vector<400x128xf32>
    %ge3A_40 = arith.constant -1.800000e+00 : f32
    %ge3A_41 = vector.broadcast %ge3A_40 : f32 to vector<400x128xf32>
    %ge3A_42 = arith.cmpf oge, %max3A_28, %ge3A_41 : vector<400x128xf32>
    %lt3A_43 = arith.constant -1.400000e+00 : f32
    %lt3A_44 = vector.broadcast %lt3A_43 : f32 to vector<400x128xf32>
    %lt3A_45 = arith.cmpf olt, %max3A_28, %lt3A_44 : vector<400x128xf32>
    %and3A_46 = arith.andi %ge3A_42, %lt3A_45 : vector<400x128xi1>
    %convert_element_type3A_47 = arith.extui %and3A_46 : vector<400x128xi1> to vector<400x128xi32>
    %convert_element_type3A_48 = arith.sitofp %convert_element_type3A_47 : vector<400x128xi32> to vector<400x128xf32>
    %ge3A_49 = arith.constant -1.400000e+00 : f32
    %ge3A_50 = vector.broadcast %ge3A_49 : f32 to vector<400x128xf32>
    %ge3A_51 = arith.cmpf oge, %max3A_28, %ge3A_50 : vector<400x128xf32>
    %lt3A_52 = arith.constant -1.000000e+00 : f32
    %lt3A_53 = vector.broadcast %lt3A_52 : f32 to vector<400x128xf32>
    %lt3A_54 = arith.cmpf olt, %max3A_28, %lt3A_53 : vector<400x128xf32>
    %and3A_55 = arith.andi %ge3A_51, %lt3A_54 : vector<400x128xi1>
    %convert_element_type3A_56 = arith.extui %and3A_55 : vector<400x128xi1> to vector<400x128xi32>
    %convert_element_type3A_57 = arith.sitofp %convert_element_type3A_56 : vector<400x128xi32> to vector<400x128xf32>
    %ge3A_58 = arith.constant -1.000000e+00 : f32
    %ge3A_59 = vector.broadcast %ge3A_58 : f32 to vector<400x128xf32>
    %ge3A_60 = arith.cmpf oge, %max3A_28, %ge3A_59 : vector<400x128xf32>
    %lt3A_61 = arith.constant -6.000000e-01 : f32
    %lt3A_62 = vector.broadcast %lt3A_61 : f32 to vector<400x128xf32>
    %lt3A_63 = arith.cmpf olt, %max3A_28, %lt3A_62 : vector<400x128xf32>
    %and3A_64 = arith.andi %ge3A_60, %lt3A_63 : vector<400x128xi1>
    %convert_element_type3A_65 = arith.extui %and3A_64 : vector<400x128xi1> to vector<400x128xi32>
    %convert_element_type3A_66 = arith.sitofp %convert_element_type3A_65 : vector<400x128xi32> to vector<400x128xf32>
    %ge3A_67 = arith.constant -6.000000e-01 : f32
    %ge3A_68 = vector.broadcast %ge3A_67 : f32 to vector<400x128xf32>
    %ge3A_69 = arith.cmpf oge, %max3A_28, %ge3A_68 : vector<400x128xf32>
    %lt3A_70 = arith.constant -0.199999988 : f32
    %lt3A_71 = vector.broadcast %lt3A_70 : f32 to vector<400x128xf32>
    %lt3A_72 = arith.cmpf olt, %max3A_28, %lt3A_71 : vector<400x128xf32>
    %and3A_73 = arith.andi %ge3A_69, %lt3A_72 : vector<400x128xi1>
    %convert_element_type3A_74 = arith.extui %and3A_73 : vector<400x128xi1> to vector<400x128xi32>
    %convert_element_type3A_75 = arith.sitofp %convert_element_type3A_74 : vector<400x128xi32> to vector<400x128xf32>
    %ge3A_76 = arith.constant -0.199999988 : f32
    %ge3A_77 = vector.broadcast %ge3A_76 : f32 to vector<400x128xf32>
    %ge3A_78 = arith.cmpf oge, %max3A_28, %ge3A_77 : vector<400x128xf32>
    %lt3A_79 = arith.constant 0.200000048 : f32
    %lt3A_80 = vector.broadcast %lt3A_79 : f32 to vector<400x128xf32>
    %lt3A_81 = arith.cmpf olt, %max3A_28, %lt3A_80 : vector<400x128xf32>
    %and3A_82 = arith.andi %ge3A_78, %lt3A_81 : vector<400x128xi1>
    %convert_element_type3A_83 = arith.extui %and3A_82 : vector<400x128xi1> to vector<400x128xi32>
    %convert_element_type3A_84 = arith.sitofp %convert_element_type3A_83 : vector<400x128xi32> to vector<400x128xf32>
    %ge3A_85 = arith.constant 0.200000048 : f32
    %ge3A_86 = vector.broadcast %ge3A_85 : f32 to vector<400x128xf32>
    %ge3A_87 = arith.cmpf oge, %max3A_28, %ge3A_86 : vector<400x128xf32>
    %lt3A_88 = arith.constant 6.000000e-01 : f32
    %lt3A_89 = vector.broadcast %lt3A_88 : f32 to vector<400x128xf32>
    %lt3A_90 = arith.cmpf olt, %max3A_28, %lt3A_89 : vector<400x128xf32>
    %and3A_91 = arith.andi %ge3A_87, %lt3A_90 : vector<400x128xi1>
    %convert_element_type3A_92 = arith.extui %and3A_91 : vector<400x128xi1> to vector<400x128xi32>
    %convert_element_type3A_93 = arith.sitofp %convert_element_type3A_92 : vector<400x128xi32> to vector<400x128xf32>
    %ge3A_94 = arith.constant 6.000000e-01 : f32
    %ge3A_95 = vector.broadcast %ge3A_94 : f32 to vector<400x128xf32>
    %ge3A_96 = arith.cmpf oge, %max3A_28, %ge3A_95 : vector<400x128xf32>
    %lt3A_97 = arith.constant 1.000000e+00 : f32
    %lt3A_98 = vector.broadcast %lt3A_97 : f32 to vector<400x128xf32>
    %lt3A_99 = arith.cmpf olt, %max3A_28, %lt3A_98 : vector<400x128xf32>
    %and3A_100 = arith.andi %ge3A_96, %lt3A_99 : vector<400x128xi1>
    %convert_element_type3A_101 = arith.extui %and3A_100 : vector<400x128xi1> to vector<400x128xi32>
    %convert_element_type3A_102 = arith.sitofp %convert_element_type3A_101 : vector<400x128xi32> to vector<400x128xf32>
    %ge3A_103 = arith.constant 1.000000e+00 : f32
    %ge3A_104 = vector.broadcast %ge3A_103 : f32 to vector<400x128xf32>
    %ge3A_105 = arith.cmpf oge, %max3A_28, %ge3A_104 : vector<400x128xf32>
    %lt3A_106 = arith.constant 1.4000001 : f32
    %lt3A_107 = vector.broadcast %lt3A_106 : f32 to vector<400x128xf32>
    %lt3A_108 = arith.cmpf olt, %max3A_28, %lt3A_107 : vector<400x128xf32>
    %and3A_109 = arith.andi %ge3A_105, %lt3A_108 : vector<400x128xi1>
    %convert_element_type3A_110 = arith.extui %and3A_109 : vector<400x128xi1> to vector<400x128xi32>
    %convert_element_type3A_111 = arith.sitofp %convert_element_type3A_110 : vector<400x128xi32> to vector<400x128xf32>
    %ge3A_112 = arith.constant 1.4000001 : f32
    %ge3A_113 = vector.broadcast %ge3A_112 : f32 to vector<400x128xf32>
    %ge3A_114 = arith.cmpf oge, %max3A_28, %ge3A_113 : vector<400x128xf32>
    %lt3A_115 = arith.constant 1.800000e+00 : f32
    %lt3A_116 = vector.broadcast %lt3A_115 : f32 to vector<400x128xf32>
    %lt3A_117 = arith.cmpf olt, %max3A_28, %lt3A_116 : vector<400x128xf32>
    %and3A_118 = arith.andi %ge3A_114, %lt3A_117 : vector<400x128xi1>
    %convert_element_type3A_119 = arith.extui %and3A_118 : vector<400x128xi1> to vector<400x128xi32>
    %convert_element_type3A_120 = arith.sitofp %convert_element_type3A_119 : vector<400x128xi32> to vector<400x128xf32>
    %ge3A_121 = arith.constant 1.800000e+00 : f32
    %ge3A_122 = vector.broadcast %ge3A_121 : f32 to vector<400x128xf32>
    %ge3A_123 = arith.cmpf oge, %max3A_28, %ge3A_122 : vector<400x128xf32>
    %lt3A_124 = arith.constant 2.200000e+00 : f32
    %lt3A_125 = vector.broadcast %lt3A_124 : f32 to vector<400x128xf32>
    %lt3A_126 = arith.cmpf olt, %max3A_28, %lt3A_125 : vector<400x128xf32>
    %and3A_127 = arith.andi %ge3A_123, %lt3A_126 : vector<400x128xi1>
    %convert_element_type3A_128 = arith.extui %and3A_127 : vector<400x128xi1> to vector<400x128xi32>
    %convert_element_type3A_129 = arith.sitofp %convert_element_type3A_128 : vector<400x128xi32> to vector<400x128xf32>
    %sub3A = arith.constant -2.200000e+00 : f32
    %sub3A_130 = vector.broadcast %sub3A : f32 to vector<400x128xf32>
    %sub3A_131 = arith.subf %max3A_28, %sub3A_130 : vector<400x128xf32>
    %div3A = arith.constant 0.400000095 : f32
    %div3A_132 = vector.broadcast %div3A : f32 to vector<400x128xf32>
    %div3A_133 = arith.divf %sub3A_131, %div3A_132 : vector<400x128xf32>
    %mul3A_134 = arith.mulf %div3A_133, %convert_element_type3A_39 : vector<400x128xf32>
    %sub3A_135 = arith.constant -1.400000e+00 : f32
    %sub3A_136 = vector.broadcast %sub3A_135 : f32 to vector<400x128xf32>
    %sub3A_137 = arith.subf %sub3A_136, %max3A_28 : vector<400x128xf32>
    %div3A_138 = arith.constant 0.399999976 : f32
    %div3A_139 = vector.broadcast %div3A_138 : f32 to vector<400x128xf32>
    %div3A_140 = arith.divf %sub3A_137, %div3A_139 : vector<400x128xf32>
    %mul3A_141 = arith.mulf %div3A_140, %convert_element_type3A_48 : vector<400x128xf32>
    %add3A_142 = arith.addf %mul3A_134, %mul3A_141 : vector<400x128xf32>
    %sub3A_143 = arith.constant -1.800000e+00 : f32
    %sub3A_144 = vector.broadcast %sub3A_143 : f32 to vector<400x128xf32>
    %sub3A_145 = arith.subf %max3A_28, %sub3A_144 : vector<400x128xf32>
    %div3A_146 = arith.constant 0.399999976 : f32
    %div3A_147 = vector.broadcast %div3A_146 : f32 to vector<400x128xf32>
    %div3A_148 = arith.divf %sub3A_145, %div3A_147 : vector<400x128xf32>
    %mul3A_149 = arith.mulf %div3A_148, %convert_element_type3A_48 : vector<400x128xf32>
    %sub3A_150 = arith.constant -1.000000e+00 : f32
    %sub3A_151 = vector.broadcast %sub3A_150 : f32 to vector<400x128xf32>
    %sub3A_152 = arith.subf %sub3A_151, %max3A_28 : vector<400x128xf32>
    %div3A_153 = arith.constant 0.399999976 : f32
    %div3A_154 = vector.broadcast %div3A_153 : f32 to vector<400x128xf32>
    %div3A_155 = arith.divf %sub3A_152, %div3A_154 : vector<400x128xf32>
    %mul3A_156 = arith.mulf %div3A_155, %convert_element_type3A_57 : vector<400x128xf32>
    %add3A_157 = arith.addf %mul3A_149, %mul3A_156 : vector<400x128xf32>
    %sub3A_158 = arith.constant -1.400000e+00 : f32
    %sub3A_159 = vector.broadcast %sub3A_158 : f32 to vector<400x128xf32>
    %sub3A_160 = arith.subf %max3A_28, %sub3A_159 : vector<400x128xf32>
    %div3A_161 = arith.constant 0.399999976 : f32
    %div3A_162 = vector.broadcast %div3A_161 : f32 to vector<400x128xf32>
    %div3A_163 = arith.divf %sub3A_160, %div3A_162 : vector<400x128xf32>
    %mul3A_164 = arith.mulf %div3A_163, %convert_element_type3A_57 : vector<400x128xf32>
    %sub3A_165 = arith.constant -6.000000e-01 : f32
    %sub3A_166 = vector.broadcast %sub3A_165 : f32 to vector<400x128xf32>
    %sub3A_167 = arith.subf %sub3A_166, %max3A_28 : vector<400x128xf32>
    %div3A_168 = arith.constant 0.399999976 : f32
    %div3A_169 = vector.broadcast %div3A_168 : f32 to vector<400x128xf32>
    %div3A_170 = arith.divf %sub3A_167, %div3A_169 : vector<400x128xf32>
    %mul3A_171 = arith.mulf %div3A_170, %convert_element_type3A_66 : vector<400x128xf32>
    %add3A_172 = arith.addf %mul3A_164, %mul3A_171 : vector<400x128xf32>
    %sub3A_173 = arith.constant -1.000000e+00 : f32
    %sub3A_174 = vector.broadcast %sub3A_173 : f32 to vector<400x128xf32>
    %sub3A_175 = arith.subf %max3A_28, %sub3A_174 : vector<400x128xf32>
    %div3A_176 = arith.constant 0.399999976 : f32
    %div3A_177 = vector.broadcast %div3A_176 : f32 to vector<400x128xf32>
    %div3A_178 = arith.divf %sub3A_175, %div3A_177 : vector<400x128xf32>
    %mul3A_179 = arith.mulf %div3A_178, %convert_element_type3A_66 : vector<400x128xf32>
    %sub3A_180 = arith.constant -0.199999988 : f32
    %sub3A_181 = vector.broadcast %sub3A_180 : f32 to vector<400x128xf32>
    %sub3A_182 = arith.subf %sub3A_181, %max3A_28 : vector<400x128xf32>
    %div3A_183 = arith.constant 0.400000036 : f32
    %div3A_184 = vector.broadcast %div3A_183 : f32 to vector<400x128xf32>
    %div3A_185 = arith.divf %sub3A_182, %div3A_184 : vector<400x128xf32>
    %mul3A_186 = arith.mulf %div3A_185, %convert_element_type3A_75 : vector<400x128xf32>
    %add3A_187 = arith.addf %mul3A_179, %mul3A_186 : vector<400x128xf32>
    %sub3A_188 = arith.constant -6.000000e-01 : f32
    %sub3A_189 = vector.broadcast %sub3A_188 : f32 to vector<400x128xf32>
    %sub3A_190 = arith.subf %max3A_28, %sub3A_189 : vector<400x128xf32>
    %div3A_191 = arith.constant 0.400000036 : f32
    %div3A_192 = vector.broadcast %div3A_191 : f32 to vector<400x128xf32>
    %div3A_193 = arith.divf %sub3A_190, %div3A_192 : vector<400x128xf32>
    %mul3A_194 = arith.mulf %div3A_193, %convert_element_type3A_75 : vector<400x128xf32>
    %sub3A_195 = arith.constant 0.200000048 : f32
    %sub3A_196 = vector.broadcast %sub3A_195 : f32 to vector<400x128xf32>
    %sub3A_197 = arith.subf %sub3A_196, %max3A_28 : vector<400x128xf32>
    %div3A_198 = arith.constant 0.400000036 : f32
    %div3A_199 = vector.broadcast %div3A_198 : f32 to vector<400x128xf32>
    %div3A_200 = arith.divf %sub3A_197, %div3A_199 : vector<400x128xf32>
    %mul3A_201 = arith.mulf %div3A_200, %convert_element_type3A_84 : vector<400x128xf32>
    %add3A_202 = arith.addf %mul3A_194, %mul3A_201 : vector<400x128xf32>
    %sub3A_203 = arith.constant -0.199999988 : f32
    %sub3A_204 = vector.broadcast %sub3A_203 : f32 to vector<400x128xf32>
    %sub3A_205 = arith.subf %max3A_28, %sub3A_204 : vector<400x128xf32>
    %div3A_206 = arith.constant 0.400000036 : f32
    %div3A_207 = vector.broadcast %div3A_206 : f32 to vector<400x128xf32>
    %div3A_208 = arith.divf %sub3A_205, %div3A_207 : vector<400x128xf32>
    %mul3A_209 = arith.mulf %div3A_208, %convert_element_type3A_84 : vector<400x128xf32>
    %sub3A_210 = arith.constant 6.000000e-01 : f32
    %sub3A_211 = vector.broadcast %sub3A_210 : f32 to vector<400x128xf32>
    %sub3A_212 = arith.subf %sub3A_211, %max3A_28 : vector<400x128xf32>
    %div3A_213 = arith.constant 0.399999976 : f32
    %div3A_214 = vector.broadcast %div3A_213 : f32 to vector<400x128xf32>
    %div3A_215 = arith.divf %sub3A_212, %div3A_214 : vector<400x128xf32>
    %mul3A_216 = arith.mulf %div3A_215, %convert_element_type3A_93 : vector<400x128xf32>
    %add3A_217 = arith.addf %mul3A_209, %mul3A_216 : vector<400x128xf32>
    %sub3A_218 = arith.constant 0.200000048 : f32
    %sub3A_219 = vector.broadcast %sub3A_218 : f32 to vector<400x128xf32>
    %sub3A_220 = arith.subf %max3A_28, %sub3A_219 : vector<400x128xf32>
    %div3A_221 = arith.constant 0.399999976 : f32
    %div3A_222 = vector.broadcast %div3A_221 : f32 to vector<400x128xf32>
    %div3A_223 = arith.divf %sub3A_220, %div3A_222 : vector<400x128xf32>
    %mul3A_224 = arith.mulf %div3A_223, %convert_element_type3A_93 : vector<400x128xf32>
    %sub3A_225 = arith.constant 1.000000e+00 : f32
    %sub3A_226 = vector.broadcast %sub3A_225 : f32 to vector<400x128xf32>
    %sub3A_227 = arith.subf %sub3A_226, %max3A_28 : vector<400x128xf32>
    %div3A_228 = arith.constant 0.399999976 : f32
    %div3A_229 = vector.broadcast %div3A_228 : f32 to vector<400x128xf32>
    %div3A_230 = arith.divf %sub3A_227, %div3A_229 : vector<400x128xf32>
    %mul3A_231 = arith.mulf %div3A_230, %convert_element_type3A_102 : vector<400x128xf32>
    %add3A_232 = arith.addf %mul3A_224, %mul3A_231 : vector<400x128xf32>
    %sub3A_233 = arith.constant 6.000000e-01 : f32
    %sub3A_234 = vector.broadcast %sub3A_233 : f32 to vector<400x128xf32>
    %sub3A_235 = arith.subf %max3A_28, %sub3A_234 : vector<400x128xf32>
    %div3A_236 = arith.constant 0.399999976 : f32
    %div3A_237 = vector.broadcast %div3A_236 : f32 to vector<400x128xf32>
    %div3A_238 = arith.divf %sub3A_235, %div3A_237 : vector<400x128xf32>
    %mul3A_239 = arith.mulf %div3A_238, %convert_element_type3A_102 : vector<400x128xf32>
    %sub3A_240 = arith.constant 1.4000001 : f32
    %sub3A_241 = vector.broadcast %sub3A_240 : f32 to vector<400x128xf32>
    %sub3A_242 = arith.subf %sub3A_241, %max3A_28 : vector<400x128xf32>
    %div3A_243 = arith.constant 0.400000095 : f32
    %div3A_244 = vector.broadcast %div3A_243 : f32 to vector<400x128xf32>
    %div3A_245 = arith.divf %sub3A_242, %div3A_244 : vector<400x128xf32>
    %mul3A_246 = arith.mulf %div3A_245, %convert_element_type3A_111 : vector<400x128xf32>
    %add3A_247 = arith.addf %mul3A_239, %mul3A_246 : vector<400x128xf32>
    %sub3A_248 = arith.constant 1.000000e+00 : f32
    %sub3A_249 = vector.broadcast %sub3A_248 : f32 to vector<400x128xf32>
    %sub3A_250 = arith.subf %max3A_28, %sub3A_249 : vector<400x128xf32>
    %div3A_251 = arith.constant 0.400000095 : f32
    %div3A_252 = vector.broadcast %div3A_251 : f32 to vector<400x128xf32>
    %div3A_253 = arith.divf %sub3A_250, %div3A_252 : vector<400x128xf32>
    %mul3A_254 = arith.mulf %div3A_253, %convert_element_type3A_111 : vector<400x128xf32>
    %sub3A_255 = arith.constant 1.800000e+00 : f32
    %sub3A_256 = vector.broadcast %sub3A_255 : f32 to vector<400x128xf32>
    %sub3A_257 = arith.subf %sub3A_256, %max3A_28 : vector<400x128xf32>
    %div3A_258 = arith.constant 0.399999857 : f32
    %div3A_259 = vector.broadcast %div3A_258 : f32 to vector<400x128xf32>
    %div3A_260 = arith.divf %sub3A_257, %div3A_259 : vector<400x128xf32>
    %mul3A_261 = arith.mulf %div3A_260, %convert_element_type3A_120 : vector<400x128xf32>
    %add3A_262 = arith.addf %mul3A_254, %mul3A_261 : vector<400x128xf32>
    %sub3A_263 = arith.constant 1.4000001 : f32
    %sub3A_264 = vector.broadcast %sub3A_263 : f32 to vector<400x128xf32>
    %sub3A_265 = arith.subf %max3A_28, %sub3A_264 : vector<400x128xf32>
    %div3A_266 = arith.constant 0.399999857 : f32
    %div3A_267 = vector.broadcast %div3A_266 : f32 to vector<400x128xf32>
    %div3A_268 = arith.divf %sub3A_265, %div3A_267 : vector<400x128xf32>
    %mul3A_269 = arith.mulf %div3A_268, %convert_element_type3A_120 : vector<400x128xf32>
    %sub3A_270 = arith.constant 2.200000e+00 : f32
    %sub3A_271 = vector.broadcast %sub3A_270 : f32 to vector<400x128xf32>
    %sub3A_272 = arith.subf %sub3A_271, %max3A_28 : vector<400x128xf32>
    %div3A_273 = arith.constant 0.400000095 : f32
    %div3A_274 = vector.broadcast %div3A_273 : f32 to vector<400x128xf32>
    %div3A_275 = arith.divf %sub3A_272, %div3A_274 : vector<400x128xf32>
    %mul3A_276 = arith.mulf %div3A_275, %convert_element_type3A_129 : vector<400x128xf32>
    %add3A_277 = arith.addf %mul3A_269, %mul3A_276 : vector<400x128xf32>
    %sub3A_278 = arith.constant -2.200000e+00 : f32
    %sub3A_279 = vector.broadcast %sub3A_278 : f32 to vector<400x128xf32>
    %sub3A_280 = arith.subf %max3A_28, %sub3A_279 : vector<400x128xf32>
    %div3A_281 = arith.constant 0.800000071 : f32
    %div3A_282 = vector.broadcast %div3A_281 : f32 to vector<400x128xf32>
    %div3A_283 = arith.divf %sub3A_280, %div3A_282 : vector<400x128xf32>
    %mul3A_284 = arith.mulf %div3A_283, %add3A_142 : vector<400x128xf32>
    %sub3A_285 = arith.constant -1.000000e+00 : f32
    %sub3A_286 = vector.broadcast %sub3A_285 : f32 to vector<400x128xf32>
    %sub3A_287 = arith.subf %sub3A_286, %max3A_28 : vector<400x128xf32>
    %div3A_288 = arith.constant 0.799999952 : f32
    %div3A_289 = vector.broadcast %div3A_288 : f32 to vector<400x128xf32>
    %div3A_290 = arith.divf %sub3A_287, %div3A_289 : vector<400x128xf32>
    %mul3A_291 = arith.mulf %div3A_290, %add3A_157 : vector<400x128xf32>
    %add3A_292 = arith.addf %mul3A_284, %mul3A_291 : vector<400x128xf32>
    %sub3A_293 = arith.constant -1.800000e+00 : f32
    %sub3A_294 = vector.broadcast %sub3A_293 : f32 to vector<400x128xf32>
    %sub3A_295 = arith.subf %max3A_28, %sub3A_294 : vector<400x128xf32>
    %div3A_296 = arith.constant 0.799999952 : f32
    %div3A_297 = vector.broadcast %div3A_296 : f32 to vector<400x128xf32>
    %div3A_298 = arith.divf %sub3A_295, %div3A_297 : vector<400x128xf32>
    %mul3A_299 = arith.mulf %div3A_298, %add3A_157 : vector<400x128xf32>
    %sub3A_300 = arith.constant -6.000000e-01 : f32
    %sub3A_301 = vector.broadcast %sub3A_300 : f32 to vector<400x128xf32>
    %sub3A_302 = arith.subf %sub3A_301, %max3A_28 : vector<400x128xf32>
    %div3A_303 = arith.constant 0.799999952 : f32
    %div3A_304 = vector.broadcast %div3A_303 : f32 to vector<400x128xf32>
    %div3A_305 = arith.divf %sub3A_302, %div3A_304 : vector<400x128xf32>
    %mul3A_306 = arith.mulf %div3A_305, %add3A_172 : vector<400x128xf32>
    %add3A_307 = arith.addf %mul3A_299, %mul3A_306 : vector<400x128xf32>
    %sub3A_308 = arith.constant -1.400000e+00 : f32
    %sub3A_309 = vector.broadcast %sub3A_308 : f32 to vector<400x128xf32>
    %sub3A_310 = arith.subf %max3A_28, %sub3A_309 : vector<400x128xf32>
    %div3A_311 = arith.constant 0.799999952 : f32
    %div3A_312 = vector.broadcast %div3A_311 : f32 to vector<400x128xf32>
    %div3A_313 = arith.divf %sub3A_310, %div3A_312 : vector<400x128xf32>
    %mul3A_314 = arith.mulf %div3A_313, %add3A_172 : vector<400x128xf32>
    %sub3A_315 = arith.constant -0.199999988 : f32
    %sub3A_316 = vector.broadcast %sub3A_315 : f32 to vector<400x128xf32>
    %sub3A_317 = arith.subf %sub3A_316, %max3A_28 : vector<400x128xf32>
    %div3A_318 = arith.constant 8.000000e-01 : f32
    %div3A_319 = vector.broadcast %div3A_318 : f32 to vector<400x128xf32>
    %div3A_320 = arith.divf %sub3A_317, %div3A_319 : vector<400x128xf32>
    %mul3A_321 = arith.mulf %div3A_320, %add3A_187 : vector<400x128xf32>
    %add3A_322 = arith.addf %mul3A_314, %mul3A_321 : vector<400x128xf32>
    %sub3A_323 = arith.constant -1.000000e+00 : f32
    %sub3A_324 = vector.broadcast %sub3A_323 : f32 to vector<400x128xf32>
    %sub3A_325 = arith.subf %max3A_28, %sub3A_324 : vector<400x128xf32>
    %div3A_326 = arith.constant 8.000000e-01 : f32
    %div3A_327 = vector.broadcast %div3A_326 : f32 to vector<400x128xf32>
    %div3A_328 = arith.divf %sub3A_325, %div3A_327 : vector<400x128xf32>
    %mul3A_329 = arith.mulf %div3A_328, %add3A_187 : vector<400x128xf32>
    %sub3A_330 = arith.constant 0.200000048 : f32
    %sub3A_331 = vector.broadcast %sub3A_330 : f32 to vector<400x128xf32>
    %sub3A_332 = arith.subf %sub3A_331, %max3A_28 : vector<400x128xf32>
    %div3A_333 = arith.constant 0.800000071 : f32
    %div3A_334 = vector.broadcast %div3A_333 : f32 to vector<400x128xf32>
    %div3A_335 = arith.divf %sub3A_332, %div3A_334 : vector<400x128xf32>
    %mul3A_336 = arith.mulf %div3A_335, %add3A_202 : vector<400x128xf32>
    %add3A_337 = arith.addf %mul3A_329, %mul3A_336 : vector<400x128xf32>
    %sub3A_338 = arith.constant -6.000000e-01 : f32
    %sub3A_339 = vector.broadcast %sub3A_338 : f32 to vector<400x128xf32>
    %sub3A_340 = arith.subf %max3A_28, %sub3A_339 : vector<400x128xf32>
    %div3A_341 = arith.constant 0.800000071 : f32
    %div3A_342 = vector.broadcast %div3A_341 : f32 to vector<400x128xf32>
    %div3A_343 = arith.divf %sub3A_340, %div3A_342 : vector<400x128xf32>
    %mul3A_344 = arith.mulf %div3A_343, %add3A_202 : vector<400x128xf32>
    %sub3A_345 = arith.constant 6.000000e-01 : f32
    %sub3A_346 = vector.broadcast %sub3A_345 : f32 to vector<400x128xf32>
    %sub3A_347 = arith.subf %sub3A_346, %max3A_28 : vector<400x128xf32>
    %div3A_348 = arith.constant 8.000000e-01 : f32
    %div3A_349 = vector.broadcast %div3A_348 : f32 to vector<400x128xf32>
    %div3A_350 = arith.divf %sub3A_347, %div3A_349 : vector<400x128xf32>
    %mul3A_351 = arith.mulf %div3A_350, %add3A_217 : vector<400x128xf32>
    %add3A_352 = arith.addf %mul3A_344, %mul3A_351 : vector<400x128xf32>
    %sub3A_353 = arith.constant -0.199999988 : f32
    %sub3A_354 = vector.broadcast %sub3A_353 : f32 to vector<400x128xf32>
    %sub3A_355 = arith.subf %max3A_28, %sub3A_354 : vector<400x128xf32>
    %div3A_356 = arith.constant 8.000000e-01 : f32
    %div3A_357 = vector.broadcast %div3A_356 : f32 to vector<400x128xf32>
    %div3A_358 = arith.divf %sub3A_355, %div3A_357 : vector<400x128xf32>
    %mul3A_359 = arith.mulf %div3A_358, %add3A_217 : vector<400x128xf32>
    %sub3A_360 = arith.constant 1.000000e+00 : f32
    %sub3A_361 = vector.broadcast %sub3A_360 : f32 to vector<400x128xf32>
    %sub3A_362 = arith.subf %sub3A_361, %max3A_28 : vector<400x128xf32>
    %div3A_363 = arith.constant 0.799999952 : f32
    %div3A_364 = vector.broadcast %div3A_363 : f32 to vector<400x128xf32>
    %div3A_365 = arith.divf %sub3A_362, %div3A_364 : vector<400x128xf32>
    %mul3A_366 = arith.mulf %div3A_365, %add3A_232 : vector<400x128xf32>
    %add3A_367 = arith.addf %mul3A_359, %mul3A_366 : vector<400x128xf32>
    %sub3A_368 = arith.constant 0.200000048 : f32
    %sub3A_369 = vector.broadcast %sub3A_368 : f32 to vector<400x128xf32>
    %sub3A_370 = arith.subf %max3A_28, %sub3A_369 : vector<400x128xf32>
    %div3A_371 = arith.constant 0.799999952 : f32
    %div3A_372 = vector.broadcast %div3A_371 : f32 to vector<400x128xf32>
    %div3A_373 = arith.divf %sub3A_370, %div3A_372 : vector<400x128xf32>
    %mul3A_374 = arith.mulf %div3A_373, %add3A_232 : vector<400x128xf32>
    %sub3A_375 = arith.constant 1.4000001 : f32
    %sub3A_376 = vector.broadcast %sub3A_375 : f32 to vector<400x128xf32>
    %sub3A_377 = arith.subf %sub3A_376, %max3A_28 : vector<400x128xf32>
    %div3A_378 = arith.constant 0.800000071 : f32
    %div3A_379 = vector.broadcast %div3A_378 : f32 to vector<400x128xf32>
    %div3A_380 = arith.divf %sub3A_377, %div3A_379 : vector<400x128xf32>
    %mul3A_381 = arith.mulf %div3A_380, %add3A_247 : vector<400x128xf32>
    %add3A_382 = arith.addf %mul3A_374, %mul3A_381 : vector<400x128xf32>
    %sub3A_383 = arith.constant 6.000000e-01 : f32
    %sub3A_384 = vector.broadcast %sub3A_383 : f32 to vector<400x128xf32>
    %sub3A_385 = arith.subf %max3A_28, %sub3A_384 : vector<400x128xf32>
    %div3A_386 = arith.constant 0.800000071 : f32
    %div3A_387 = vector.broadcast %div3A_386 : f32 to vector<400x128xf32>
    %div3A_388 = arith.divf %sub3A_385, %div3A_387 : vector<400x128xf32>
    %mul3A_389 = arith.mulf %div3A_388, %add3A_247 : vector<400x128xf32>
    %sub3A_390 = arith.constant 1.800000e+00 : f32
    %sub3A_391 = vector.broadcast %sub3A_390 : f32 to vector<400x128xf32>
    %sub3A_392 = arith.subf %sub3A_391, %max3A_28 : vector<400x128xf32>
    %div3A_393 = arith.constant 0.799999952 : f32
    %div3A_394 = vector.broadcast %div3A_393 : f32 to vector<400x128xf32>
    %div3A_395 = arith.divf %sub3A_392, %div3A_394 : vector<400x128xf32>
    %mul3A_396 = arith.mulf %div3A_395, %add3A_262 : vector<400x128xf32>
    %add3A_397 = arith.addf %mul3A_389, %mul3A_396 : vector<400x128xf32>
    %sub3A_398 = arith.constant 1.000000e+00 : f32
    %sub3A_399 = vector.broadcast %sub3A_398 : f32 to vector<400x128xf32>
    %sub3A_400 = arith.subf %max3A_28, %sub3A_399 : vector<400x128xf32>
    %div3A_401 = arith.constant 0.799999952 : f32
    %div3A_402 = vector.broadcast %div3A_401 : f32 to vector<400x128xf32>
    %div3A_403 = arith.divf %sub3A_400, %div3A_402 : vector<400x128xf32>
    %mul3A_404 = arith.mulf %div3A_403, %add3A_262 : vector<400x128xf32>
    %sub3A_405 = arith.constant 2.200000e+00 : f32
    %sub3A_406 = vector.broadcast %sub3A_405 : f32 to vector<400x128xf32>
    %sub3A_407 = arith.subf %sub3A_406, %max3A_28 : vector<400x128xf32>
    %div3A_408 = arith.constant 0.799999952 : f32
    %div3A_409 = vector.broadcast %div3A_408 : f32 to vector<400x128xf32>
    %div3A_410 = arith.divf %sub3A_407, %div3A_409 : vector<400x128xf32>
    %mul3A_411 = arith.mulf %div3A_410, %add3A_277 : vector<400x128xf32>
    %add3A_412 = arith.addf %mul3A_404, %mul3A_411 : vector<400x128xf32>
    %sub3A_413 = arith.constant -2.200000e+00 : f32
    %sub3A_414 = vector.broadcast %sub3A_413 : f32 to vector<400x128xf32>
    %sub3A_415 = arith.subf %max3A_28, %sub3A_414 : vector<400x128xf32>
    %div3A_416 = arith.constant 1.200000e+00 : f32
    %div3A_417 = vector.broadcast %div3A_416 : f32 to vector<400x128xf32>
    %div3A_418 = arith.divf %sub3A_415, %div3A_417 : vector<400x128xf32>
    %mul3A_419 = arith.mulf %div3A_418, %add3A_292 : vector<400x128xf32>
    %sub3A_420 = arith.constant -6.000000e-01 : f32
    %sub3A_421 = vector.broadcast %sub3A_420 : f32 to vector<400x128xf32>
    %sub3A_422 = arith.subf %sub3A_421, %max3A_28 : vector<400x128xf32>
    %div3A_423 = arith.constant 1.19999993 : f32
    %div3A_424 = vector.broadcast %div3A_423 : f32 to vector<400x128xf32>
    %div3A_425 = arith.divf %sub3A_422, %div3A_424 : vector<400x128xf32>
    %mul3A_426 = arith.mulf %div3A_425, %add3A_307 : vector<400x128xf32>
    %add3A_427 = arith.addf %mul3A_419, %mul3A_426 : vector<400x128xf32>
    %sub3A_428 = arith.constant -1.800000e+00 : f32
    %sub3A_429 = vector.broadcast %sub3A_428 : f32 to vector<400x128xf32>
    %sub3A_430 = arith.subf %max3A_28, %sub3A_429 : vector<400x128xf32>
    %div3A_431 = arith.constant 1.19999993 : f32
    %div3A_432 = vector.broadcast %div3A_431 : f32 to vector<400x128xf32>
    %div3A_433 = arith.divf %sub3A_430, %div3A_432 : vector<400x128xf32>
    %mul3A_434 = arith.mulf %div3A_433, %add3A_307 : vector<400x128xf32>
    %sub3A_435 = arith.constant -0.199999988 : f32
    %sub3A_436 = vector.broadcast %sub3A_435 : f32 to vector<400x128xf32>
    %sub3A_437 = arith.subf %sub3A_436, %max3A_28 : vector<400x128xf32>
    %div3A_438 = arith.constant 1.200000e+00 : f32
    %div3A_439 = vector.broadcast %div3A_438 : f32 to vector<400x128xf32>
    %div3A_440 = arith.divf %sub3A_437, %div3A_439 : vector<400x128xf32>
    %mul3A_441 = arith.mulf %div3A_440, %add3A_322 : vector<400x128xf32>
    %add3A_442 = arith.addf %mul3A_434, %mul3A_441 : vector<400x128xf32>
    %sub3A_443 = arith.constant -1.400000e+00 : f32
    %sub3A_444 = vector.broadcast %sub3A_443 : f32 to vector<400x128xf32>
    %sub3A_445 = arith.subf %max3A_28, %sub3A_444 : vector<400x128xf32>
    %div3A_446 = arith.constant 1.200000e+00 : f32
    %div3A_447 = vector.broadcast %div3A_446 : f32 to vector<400x128xf32>
    %div3A_448 = arith.divf %sub3A_445, %div3A_447 : vector<400x128xf32>
    %mul3A_449 = arith.mulf %div3A_448, %add3A_322 : vector<400x128xf32>
    %sub3A_450 = arith.constant 0.200000048 : f32
    %sub3A_451 = vector.broadcast %sub3A_450 : f32 to vector<400x128xf32>
    %sub3A_452 = arith.subf %sub3A_451, %max3A_28 : vector<400x128xf32>
    %div3A_453 = arith.constant 1.200000e+00 : f32
    %div3A_454 = vector.broadcast %div3A_453 : f32 to vector<400x128xf32>
    %div3A_455 = arith.divf %sub3A_452, %div3A_454 : vector<400x128xf32>
    %mul3A_456 = arith.mulf %div3A_455, %add3A_337 : vector<400x128xf32>
    %add3A_457 = arith.addf %mul3A_449, %mul3A_456 : vector<400x128xf32>
    %sub3A_458 = arith.constant -1.000000e+00 : f32
    %sub3A_459 = vector.broadcast %sub3A_458 : f32 to vector<400x128xf32>
    %sub3A_460 = arith.subf %max3A_28, %sub3A_459 : vector<400x128xf32>
    %div3A_461 = arith.constant 1.200000e+00 : f32
    %div3A_462 = vector.broadcast %div3A_461 : f32 to vector<400x128xf32>
    %div3A_463 = arith.divf %sub3A_460, %div3A_462 : vector<400x128xf32>
    %mul3A_464 = arith.mulf %div3A_463, %add3A_337 : vector<400x128xf32>
    %sub3A_465 = arith.constant 6.000000e-01 : f32
    %sub3A_466 = vector.broadcast %sub3A_465 : f32 to vector<400x128xf32>
    %sub3A_467 = arith.subf %sub3A_466, %max3A_28 : vector<400x128xf32>
    %div3A_468 = arith.constant 1.200000e+00 : f32
    %div3A_469 = vector.broadcast %div3A_468 : f32 to vector<400x128xf32>
    %div3A_470 = arith.divf %sub3A_467, %div3A_469 : vector<400x128xf32>
    %mul3A_471 = arith.mulf %div3A_470, %add3A_352 : vector<400x128xf32>
    %add3A_472 = arith.addf %mul3A_464, %mul3A_471 : vector<400x128xf32>
    %sub3A_473 = arith.constant -6.000000e-01 : f32
    %sub3A_474 = vector.broadcast %sub3A_473 : f32 to vector<400x128xf32>
    %sub3A_475 = arith.subf %max3A_28, %sub3A_474 : vector<400x128xf32>
    %div3A_476 = arith.constant 1.200000e+00 : f32
    %div3A_477 = vector.broadcast %div3A_476 : f32 to vector<400x128xf32>
    %div3A_478 = arith.divf %sub3A_475, %div3A_477 : vector<400x128xf32>
    %mul3A_479 = arith.mulf %div3A_478, %add3A_352 : vector<400x128xf32>
    %sub3A_480 = arith.constant 1.000000e+00 : f32
    %sub3A_481 = vector.broadcast %sub3A_480 : f32 to vector<400x128xf32>
    %sub3A_482 = arith.subf %sub3A_481, %max3A_28 : vector<400x128xf32>
    %div3A_483 = arith.constant 1.200000e+00 : f32
    %div3A_484 = vector.broadcast %div3A_483 : f32 to vector<400x128xf32>
    %div3A_485 = arith.divf %sub3A_482, %div3A_484 : vector<400x128xf32>
    %mul3A_486 = arith.mulf %div3A_485, %add3A_367 : vector<400x128xf32>
    %add3A_487 = arith.addf %mul3A_479, %mul3A_486 : vector<400x128xf32>
    %sub3A_488 = arith.constant -0.199999988 : f32
    %sub3A_489 = vector.broadcast %sub3A_488 : f32 to vector<400x128xf32>
    %sub3A_490 = arith.subf %max3A_28, %sub3A_489 : vector<400x128xf32>
    %div3A_491 = arith.constant 1.200000e+00 : f32
    %div3A_492 = vector.broadcast %div3A_491 : f32 to vector<400x128xf32>
    %div3A_493 = arith.divf %sub3A_490, %div3A_492 : vector<400x128xf32>
    %mul3A_494 = arith.mulf %div3A_493, %add3A_367 : vector<400x128xf32>
    %sub3A_495 = arith.constant 1.4000001 : f32
    %sub3A_496 = vector.broadcast %sub3A_495 : f32 to vector<400x128xf32>
    %sub3A_497 = arith.subf %sub3A_496, %max3A_28 : vector<400x128xf32>
    %div3A_498 = arith.constant 1.200000e+00 : f32
    %div3A_499 = vector.broadcast %div3A_498 : f32 to vector<400x128xf32>
    %div3A_500 = arith.divf %sub3A_497, %div3A_499 : vector<400x128xf32>
    %mul3A_501 = arith.mulf %div3A_500, %add3A_382 : vector<400x128xf32>
    %add3A_502 = arith.addf %mul3A_494, %mul3A_501 : vector<400x128xf32>
    %sub3A_503 = arith.constant 0.200000048 : f32
    %sub3A_504 = vector.broadcast %sub3A_503 : f32 to vector<400x128xf32>
    %sub3A_505 = arith.subf %max3A_28, %sub3A_504 : vector<400x128xf32>
    %div3A_506 = arith.constant 1.200000e+00 : f32
    %div3A_507 = vector.broadcast %div3A_506 : f32 to vector<400x128xf32>
    %div3A_508 = arith.divf %sub3A_505, %div3A_507 : vector<400x128xf32>
    %mul3A_509 = arith.mulf %div3A_508, %add3A_382 : vector<400x128xf32>
    %sub3A_510 = arith.constant 1.800000e+00 : f32
    %sub3A_511 = vector.broadcast %sub3A_510 : f32 to vector<400x128xf32>
    %sub3A_512 = arith.subf %sub3A_511, %max3A_28 : vector<400x128xf32>
    %div3A_513 = arith.constant 1.19999993 : f32
    %div3A_514 = vector.broadcast %div3A_513 : f32 to vector<400x128xf32>
    %div3A_515 = arith.divf %sub3A_512, %div3A_514 : vector<400x128xf32>
    %mul3A_516 = arith.mulf %div3A_515, %add3A_397 : vector<400x128xf32>
    %add3A_517 = arith.addf %mul3A_509, %mul3A_516 : vector<400x128xf32>
    %sub3A_518 = arith.constant 6.000000e-01 : f32
    %sub3A_519 = vector.broadcast %sub3A_518 : f32 to vector<400x128xf32>
    %sub3A_520 = arith.subf %max3A_28, %sub3A_519 : vector<400x128xf32>
    %div3A_521 = arith.constant 1.19999993 : f32
    %div3A_522 = vector.broadcast %div3A_521 : f32 to vector<400x128xf32>
    %div3A_523 = arith.divf %sub3A_520, %div3A_522 : vector<400x128xf32>
    %mul3A_524 = arith.mulf %div3A_523, %add3A_397 : vector<400x128xf32>
    %sub3A_525 = arith.constant 2.200000e+00 : f32
    %sub3A_526 = vector.broadcast %sub3A_525 : f32 to vector<400x128xf32>
    %sub3A_527 = arith.subf %sub3A_526, %max3A_28 : vector<400x128xf32>
    %div3A_528 = arith.constant 1.200000e+00 : f32
    %div3A_529 = vector.broadcast %div3A_528 : f32 to vector<400x128xf32>
    %div3A_530 = arith.divf %sub3A_527, %div3A_529 : vector<400x128xf32>
    %mul3A_531 = arith.mulf %div3A_530, %add3A_412 : vector<400x128xf32>
    %add3A_532 = arith.addf %mul3A_524, %mul3A_531 : vector<400x128xf32>
    %concatenate3A = tpu.concatenate %add3A_427, %add3A_442, %add3A_457, %add3A_472, %add3A_487, %add3A_502, %add3A_517, %add3A_532 in 1 : vector<400x128xf32>, vector<400x128xf32>, vector<400x128xf32>, vector<400x128xf32>, vector<400x128xf32>, vector<400x128xf32>, vector<400x128xf32>, vector<400x128xf32> -> vector<400x1024xf32>
    %logistic3A = arith.negf %max3A_28 : vector<400x128xf32>
    %logistic3A_533 = math.exp %logistic3A : vector<400x128xf32>
    %logistic3A_534 = arith.constant 1.000000e+00 : f32
    %logistic3A_535 = vector.broadcast %logistic3A_534 : f32 to vector<400x128xf32>
    %logistic3A_536 = arith.addf %logistic3A_535, %logistic3A_533 : vector<400x128xf32>
    %logistic3A_537 = arith.divf %logistic3A_535, %logistic3A_536 : vector<400x128xf32>
    %mul3A_538 = arith.mulf %max3A_28, %logistic3A_537 : vector<400x128xf32>
    %dot_general3A = arith.constant dense<0.000000e+00> : vector<400x64xf32>
    %dot_general3A_539 = tpu.matmul %mul3A_538, %get3A_31, %dot_general3A {dimension_numbers = #tpu.dot_dimension_numbers<[1], [0], [0], [1], [0, 0, 1, 1], [], []>, transpose_lhs_hint = false} : vector<400x128xf32>, vector<128x64xf32>, vector<400x64xf32> -> vector<400x64xf32>
    %dot_general3A_540 = arith.constant dense<0.000000e+00> : vector<400x64xf32>
    %dot_general3A_541 = tpu.matmul %concatenate3A, %get3A_34, %dot_general3A_540 {dimension_numbers = #tpu.dot_dimension_numbers<[1], [0], [0], [1], [0, 0, 1, 1], [], []>, transpose_lhs_hint = false} : vector<400x1024xf32>, vector<1024x64xf32>, vector<400x64xf32> -> vector<400x64xf32>
    %add3A_542 = arith.addf %dot_general3A_539, %dot_general3A_541 : vector<400x64xf32>
    %swap3A = arith.constant 0 : index
    %swap3A_543 = arith.constant 0 : index
    %swap3A_544 = vector.load %arg8[%swap3A, %swap3A_543] : memref<400x64xf32, #tpu.memory_space<vmem>>, vector<400x64xf32>
    tpu.vector_store %arg8[%swap3A, %swap3A_543], %add3A_542 {strides = array<i32>} : memref<400x64xf32, #tpu.memory_space<vmem>>, vector<400x64xf32>,
    %broadcast_in_dim3A = arith.constant 0.000000e+00 : f32
    %broadcast_in_dim3A_545 = vector.broadcast %broadcast_in_dim3A : f32 to vector<400x64xf32>
    %concatenate3A_546 = tpu.concatenate %add3A_542, %broadcast_in_dim3A_545 in 1 : vector<400x64xf32>, vector<400x64xf32> -> vector<400x128xf32>
    %swap3A_547 = arith.constant 0 : index
    %swap3A_548 = arith.constant 0 : index
    %swap3A_549 = vector.load %arg9[%swap3A_547, %swap3A_548] : memref<400x128xf32, #tpu.memory_space<vmem>>, vector<400x128xf32>
    tpu.vector_store %arg9[%swap3A_547, %swap3A_548], %concatenate3A_546 {strides = array<i32>} : memref<400x128xf32, #tpu.memory_space<vmem>>, vector<400x128xf32>,
    %get3A_550 = arith.constant 0 : index
    %get3A_551 = arith.constant 0 : index
    %get3A_552 = vector.load %arg7[%get3A_550, %get3A_551] : memref<64x128xf32, #tpu.memory_space<vmem>>, vector<64x128xf32>
    %dot_general3A_553 = arith.constant dense<0.000000e+00> : vector<400x128xf32>
    %dot_general3A_554 = tpu.matmul %add3A_542, %get3A_552, %dot_general3A_553 {dimension_numbers = #tpu.dot_dimension_numbers<[1], [0], [0], [1], [0, 0, 1, 1], [], []>, transpose_lhs_hint = false} : vector<400x64xf32>, vector<64x128xf32>, vector<400x128xf32> -> vector<400x128xf32>
    %mul3A_555 = vector.broadcast %rsqrt3A : vector<400x1xf32> to vector<400x128xf32>
    %mul3A_556 = arith.mulf %dot_general3A_554, %mul3A_555 : vector<400x128xf32>
    %swap3A_557 = arith.constant 0 : index
    %swap3A_558 = arith.constant 0 : index
    %swap3A_559 = vector.load %arg10[%swap3A_557, %swap3A_558] : memref<400x128xf32, #tpu.memory_space<vmem>>, vector<400x128xf32>
    tpu.vector_store %arg10[%swap3A_557, %swap3A_558], %mul3A_556 {strides = array<i32>} : memref<400x128xf32, #tpu.memory_space<vmem>>, vector<400x128xf32>,
    return
  }
  func.func @transform_0(%arg0: i32) -> (i32, i32, i32) {
    %c0_i32 = arith.constant 0 : i32
    %c0_i32_0 = arith.constant 0 : i32
    %c0_i32_1 = arith.constant 0 : i32
    return %c0_i32, %arg0, %c0_i32_0 : i32, i32, i32
  }
  func.func @transform_1(%arg0: i32) -> (i32, i32) {
    %c0_i32 = arith.constant 0 : i32
    %c0_i32_0 = arith.constant 0 : i32
    return %arg0, %c0_i32 : i32, i32
  }
  func.func @transform_2(%arg0: i32) -> (i32, i32, i32) {
    %c0_i32 = arith.constant 0 : i32
    %c0_i32_0 = arith.constant 0 : i32
    %c0_i32_1 = arith.constant 0 : i32
    return %c0_i32, %arg0, %c0_i32_0 : i32, i32, i32
  }
  func.func @transform_3(%arg0: i32) -> (i32, i32) {
    %c0_i32 = arith.constant 0 : i32
    %c0_i32_0 = arith.constant 0 : i32
    %c0_i32_1 = arith.constant 0 : i32
    return %c0_i32, %c0_i32_0 : i32, i32
  }
  func.func @transform_4(%arg0: i32) -> (i32, i32) {
    %c0_i32 = arith.constant 0 : i32
    %c0_i32_0 = arith.constant 0 : i32
    %c0_i32_1 = arith.constant 0 : i32
    return %c0_i32, %c0_i32_0 : i32, i32
  }
  func.func @transform_5(%arg0: i32) -> (i32, i32) {
    %c0_i32 = arith.constant 0 : i32
    %c0_i32_0 = arith.constant 0 : i32
    %c0_i32_1 = arith.constant 0 : i32
    return %c0_i32, %c0_i32_0 : i32, i32
  }
  func.func @transform_6(%arg0: i32) -> (i32, i32) {
    %c0_i32 = arith.constant 0 : i32
    %c0_i32_0 = arith.constant 0 : i32
    %c0_i32_1 = arith.constant 0 : i32
    return %c0_i32, %c0_i32_0 : i32, i32
  }
  func.func @transform_7(%arg0: i32) -> (i32, i32) {
    %c0_i32 = arith.constant 0 : i32
    %c0_i32_0 = arith.constant 0 : i32
    return %arg0, %c0_i32 : i32, i32
  }
  func.func @transform_8(%arg0: i32) -> (i32, i32) {
    %c0_i32 = arith.constant 0 : i32
    %c0_i32_0 = arith.constant 0 : i32
    return %arg0, %c0_i32 : i32, i32
  }
  func.func @transform_9(%arg0: i32) -> (i32, i32) {
    %c0_i32 = arith.constant 0 : i32
    %c0_i32_0 = arith.constant 0 : i32
    return %arg0, %c0_i32 : i32, i32
  }
}

module attributes {stable_mosaic.version = 14 : i64} {
  func.func @body(%arg0: i32, %arg1: memref<400x64xf32, #tpu.memory_space<vmem>>, %arg2: memref<64x128xf32, #tpu.memory_space<vmem>>, %arg3: memref<512x128xf32, #tpu.memory_space<vmem>>, %arg4: memref<1x128xf32, #tpu.memory_space<vmem>>, %arg5: memref<8x128xf32, #tpu.memory_space<vmem>>, %arg6: memref<400x1xf32, #tpu.memory_space<vmem>>) attributes {dimension_semantics = [#tpu.dimension_semantics<arbitrary>], iteration_bounds = array<i64: 25>, scalar_prefetch = 0 : i64, scratch_operands = 0 : i64, tpu.core_type = #tpu.core_type<tc>, window_params = [{transform_indices = @transform_0, window_bounds = array<i64: 400, 64>}, {pipeline_mode = #tpu.pipeline_mode<synchronous>, transform_indices = @transform_1, window_bounds = array<i64: 64, 128>}, {pipeline_mode = #tpu.pipeline_mode<synchronous>, transform_indices = @transform_2, window_bounds = array<i64: 512, 128>}, {pipeline_mode = #tpu.pipeline_mode<synchronous>, transform_indices = @transform_3, window_bounds = array<i64: 1, 128>}, {pipeline_mode = #tpu.pipeline_mode<synchronous>, transform_indices = @transform_4, window_bounds = array<i64: 8, 128>}, {transform_indices = @transform_5, window_bounds = array<i64: 400, 1>}]} {
    %get3A = arith.constant 0 : index
    %get3A_0 = arith.constant 0 : index
    %get3A_1 = vector.load %arg1[%get3A, %get3A_0] : memref<400x64xf32, #tpu.memory_space<vmem>>, vector<400x64xf32>
    %get3A_2 = arith.constant 0 : index
    %get3A_3 = arith.constant 0 : index
    %get3A_4 = vector.load %arg2[%get3A_2, %get3A_3] : memref<64x128xf32, #tpu.memory_space<vmem>>, vector<64x128xf32>
    %get3A_5 = arith.constant 0 : index
    %get3A_6 = arith.constant 0 : index
    %get3A_7 = vector.load %arg3[%get3A_5, %get3A_6] : memref<512x128xf32, #tpu.memory_space<vmem>>, vector<512x128xf32>
    %ge3A = arith.constant -2.200000e+00 : f32
    %ge3A_8 = vector.broadcast %ge3A : f32 to vector<400x64xf32>
    %ge3A_9 = arith.cmpf oge, %get3A_1, %ge3A_8 : vector<400x64xf32>
    %lt3A = arith.constant -1.800000e+00 : f32
    %lt3A_10 = vector.broadcast %lt3A : f32 to vector<400x64xf32>
    %lt3A_11 = arith.cmpf olt, %get3A_1, %lt3A_10 : vector<400x64xf32>
    %and3A = arith.andi %ge3A_9, %lt3A_11 : vector<400x64xi1>
    %convert_element_type3A = arith.extui %and3A : vector<400x64xi1> to vector<400x64xi32>
    %convert_element_type3A_12 = arith.sitofp %convert_element_type3A : vector<400x64xi32> to vector<400x64xf32>
    %ge3A_13 = arith.constant -1.800000e+00 : f32
    %ge3A_14 = vector.broadcast %ge3A_13 : f32 to vector<400x64xf32>
    %ge3A_15 = arith.cmpf oge, %get3A_1, %ge3A_14 : vector<400x64xf32>
    %lt3A_16 = arith.constant -1.400000e+00 : f32
    %lt3A_17 = vector.broadcast %lt3A_16 : f32 to vector<400x64xf32>
    %lt3A_18 = arith.cmpf olt, %get3A_1, %lt3A_17 : vector<400x64xf32>
    %and3A_19 = arith.andi %ge3A_15, %lt3A_18 : vector<400x64xi1>
    %convert_element_type3A_20 = arith.extui %and3A_19 : vector<400x64xi1> to vector<400x64xi32>
    %convert_element_type3A_21 = arith.sitofp %convert_element_type3A_20 : vector<400x64xi32> to vector<400x64xf32>
    %ge3A_22 = arith.constant -1.400000e+00 : f32
    %ge3A_23 = vector.broadcast %ge3A_22 : f32 to vector<400x64xf32>
    %ge3A_24 = arith.cmpf oge, %get3A_1, %ge3A_23 : vector<400x64xf32>
    %lt3A_25 = arith.constant -1.000000e+00 : f32
    %lt3A_26 = vector.broadcast %lt3A_25 : f32 to vector<400x64xf32>
    %lt3A_27 = arith.cmpf olt, %get3A_1, %lt3A_26 : vector<400x64xf32>
    %and3A_28 = arith.andi %ge3A_24, %lt3A_27 : vector<400x64xi1>
    %convert_element_type3A_29 = arith.extui %and3A_28 : vector<400x64xi1> to vector<400x64xi32>
    %convert_element_type3A_30 = arith.sitofp %convert_element_type3A_29 : vector<400x64xi32> to vector<400x64xf32>
    %ge3A_31 = arith.constant -1.000000e+00 : f32
    %ge3A_32 = vector.broadcast %ge3A_31 : f32 to vector<400x64xf32>
    %ge3A_33 = arith.cmpf oge, %get3A_1, %ge3A_32 : vector<400x64xf32>
    %lt3A_34 = arith.constant -6.000000e-01 : f32
    %lt3A_35 = vector.broadcast %lt3A_34 : f32 to vector<400x64xf32>
    %lt3A_36 = arith.cmpf olt, %get3A_1, %lt3A_35 : vector<400x64xf32>
    %and3A_37 = arith.andi %ge3A_33, %lt3A_36 : vector<400x64xi1>
    %convert_element_type3A_38 = arith.extui %and3A_37 : vector<400x64xi1> to vector<400x64xi32>
    %convert_element_type3A_39 = arith.sitofp %convert_element_type3A_38 : vector<400x64xi32> to vector<400x64xf32>
    %ge3A_40 = arith.constant -6.000000e-01 : f32
    %ge3A_41 = vector.broadcast %ge3A_40 : f32 to vector<400x64xf32>
    %ge3A_42 = arith.cmpf oge, %get3A_1, %ge3A_41 : vector<400x64xf32>
    %lt3A_43 = arith.constant -0.199999988 : f32
    %lt3A_44 = vector.broadcast %lt3A_43 : f32 to vector<400x64xf32>
    %lt3A_45 = arith.cmpf olt, %get3A_1, %lt3A_44 : vector<400x64xf32>
    %and3A_46 = arith.andi %ge3A_42, %lt3A_45 : vector<400x64xi1>
    %convert_element_type3A_47 = arith.extui %and3A_46 : vector<400x64xi1> to vector<400x64xi32>
    %convert_element_type3A_48 = arith.sitofp %convert_element_type3A_47 : vector<400x64xi32> to vector<400x64xf32>
    %ge3A_49 = arith.constant -0.199999988 : f32
    %ge3A_50 = vector.broadcast %ge3A_49 : f32 to vector<400x64xf32>
    %ge3A_51 = arith.cmpf oge, %get3A_1, %ge3A_50 : vector<400x64xf32>
    %lt3A_52 = arith.constant 0.200000048 : f32
    %lt3A_53 = vector.broadcast %lt3A_52 : f32 to vector<400x64xf32>
    %lt3A_54 = arith.cmpf olt, %get3A_1, %lt3A_53 : vector<400x64xf32>
    %and3A_55 = arith.andi %ge3A_51, %lt3A_54 : vector<400x64xi1>
    %convert_element_type3A_56 = arith.extui %and3A_55 : vector<400x64xi1> to vector<400x64xi32>
    %convert_element_type3A_57 = arith.sitofp %convert_element_type3A_56 : vector<400x64xi32> to vector<400x64xf32>
    %ge3A_58 = arith.constant 0.200000048 : f32
    %ge3A_59 = vector.broadcast %ge3A_58 : f32 to vector<400x64xf32>
    %ge3A_60 = arith.cmpf oge, %get3A_1, %ge3A_59 : vector<400x64xf32>
    %lt3A_61 = arith.constant 6.000000e-01 : f32
    %lt3A_62 = vector.broadcast %lt3A_61 : f32 to vector<400x64xf32>
    %lt3A_63 = arith.cmpf olt, %get3A_1, %lt3A_62 : vector<400x64xf32>
    %and3A_64 = arith.andi %ge3A_60, %lt3A_63 : vector<400x64xi1>
    %convert_element_type3A_65 = arith.extui %and3A_64 : vector<400x64xi1> to vector<400x64xi32>
    %convert_element_type3A_66 = arith.sitofp %convert_element_type3A_65 : vector<400x64xi32> to vector<400x64xf32>
    %ge3A_67 = arith.constant 6.000000e-01 : f32
    %ge3A_68 = vector.broadcast %ge3A_67 : f32 to vector<400x64xf32>
    %ge3A_69 = arith.cmpf oge, %get3A_1, %ge3A_68 : vector<400x64xf32>
    %lt3A_70 = arith.constant 1.000000e+00 : f32
    %lt3A_71 = vector.broadcast %lt3A_70 : f32 to vector<400x64xf32>
    %lt3A_72 = arith.cmpf olt, %get3A_1, %lt3A_71 : vector<400x64xf32>
    %and3A_73 = arith.andi %ge3A_69, %lt3A_72 : vector<400x64xi1>
    %convert_element_type3A_74 = arith.extui %and3A_73 : vector<400x64xi1> to vector<400x64xi32>
    %convert_element_type3A_75 = arith.sitofp %convert_element_type3A_74 : vector<400x64xi32> to vector<400x64xf32>
    %ge3A_76 = arith.constant 1.000000e+00 : f32
    %ge3A_77 = vector.broadcast %ge3A_76 : f32 to vector<400x64xf32>
    %ge3A_78 = arith.cmpf oge, %get3A_1, %ge3A_77 : vector<400x64xf32>
    %lt3A_79 = arith.constant 1.4000001 : f32
    %lt3A_80 = vector.broadcast %lt3A_79 : f32 to vector<400x64xf32>
    %lt3A_81 = arith.cmpf olt, %get3A_1, %lt3A_80 : vector<400x64xf32>
    %and3A_82 = arith.andi %ge3A_78, %lt3A_81 : vector<400x64xi1>
    %convert_element_type3A_83 = arith.extui %and3A_82 : vector<400x64xi1> to vector<400x64xi32>
    %convert_element_type3A_84 = arith.sitofp %convert_element_type3A_83 : vector<400x64xi32> to vector<400x64xf32>
    %ge3A_85 = arith.constant 1.4000001 : f32
    %ge3A_86 = vector.broadcast %ge3A_85 : f32 to vector<400x64xf32>
    %ge3A_87 = arith.cmpf oge, %get3A_1, %ge3A_86 : vector<400x64xf32>
    %lt3A_88 = arith.constant 1.800000e+00 : f32
    %lt3A_89 = vector.broadcast %lt3A_88 : f32 to vector<400x64xf32>
    %lt3A_90 = arith.cmpf olt, %get3A_1, %lt3A_89 : vector<400x64xf32>
    %and3A_91 = arith.andi %ge3A_87, %lt3A_90 : vector<400x64xi1>
    %convert_element_type3A_92 = arith.extui %and3A_91 : vector<400x64xi1> to vector<400x64xi32>
    %convert_element_type3A_93 = arith.sitofp %convert_element_type3A_92 : vector<400x64xi32> to vector<400x64xf32>
    %ge3A_94 = arith.constant 1.800000e+00 : f32
    %ge3A_95 = vector.broadcast %ge3A_94 : f32 to vector<400x64xf32>
    %ge3A_96 = arith.cmpf oge, %get3A_1, %ge3A_95 : vector<400x64xf32>
    %lt3A_97 = arith.constant 2.200000e+00 : f32
    %lt3A_98 = vector.broadcast %lt3A_97 : f32 to vector<400x64xf32>
    %lt3A_99 = arith.cmpf olt, %get3A_1, %lt3A_98 : vector<400x64xf32>
    %and3A_100 = arith.andi %ge3A_96, %lt3A_99 : vector<400x64xi1>
    %convert_element_type3A_101 = arith.extui %and3A_100 : vector<400x64xi1> to vector<400x64xi32>
    %convert_element_type3A_102 = arith.sitofp %convert_element_type3A_101 : vector<400x64xi32> to vector<400x64xf32>
    %sub3A = arith.constant -2.200000e+00 : f32
    %sub3A_103 = vector.broadcast %sub3A : f32 to vector<400x64xf32>
    %sub3A_104 = arith.subf %get3A_1, %sub3A_103 : vector<400x64xf32>
    %div3A = arith.constant 0.400000095 : f32
    %div3A_105 = vector.broadcast %div3A : f32 to vector<400x64xf32>
    %div3A_106 = arith.divf %sub3A_104, %div3A_105 : vector<400x64xf32>
    %mul3A = arith.mulf %div3A_106, %convert_element_type3A_12 : vector<400x64xf32>
    %sub3A_107 = arith.constant -1.400000e+00 : f32
    %sub3A_108 = vector.broadcast %sub3A_107 : f32 to vector<400x64xf32>
    %sub3A_109 = arith.subf %sub3A_108, %get3A_1 : vector<400x64xf32>
    %div3A_110 = arith.constant 0.399999976 : f32
    %div3A_111 = vector.broadcast %div3A_110 : f32 to vector<400x64xf32>
    %div3A_112 = arith.divf %sub3A_109, %div3A_111 : vector<400x64xf32>
    %mul3A_113 = arith.mulf %div3A_112, %convert_element_type3A_21 : vector<400x64xf32>
    %add3A = arith.addf %mul3A, %mul3A_113 : vector<400x64xf32>
    %sub3A_114 = arith.constant -1.800000e+00 : f32
    %sub3A_115 = vector.broadcast %sub3A_114 : f32 to vector<400x64xf32>
    %sub3A_116 = arith.subf %get3A_1, %sub3A_115 : vector<400x64xf32>
    %div3A_117 = arith.constant 0.399999976 : f32
    %div3A_118 = vector.broadcast %div3A_117 : f32 to vector<400x64xf32>
    %div3A_119 = arith.divf %sub3A_116, %div3A_118 : vector<400x64xf32>
    %mul3A_120 = arith.mulf %div3A_119, %convert_element_type3A_21 : vector<400x64xf32>
    %sub3A_121 = arith.constant -1.000000e+00 : f32
    %sub3A_122 = vector.broadcast %sub3A_121 : f32 to vector<400x64xf32>
    %sub3A_123 = arith.subf %sub3A_122, %get3A_1 : vector<400x64xf32>
    %div3A_124 = arith.constant 0.399999976 : f32
    %div3A_125 = vector.broadcast %div3A_124 : f32 to vector<400x64xf32>
    %div3A_126 = arith.divf %sub3A_123, %div3A_125 : vector<400x64xf32>
    %mul3A_127 = arith.mulf %div3A_126, %convert_element_type3A_30 : vector<400x64xf32>
    %add3A_128 = arith.addf %mul3A_120, %mul3A_127 : vector<400x64xf32>
    %sub3A_129 = arith.constant -1.400000e+00 : f32
    %sub3A_130 = vector.broadcast %sub3A_129 : f32 to vector<400x64xf32>
    %sub3A_131 = arith.subf %get3A_1, %sub3A_130 : vector<400x64xf32>
    %div3A_132 = arith.constant 0.399999976 : f32
    %div3A_133 = vector.broadcast %div3A_132 : f32 to vector<400x64xf32>
    %div3A_134 = arith.divf %sub3A_131, %div3A_133 : vector<400x64xf32>
    %mul3A_135 = arith.mulf %div3A_134, %convert_element_type3A_30 : vector<400x64xf32>
    %sub3A_136 = arith.constant -6.000000e-01 : f32
    %sub3A_137 = vector.broadcast %sub3A_136 : f32 to vector<400x64xf32>
    %sub3A_138 = arith.subf %sub3A_137, %get3A_1 : vector<400x64xf32>
    %div3A_139 = arith.constant 0.399999976 : f32
    %div3A_140 = vector.broadcast %div3A_139 : f32 to vector<400x64xf32>
    %div3A_141 = arith.divf %sub3A_138, %div3A_140 : vector<400x64xf32>
    %mul3A_142 = arith.mulf %div3A_141, %convert_element_type3A_39 : vector<400x64xf32>
    %add3A_143 = arith.addf %mul3A_135, %mul3A_142 : vector<400x64xf32>
    %sub3A_144 = arith.constant -1.000000e+00 : f32
    %sub3A_145 = vector.broadcast %sub3A_144 : f32 to vector<400x64xf32>
    %sub3A_146 = arith.subf %get3A_1, %sub3A_145 : vector<400x64xf32>
    %div3A_147 = arith.constant 0.399999976 : f32
    %div3A_148 = vector.broadcast %div3A_147 : f32 to vector<400x64xf32>
    %div3A_149 = arith.divf %sub3A_146, %div3A_148 : vector<400x64xf32>
    %mul3A_150 = arith.mulf %div3A_149, %convert_element_type3A_39 : vector<400x64xf32>
    %sub3A_151 = arith.constant -0.199999988 : f32
    %sub3A_152 = vector.broadcast %sub3A_151 : f32 to vector<400x64xf32>
    %sub3A_153 = arith.subf %sub3A_152, %get3A_1 : vector<400x64xf32>
    %div3A_154 = arith.constant 0.400000036 : f32
    %div3A_155 = vector.broadcast %div3A_154 : f32 to vector<400x64xf32>
    %div3A_156 = arith.divf %sub3A_153, %div3A_155 : vector<400x64xf32>
    %mul3A_157 = arith.mulf %div3A_156, %convert_element_type3A_48 : vector<400x64xf32>
    %add3A_158 = arith.addf %mul3A_150, %mul3A_157 : vector<400x64xf32>
    %sub3A_159 = arith.constant -6.000000e-01 : f32
    %sub3A_160 = vector.broadcast %sub3A_159 : f32 to vector<400x64xf32>
    %sub3A_161 = arith.subf %get3A_1, %sub3A_160 : vector<400x64xf32>
    %div3A_162 = arith.constant 0.400000036 : f32
    %div3A_163 = vector.broadcast %div3A_162 : f32 to vector<400x64xf32>
    %div3A_164 = arith.divf %sub3A_161, %div3A_163 : vector<400x64xf32>
    %mul3A_165 = arith.mulf %div3A_164, %convert_element_type3A_48 : vector<400x64xf32>
    %sub3A_166 = arith.constant 0.200000048 : f32
    %sub3A_167 = vector.broadcast %sub3A_166 : f32 to vector<400x64xf32>
    %sub3A_168 = arith.subf %sub3A_167, %get3A_1 : vector<400x64xf32>
    %div3A_169 = arith.constant 0.400000036 : f32
    %div3A_170 = vector.broadcast %div3A_169 : f32 to vector<400x64xf32>
    %div3A_171 = arith.divf %sub3A_168, %div3A_170 : vector<400x64xf32>
    %mul3A_172 = arith.mulf %div3A_171, %convert_element_type3A_57 : vector<400x64xf32>
    %add3A_173 = arith.addf %mul3A_165, %mul3A_172 : vector<400x64xf32>
    %sub3A_174 = arith.constant -0.199999988 : f32
    %sub3A_175 = vector.broadcast %sub3A_174 : f32 to vector<400x64xf32>
    %sub3A_176 = arith.subf %get3A_1, %sub3A_175 : vector<400x64xf32>
    %div3A_177 = arith.constant 0.400000036 : f32
    %div3A_178 = vector.broadcast %div3A_177 : f32 to vector<400x64xf32>
    %div3A_179 = arith.divf %sub3A_176, %div3A_178 : vector<400x64xf32>
    %mul3A_180 = arith.mulf %div3A_179, %convert_element_type3A_57 : vector<400x64xf32>
    %sub3A_181 = arith.constant 6.000000e-01 : f32
    %sub3A_182 = vector.broadcast %sub3A_181 : f32 to vector<400x64xf32>
    %sub3A_183 = arith.subf %sub3A_182, %get3A_1 : vector<400x64xf32>
    %div3A_184 = arith.constant 0.399999976 : f32
    %div3A_185 = vector.broadcast %div3A_184 : f32 to vector<400x64xf32>
    %div3A_186 = arith.divf %sub3A_183, %div3A_185 : vector<400x64xf32>
    %mul3A_187 = arith.mulf %div3A_186, %convert_element_type3A_66 : vector<400x64xf32>
    %add3A_188 = arith.addf %mul3A_180, %mul3A_187 : vector<400x64xf32>
    %sub3A_189 = arith.constant 0.200000048 : f32
    %sub3A_190 = vector.broadcast %sub3A_189 : f32 to vector<400x64xf32>
    %sub3A_191 = arith.subf %get3A_1, %sub3A_190 : vector<400x64xf32>
    %div3A_192 = arith.constant 0.399999976 : f32
    %div3A_193 = vector.broadcast %div3A_192 : f32 to vector<400x64xf32>
    %div3A_194 = arith.divf %sub3A_191, %div3A_193 : vector<400x64xf32>
    %mul3A_195 = arith.mulf %div3A_194, %convert_element_type3A_66 : vector<400x64xf32>
    %sub3A_196 = arith.constant 1.000000e+00 : f32
    %sub3A_197 = vector.broadcast %sub3A_196 : f32 to vector<400x64xf32>
    %sub3A_198 = arith.subf %sub3A_197, %get3A_1 : vector<400x64xf32>
    %div3A_199 = arith.constant 0.399999976 : f32
    %div3A_200 = vector.broadcast %div3A_199 : f32 to vector<400x64xf32>
    %div3A_201 = arith.divf %sub3A_198, %div3A_200 : vector<400x64xf32>
    %mul3A_202 = arith.mulf %div3A_201, %convert_element_type3A_75 : vector<400x64xf32>
    %add3A_203 = arith.addf %mul3A_195, %mul3A_202 : vector<400x64xf32>
    %sub3A_204 = arith.constant 6.000000e-01 : f32
    %sub3A_205 = vector.broadcast %sub3A_204 : f32 to vector<400x64xf32>
    %sub3A_206 = arith.subf %get3A_1, %sub3A_205 : vector<400x64xf32>
    %div3A_207 = arith.constant 0.399999976 : f32
    %div3A_208 = vector.broadcast %div3A_207 : f32 to vector<400x64xf32>
    %div3A_209 = arith.divf %sub3A_206, %div3A_208 : vector<400x64xf32>
    %mul3A_210 = arith.mulf %div3A_209, %convert_element_type3A_75 : vector<400x64xf32>
    %sub3A_211 = arith.constant 1.4000001 : f32
    %sub3A_212 = vector.broadcast %sub3A_211 : f32 to vector<400x64xf32>
    %sub3A_213 = arith.subf %sub3A_212, %get3A_1 : vector<400x64xf32>
    %div3A_214 = arith.constant 0.400000095 : f32
    %div3A_215 = vector.broadcast %div3A_214 : f32 to vector<400x64xf32>
    %div3A_216 = arith.divf %sub3A_213, %div3A_215 : vector<400x64xf32>
    %mul3A_217 = arith.mulf %div3A_216, %convert_element_type3A_84 : vector<400x64xf32>
    %add3A_218 = arith.addf %mul3A_210, %mul3A_217 : vector<400x64xf32>
    %sub3A_219 = arith.constant 1.000000e+00 : f32
    %sub3A_220 = vector.broadcast %sub3A_219 : f32 to vector<400x64xf32>
    %sub3A_221 = arith.subf %get3A_1, %sub3A_220 : vector<400x64xf32>
    %div3A_222 = arith.constant 0.400000095 : f32
    %div3A_223 = vector.broadcast %div3A_222 : f32 to vector<400x64xf32>
    %div3A_224 = arith.divf %sub3A_221, %div3A_223 : vector<400x64xf32>
    %mul3A_225 = arith.mulf %div3A_224, %convert_element_type3A_84 : vector<400x64xf32>
    %sub3A_226 = arith.constant 1.800000e+00 : f32
    %sub3A_227 = vector.broadcast %sub3A_226 : f32 to vector<400x64xf32>
    %sub3A_228 = arith.subf %sub3A_227, %get3A_1 : vector<400x64xf32>
    %div3A_229 = arith.constant 0.399999857 : f32
    %div3A_230 = vector.broadcast %div3A_229 : f32 to vector<400x64xf32>
    %div3A_231 = arith.divf %sub3A_228, %div3A_230 : vector<400x64xf32>
    %mul3A_232 = arith.mulf %div3A_231, %convert_element_type3A_93 : vector<400x64xf32>
    %add3A_233 = arith.addf %mul3A_225, %mul3A_232 : vector<400x64xf32>
    %sub3A_234 = arith.constant 1.4000001 : f32
    %sub3A_235 = vector.broadcast %sub3A_234 : f32 to vector<400x64xf32>
    %sub3A_236 = arith.subf %get3A_1, %sub3A_235 : vector<400x64xf32>
    %div3A_237 = arith.constant 0.399999857 : f32
    %div3A_238 = vector.broadcast %div3A_237 : f32 to vector<400x64xf32>
    %div3A_239 = arith.divf %sub3A_236, %div3A_238 : vector<400x64xf32>
    %mul3A_240 = arith.mulf %div3A_239, %convert_element_type3A_93 : vector<400x64xf32>
    %sub3A_241 = arith.constant 2.200000e+00 : f32
    %sub3A_242 = vector.broadcast %sub3A_241 : f32 to vector<400x64xf32>
    %sub3A_243 = arith.subf %sub3A_242, %get3A_1 : vector<400x64xf32>
    %div3A_244 = arith.constant 0.400000095 : f32
    %div3A_245 = vector.broadcast %div3A_244 : f32 to vector<400x64xf32>
    %div3A_246 = arith.divf %sub3A_243, %div3A_245 : vector<400x64xf32>
    %mul3A_247 = arith.mulf %div3A_246, %convert_element_type3A_102 : vector<400x64xf32>
    %add3A_248 = arith.addf %mul3A_240, %mul3A_247 : vector<400x64xf32>
    %sub3A_249 = arith.constant -2.200000e+00 : f32
    %sub3A_250 = vector.broadcast %sub3A_249 : f32 to vector<400x64xf32>
    %sub3A_251 = arith.subf %get3A_1, %sub3A_250 : vector<400x64xf32>
    %div3A_252 = arith.constant 0.800000071 : f32
    %div3A_253 = vector.broadcast %div3A_252 : f32 to vector<400x64xf32>
    %div3A_254 = arith.divf %sub3A_251, %div3A_253 : vector<400x64xf32>
    %mul3A_255 = arith.mulf %div3A_254, %add3A : vector<400x64xf32>
    %sub3A_256 = arith.constant -1.000000e+00 : f32
    %sub3A_257 = vector.broadcast %sub3A_256 : f32 to vector<400x64xf32>
    %sub3A_258 = arith.subf %sub3A_257, %get3A_1 : vector<400x64xf32>
    %div3A_259 = arith.constant 0.799999952 : f32
    %div3A_260 = vector.broadcast %div3A_259 : f32 to vector<400x64xf32>
    %div3A_261 = arith.divf %sub3A_258, %div3A_260 : vector<400x64xf32>
    %mul3A_262 = arith.mulf %div3A_261, %add3A_128 : vector<400x64xf32>
    %add3A_263 = arith.addf %mul3A_255, %mul3A_262 : vector<400x64xf32>
    %sub3A_264 = arith.constant -1.800000e+00 : f32
    %sub3A_265 = vector.broadcast %sub3A_264 : f32 to vector<400x64xf32>
    %sub3A_266 = arith.subf %get3A_1, %sub3A_265 : vector<400x64xf32>
    %div3A_267 = arith.constant 0.799999952 : f32
    %div3A_268 = vector.broadcast %div3A_267 : f32 to vector<400x64xf32>
    %div3A_269 = arith.divf %sub3A_266, %div3A_268 : vector<400x64xf32>
    %mul3A_270 = arith.mulf %div3A_269, %add3A_128 : vector<400x64xf32>
    %sub3A_271 = arith.constant -6.000000e-01 : f32
    %sub3A_272 = vector.broadcast %sub3A_271 : f32 to vector<400x64xf32>
    %sub3A_273 = arith.subf %sub3A_272, %get3A_1 : vector<400x64xf32>
    %div3A_274 = arith.constant 0.799999952 : f32
    %div3A_275 = vector.broadcast %div3A_274 : f32 to vector<400x64xf32>
    %div3A_276 = arith.divf %sub3A_273, %div3A_275 : vector<400x64xf32>
    %mul3A_277 = arith.mulf %div3A_276, %add3A_143 : vector<400x64xf32>
    %add3A_278 = arith.addf %mul3A_270, %mul3A_277 : vector<400x64xf32>
    %sub3A_279 = arith.constant -1.400000e+00 : f32
    %sub3A_280 = vector.broadcast %sub3A_279 : f32 to vector<400x64xf32>
    %sub3A_281 = arith.subf %get3A_1, %sub3A_280 : vector<400x64xf32>
    %div3A_282 = arith.constant 0.799999952 : f32
    %div3A_283 = vector.broadcast %div3A_282 : f32 to vector<400x64xf32>
    %div3A_284 = arith.divf %sub3A_281, %div3A_283 : vector<400x64xf32>
    %mul3A_285 = arith.mulf %div3A_284, %add3A_143 : vector<400x64xf32>
    %sub3A_286 = arith.constant -0.199999988 : f32
    %sub3A_287 = vector.broadcast %sub3A_286 : f32 to vector<400x64xf32>
    %sub3A_288 = arith.subf %sub3A_287, %get3A_1 : vector<400x64xf32>
    %div3A_289 = arith.constant 8.000000e-01 : f32
    %div3A_290 = vector.broadcast %div3A_289 : f32 to vector<400x64xf32>
    %div3A_291 = arith.divf %sub3A_288, %div3A_290 : vector<400x64xf32>
    %mul3A_292 = arith.mulf %div3A_291, %add3A_158 : vector<400x64xf32>
    %add3A_293 = arith.addf %mul3A_285, %mul3A_292 : vector<400x64xf32>
    %sub3A_294 = arith.constant -1.000000e+00 : f32
    %sub3A_295 = vector.broadcast %sub3A_294 : f32 to vector<400x64xf32>
    %sub3A_296 = arith.subf %get3A_1, %sub3A_295 : vector<400x64xf32>
    %div3A_297 = arith.constant 8.000000e-01 : f32
    %div3A_298 = vector.broadcast %div3A_297 : f32 to vector<400x64xf32>
    %div3A_299 = arith.divf %sub3A_296, %div3A_298 : vector<400x64xf32>
    %mul3A_300 = arith.mulf %div3A_299, %add3A_158 : vector<400x64xf32>
    %sub3A_301 = arith.constant 0.200000048 : f32
    %sub3A_302 = vector.broadcast %sub3A_301 : f32 to vector<400x64xf32>
    %sub3A_303 = arith.subf %sub3A_302, %get3A_1 : vector<400x64xf32>
    %div3A_304 = arith.constant 0.800000071 : f32
    %div3A_305 = vector.broadcast %div3A_304 : f32 to vector<400x64xf32>
    %div3A_306 = arith.divf %sub3A_303, %div3A_305 : vector<400x64xf32>
    %mul3A_307 = arith.mulf %div3A_306, %add3A_173 : vector<400x64xf32>
    %add3A_308 = arith.addf %mul3A_300, %mul3A_307 : vector<400x64xf32>
    %sub3A_309 = arith.constant -6.000000e-01 : f32
    %sub3A_310 = vector.broadcast %sub3A_309 : f32 to vector<400x64xf32>
    %sub3A_311 = arith.subf %get3A_1, %sub3A_310 : vector<400x64xf32>
    %div3A_312 = arith.constant 0.800000071 : f32
    %div3A_313 = vector.broadcast %div3A_312 : f32 to vector<400x64xf32>
    %div3A_314 = arith.divf %sub3A_311, %div3A_313 : vector<400x64xf32>
    %mul3A_315 = arith.mulf %div3A_314, %add3A_173 : vector<400x64xf32>
    %sub3A_316 = arith.constant 6.000000e-01 : f32
    %sub3A_317 = vector.broadcast %sub3A_316 : f32 to vector<400x64xf32>
    %sub3A_318 = arith.subf %sub3A_317, %get3A_1 : vector<400x64xf32>
    %div3A_319 = arith.constant 8.000000e-01 : f32
    %div3A_320 = vector.broadcast %div3A_319 : f32 to vector<400x64xf32>
    %div3A_321 = arith.divf %sub3A_318, %div3A_320 : vector<400x64xf32>
    %mul3A_322 = arith.mulf %div3A_321, %add3A_188 : vector<400x64xf32>
    %add3A_323 = arith.addf %mul3A_315, %mul3A_322 : vector<400x64xf32>
    %sub3A_324 = arith.constant -0.199999988 : f32
    %sub3A_325 = vector.broadcast %sub3A_324 : f32 to vector<400x64xf32>
    %sub3A_326 = arith.subf %get3A_1, %sub3A_325 : vector<400x64xf32>
    %div3A_327 = arith.constant 8.000000e-01 : f32
    %div3A_328 = vector.broadcast %div3A_327 : f32 to vector<400x64xf32>
    %div3A_329 = arith.divf %sub3A_326, %div3A_328 : vector<400x64xf32>
    %mul3A_330 = arith.mulf %div3A_329, %add3A_188 : vector<400x64xf32>
    %sub3A_331 = arith.constant 1.000000e+00 : f32
    %sub3A_332 = vector.broadcast %sub3A_331 : f32 to vector<400x64xf32>
    %sub3A_333 = arith.subf %sub3A_332, %get3A_1 : vector<400x64xf32>
    %div3A_334 = arith.constant 0.799999952 : f32
    %div3A_335 = vector.broadcast %div3A_334 : f32 to vector<400x64xf32>
    %div3A_336 = arith.divf %sub3A_333, %div3A_335 : vector<400x64xf32>
    %mul3A_337 = arith.mulf %div3A_336, %add3A_203 : vector<400x64xf32>
    %add3A_338 = arith.addf %mul3A_330, %mul3A_337 : vector<400x64xf32>
    %sub3A_339 = arith.constant 0.200000048 : f32
    %sub3A_340 = vector.broadcast %sub3A_339 : f32 to vector<400x64xf32>
    %sub3A_341 = arith.subf %get3A_1, %sub3A_340 : vector<400x64xf32>
    %div3A_342 = arith.constant 0.799999952 : f32
    %div3A_343 = vector.broadcast %div3A_342 : f32 to vector<400x64xf32>
    %div3A_344 = arith.divf %sub3A_341, %div3A_343 : vector<400x64xf32>
    %mul3A_345 = arith.mulf %div3A_344, %add3A_203 : vector<400x64xf32>
    %sub3A_346 = arith.constant 1.4000001 : f32
    %sub3A_347 = vector.broadcast %sub3A_346 : f32 to vector<400x64xf32>
    %sub3A_348 = arith.subf %sub3A_347, %get3A_1 : vector<400x64xf32>
    %div3A_349 = arith.constant 0.800000071 : f32
    %div3A_350 = vector.broadcast %div3A_349 : f32 to vector<400x64xf32>
    %div3A_351 = arith.divf %sub3A_348, %div3A_350 : vector<400x64xf32>
    %mul3A_352 = arith.mulf %div3A_351, %add3A_218 : vector<400x64xf32>
    %add3A_353 = arith.addf %mul3A_345, %mul3A_352 : vector<400x64xf32>
    %sub3A_354 = arith.constant 6.000000e-01 : f32
    %sub3A_355 = vector.broadcast %sub3A_354 : f32 to vector<400x64xf32>
    %sub3A_356 = arith.subf %get3A_1, %sub3A_355 : vector<400x64xf32>
    %div3A_357 = arith.constant 0.800000071 : f32
    %div3A_358 = vector.broadcast %div3A_357 : f32 to vector<400x64xf32>
    %div3A_359 = arith.divf %sub3A_356, %div3A_358 : vector<400x64xf32>
    %mul3A_360 = arith.mulf %div3A_359, %add3A_218 : vector<400x64xf32>
    %sub3A_361 = arith.constant 1.800000e+00 : f32
    %sub3A_362 = vector.broadcast %sub3A_361 : f32 to vector<400x64xf32>
    %sub3A_363 = arith.subf %sub3A_362, %get3A_1 : vector<400x64xf32>
    %div3A_364 = arith.constant 0.799999952 : f32
    %div3A_365 = vector.broadcast %div3A_364 : f32 to vector<400x64xf32>
    %div3A_366 = arith.divf %sub3A_363, %div3A_365 : vector<400x64xf32>
    %mul3A_367 = arith.mulf %div3A_366, %add3A_233 : vector<400x64xf32>
    %add3A_368 = arith.addf %mul3A_360, %mul3A_367 : vector<400x64xf32>
    %sub3A_369 = arith.constant 1.000000e+00 : f32
    %sub3A_370 = vector.broadcast %sub3A_369 : f32 to vector<400x64xf32>
    %sub3A_371 = arith.subf %get3A_1, %sub3A_370 : vector<400x64xf32>
    %div3A_372 = arith.constant 0.799999952 : f32
    %div3A_373 = vector.broadcast %div3A_372 : f32 to vector<400x64xf32>
    %div3A_374 = arith.divf %sub3A_371, %div3A_373 : vector<400x64xf32>
    %mul3A_375 = arith.mulf %div3A_374, %add3A_233 : vector<400x64xf32>
    %sub3A_376 = arith.constant 2.200000e+00 : f32
    %sub3A_377 = vector.broadcast %sub3A_376 : f32 to vector<400x64xf32>
    %sub3A_378 = arith.subf %sub3A_377, %get3A_1 : vector<400x64xf32>
    %div3A_379 = arith.constant 0.799999952 : f32
    %div3A_380 = vector.broadcast %div3A_379 : f32 to vector<400x64xf32>
    %div3A_381 = arith.divf %sub3A_378, %div3A_380 : vector<400x64xf32>
    %mul3A_382 = arith.mulf %div3A_381, %add3A_248 : vector<400x64xf32>
    %add3A_383 = arith.addf %mul3A_375, %mul3A_382 : vector<400x64xf32>
    %sub3A_384 = arith.constant -2.200000e+00 : f32
    %sub3A_385 = vector.broadcast %sub3A_384 : f32 to vector<400x64xf32>
    %sub3A_386 = arith.subf %get3A_1, %sub3A_385 : vector<400x64xf32>
    %div3A_387 = arith.constant 1.200000e+00 : f32
    %div3A_388 = vector.broadcast %div3A_387 : f32 to vector<400x64xf32>
    %div3A_389 = arith.divf %sub3A_386, %div3A_388 : vector<400x64xf32>
    %mul3A_390 = arith.mulf %div3A_389, %add3A_263 : vector<400x64xf32>
    %sub3A_391 = arith.constant -6.000000e-01 : f32
    %sub3A_392 = vector.broadcast %sub3A_391 : f32 to vector<400x64xf32>
    %sub3A_393 = arith.subf %sub3A_392, %get3A_1 : vector<400x64xf32>
    %div3A_394 = arith.constant 1.19999993 : f32
    %div3A_395 = vector.broadcast %div3A_394 : f32 to vector<400x64xf32>
    %div3A_396 = arith.divf %sub3A_393, %div3A_395 : vector<400x64xf32>
    %mul3A_397 = arith.mulf %div3A_396, %add3A_278 : vector<400x64xf32>
    %add3A_398 = arith.addf %mul3A_390, %mul3A_397 : vector<400x64xf32>
    %sub3A_399 = arith.constant -1.800000e+00 : f32
    %sub3A_400 = vector.broadcast %sub3A_399 : f32 to vector<400x64xf32>
    %sub3A_401 = arith.subf %get3A_1, %sub3A_400 : vector<400x64xf32>
    %div3A_402 = arith.constant 1.19999993 : f32
    %div3A_403 = vector.broadcast %div3A_402 : f32 to vector<400x64xf32>
    %div3A_404 = arith.divf %sub3A_401, %div3A_403 : vector<400x64xf32>
    %mul3A_405 = arith.mulf %div3A_404, %add3A_278 : vector<400x64xf32>
    %sub3A_406 = arith.constant -0.199999988 : f32
    %sub3A_407 = vector.broadcast %sub3A_406 : f32 to vector<400x64xf32>
    %sub3A_408 = arith.subf %sub3A_407, %get3A_1 : vector<400x64xf32>
    %div3A_409 = arith.constant 1.200000e+00 : f32
    %div3A_410 = vector.broadcast %div3A_409 : f32 to vector<400x64xf32>
    %div3A_411 = arith.divf %sub3A_408, %div3A_410 : vector<400x64xf32>
    %mul3A_412 = arith.mulf %div3A_411, %add3A_293 : vector<400x64xf32>
    %add3A_413 = arith.addf %mul3A_405, %mul3A_412 : vector<400x64xf32>
    %sub3A_414 = arith.constant -1.400000e+00 : f32
    %sub3A_415 = vector.broadcast %sub3A_414 : f32 to vector<400x64xf32>
    %sub3A_416 = arith.subf %get3A_1, %sub3A_415 : vector<400x64xf32>
    %div3A_417 = arith.constant 1.200000e+00 : f32
    %div3A_418 = vector.broadcast %div3A_417 : f32 to vector<400x64xf32>
    %div3A_419 = arith.divf %sub3A_416, %div3A_418 : vector<400x64xf32>
    %mul3A_420 = arith.mulf %div3A_419, %add3A_293 : vector<400x64xf32>
    %sub3A_421 = arith.constant 0.200000048 : f32
    %sub3A_422 = vector.broadcast %sub3A_421 : f32 to vector<400x64xf32>
    %sub3A_423 = arith.subf %sub3A_422, %get3A_1 : vector<400x64xf32>
    %div3A_424 = arith.constant 1.200000e+00 : f32
    %div3A_425 = vector.broadcast %div3A_424 : f32 to vector<400x64xf32>
    %div3A_426 = arith.divf %sub3A_423, %div3A_425 : vector<400x64xf32>
    %mul3A_427 = arith.mulf %div3A_426, %add3A_308 : vector<400x64xf32>
    %add3A_428 = arith.addf %mul3A_420, %mul3A_427 : vector<400x64xf32>
    %sub3A_429 = arith.constant -1.000000e+00 : f32
    %sub3A_430 = vector.broadcast %sub3A_429 : f32 to vector<400x64xf32>
    %sub3A_431 = arith.subf %get3A_1, %sub3A_430 : vector<400x64xf32>
    %div3A_432 = arith.constant 1.200000e+00 : f32
    %div3A_433 = vector.broadcast %div3A_432 : f32 to vector<400x64xf32>
    %div3A_434 = arith.divf %sub3A_431, %div3A_433 : vector<400x64xf32>
    %mul3A_435 = arith.mulf %div3A_434, %add3A_308 : vector<400x64xf32>
    %sub3A_436 = arith.constant 6.000000e-01 : f32
    %sub3A_437 = vector.broadcast %sub3A_436 : f32 to vector<400x64xf32>
    %sub3A_438 = arith.subf %sub3A_437, %get3A_1 : vector<400x64xf32>
    %div3A_439 = arith.constant 1.200000e+00 : f32
    %div3A_440 = vector.broadcast %div3A_439 : f32 to vector<400x64xf32>
    %div3A_441 = arith.divf %sub3A_438, %div3A_440 : vector<400x64xf32>
    %mul3A_442 = arith.mulf %div3A_441, %add3A_323 : vector<400x64xf32>
    %add3A_443 = arith.addf %mul3A_435, %mul3A_442 : vector<400x64xf32>
    %sub3A_444 = arith.constant -6.000000e-01 : f32
    %sub3A_445 = vector.broadcast %sub3A_444 : f32 to vector<400x64xf32>
    %sub3A_446 = arith.subf %get3A_1, %sub3A_445 : vector<400x64xf32>
    %div3A_447 = arith.constant 1.200000e+00 : f32
    %div3A_448 = vector.broadcast %div3A_447 : f32 to vector<400x64xf32>
    %div3A_449 = arith.divf %sub3A_446, %div3A_448 : vector<400x64xf32>
    %mul3A_450 = arith.mulf %div3A_449, %add3A_323 : vector<400x64xf32>
    %sub3A_451 = arith.constant 1.000000e+00 : f32
    %sub3A_452 = vector.broadcast %sub3A_451 : f32 to vector<400x64xf32>
    %sub3A_453 = arith.subf %sub3A_452, %get3A_1 : vector<400x64xf32>
    %div3A_454 = arith.constant 1.200000e+00 : f32
    %div3A_455 = vector.broadcast %div3A_454 : f32 to vector<400x64xf32>
    %div3A_456 = arith.divf %sub3A_453, %div3A_455 : vector<400x64xf32>
    %mul3A_457 = arith.mulf %div3A_456, %add3A_338 : vector<400x64xf32>
    %add3A_458 = arith.addf %mul3A_450, %mul3A_457 : vector<400x64xf32>
    %sub3A_459 = arith.constant -0.199999988 : f32
    %sub3A_460 = vector.broadcast %sub3A_459 : f32 to vector<400x64xf32>
    %sub3A_461 = arith.subf %get3A_1, %sub3A_460 : vector<400x64xf32>
    %div3A_462 = arith.constant 1.200000e+00 : f32
    %div3A_463 = vector.broadcast %div3A_462 : f32 to vector<400x64xf32>
    %div3A_464 = arith.divf %sub3A_461, %div3A_463 : vector<400x64xf32>
    %mul3A_465 = arith.mulf %div3A_464, %add3A_338 : vector<400x64xf32>
    %sub3A_466 = arith.constant 1.4000001 : f32
    %sub3A_467 = vector.broadcast %sub3A_466 : f32 to vector<400x64xf32>
    %sub3A_468 = arith.subf %sub3A_467, %get3A_1 : vector<400x64xf32>
    %div3A_469 = arith.constant 1.200000e+00 : f32
    %div3A_470 = vector.broadcast %div3A_469 : f32 to vector<400x64xf32>
    %div3A_471 = arith.divf %sub3A_468, %div3A_470 : vector<400x64xf32>
    %mul3A_472 = arith.mulf %div3A_471, %add3A_353 : vector<400x64xf32>
    %add3A_473 = arith.addf %mul3A_465, %mul3A_472 : vector<400x64xf32>
    %sub3A_474 = arith.constant 0.200000048 : f32
    %sub3A_475 = vector.broadcast %sub3A_474 : f32 to vector<400x64xf32>
    %sub3A_476 = arith.subf %get3A_1, %sub3A_475 : vector<400x64xf32>
    %div3A_477 = arith.constant 1.200000e+00 : f32
    %div3A_478 = vector.broadcast %div3A_477 : f32 to vector<400x64xf32>
    %div3A_479 = arith.divf %sub3A_476, %div3A_478 : vector<400x64xf32>
    %mul3A_480 = arith.mulf %div3A_479, %add3A_353 : vector<400x64xf32>
    %sub3A_481 = arith.constant 1.800000e+00 : f32
    %sub3A_482 = vector.broadcast %sub3A_481 : f32 to vector<400x64xf32>
    %sub3A_483 = arith.subf %sub3A_482, %get3A_1 : vector<400x64xf32>
    %div3A_484 = arith.constant 1.19999993 : f32
    %div3A_485 = vector.broadcast %div3A_484 : f32 to vector<400x64xf32>
    %div3A_486 = arith.divf %sub3A_483, %div3A_485 : vector<400x64xf32>
    %mul3A_487 = arith.mulf %div3A_486, %add3A_368 : vector<400x64xf32>
    %add3A_488 = arith.addf %mul3A_480, %mul3A_487 : vector<400x64xf32>
    %sub3A_489 = arith.constant 6.000000e-01 : f32
    %sub3A_490 = vector.broadcast %sub3A_489 : f32 to vector<400x64xf32>
    %sub3A_491 = arith.subf %get3A_1, %sub3A_490 : vector<400x64xf32>
    %div3A_492 = arith.constant 1.19999993 : f32
    %div3A_493 = vector.broadcast %div3A_492 : f32 to vector<400x64xf32>
    %div3A_494 = arith.divf %sub3A_491, %div3A_493 : vector<400x64xf32>
    %mul3A_495 = arith.mulf %div3A_494, %add3A_368 : vector<400x64xf32>
    %sub3A_496 = arith.constant 2.200000e+00 : f32
    %sub3A_497 = vector.broadcast %sub3A_496 : f32 to vector<400x64xf32>
    %sub3A_498 = arith.subf %sub3A_497, %get3A_1 : vector<400x64xf32>
    %div3A_499 = arith.constant 1.200000e+00 : f32
    %div3A_500 = vector.broadcast %div3A_499 : f32 to vector<400x64xf32>
    %div3A_501 = arith.divf %sub3A_498, %div3A_500 : vector<400x64xf32>
    %mul3A_502 = arith.mulf %div3A_501, %add3A_383 : vector<400x64xf32>
    %add3A_503 = arith.addf %mul3A_495, %mul3A_502 : vector<400x64xf32>
    %concatenate3A = tpu.concatenate %add3A_398, %add3A_413, %add3A_428, %add3A_443, %add3A_458, %add3A_473, %add3A_488, %add3A_503 in 1 : vector<400x64xf32>, vector<400x64xf32>, vector<400x64xf32>, vector<400x64xf32>, vector<400x64xf32>, vector<400x64xf32>, vector<400x64xf32>, vector<400x64xf32> -> vector<400x512xf32>
    %logistic3A = arith.negf %get3A_1 : vector<400x64xf32>
    %logistic3A_504 = math.exp %logistic3A : vector<400x64xf32>
    %logistic3A_505 = arith.constant 1.000000e+00 : f32
    %logistic3A_506 = vector.broadcast %logistic3A_505 : f32 to vector<400x64xf32>
    %logistic3A_507 = arith.addf %logistic3A_506, %logistic3A_504 : vector<400x64xf32>
    %logistic3A_508 = arith.divf %logistic3A_506, %logistic3A_507 : vector<400x64xf32>
    %mul3A_509 = arith.mulf %get3A_1, %logistic3A_508 : vector<400x64xf32>
    %dot_general3A = arith.constant dense<0.000000e+00> : vector<400x128xf32>
    %dot_general3A_510 = tpu.matmul %mul3A_509, %get3A_4, %dot_general3A {dimension_numbers = #tpu.dot_dimension_numbers<[1], [0], [0], [1], [0, 0, 1, 1], [], []>, transpose_lhs_hint = false} : vector<400x64xf32>, vector<64x128xf32>, vector<400x128xf32> -> vector<400x128xf32>
    %dot_general3A_511 = arith.constant dense<0.000000e+00> : vector<400x128xf32>
    %dot_general3A_512 = tpu.matmul %concatenate3A, %get3A_7, %dot_general3A_511 {dimension_numbers = #tpu.dot_dimension_numbers<[1], [0], [0], [1], [0, 0, 1, 1], [], []>, transpose_lhs_hint = false} : vector<400x512xf32>, vector<512x128xf32>, vector<400x128xf32> -> vector<400x128xf32>
    %add3A_513 = arith.addf %dot_general3A_510, %dot_general3A_512 : vector<400x128xf32>
    %max3A = arith.constant 0.000000e+00 : f32
    %max3A_514 = vector.broadcast %max3A : f32 to vector<400x128xf32>
    %max3A_515 = arith.maximumf %add3A_513, %max3A_514 : vector<400x128xf32>
    %get3A_516 = arith.constant 0 : index
    %get3A_517 = arith.constant 0 : index
    %get3A_518 = vector.load %arg4[%get3A_516, %get3A_517] : memref<1x128xf32, #tpu.memory_space<vmem>>, vector<1x128xf32>
    %get3A_519 = arith.constant 0 : index
    %get3A_520 = arith.constant 0 : index
    %get3A_521 = vector.load %arg5[%get3A_519, %get3A_520] : memref<8x128xf32, #tpu.memory_space<vmem>>, vector<8x128xf32>
    %logistic3A_522 = arith.negf %max3A_515 : vector<400x128xf32>
    %logistic3A_523 = math.exp %logistic3A_522 : vector<400x128xf32>
    %logistic3A_524 = arith.constant 1.000000e+00 : f32
    %logistic3A_525 = vector.broadcast %logistic3A_524 : f32 to vector<400x128xf32>
    %logistic3A_526 = arith.addf %logistic3A_525, %logistic3A_523 : vector<400x128xf32>
    %logistic3A_527 = arith.divf %logistic3A_525, %logistic3A_526 : vector<400x128xf32>
    %mul3A_528 = arith.mulf %max3A_515, %logistic3A_527 : vector<400x128xf32>
    %mul3A_529 = vector.broadcast %get3A_518 : vector<1x128xf32> to vector<400x128xf32>
    %mul3A_530 = arith.mulf %mul3A_528, %mul3A_529 : vector<400x128xf32>
    %reduce_sum3A = arith.constant dense<0.000000e+00> : vector<400xf32>
    %reduce_sum3A_531 = vector.multi_reduction <add>, %mul3A_530, %reduce_sum3A [1] : vector<400x128xf32> to vector<400xf32>
    %broadcast_in_dim3A = vector.shape_cast %reduce_sum3A_531 : vector<400xf32> to vector<400x1xf32>
    %ge3A_532 = arith.constant -2.200000e+00 : f32
    %ge3A_533 = vector.broadcast %ge3A_532 : f32 to vector<400x128xf32>
    %ge3A_534 = arith.cmpf oge, %max3A_515, %ge3A_533 : vector<400x128xf32>
    %lt3A_535 = arith.constant -1.800000e+00 : f32
    %lt3A_536 = vector.broadcast %lt3A_535 : f32 to vector<400x128xf32>
    %lt3A_537 = arith.cmpf olt, %max3A_515, %lt3A_536 : vector<400x128xf32>
    %and3A_538 = arith.andi %ge3A_534, %lt3A_537 : vector<400x128xi1>
    %convert_element_type3A_539 = arith.extui %and3A_538 : vector<400x128xi1> to vector<400x128xi32>
    %convert_element_type3A_540 = arith.sitofp %convert_element_type3A_539 : vector<400x128xi32> to vector<400x128xf32>
    %ge3A_541 = arith.constant -1.800000e+00 : f32
    %ge3A_542 = vector.broadcast %ge3A_541 : f32 to vector<400x128xf32>
    %ge3A_543 = arith.cmpf oge, %max3A_515, %ge3A_542 : vector<400x128xf32>
    %lt3A_544 = arith.constant -1.400000e+00 : f32
    %lt3A_545 = vector.broadcast %lt3A_544 : f32 to vector<400x128xf32>
    %lt3A_546 = arith.cmpf olt, %max3A_515, %lt3A_545 : vector<400x128xf32>
    %and3A_547 = arith.andi %ge3A_543, %lt3A_546 : vector<400x128xi1>
    %convert_element_type3A_548 = arith.extui %and3A_547 : vector<400x128xi1> to vector<400x128xi32>
    %convert_element_type3A_549 = arith.sitofp %convert_element_type3A_548 : vector<400x128xi32> to vector<400x128xf32>
    %ge3A_550 = arith.constant -1.400000e+00 : f32
    %ge3A_551 = vector.broadcast %ge3A_550 : f32 to vector<400x128xf32>
    %ge3A_552 = arith.cmpf oge, %max3A_515, %ge3A_551 : vector<400x128xf32>
    %lt3A_553 = arith.constant -1.000000e+00 : f32
    %lt3A_554 = vector.broadcast %lt3A_553 : f32 to vector<400x128xf32>
    %lt3A_555 = arith.cmpf olt, %max3A_515, %lt3A_554 : vector<400x128xf32>
    %and3A_556 = arith.andi %ge3A_552, %lt3A_555 : vector<400x128xi1>
    %convert_element_type3A_557 = arith.extui %and3A_556 : vector<400x128xi1> to vector<400x128xi32>
    %convert_element_type3A_558 = arith.sitofp %convert_element_type3A_557 : vector<400x128xi32> to vector<400x128xf32>
    %ge3A_559 = arith.constant -1.000000e+00 : f32
    %ge3A_560 = vector.broadcast %ge3A_559 : f32 to vector<400x128xf32>
    %ge3A_561 = arith.cmpf oge, %max3A_515, %ge3A_560 : vector<400x128xf32>
    %lt3A_562 = arith.constant -6.000000e-01 : f32
    %lt3A_563 = vector.broadcast %lt3A_562 : f32 to vector<400x128xf32>
    %lt3A_564 = arith.cmpf olt, %max3A_515, %lt3A_563 : vector<400x128xf32>
    %and3A_565 = arith.andi %ge3A_561, %lt3A_564 : vector<400x128xi1>
    %convert_element_type3A_566 = arith.extui %and3A_565 : vector<400x128xi1> to vector<400x128xi32>
    %convert_element_type3A_567 = arith.sitofp %convert_element_type3A_566 : vector<400x128xi32> to vector<400x128xf32>
    %ge3A_568 = arith.constant -6.000000e-01 : f32
    %ge3A_569 = vector.broadcast %ge3A_568 : f32 to vector<400x128xf32>
    %ge3A_570 = arith.cmpf oge, %max3A_515, %ge3A_569 : vector<400x128xf32>
    %lt3A_571 = arith.constant -0.199999988 : f32
    %lt3A_572 = vector.broadcast %lt3A_571 : f32 to vector<400x128xf32>
    %lt3A_573 = arith.cmpf olt, %max3A_515, %lt3A_572 : vector<400x128xf32>
    %and3A_574 = arith.andi %ge3A_570, %lt3A_573 : vector<400x128xi1>
    %convert_element_type3A_575 = arith.extui %and3A_574 : vector<400x128xi1> to vector<400x128xi32>
    %convert_element_type3A_576 = arith.sitofp %convert_element_type3A_575 : vector<400x128xi32> to vector<400x128xf32>
    %ge3A_577 = arith.constant -0.199999988 : f32
    %ge3A_578 = vector.broadcast %ge3A_577 : f32 to vector<400x128xf32>
    %ge3A_579 = arith.cmpf oge, %max3A_515, %ge3A_578 : vector<400x128xf32>
    %lt3A_580 = arith.constant 0.200000048 : f32
    %lt3A_581 = vector.broadcast %lt3A_580 : f32 to vector<400x128xf32>
    %lt3A_582 = arith.cmpf olt, %max3A_515, %lt3A_581 : vector<400x128xf32>
    %and3A_583 = arith.andi %ge3A_579, %lt3A_582 : vector<400x128xi1>
    %convert_element_type3A_584 = arith.extui %and3A_583 : vector<400x128xi1> to vector<400x128xi32>
    %convert_element_type3A_585 = arith.sitofp %convert_element_type3A_584 : vector<400x128xi32> to vector<400x128xf32>
    %ge3A_586 = arith.constant 0.200000048 : f32
    %ge3A_587 = vector.broadcast %ge3A_586 : f32 to vector<400x128xf32>
    %ge3A_588 = arith.cmpf oge, %max3A_515, %ge3A_587 : vector<400x128xf32>
    %lt3A_589 = arith.constant 6.000000e-01 : f32
    %lt3A_590 = vector.broadcast %lt3A_589 : f32 to vector<400x128xf32>
    %lt3A_591 = arith.cmpf olt, %max3A_515, %lt3A_590 : vector<400x128xf32>
    %and3A_592 = arith.andi %ge3A_588, %lt3A_591 : vector<400x128xi1>
    %convert_element_type3A_593 = arith.extui %and3A_592 : vector<400x128xi1> to vector<400x128xi32>
    %convert_element_type3A_594 = arith.sitofp %convert_element_type3A_593 : vector<400x128xi32> to vector<400x128xf32>
    %ge3A_595 = arith.constant 6.000000e-01 : f32
    %ge3A_596 = vector.broadcast %ge3A_595 : f32 to vector<400x128xf32>
    %ge3A_597 = arith.cmpf oge, %max3A_515, %ge3A_596 : vector<400x128xf32>
    %lt3A_598 = arith.constant 1.000000e+00 : f32
    %lt3A_599 = vector.broadcast %lt3A_598 : f32 to vector<400x128xf32>
    %lt3A_600 = arith.cmpf olt, %max3A_515, %lt3A_599 : vector<400x128xf32>
    %and3A_601 = arith.andi %ge3A_597, %lt3A_600 : vector<400x128xi1>
    %convert_element_type3A_602 = arith.extui %and3A_601 : vector<400x128xi1> to vector<400x128xi32>
    %convert_element_type3A_603 = arith.sitofp %convert_element_type3A_602 : vector<400x128xi32> to vector<400x128xf32>
    %ge3A_604 = arith.constant 1.000000e+00 : f32
    %ge3A_605 = vector.broadcast %ge3A_604 : f32 to vector<400x128xf32>
    %ge3A_606 = arith.cmpf oge, %max3A_515, %ge3A_605 : vector<400x128xf32>
    %lt3A_607 = arith.constant 1.4000001 : f32
    %lt3A_608 = vector.broadcast %lt3A_607 : f32 to vector<400x128xf32>
    %lt3A_609 = arith.cmpf olt, %max3A_515, %lt3A_608 : vector<400x128xf32>
    %and3A_610 = arith.andi %ge3A_606, %lt3A_609 : vector<400x128xi1>
    %convert_element_type3A_611 = arith.extui %and3A_610 : vector<400x128xi1> to vector<400x128xi32>
    %convert_element_type3A_612 = arith.sitofp %convert_element_type3A_611 : vector<400x128xi32> to vector<400x128xf32>
    %ge3A_613 = arith.constant 1.4000001 : f32
    %ge3A_614 = vector.broadcast %ge3A_613 : f32 to vector<400x128xf32>
    %ge3A_615 = arith.cmpf oge, %max3A_515, %ge3A_614 : vector<400x128xf32>
    %lt3A_616 = arith.constant 1.800000e+00 : f32
    %lt3A_617 = vector.broadcast %lt3A_616 : f32 to vector<400x128xf32>
    %lt3A_618 = arith.cmpf olt, %max3A_515, %lt3A_617 : vector<400x128xf32>
    %and3A_619 = arith.andi %ge3A_615, %lt3A_618 : vector<400x128xi1>
    %convert_element_type3A_620 = arith.extui %and3A_619 : vector<400x128xi1> to vector<400x128xi32>
    %convert_element_type3A_621 = arith.sitofp %convert_element_type3A_620 : vector<400x128xi32> to vector<400x128xf32>
    %ge3A_622 = arith.constant 1.800000e+00 : f32
    %ge3A_623 = vector.broadcast %ge3A_622 : f32 to vector<400x128xf32>
    %ge3A_624 = arith.cmpf oge, %max3A_515, %ge3A_623 : vector<400x128xf32>
    %lt3A_625 = arith.constant 2.200000e+00 : f32
    %lt3A_626 = vector.broadcast %lt3A_625 : f32 to vector<400x128xf32>
    %lt3A_627 = arith.cmpf olt, %max3A_515, %lt3A_626 : vector<400x128xf32>
    %and3A_628 = arith.andi %ge3A_624, %lt3A_627 : vector<400x128xi1>
    %convert_element_type3A_629 = arith.extui %and3A_628 : vector<400x128xi1> to vector<400x128xi32>
    %convert_element_type3A_630 = arith.sitofp %convert_element_type3A_629 : vector<400x128xi32> to vector<400x128xf32>
    %sub3A_631 = arith.constant -2.200000e+00 : f32
    %sub3A_632 = vector.broadcast %sub3A_631 : f32 to vector<400x128xf32>
    %sub3A_633 = arith.subf %max3A_515, %sub3A_632 : vector<400x128xf32>
    %div3A_634 = arith.constant 0.400000095 : f32
    %div3A_635 = vector.broadcast %div3A_634 : f32 to vector<400x128xf32>
    %div3A_636 = arith.divf %sub3A_633, %div3A_635 : vector<400x128xf32>
    %mul3A_637 = arith.mulf %div3A_636, %convert_element_type3A_540 : vector<400x128xf32>
    %sub3A_638 = arith.constant -1.400000e+00 : f32
    %sub3A_639 = vector.broadcast %sub3A_638 : f32 to vector<400x128xf32>
    %sub3A_640 = arith.subf %sub3A_639, %max3A_515 : vector<400x128xf32>
    %div3A_641 = arith.constant 0.399999976 : f32
    %div3A_642 = vector.broadcast %div3A_641 : f32 to vector<400x128xf32>
    %div3A_643 = arith.divf %sub3A_640, %div3A_642 : vector<400x128xf32>
    %mul3A_644 = arith.mulf %div3A_643, %convert_element_type3A_549 : vector<400x128xf32>
    %add3A_645 = arith.addf %mul3A_637, %mul3A_644 : vector<400x128xf32>
    %sub3A_646 = arith.constant -1.800000e+00 : f32
    %sub3A_647 = vector.broadcast %sub3A_646 : f32 to vector<400x128xf32>
    %sub3A_648 = arith.subf %max3A_515, %sub3A_647 : vector<400x128xf32>
    %div3A_649 = arith.constant 0.399999976 : f32
    %div3A_650 = vector.broadcast %div3A_649 : f32 to vector<400x128xf32>
    %div3A_651 = arith.divf %sub3A_648, %div3A_650 : vector<400x128xf32>
    %mul3A_652 = arith.mulf %div3A_651, %convert_element_type3A_549 : vector<400x128xf32>
    %sub3A_653 = arith.constant -1.000000e+00 : f32
    %sub3A_654 = vector.broadcast %sub3A_653 : f32 to vector<400x128xf32>
    %sub3A_655 = arith.subf %sub3A_654, %max3A_515 : vector<400x128xf32>
    %div3A_656 = arith.constant 0.399999976 : f32
    %div3A_657 = vector.broadcast %div3A_656 : f32 to vector<400x128xf32>
    %div3A_658 = arith.divf %sub3A_655, %div3A_657 : vector<400x128xf32>
    %mul3A_659 = arith.mulf %div3A_658, %convert_element_type3A_558 : vector<400x128xf32>
    %add3A_660 = arith.addf %mul3A_652, %mul3A_659 : vector<400x128xf32>
    %sub3A_661 = arith.constant -1.400000e+00 : f32
    %sub3A_662 = vector.broadcast %sub3A_661 : f32 to vector<400x128xf32>
    %sub3A_663 = arith.subf %max3A_515, %sub3A_662 : vector<400x128xf32>
    %div3A_664 = arith.constant 0.399999976 : f32
    %div3A_665 = vector.broadcast %div3A_664 : f32 to vector<400x128xf32>
    %div3A_666 = arith.divf %sub3A_663, %div3A_665 : vector<400x128xf32>
    %mul3A_667 = arith.mulf %div3A_666, %convert_element_type3A_558 : vector<400x128xf32>
    %sub3A_668 = arith.constant -6.000000e-01 : f32
    %sub3A_669 = vector.broadcast %sub3A_668 : f32 to vector<400x128xf32>
    %sub3A_670 = arith.subf %sub3A_669, %max3A_515 : vector<400x128xf32>
    %div3A_671 = arith.constant 0.399999976 : f32
    %div3A_672 = vector.broadcast %div3A_671 : f32 to vector<400x128xf32>
    %div3A_673 = arith.divf %sub3A_670, %div3A_672 : vector<400x128xf32>
    %mul3A_674 = arith.mulf %div3A_673, %convert_element_type3A_567 : vector<400x128xf32>
    %add3A_675 = arith.addf %mul3A_667, %mul3A_674 : vector<400x128xf32>
    %sub3A_676 = arith.constant -1.000000e+00 : f32
    %sub3A_677 = vector.broadcast %sub3A_676 : f32 to vector<400x128xf32>
    %sub3A_678 = arith.subf %max3A_515, %sub3A_677 : vector<400x128xf32>
    %div3A_679 = arith.constant 0.399999976 : f32
    %div3A_680 = vector.broadcast %div3A_679 : f32 to vector<400x128xf32>
    %div3A_681 = arith.divf %sub3A_678, %div3A_680 : vector<400x128xf32>
    %mul3A_682 = arith.mulf %div3A_681, %convert_element_type3A_567 : vector<400x128xf32>
    %sub3A_683 = arith.constant -0.199999988 : f32
    %sub3A_684 = vector.broadcast %sub3A_683 : f32 to vector<400x128xf32>
    %sub3A_685 = arith.subf %sub3A_684, %max3A_515 : vector<400x128xf32>
    %div3A_686 = arith.constant 0.400000036 : f32
    %div3A_687 = vector.broadcast %div3A_686 : f32 to vector<400x128xf32>
    %div3A_688 = arith.divf %sub3A_685, %div3A_687 : vector<400x128xf32>
    %mul3A_689 = arith.mulf %div3A_688, %convert_element_type3A_576 : vector<400x128xf32>
    %add3A_690 = arith.addf %mul3A_682, %mul3A_689 : vector<400x128xf32>
    %sub3A_691 = arith.constant -6.000000e-01 : f32
    %sub3A_692 = vector.broadcast %sub3A_691 : f32 to vector<400x128xf32>
    %sub3A_693 = arith.subf %max3A_515, %sub3A_692 : vector<400x128xf32>
    %div3A_694 = arith.constant 0.400000036 : f32
    %div3A_695 = vector.broadcast %div3A_694 : f32 to vector<400x128xf32>
    %div3A_696 = arith.divf %sub3A_693, %div3A_695 : vector<400x128xf32>
    %mul3A_697 = arith.mulf %div3A_696, %convert_element_type3A_576 : vector<400x128xf32>
    %sub3A_698 = arith.constant 0.200000048 : f32
    %sub3A_699 = vector.broadcast %sub3A_698 : f32 to vector<400x128xf32>
    %sub3A_700 = arith.subf %sub3A_699, %max3A_515 : vector<400x128xf32>
    %div3A_701 = arith.constant 0.400000036 : f32
    %div3A_702 = vector.broadcast %div3A_701 : f32 to vector<400x128xf32>
    %div3A_703 = arith.divf %sub3A_700, %div3A_702 : vector<400x128xf32>
    %mul3A_704 = arith.mulf %div3A_703, %convert_element_type3A_585 : vector<400x128xf32>
    %add3A_705 = arith.addf %mul3A_697, %mul3A_704 : vector<400x128xf32>
    %sub3A_706 = arith.constant -0.199999988 : f32
    %sub3A_707 = vector.broadcast %sub3A_706 : f32 to vector<400x128xf32>
    %sub3A_708 = arith.subf %max3A_515, %sub3A_707 : vector<400x128xf32>
    %div3A_709 = arith.constant 0.400000036 : f32
    %div3A_710 = vector.broadcast %div3A_709 : f32 to vector<400x128xf32>
    %div3A_711 = arith.divf %sub3A_708, %div3A_710 : vector<400x128xf32>
    %mul3A_712 = arith.mulf %div3A_711, %convert_element_type3A_585 : vector<400x128xf32>
    %sub3A_713 = arith.constant 6.000000e-01 : f32
    %sub3A_714 = vector.broadcast %sub3A_713 : f32 to vector<400x128xf32>
    %sub3A_715 = arith.subf %sub3A_714, %max3A_515 : vector<400x128xf32>
    %div3A_716 = arith.constant 0.399999976 : f32
    %div3A_717 = vector.broadcast %div3A_716 : f32 to vector<400x128xf32>
    %div3A_718 = arith.divf %sub3A_715, %div3A_717 : vector<400x128xf32>
    %mul3A_719 = arith.mulf %div3A_718, %convert_element_type3A_594 : vector<400x128xf32>
    %add3A_720 = arith.addf %mul3A_712, %mul3A_719 : vector<400x128xf32>
    %sub3A_721 = arith.constant 0.200000048 : f32
    %sub3A_722 = vector.broadcast %sub3A_721 : f32 to vector<400x128xf32>
    %sub3A_723 = arith.subf %max3A_515, %sub3A_722 : vector<400x128xf32>
    %div3A_724 = arith.constant 0.399999976 : f32
    %div3A_725 = vector.broadcast %div3A_724 : f32 to vector<400x128xf32>
    %div3A_726 = arith.divf %sub3A_723, %div3A_725 : vector<400x128xf32>
    %mul3A_727 = arith.mulf %div3A_726, %convert_element_type3A_594 : vector<400x128xf32>
    %sub3A_728 = arith.constant 1.000000e+00 : f32
    %sub3A_729 = vector.broadcast %sub3A_728 : f32 to vector<400x128xf32>
    %sub3A_730 = arith.subf %sub3A_729, %max3A_515 : vector<400x128xf32>
    %div3A_731 = arith.constant 0.399999976 : f32
    %div3A_732 = vector.broadcast %div3A_731 : f32 to vector<400x128xf32>
    %div3A_733 = arith.divf %sub3A_730, %div3A_732 : vector<400x128xf32>
    %mul3A_734 = arith.mulf %div3A_733, %convert_element_type3A_603 : vector<400x128xf32>
    %add3A_735 = arith.addf %mul3A_727, %mul3A_734 : vector<400x128xf32>
    %sub3A_736 = arith.constant 6.000000e-01 : f32
    %sub3A_737 = vector.broadcast %sub3A_736 : f32 to vector<400x128xf32>
    %sub3A_738 = arith.subf %max3A_515, %sub3A_737 : vector<400x128xf32>
    %div3A_739 = arith.constant 0.399999976 : f32
    %div3A_740 = vector.broadcast %div3A_739 : f32 to vector<400x128xf32>
    %div3A_741 = arith.divf %sub3A_738, %div3A_740 : vector<400x128xf32>
    %mul3A_742 = arith.mulf %div3A_741, %convert_element_type3A_603 : vector<400x128xf32>
    %sub3A_743 = arith.constant 1.4000001 : f32
    %sub3A_744 = vector.broadcast %sub3A_743 : f32 to vector<400x128xf32>
    %sub3A_745 = arith.subf %sub3A_744, %max3A_515 : vector<400x128xf32>
    %div3A_746 = arith.constant 0.400000095 : f32
    %div3A_747 = vector.broadcast %div3A_746 : f32 to vector<400x128xf32>
    %div3A_748 = arith.divf %sub3A_745, %div3A_747 : vector<400x128xf32>
    %mul3A_749 = arith.mulf %div3A_748, %convert_element_type3A_612 : vector<400x128xf32>
    %add3A_750 = arith.addf %mul3A_742, %mul3A_749 : vector<400x128xf32>
    %sub3A_751 = arith.constant 1.000000e+00 : f32
    %sub3A_752 = vector.broadcast %sub3A_751 : f32 to vector<400x128xf32>
    %sub3A_753 = arith.subf %max3A_515, %sub3A_752 : vector<400x128xf32>
    %div3A_754 = arith.constant 0.400000095 : f32
    %div3A_755 = vector.broadcast %div3A_754 : f32 to vector<400x128xf32>
    %div3A_756 = arith.divf %sub3A_753, %div3A_755 : vector<400x128xf32>
    %mul3A_757 = arith.mulf %div3A_756, %convert_element_type3A_612 : vector<400x128xf32>
    %sub3A_758 = arith.constant 1.800000e+00 : f32
    %sub3A_759 = vector.broadcast %sub3A_758 : f32 to vector<400x128xf32>
    %sub3A_760 = arith.subf %sub3A_759, %max3A_515 : vector<400x128xf32>
    %div3A_761 = arith.constant 0.399999857 : f32
    %div3A_762 = vector.broadcast %div3A_761 : f32 to vector<400x128xf32>
    %div3A_763 = arith.divf %sub3A_760, %div3A_762 : vector<400x128xf32>
    %mul3A_764 = arith.mulf %div3A_763, %convert_element_type3A_621 : vector<400x128xf32>
    %add3A_765 = arith.addf %mul3A_757, %mul3A_764 : vector<400x128xf32>
    %sub3A_766 = arith.constant 1.4000001 : f32
    %sub3A_767 = vector.broadcast %sub3A_766 : f32 to vector<400x128xf32>
    %sub3A_768 = arith.subf %max3A_515, %sub3A_767 : vector<400x128xf32>
    %div3A_769 = arith.constant 0.399999857 : f32
    %div3A_770 = vector.broadcast %div3A_769 : f32 to vector<400x128xf32>
    %div3A_771 = arith.divf %sub3A_768, %div3A_770 : vector<400x128xf32>
    %mul3A_772 = arith.mulf %div3A_771, %convert_element_type3A_621 : vector<400x128xf32>
    %sub3A_773 = arith.constant 2.200000e+00 : f32
    %sub3A_774 = vector.broadcast %sub3A_773 : f32 to vector<400x128xf32>
    %sub3A_775 = arith.subf %sub3A_774, %max3A_515 : vector<400x128xf32>
    %div3A_776 = arith.constant 0.400000095 : f32
    %div3A_777 = vector.broadcast %div3A_776 : f32 to vector<400x128xf32>
    %div3A_778 = arith.divf %sub3A_775, %div3A_777 : vector<400x128xf32>
    %mul3A_779 = arith.mulf %div3A_778, %convert_element_type3A_630 : vector<400x128xf32>
    %add3A_780 = arith.addf %mul3A_772, %mul3A_779 : vector<400x128xf32>
    %sub3A_781 = arith.constant -2.200000e+00 : f32
    %sub3A_782 = vector.broadcast %sub3A_781 : f32 to vector<400x128xf32>
    %sub3A_783 = arith.subf %max3A_515, %sub3A_782 : vector<400x128xf32>
    %div3A_784 = arith.constant 0.800000071 : f32
    %div3A_785 = vector.broadcast %div3A_784 : f32 to vector<400x128xf32>
    %div3A_786 = arith.divf %sub3A_783, %div3A_785 : vector<400x128xf32>
    %mul3A_787 = arith.mulf %div3A_786, %add3A_645 : vector<400x128xf32>
    %sub3A_788 = arith.constant -1.000000e+00 : f32
    %sub3A_789 = vector.broadcast %sub3A_788 : f32 to vector<400x128xf32>
    %sub3A_790 = arith.subf %sub3A_789, %max3A_515 : vector<400x128xf32>
    %div3A_791 = arith.constant 0.799999952 : f32
    %div3A_792 = vector.broadcast %div3A_791 : f32 to vector<400x128xf32>
    %div3A_793 = arith.divf %sub3A_790, %div3A_792 : vector<400x128xf32>
    %mul3A_794 = arith.mulf %div3A_793, %add3A_660 : vector<400x128xf32>
    %add3A_795 = arith.addf %mul3A_787, %mul3A_794 : vector<400x128xf32>
    %sub3A_796 = arith.constant -1.800000e+00 : f32
    %sub3A_797 = vector.broadcast %sub3A_796 : f32 to vector<400x128xf32>
    %sub3A_798 = arith.subf %max3A_515, %sub3A_797 : vector<400x128xf32>
    %div3A_799 = arith.constant 0.799999952 : f32
    %div3A_800 = vector.broadcast %div3A_799 : f32 to vector<400x128xf32>
    %div3A_801 = arith.divf %sub3A_798, %div3A_800 : vector<400x128xf32>
    %mul3A_802 = arith.mulf %div3A_801, %add3A_660 : vector<400x128xf32>
    %sub3A_803 = arith.constant -6.000000e-01 : f32
    %sub3A_804 = vector.broadcast %sub3A_803 : f32 to vector<400x128xf32>
    %sub3A_805 = arith.subf %sub3A_804, %max3A_515 : vector<400x128xf32>
    %div3A_806 = arith.constant 0.799999952 : f32
    %div3A_807 = vector.broadcast %div3A_806 : f32 to vector<400x128xf32>
    %div3A_808 = arith.divf %sub3A_805, %div3A_807 : vector<400x128xf32>
    %mul3A_809 = arith.mulf %div3A_808, %add3A_675 : vector<400x128xf32>
    %add3A_810 = arith.addf %mul3A_802, %mul3A_809 : vector<400x128xf32>
    %sub3A_811 = arith.constant -1.400000e+00 : f32
    %sub3A_812 = vector.broadcast %sub3A_811 : f32 to vector<400x128xf32>
    %sub3A_813 = arith.subf %max3A_515, %sub3A_812 : vector<400x128xf32>
    %div3A_814 = arith.constant 0.799999952 : f32
    %div3A_815 = vector.broadcast %div3A_814 : f32 to vector<400x128xf32>
    %div3A_816 = arith.divf %sub3A_813, %div3A_815 : vector<400x128xf32>
    %mul3A_817 = arith.mulf %div3A_816, %add3A_675 : vector<400x128xf32>
    %sub3A_818 = arith.constant -0.199999988 : f32
    %sub3A_819 = vector.broadcast %sub3A_818 : f32 to vector<400x128xf32>
    %sub3A_820 = arith.subf %sub3A_819, %max3A_515 : vector<400x128xf32>
    %div3A_821 = arith.constant 8.000000e-01 : f32
    %div3A_822 = vector.broadcast %div3A_821 : f32 to vector<400x128xf32>
    %div3A_823 = arith.divf %sub3A_820, %div3A_822 : vector<400x128xf32>
    %mul3A_824 = arith.mulf %div3A_823, %add3A_690 : vector<400x128xf32>
    %add3A_825 = arith.addf %mul3A_817, %mul3A_824 : vector<400x128xf32>
    %sub3A_826 = arith.constant -1.000000e+00 : f32
    %sub3A_827 = vector.broadcast %sub3A_826 : f32 to vector<400x128xf32>
    %sub3A_828 = arith.subf %max3A_515, %sub3A_827 : vector<400x128xf32>
    %div3A_829 = arith.constant 8.000000e-01 : f32
    %div3A_830 = vector.broadcast %div3A_829 : f32 to vector<400x128xf32>
    %div3A_831 = arith.divf %sub3A_828, %div3A_830 : vector<400x128xf32>
    %mul3A_832 = arith.mulf %div3A_831, %add3A_690 : vector<400x128xf32>
    %sub3A_833 = arith.constant 0.200000048 : f32
    %sub3A_834 = vector.broadcast %sub3A_833 : f32 to vector<400x128xf32>
    %sub3A_835 = arith.subf %sub3A_834, %max3A_515 : vector<400x128xf32>
    %div3A_836 = arith.constant 0.800000071 : f32
    %div3A_837 = vector.broadcast %div3A_836 : f32 to vector<400x128xf32>
    %div3A_838 = arith.divf %sub3A_835, %div3A_837 : vector<400x128xf32>
    %mul3A_839 = arith.mulf %div3A_838, %add3A_705 : vector<400x128xf32>
    %add3A_840 = arith.addf %mul3A_832, %mul3A_839 : vector<400x128xf32>
    %sub3A_841 = arith.constant -6.000000e-01 : f32
    %sub3A_842 = vector.broadcast %sub3A_841 : f32 to vector<400x128xf32>
    %sub3A_843 = arith.subf %max3A_515, %sub3A_842 : vector<400x128xf32>
    %div3A_844 = arith.constant 0.800000071 : f32
    %div3A_845 = vector.broadcast %div3A_844 : f32 to vector<400x128xf32>
    %div3A_846 = arith.divf %sub3A_843, %div3A_845 : vector<400x128xf32>
    %mul3A_847 = arith.mulf %div3A_846, %add3A_705 : vector<400x128xf32>
    %sub3A_848 = arith.constant 6.000000e-01 : f32
    %sub3A_849 = vector.broadcast %sub3A_848 : f32 to vector<400x128xf32>
    %sub3A_850 = arith.subf %sub3A_849, %max3A_515 : vector<400x128xf32>
    %div3A_851 = arith.constant 8.000000e-01 : f32
    %div3A_852 = vector.broadcast %div3A_851 : f32 to vector<400x128xf32>
    %div3A_853 = arith.divf %sub3A_850, %div3A_852 : vector<400x128xf32>
    %mul3A_854 = arith.mulf %div3A_853, %add3A_720 : vector<400x128xf32>
    %add3A_855 = arith.addf %mul3A_847, %mul3A_854 : vector<400x128xf32>
    %sub3A_856 = arith.constant -0.199999988 : f32
    %sub3A_857 = vector.broadcast %sub3A_856 : f32 to vector<400x128xf32>
    %sub3A_858 = arith.subf %max3A_515, %sub3A_857 : vector<400x128xf32>
    %div3A_859 = arith.constant 8.000000e-01 : f32
    %div3A_860 = vector.broadcast %div3A_859 : f32 to vector<400x128xf32>
    %div3A_861 = arith.divf %sub3A_858, %div3A_860 : vector<400x128xf32>
    %mul3A_862 = arith.mulf %div3A_861, %add3A_720 : vector<400x128xf32>
    %sub3A_863 = arith.constant 1.000000e+00 : f32
    %sub3A_864 = vector.broadcast %sub3A_863 : f32 to vector<400x128xf32>
    %sub3A_865 = arith.subf %sub3A_864, %max3A_515 : vector<400x128xf32>
    %div3A_866 = arith.constant 0.799999952 : f32
    %div3A_867 = vector.broadcast %div3A_866 : f32 to vector<400x128xf32>
    %div3A_868 = arith.divf %sub3A_865, %div3A_867 : vector<400x128xf32>
    %mul3A_869 = arith.mulf %div3A_868, %add3A_735 : vector<400x128xf32>
    %add3A_870 = arith.addf %mul3A_862, %mul3A_869 : vector<400x128xf32>
    %sub3A_871 = arith.constant 0.200000048 : f32
    %sub3A_872 = vector.broadcast %sub3A_871 : f32 to vector<400x128xf32>
    %sub3A_873 = arith.subf %max3A_515, %sub3A_872 : vector<400x128xf32>
    %div3A_874 = arith.constant 0.799999952 : f32
    %div3A_875 = vector.broadcast %div3A_874 : f32 to vector<400x128xf32>
    %div3A_876 = arith.divf %sub3A_873, %div3A_875 : vector<400x128xf32>
    %mul3A_877 = arith.mulf %div3A_876, %add3A_735 : vector<400x128xf32>
    %sub3A_878 = arith.constant 1.4000001 : f32
    %sub3A_879 = vector.broadcast %sub3A_878 : f32 to vector<400x128xf32>
    %sub3A_880 = arith.subf %sub3A_879, %max3A_515 : vector<400x128xf32>
    %div3A_881 = arith.constant 0.800000071 : f32
    %div3A_882 = vector.broadcast %div3A_881 : f32 to vector<400x128xf32>
    %div3A_883 = arith.divf %sub3A_880, %div3A_882 : vector<400x128xf32>
    %mul3A_884 = arith.mulf %div3A_883, %add3A_750 : vector<400x128xf32>
    %add3A_885 = arith.addf %mul3A_877, %mul3A_884 : vector<400x128xf32>
    %sub3A_886 = arith.constant 6.000000e-01 : f32
    %sub3A_887 = vector.broadcast %sub3A_886 : f32 to vector<400x128xf32>
    %sub3A_888 = arith.subf %max3A_515, %sub3A_887 : vector<400x128xf32>
    %div3A_889 = arith.constant 0.800000071 : f32
    %div3A_890 = vector.broadcast %div3A_889 : f32 to vector<400x128xf32>
    %div3A_891 = arith.divf %sub3A_888, %div3A_890 : vector<400x128xf32>
    %mul3A_892 = arith.mulf %div3A_891, %add3A_750 : vector<400x128xf32>
    %sub3A_893 = arith.constant 1.800000e+00 : f32
    %sub3A_894 = vector.broadcast %sub3A_893 : f32 to vector<400x128xf32>
    %sub3A_895 = arith.subf %sub3A_894, %max3A_515 : vector<400x128xf32>
    %div3A_896 = arith.constant 0.799999952 : f32
    %div3A_897 = vector.broadcast %div3A_896 : f32 to vector<400x128xf32>
    %div3A_898 = arith.divf %sub3A_895, %div3A_897 : vector<400x128xf32>
    %mul3A_899 = arith.mulf %div3A_898, %add3A_765 : vector<400x128xf32>
    %add3A_900 = arith.addf %mul3A_892, %mul3A_899 : vector<400x128xf32>
    %sub3A_901 = arith.constant 1.000000e+00 : f32
    %sub3A_902 = vector.broadcast %sub3A_901 : f32 to vector<400x128xf32>
    %sub3A_903 = arith.subf %max3A_515, %sub3A_902 : vector<400x128xf32>
    %div3A_904 = arith.constant 0.799999952 : f32
    %div3A_905 = vector.broadcast %div3A_904 : f32 to vector<400x128xf32>
    %div3A_906 = arith.divf %sub3A_903, %div3A_905 : vector<400x128xf32>
    %mul3A_907 = arith.mulf %div3A_906, %add3A_765 : vector<400x128xf32>
    %sub3A_908 = arith.constant 2.200000e+00 : f32
    %sub3A_909 = vector.broadcast %sub3A_908 : f32 to vector<400x128xf32>
    %sub3A_910 = arith.subf %sub3A_909, %max3A_515 : vector<400x128xf32>
    %div3A_911 = arith.constant 0.799999952 : f32
    %div3A_912 = vector.broadcast %div3A_911 : f32 to vector<400x128xf32>
    %div3A_913 = arith.divf %sub3A_910, %div3A_912 : vector<400x128xf32>
    %mul3A_914 = arith.mulf %div3A_913, %add3A_780 : vector<400x128xf32>
    %add3A_915 = arith.addf %mul3A_907, %mul3A_914 : vector<400x128xf32>
    %sub3A_916 = arith.constant -2.200000e+00 : f32
    %sub3A_917 = vector.broadcast %sub3A_916 : f32 to vector<400x128xf32>
    %sub3A_918 = arith.subf %max3A_515, %sub3A_917 : vector<400x128xf32>
    %div3A_919 = arith.constant 1.200000e+00 : f32
    %div3A_920 = vector.broadcast %div3A_919 : f32 to vector<400x128xf32>
    %div3A_921 = arith.divf %sub3A_918, %div3A_920 : vector<400x128xf32>
    %mul3A_922 = arith.mulf %div3A_921, %add3A_795 : vector<400x128xf32>
    %sub3A_923 = arith.constant -6.000000e-01 : f32
    %sub3A_924 = vector.broadcast %sub3A_923 : f32 to vector<400x128xf32>
    %sub3A_925 = arith.subf %sub3A_924, %max3A_515 : vector<400x128xf32>
    %div3A_926 = arith.constant 1.19999993 : f32
    %div3A_927 = vector.broadcast %div3A_926 : f32 to vector<400x128xf32>
    %div3A_928 = arith.divf %sub3A_925, %div3A_927 : vector<400x128xf32>
    %mul3A_929 = arith.mulf %div3A_928, %add3A_810 : vector<400x128xf32>
    %add3A_930 = arith.addf %mul3A_922, %mul3A_929 : vector<400x128xf32>
    %sub3A_931 = arith.constant -1.800000e+00 : f32
    %sub3A_932 = vector.broadcast %sub3A_931 : f32 to vector<400x128xf32>
    %sub3A_933 = arith.subf %max3A_515, %sub3A_932 : vector<400x128xf32>
    %div3A_934 = arith.constant 1.19999993 : f32
    %div3A_935 = vector.broadcast %div3A_934 : f32 to vector<400x128xf32>
    %div3A_936 = arith.divf %sub3A_933, %div3A_935 : vector<400x128xf32>
    %mul3A_937 = arith.mulf %div3A_936, %add3A_810 : vector<400x128xf32>
    %sub3A_938 = arith.constant -0.199999988 : f32
    %sub3A_939 = vector.broadcast %sub3A_938 : f32 to vector<400x128xf32>
    %sub3A_940 = arith.subf %sub3A_939, %max3A_515 : vector<400x128xf32>
    %div3A_941 = arith.constant 1.200000e+00 : f32
    %div3A_942 = vector.broadcast %div3A_941 : f32 to vector<400x128xf32>
    %div3A_943 = arith.divf %sub3A_940, %div3A_942 : vector<400x128xf32>
    %mul3A_944 = arith.mulf %div3A_943, %add3A_825 : vector<400x128xf32>
    %add3A_945 = arith.addf %mul3A_937, %mul3A_944 : vector<400x128xf32>
    %sub3A_946 = arith.constant -1.400000e+00 : f32
    %sub3A_947 = vector.broadcast %sub3A_946 : f32 to vector<400x128xf32>
    %sub3A_948 = arith.subf %max3A_515, %sub3A_947 : vector<400x128xf32>
    %div3A_949 = arith.constant 1.200000e+00 : f32
    %div3A_950 = vector.broadcast %div3A_949 : f32 to vector<400x128xf32>
    %div3A_951 = arith.divf %sub3A_948, %div3A_950 : vector<400x128xf32>
    %mul3A_952 = arith.mulf %div3A_951, %add3A_825 : vector<400x128xf32>
    %sub3A_953 = arith.constant 0.200000048 : f32
    %sub3A_954 = vector.broadcast %sub3A_953 : f32 to vector<400x128xf32>
    %sub3A_955 = arith.subf %sub3A_954, %max3A_515 : vector<400x128xf32>
    %div3A_956 = arith.constant 1.200000e+00 : f32
    %div3A_957 = vector.broadcast %div3A_956 : f32 to vector<400x128xf32>
    %div3A_958 = arith.divf %sub3A_955, %div3A_957 : vector<400x128xf32>
    %mul3A_959 = arith.mulf %div3A_958, %add3A_840 : vector<400x128xf32>
    %add3A_960 = arith.addf %mul3A_952, %mul3A_959 : vector<400x128xf32>
    %sub3A_961 = arith.constant -1.000000e+00 : f32
    %sub3A_962 = vector.broadcast %sub3A_961 : f32 to vector<400x128xf32>
    %sub3A_963 = arith.subf %max3A_515, %sub3A_962 : vector<400x128xf32>
    %div3A_964 = arith.constant 1.200000e+00 : f32
    %div3A_965 = vector.broadcast %div3A_964 : f32 to vector<400x128xf32>
    %div3A_966 = arith.divf %sub3A_963, %div3A_965 : vector<400x128xf32>
    %mul3A_967 = arith.mulf %div3A_966, %add3A_840 : vector<400x128xf32>
    %sub3A_968 = arith.constant 6.000000e-01 : f32
    %sub3A_969 = vector.broadcast %sub3A_968 : f32 to vector<400x128xf32>
    %sub3A_970 = arith.subf %sub3A_969, %max3A_515 : vector<400x128xf32>
    %div3A_971 = arith.constant 1.200000e+00 : f32
    %div3A_972 = vector.broadcast %div3A_971 : f32 to vector<400x128xf32>
    %div3A_973 = arith.divf %sub3A_970, %div3A_972 : vector<400x128xf32>
    %mul3A_974 = arith.mulf %div3A_973, %add3A_855 : vector<400x128xf32>
    %add3A_975 = arith.addf %mul3A_967, %mul3A_974 : vector<400x128xf32>
    %sub3A_976 = arith.constant -6.000000e-01 : f32
    %sub3A_977 = vector.broadcast %sub3A_976 : f32 to vector<400x128xf32>
    %sub3A_978 = arith.subf %max3A_515, %sub3A_977 : vector<400x128xf32>
    %div3A_979 = arith.constant 1.200000e+00 : f32
    %div3A_980 = vector.broadcast %div3A_979 : f32 to vector<400x128xf32>
    %div3A_981 = arith.divf %sub3A_978, %div3A_980 : vector<400x128xf32>
    %mul3A_982 = arith.mulf %div3A_981, %add3A_855 : vector<400x128xf32>
    %sub3A_983 = arith.constant 1.000000e+00 : f32
    %sub3A_984 = vector.broadcast %sub3A_983 : f32 to vector<400x128xf32>
    %sub3A_985 = arith.subf %sub3A_984, %max3A_515 : vector<400x128xf32>
    %div3A_986 = arith.constant 1.200000e+00 : f32
    %div3A_987 = vector.broadcast %div3A_986 : f32 to vector<400x128xf32>
    %div3A_988 = arith.divf %sub3A_985, %div3A_987 : vector<400x128xf32>
    %mul3A_989 = arith.mulf %div3A_988, %add3A_870 : vector<400x128xf32>
    %add3A_990 = arith.addf %mul3A_982, %mul3A_989 : vector<400x128xf32>
    %sub3A_991 = arith.constant -0.199999988 : f32
    %sub3A_992 = vector.broadcast %sub3A_991 : f32 to vector<400x128xf32>
    %sub3A_993 = arith.subf %max3A_515, %sub3A_992 : vector<400x128xf32>
    %div3A_994 = arith.constant 1.200000e+00 : f32
    %div3A_995 = vector.broadcast %div3A_994 : f32 to vector<400x128xf32>
    %div3A_996 = arith.divf %sub3A_993, %div3A_995 : vector<400x128xf32>
    %mul3A_997 = arith.mulf %div3A_996, %add3A_870 : vector<400x128xf32>
    %sub3A_998 = arith.constant 1.4000001 : f32
    %sub3A_999 = vector.broadcast %sub3A_998 : f32 to vector<400x128xf32>
    %sub3A_1000 = arith.subf %sub3A_999, %max3A_515 : vector<400x128xf32>
    %div3A_1001 = arith.constant 1.200000e+00 : f32
    %div3A_1002 = vector.broadcast %div3A_1001 : f32 to vector<400x128xf32>
    %div3A_1003 = arith.divf %sub3A_1000, %div3A_1002 : vector<400x128xf32>
    %mul3A_1004 = arith.mulf %div3A_1003, %add3A_885 : vector<400x128xf32>
    %add3A_1005 = arith.addf %mul3A_997, %mul3A_1004 : vector<400x128xf32>
    %sub3A_1006 = arith.constant 0.200000048 : f32
    %sub3A_1007 = vector.broadcast %sub3A_1006 : f32 to vector<400x128xf32>
    %sub3A_1008 = arith.subf %max3A_515, %sub3A_1007 : vector<400x128xf32>
    %div3A_1009 = arith.constant 1.200000e+00 : f32
    %div3A_1010 = vector.broadcast %div3A_1009 : f32 to vector<400x128xf32>
    %div3A_1011 = arith.divf %sub3A_1008, %div3A_1010 : vector<400x128xf32>
    %mul3A_1012 = arith.mulf %div3A_1011, %add3A_885 : vector<400x128xf32>
    %sub3A_1013 = arith.constant 1.800000e+00 : f32
    %sub3A_1014 = vector.broadcast %sub3A_1013 : f32 to vector<400x128xf32>
    %sub3A_1015 = arith.subf %sub3A_1014, %max3A_515 : vector<400x128xf32>
    %div3A_1016 = arith.constant 1.19999993 : f32
    %div3A_1017 = vector.broadcast %div3A_1016 : f32 to vector<400x128xf32>
    %div3A_1018 = arith.divf %sub3A_1015, %div3A_1017 : vector<400x128xf32>
    %mul3A_1019 = arith.mulf %div3A_1018, %add3A_900 : vector<400x128xf32>
    %add3A_1020 = arith.addf %mul3A_1012, %mul3A_1019 : vector<400x128xf32>
    %sub3A_1021 = arith.constant 6.000000e-01 : f32
    %sub3A_1022 = vector.broadcast %sub3A_1021 : f32 to vector<400x128xf32>
    %sub3A_1023 = arith.subf %max3A_515, %sub3A_1022 : vector<400x128xf32>
    %div3A_1024 = arith.constant 1.19999993 : f32
    %div3A_1025 = vector.broadcast %div3A_1024 : f32 to vector<400x128xf32>
    %div3A_1026 = arith.divf %sub3A_1023, %div3A_1025 : vector<400x128xf32>
    %mul3A_1027 = arith.mulf %div3A_1026, %add3A_900 : vector<400x128xf32>
    %sub3A_1028 = arith.constant 2.200000e+00 : f32
    %sub3A_1029 = vector.broadcast %sub3A_1028 : f32 to vector<400x128xf32>
    %sub3A_1030 = arith.subf %sub3A_1029, %max3A_515 : vector<400x128xf32>
    %div3A_1031 = arith.constant 1.200000e+00 : f32
    %div3A_1032 = vector.broadcast %div3A_1031 : f32 to vector<400x128xf32>
    %div3A_1033 = arith.divf %sub3A_1030, %div3A_1032 : vector<400x128xf32>
    %mul3A_1034 = arith.mulf %div3A_1033, %add3A_915 : vector<400x128xf32>
    %add3A_1035 = arith.addf %mul3A_1027, %mul3A_1034 : vector<400x128xf32>
    %slice3A = vector.extract_strided_slice %get3A_521 {offsets = [0, 0], sizes = [1, 128], strides = [1, 1]} : vector<8x128xf32> to vector<1x128xf32>
    %mul3A_1036 = vector.broadcast %slice3A : vector<1x128xf32> to vector<400x128xf32>
    %mul3A_1037 = arith.mulf %add3A_930, %mul3A_1036 : vector<400x128xf32>
    %reduce_sum3A_1038 = arith.constant dense<0.000000e+00> : vector<400xf32>
    %reduce_sum3A_1039 = vector.multi_reduction <add>, %mul3A_1037, %reduce_sum3A_1038 [1] : vector<400x128xf32> to vector<400xf32>
    %broadcast_in_dim3A_1040 = vector.shape_cast %reduce_sum3A_1039 : vector<400xf32> to vector<400x1xf32>
    %add3A_1041 = arith.addf %broadcast_in_dim3A, %broadcast_in_dim3A_1040 : vector<400x1xf32>
    %slice3A_1042 = vector.extract_strided_slice %get3A_521 {offsets = [1, 0], sizes = [1, 128], strides = [1, 1]} : vector<8x128xf32> to vector<1x128xf32>
    %mul3A_1043 = vector.broadcast %slice3A_1042 : vector<1x128xf32> to vector<400x128xf32>
    %mul3A_1044 = arith.mulf %add3A_945, %mul3A_1043 : vector<400x128xf32>
    %reduce_sum3A_1045 = arith.constant dense<0.000000e+00> : vector<400xf32>
    %reduce_sum3A_1046 = vector.multi_reduction <add>, %mul3A_1044, %reduce_sum3A_1045 [1] : vector<400x128xf32> to vector<400xf32>
    %broadcast_in_dim3A_1047 = vector.shape_cast %reduce_sum3A_1046 : vector<400xf32> to vector<400x1xf32>
    %add3A_1048 = arith.addf %add3A_1041, %broadcast_in_dim3A_1047 : vector<400x1xf32>
    %slice3A_1049 = vector.extract_strided_slice %get3A_521 {offsets = [2, 0], sizes = [1, 128], strides = [1, 1]} : vector<8x128xf32> to vector<1x128xf32>
    %mul3A_1050 = vector.broadcast %slice3A_1049 : vector<1x128xf32> to vector<400x128xf32>
    %mul3A_1051 = arith.mulf %add3A_960, %mul3A_1050 : vector<400x128xf32>
    %reduce_sum3A_1052 = arith.constant dense<0.000000e+00> : vector<400xf32>
    %reduce_sum3A_1053 = vector.multi_reduction <add>, %mul3A_1051, %reduce_sum3A_1052 [1] : vector<400x128xf32> to vector<400xf32>
    %broadcast_in_dim3A_1054 = vector.shape_cast %reduce_sum3A_1053 : vector<400xf32> to vector<400x1xf32>
    %add3A_1055 = arith.addf %add3A_1048, %broadcast_in_dim3A_1054 : vector<400x1xf32>
    %slice3A_1056 = vector.extract_strided_slice %get3A_521 {offsets = [3, 0], sizes = [1, 128], strides = [1, 1]} : vector<8x128xf32> to vector<1x128xf32>
    %mul3A_1057 = vector.broadcast %slice3A_1056 : vector<1x128xf32> to vector<400x128xf32>
    %mul3A_1058 = arith.mulf %add3A_975, %mul3A_1057 : vector<400x128xf32>
    %reduce_sum3A_1059 = arith.constant dense<0.000000e+00> : vector<400xf32>
    %reduce_sum3A_1060 = vector.multi_reduction <add>, %mul3A_1058, %reduce_sum3A_1059 [1] : vector<400x128xf32> to vector<400xf32>
    %broadcast_in_dim3A_1061 = vector.shape_cast %reduce_sum3A_1060 : vector<400xf32> to vector<400x1xf32>
    %add3A_1062 = arith.addf %add3A_1055, %broadcast_in_dim3A_1061 : vector<400x1xf32>
    %slice3A_1063 = vector.extract_strided_slice %get3A_521 {offsets = [4, 0], sizes = [1, 128], strides = [1, 1]} : vector<8x128xf32> to vector<1x128xf32>
    %mul3A_1064 = vector.broadcast %slice3A_1063 : vector<1x128xf32> to vector<400x128xf32>
    %mul3A_1065 = arith.mulf %add3A_990, %mul3A_1064 : vector<400x128xf32>
    %reduce_sum3A_1066 = arith.constant dense<0.000000e+00> : vector<400xf32>
    %reduce_sum3A_1067 = vector.multi_reduction <add>, %mul3A_1065, %reduce_sum3A_1066 [1] : vector<400x128xf32> to vector<400xf32>
    %broadcast_in_dim3A_1068 = vector.shape_cast %reduce_sum3A_1067 : vector<400xf32> to vector<400x1xf32>
    %add3A_1069 = arith.addf %add3A_1062, %broadcast_in_dim3A_1068 : vector<400x1xf32>
    %slice3A_1070 = vector.extract_strided_slice %get3A_521 {offsets = [5, 0], sizes = [1, 128], strides = [1, 1]} : vector<8x128xf32> to vector<1x128xf32>
    %mul3A_1071 = vector.broadcast %slice3A_1070 : vector<1x128xf32> to vector<400x128xf32>
    %mul3A_1072 = arith.mulf %add3A_1005, %mul3A_1071 : vector<400x128xf32>
    %reduce_sum3A_1073 = arith.constant dense<0.000000e+00> : vector<400xf32>
    %reduce_sum3A_1074 = vector.multi_reduction <add>, %mul3A_1072, %reduce_sum3A_1073 [1] : vector<400x128xf32> to vector<400xf32>
    %broadcast_in_dim3A_1075 = vector.shape_cast %reduce_sum3A_1074 : vector<400xf32> to vector<400x1xf32>
    %add3A_1076 = arith.addf %add3A_1069, %broadcast_in_dim3A_1075 : vector<400x1xf32>
    %slice3A_1077 = vector.extract_strided_slice %get3A_521 {offsets = [6, 0], sizes = [1, 128], strides = [1, 1]} : vector<8x128xf32> to vector<1x128xf32>
    %mul3A_1078 = vector.broadcast %slice3A_1077 : vector<1x128xf32> to vector<400x128xf32>
    %mul3A_1079 = arith.mulf %add3A_1020, %mul3A_1078 : vector<400x128xf32>
    %reduce_sum3A_1080 = arith.constant dense<0.000000e+00> : vector<400xf32>
    %reduce_sum3A_1081 = vector.multi_reduction <add>, %mul3A_1079, %reduce_sum3A_1080 [1] : vector<400x128xf32> to vector<400xf32>
    %broadcast_in_dim3A_1082 = vector.shape_cast %reduce_sum3A_1081 : vector<400xf32> to vector<400x1xf32>
    %add3A_1083 = arith.addf %add3A_1076, %broadcast_in_dim3A_1082 : vector<400x1xf32>
    %slice3A_1084 = vector.extract_strided_slice %get3A_521 {offsets = [7, 0], sizes = [1, 128], strides = [1, 1]} : vector<8x128xf32> to vector<1x128xf32>
    %mul3A_1085 = vector.broadcast %slice3A_1084 : vector<1x128xf32> to vector<400x128xf32>
    %mul3A_1086 = arith.mulf %add3A_1035, %mul3A_1085 : vector<400x128xf32>
    %reduce_sum3A_1087 = arith.constant dense<0.000000e+00> : vector<400xf32>
    %reduce_sum3A_1088 = vector.multi_reduction <add>, %mul3A_1086, %reduce_sum3A_1087 [1] : vector<400x128xf32> to vector<400xf32>
    %broadcast_in_dim3A_1089 = vector.shape_cast %reduce_sum3A_1088 : vector<400xf32> to vector<400x1xf32>
    %add3A_1090 = arith.addf %add3A_1083, %broadcast_in_dim3A_1089 : vector<400x1xf32>
    %max3A_1091 = arith.constant 0.000000e+00 : f32
    %max3A_1092 = vector.broadcast %max3A_1091 : f32 to vector<400x1xf32>
    %max3A_1093 = arith.maximumf %add3A_1090, %max3A_1092 : vector<400x1xf32>
    %swap3A = arith.constant 0 : index
    %swap3A_1094 = arith.constant 0 : index
    %swap3A_1095 = vector.load %arg6[%swap3A, %swap3A_1094] : memref<400x1xf32, #tpu.memory_space<vmem>>, vector<400x1xf32>
    tpu.vector_store %arg6[%swap3A, %swap3A_1094], %max3A_1093 {strides = array<i32>} : memref<400x1xf32, #tpu.memory_space<vmem>>, vector<400x1xf32>,
    return
  }
  func.func @transform_0(%arg0: i32) -> (i32, i32) {
    %c0_i32 = arith.constant 0 : i32
    %c0_i32_0 = arith.constant 0 : i32
    return %arg0, %c0_i32 : i32, i32
  }
  func.func @transform_1(%arg0: i32) -> (i32, i32) {
    %c0_i32 = arith.constant 0 : i32
    %c0_i32_0 = arith.constant 0 : i32
    %c0_i32_1 = arith.constant 0 : i32
    return %c0_i32, %c0_i32_0 : i32, i32
  }
  func.func @transform_2(%arg0: i32) -> (i32, i32) {
    %c0_i32 = arith.constant 0 : i32
    %c0_i32_0 = arith.constant 0 : i32
    %c0_i32_1 = arith.constant 0 : i32
    return %c0_i32, %c0_i32_0 : i32, i32
  }
  func.func @transform_3(%arg0: i32) -> (i32, i32) {
    %c0_i32 = arith.constant 0 : i32
    %c0_i32_0 = arith.constant 0 : i32
    %c0_i32_1 = arith.constant 0 : i32
    return %c0_i32, %c0_i32_0 : i32, i32
  }
  func.func @transform_4(%arg0: i32) -> (i32, i32) {
    %c0_i32 = arith.constant 0 : i32
    %c0_i32_0 = arith.constant 0 : i32
    %c0_i32_1 = arith.constant 0 : i32
    return %c0_i32, %c0_i32_0 : i32, i32
  }
  func.func @transform_5(%arg0: i32) -> (i32, i32) {
    %c0_i32 = arith.constant 0 : i32
    %c0_i32_0 = arith.constant 0 : i32
    return %arg0, %c0_i32 : i32, i32
  }
}

module attributes {stable_mosaic.version = 14 : i64} {
  func.func @body(%arg0: i32, %arg1: memref<1000x128xf32, #tpu.memory_space<vmem>>, %arg2: memref<64x128xf32, #tpu.memory_space<vmem>>, %arg3: memref<512x128xf32, #tpu.memory_space<vmem>>, %arg4: memref<1x128xf32, #tpu.memory_space<vmem>>, %arg5: memref<8x128xf32, #tpu.memory_space<vmem>>, %arg6: memref<1000x1xf32, #tpu.memory_space<vmem>>) attributes {dimension_semantics = [#tpu.dimension_semantics<arbitrary>], iteration_bounds = array<i64: 320>, scalar_prefetch = 0 : i64, scratch_operands = 0 : i64, tpu.core_type = #tpu.core_type<tc>, window_params = [{transform_indices = @transform_0, window_bounds = array<i64: 1000, 128>}, {pipeline_mode = #tpu.pipeline_mode<synchronous>, transform_indices = @transform_1, window_bounds = array<i64: 64, 128>}, {pipeline_mode = #tpu.pipeline_mode<synchronous>, transform_indices = @transform_2, window_bounds = array<i64: 512, 128>}, {pipeline_mode = #tpu.pipeline_mode<synchronous>, transform_indices = @transform_3, window_bounds = array<i64: 1, 128>}, {pipeline_mode = #tpu.pipeline_mode<synchronous>, transform_indices = @transform_4, window_bounds = array<i64: 8, 128>}, {transform_indices = @transform_5, window_bounds = array<i64: 1000, 1>}]} {
    %get3A = arith.constant 0 : index
    %get3A_0 = arith.constant 0 : index
    %get3A_1 = vector.load %arg1[%get3A, %get3A_0] : memref<1000x128xf32, #tpu.memory_space<vmem>>, vector<1000x128xf32>
    %slice3A = vector.extract_strided_slice %get3A_1 {offsets = [0, 0], sizes = [1000, 64], strides = [1, 1]} : vector<1000x128xf32> to vector<1000x64xf32>
    %get3A_2 = arith.constant 0 : index
    %get3A_3 = arith.constant 0 : index
    %get3A_4 = vector.load %arg2[%get3A_2, %get3A_3] : memref<64x128xf32, #tpu.memory_space<vmem>>, vector<64x128xf32>
    %get3A_5 = arith.constant 0 : index
    %get3A_6 = arith.constant 0 : index
    %get3A_7 = vector.load %arg3[%get3A_5, %get3A_6] : memref<512x128xf32, #tpu.memory_space<vmem>>, vector<512x128xf32>
    %ge3A = arith.constant -2.200000e+00 : f32
    %ge3A_8 = vector.broadcast %ge3A : f32 to vector<1000x64xf32>
    %ge3A_9 = arith.cmpf oge, %slice3A, %ge3A_8 : vector<1000x64xf32>
    %lt3A = arith.constant -1.800000e+00 : f32
    %lt3A_10 = vector.broadcast %lt3A : f32 to vector<1000x64xf32>
    %lt3A_11 = arith.cmpf olt, %slice3A, %lt3A_10 : vector<1000x64xf32>
    %and3A = arith.andi %ge3A_9, %lt3A_11 : vector<1000x64xi1>
    %convert_element_type3A = arith.extui %and3A : vector<1000x64xi1> to vector<1000x64xi32>
    %convert_element_type3A_12 = arith.sitofp %convert_element_type3A : vector<1000x64xi32> to vector<1000x64xf32>
    %ge3A_13 = arith.constant -1.800000e+00 : f32
    %ge3A_14 = vector.broadcast %ge3A_13 : f32 to vector<1000x64xf32>
    %ge3A_15 = arith.cmpf oge, %slice3A, %ge3A_14 : vector<1000x64xf32>
    %lt3A_16 = arith.constant -1.400000e+00 : f32
    %lt3A_17 = vector.broadcast %lt3A_16 : f32 to vector<1000x64xf32>
    %lt3A_18 = arith.cmpf olt, %slice3A, %lt3A_17 : vector<1000x64xf32>
    %and3A_19 = arith.andi %ge3A_15, %lt3A_18 : vector<1000x64xi1>
    %convert_element_type3A_20 = arith.extui %and3A_19 : vector<1000x64xi1> to vector<1000x64xi32>
    %convert_element_type3A_21 = arith.sitofp %convert_element_type3A_20 : vector<1000x64xi32> to vector<1000x64xf32>
    %ge3A_22 = arith.constant -1.400000e+00 : f32
    %ge3A_23 = vector.broadcast %ge3A_22 : f32 to vector<1000x64xf32>
    %ge3A_24 = arith.cmpf oge, %slice3A, %ge3A_23 : vector<1000x64xf32>
    %lt3A_25 = arith.constant -1.000000e+00 : f32
    %lt3A_26 = vector.broadcast %lt3A_25 : f32 to vector<1000x64xf32>
    %lt3A_27 = arith.cmpf olt, %slice3A, %lt3A_26 : vector<1000x64xf32>
    %and3A_28 = arith.andi %ge3A_24, %lt3A_27 : vector<1000x64xi1>
    %convert_element_type3A_29 = arith.extui %and3A_28 : vector<1000x64xi1> to vector<1000x64xi32>
    %convert_element_type3A_30 = arith.sitofp %convert_element_type3A_29 : vector<1000x64xi32> to vector<1000x64xf32>
    %ge3A_31 = arith.constant -1.000000e+00 : f32
    %ge3A_32 = vector.broadcast %ge3A_31 : f32 to vector<1000x64xf32>
    %ge3A_33 = arith.cmpf oge, %slice3A, %ge3A_32 : vector<1000x64xf32>
    %lt3A_34 = arith.constant -6.000000e-01 : f32
    %lt3A_35 = vector.broadcast %lt3A_34 : f32 to vector<1000x64xf32>
    %lt3A_36 = arith.cmpf olt, %slice3A, %lt3A_35 : vector<1000x64xf32>
    %and3A_37 = arith.andi %ge3A_33, %lt3A_36 : vector<1000x64xi1>
    %convert_element_type3A_38 = arith.extui %and3A_37 : vector<1000x64xi1> to vector<1000x64xi32>
    %convert_element_type3A_39 = arith.sitofp %convert_element_type3A_38 : vector<1000x64xi32> to vector<1000x64xf32>
    %ge3A_40 = arith.constant -6.000000e-01 : f32
    %ge3A_41 = vector.broadcast %ge3A_40 : f32 to vector<1000x64xf32>
    %ge3A_42 = arith.cmpf oge, %slice3A, %ge3A_41 : vector<1000x64xf32>
    %lt3A_43 = arith.constant -0.199999988 : f32
    %lt3A_44 = vector.broadcast %lt3A_43 : f32 to vector<1000x64xf32>
    %lt3A_45 = arith.cmpf olt, %slice3A, %lt3A_44 : vector<1000x64xf32>
    %and3A_46 = arith.andi %ge3A_42, %lt3A_45 : vector<1000x64xi1>
    %convert_element_type3A_47 = arith.extui %and3A_46 : vector<1000x64xi1> to vector<1000x64xi32>
    %convert_element_type3A_48 = arith.sitofp %convert_element_type3A_47 : vector<1000x64xi32> to vector<1000x64xf32>
    %ge3A_49 = arith.constant -0.199999988 : f32
    %ge3A_50 = vector.broadcast %ge3A_49 : f32 to vector<1000x64xf32>
    %ge3A_51 = arith.cmpf oge, %slice3A, %ge3A_50 : vector<1000x64xf32>
    %lt3A_52 = arith.constant 0.200000048 : f32
    %lt3A_53 = vector.broadcast %lt3A_52 : f32 to vector<1000x64xf32>
    %lt3A_54 = arith.cmpf olt, %slice3A, %lt3A_53 : vector<1000x64xf32>
    %and3A_55 = arith.andi %ge3A_51, %lt3A_54 : vector<1000x64xi1>
    %convert_element_type3A_56 = arith.extui %and3A_55 : vector<1000x64xi1> to vector<1000x64xi32>
    %convert_element_type3A_57 = arith.sitofp %convert_element_type3A_56 : vector<1000x64xi32> to vector<1000x64xf32>
    %ge3A_58 = arith.constant 0.200000048 : f32
    %ge3A_59 = vector.broadcast %ge3A_58 : f32 to vector<1000x64xf32>
    %ge3A_60 = arith.cmpf oge, %slice3A, %ge3A_59 : vector<1000x64xf32>
    %lt3A_61 = arith.constant 6.000000e-01 : f32
    %lt3A_62 = vector.broadcast %lt3A_61 : f32 to vector<1000x64xf32>
    %lt3A_63 = arith.cmpf olt, %slice3A, %lt3A_62 : vector<1000x64xf32>
    %and3A_64 = arith.andi %ge3A_60, %lt3A_63 : vector<1000x64xi1>
    %convert_element_type3A_65 = arith.extui %and3A_64 : vector<1000x64xi1> to vector<1000x64xi32>
    %convert_element_type3A_66 = arith.sitofp %convert_element_type3A_65 : vector<1000x64xi32> to vector<1000x64xf32>
    %ge3A_67 = arith.constant 6.000000e-01 : f32
    %ge3A_68 = vector.broadcast %ge3A_67 : f32 to vector<1000x64xf32>
    %ge3A_69 = arith.cmpf oge, %slice3A, %ge3A_68 : vector<1000x64xf32>
    %lt3A_70 = arith.constant 1.000000e+00 : f32
    %lt3A_71 = vector.broadcast %lt3A_70 : f32 to vector<1000x64xf32>
    %lt3A_72 = arith.cmpf olt, %slice3A, %lt3A_71 : vector<1000x64xf32>
    %and3A_73 = arith.andi %ge3A_69, %lt3A_72 : vector<1000x64xi1>
    %convert_element_type3A_74 = arith.extui %and3A_73 : vector<1000x64xi1> to vector<1000x64xi32>
    %convert_element_type3A_75 = arith.sitofp %convert_element_type3A_74 : vector<1000x64xi32> to vector<1000x64xf32>
    %ge3A_76 = arith.constant 1.000000e+00 : f32
    %ge3A_77 = vector.broadcast %ge3A_76 : f32 to vector<1000x64xf32>
    %ge3A_78 = arith.cmpf oge, %slice3A, %ge3A_77 : vector<1000x64xf32>
    %lt3A_79 = arith.constant 1.4000001 : f32
    %lt3A_80 = vector.broadcast %lt3A_79 : f32 to vector<1000x64xf32>
    %lt3A_81 = arith.cmpf olt, %slice3A, %lt3A_80 : vector<1000x64xf32>
    %and3A_82 = arith.andi %ge3A_78, %lt3A_81 : vector<1000x64xi1>
    %convert_element_type3A_83 = arith.extui %and3A_82 : vector<1000x64xi1> to vector<1000x64xi32>
    %convert_element_type3A_84 = arith.sitofp %convert_element_type3A_83 : vector<1000x64xi32> to vector<1000x64xf32>
    %ge3A_85 = arith.constant 1.4000001 : f32
    %ge3A_86 = vector.broadcast %ge3A_85 : f32 to vector<1000x64xf32>
    %ge3A_87 = arith.cmpf oge, %slice3A, %ge3A_86 : vector<1000x64xf32>
    %lt3A_88 = arith.constant 1.800000e+00 : f32
    %lt3A_89 = vector.broadcast %lt3A_88 : f32 to vector<1000x64xf32>
    %lt3A_90 = arith.cmpf olt, %slice3A, %lt3A_89 : vector<1000x64xf32>
    %and3A_91 = arith.andi %ge3A_87, %lt3A_90 : vector<1000x64xi1>
    %convert_element_type3A_92 = arith.extui %and3A_91 : vector<1000x64xi1> to vector<1000x64xi32>
    %convert_element_type3A_93 = arith.sitofp %convert_element_type3A_92 : vector<1000x64xi32> to vector<1000x64xf32>
    %ge3A_94 = arith.constant 1.800000e+00 : f32
    %ge3A_95 = vector.broadcast %ge3A_94 : f32 to vector<1000x64xf32>
    %ge3A_96 = arith.cmpf oge, %slice3A, %ge3A_95 : vector<1000x64xf32>
    %lt3A_97 = arith.constant 2.200000e+00 : f32
    %lt3A_98 = vector.broadcast %lt3A_97 : f32 to vector<1000x64xf32>
    %lt3A_99 = arith.cmpf olt, %slice3A, %lt3A_98 : vector<1000x64xf32>
    %and3A_100 = arith.andi %ge3A_96, %lt3A_99 : vector<1000x64xi1>
    %convert_element_type3A_101 = arith.extui %and3A_100 : vector<1000x64xi1> to vector<1000x64xi32>
    %convert_element_type3A_102 = arith.sitofp %convert_element_type3A_101 : vector<1000x64xi32> to vector<1000x64xf32>
    %sub3A = arith.constant -2.200000e+00 : f32
    %sub3A_103 = vector.broadcast %sub3A : f32 to vector<1000x64xf32>
    %sub3A_104 = arith.subf %slice3A, %sub3A_103 : vector<1000x64xf32>
    %div3A = arith.constant 0.400000095 : f32
    %div3A_105 = vector.broadcast %div3A : f32 to vector<1000x64xf32>
    %div3A_106 = arith.divf %sub3A_104, %div3A_105 : vector<1000x64xf32>
    %mul3A = arith.mulf %div3A_106, %convert_element_type3A_12 : vector<1000x64xf32>
    %sub3A_107 = arith.constant -1.400000e+00 : f32
    %sub3A_108 = vector.broadcast %sub3A_107 : f32 to vector<1000x64xf32>
    %sub3A_109 = arith.subf %sub3A_108, %slice3A : vector<1000x64xf32>
    %div3A_110 = arith.constant 0.399999976 : f32
    %div3A_111 = vector.broadcast %div3A_110 : f32 to vector<1000x64xf32>
    %div3A_112 = arith.divf %sub3A_109, %div3A_111 : vector<1000x64xf32>
    %mul3A_113 = arith.mulf %div3A_112, %convert_element_type3A_21 : vector<1000x64xf32>
    %add3A = arith.addf %mul3A, %mul3A_113 : vector<1000x64xf32>
    %sub3A_114 = arith.constant -1.800000e+00 : f32
    %sub3A_115 = vector.broadcast %sub3A_114 : f32 to vector<1000x64xf32>
    %sub3A_116 = arith.subf %slice3A, %sub3A_115 : vector<1000x64xf32>
    %div3A_117 = arith.constant 0.399999976 : f32
    %div3A_118 = vector.broadcast %div3A_117 : f32 to vector<1000x64xf32>
    %div3A_119 = arith.divf %sub3A_116, %div3A_118 : vector<1000x64xf32>
    %mul3A_120 = arith.mulf %div3A_119, %convert_element_type3A_21 : vector<1000x64xf32>
    %sub3A_121 = arith.constant -1.000000e+00 : f32
    %sub3A_122 = vector.broadcast %sub3A_121 : f32 to vector<1000x64xf32>
    %sub3A_123 = arith.subf %sub3A_122, %slice3A : vector<1000x64xf32>
    %div3A_124 = arith.constant 0.399999976 : f32
    %div3A_125 = vector.broadcast %div3A_124 : f32 to vector<1000x64xf32>
    %div3A_126 = arith.divf %sub3A_123, %div3A_125 : vector<1000x64xf32>
    %mul3A_127 = arith.mulf %div3A_126, %convert_element_type3A_30 : vector<1000x64xf32>
    %add3A_128 = arith.addf %mul3A_120, %mul3A_127 : vector<1000x64xf32>
    %sub3A_129 = arith.constant -1.400000e+00 : f32
    %sub3A_130 = vector.broadcast %sub3A_129 : f32 to vector<1000x64xf32>
    %sub3A_131 = arith.subf %slice3A, %sub3A_130 : vector<1000x64xf32>
    %div3A_132 = arith.constant 0.399999976 : f32
    %div3A_133 = vector.broadcast %div3A_132 : f32 to vector<1000x64xf32>
    %div3A_134 = arith.divf %sub3A_131, %div3A_133 : vector<1000x64xf32>
    %mul3A_135 = arith.mulf %div3A_134, %convert_element_type3A_30 : vector<1000x64xf32>
    %sub3A_136 = arith.constant -6.000000e-01 : f32
    %sub3A_137 = vector.broadcast %sub3A_136 : f32 to vector<1000x64xf32>
    %sub3A_138 = arith.subf %sub3A_137, %slice3A : vector<1000x64xf32>
    %div3A_139 = arith.constant 0.399999976 : f32
    %div3A_140 = vector.broadcast %div3A_139 : f32 to vector<1000x64xf32>
    %div3A_141 = arith.divf %sub3A_138, %div3A_140 : vector<1000x64xf32>
    %mul3A_142 = arith.mulf %div3A_141, %convert_element_type3A_39 : vector<1000x64xf32>
    %add3A_143 = arith.addf %mul3A_135, %mul3A_142 : vector<1000x64xf32>
    %sub3A_144 = arith.constant -1.000000e+00 : f32
    %sub3A_145 = vector.broadcast %sub3A_144 : f32 to vector<1000x64xf32>
    %sub3A_146 = arith.subf %slice3A, %sub3A_145 : vector<1000x64xf32>
    %div3A_147 = arith.constant 0.399999976 : f32
    %div3A_148 = vector.broadcast %div3A_147 : f32 to vector<1000x64xf32>
    %div3A_149 = arith.divf %sub3A_146, %div3A_148 : vector<1000x64xf32>
    %mul3A_150 = arith.mulf %div3A_149, %convert_element_type3A_39 : vector<1000x64xf32>
    %sub3A_151 = arith.constant -0.199999988 : f32
    %sub3A_152 = vector.broadcast %sub3A_151 : f32 to vector<1000x64xf32>
    %sub3A_153 = arith.subf %sub3A_152, %slice3A : vector<1000x64xf32>
    %div3A_154 = arith.constant 0.400000036 : f32
    %div3A_155 = vector.broadcast %div3A_154 : f32 to vector<1000x64xf32>
    %div3A_156 = arith.divf %sub3A_153, %div3A_155 : vector<1000x64xf32>
    %mul3A_157 = arith.mulf %div3A_156, %convert_element_type3A_48 : vector<1000x64xf32>
    %add3A_158 = arith.addf %mul3A_150, %mul3A_157 : vector<1000x64xf32>
    %sub3A_159 = arith.constant -6.000000e-01 : f32
    %sub3A_160 = vector.broadcast %sub3A_159 : f32 to vector<1000x64xf32>
    %sub3A_161 = arith.subf %slice3A, %sub3A_160 : vector<1000x64xf32>
    %div3A_162 = arith.constant 0.400000036 : f32
    %div3A_163 = vector.broadcast %div3A_162 : f32 to vector<1000x64xf32>
    %div3A_164 = arith.divf %sub3A_161, %div3A_163 : vector<1000x64xf32>
    %mul3A_165 = arith.mulf %div3A_164, %convert_element_type3A_48 : vector<1000x64xf32>
    %sub3A_166 = arith.constant 0.200000048 : f32
    %sub3A_167 = vector.broadcast %sub3A_166 : f32 to vector<1000x64xf32>
    %sub3A_168 = arith.subf %sub3A_167, %slice3A : vector<1000x64xf32>
    %div3A_169 = arith.constant 0.400000036 : f32
    %div3A_170 = vector.broadcast %div3A_169 : f32 to vector<1000x64xf32>
    %div3A_171 = arith.divf %sub3A_168, %div3A_170 : vector<1000x64xf32>
    %mul3A_172 = arith.mulf %div3A_171, %convert_element_type3A_57 : vector<1000x64xf32>
    %add3A_173 = arith.addf %mul3A_165, %mul3A_172 : vector<1000x64xf32>
    %sub3A_174 = arith.constant -0.199999988 : f32
    %sub3A_175 = vector.broadcast %sub3A_174 : f32 to vector<1000x64xf32>
    %sub3A_176 = arith.subf %slice3A, %sub3A_175 : vector<1000x64xf32>
    %div3A_177 = arith.constant 0.400000036 : f32
    %div3A_178 = vector.broadcast %div3A_177 : f32 to vector<1000x64xf32>
    %div3A_179 = arith.divf %sub3A_176, %div3A_178 : vector<1000x64xf32>
    %mul3A_180 = arith.mulf %div3A_179, %convert_element_type3A_57 : vector<1000x64xf32>
    %sub3A_181 = arith.constant 6.000000e-01 : f32
    %sub3A_182 = vector.broadcast %sub3A_181 : f32 to vector<1000x64xf32>
    %sub3A_183 = arith.subf %sub3A_182, %slice3A : vector<1000x64xf32>
    %div3A_184 = arith.constant 0.399999976 : f32
    %div3A_185 = vector.broadcast %div3A_184 : f32 to vector<1000x64xf32>
    %div3A_186 = arith.divf %sub3A_183, %div3A_185 : vector<1000x64xf32>
    %mul3A_187 = arith.mulf %div3A_186, %convert_element_type3A_66 : vector<1000x64xf32>
    %add3A_188 = arith.addf %mul3A_180, %mul3A_187 : vector<1000x64xf32>
    %sub3A_189 = arith.constant 0.200000048 : f32
    %sub3A_190 = vector.broadcast %sub3A_189 : f32 to vector<1000x64xf32>
    %sub3A_191 = arith.subf %slice3A, %sub3A_190 : vector<1000x64xf32>
    %div3A_192 = arith.constant 0.399999976 : f32
    %div3A_193 = vector.broadcast %div3A_192 : f32 to vector<1000x64xf32>
    %div3A_194 = arith.divf %sub3A_191, %div3A_193 : vector<1000x64xf32>
    %mul3A_195 = arith.mulf %div3A_194, %convert_element_type3A_66 : vector<1000x64xf32>
    %sub3A_196 = arith.constant 1.000000e+00 : f32
    %sub3A_197 = vector.broadcast %sub3A_196 : f32 to vector<1000x64xf32>
    %sub3A_198 = arith.subf %sub3A_197, %slice3A : vector<1000x64xf32>
    %div3A_199 = arith.constant 0.399999976 : f32
    %div3A_200 = vector.broadcast %div3A_199 : f32 to vector<1000x64xf32>
    %div3A_201 = arith.divf %sub3A_198, %div3A_200 : vector<1000x64xf32>
    %mul3A_202 = arith.mulf %div3A_201, %convert_element_type3A_75 : vector<1000x64xf32>
    %add3A_203 = arith.addf %mul3A_195, %mul3A_202 : vector<1000x64xf32>
    %sub3A_204 = arith.constant 6.000000e-01 : f32
    %sub3A_205 = vector.broadcast %sub3A_204 : f32 to vector<1000x64xf32>
    %sub3A_206 = arith.subf %slice3A, %sub3A_205 : vector<1000x64xf32>
    %div3A_207 = arith.constant 0.399999976 : f32
    %div3A_208 = vector.broadcast %div3A_207 : f32 to vector<1000x64xf32>
    %div3A_209 = arith.divf %sub3A_206, %div3A_208 : vector<1000x64xf32>
    %mul3A_210 = arith.mulf %div3A_209, %convert_element_type3A_75 : vector<1000x64xf32>
    %sub3A_211 = arith.constant 1.4000001 : f32
    %sub3A_212 = vector.broadcast %sub3A_211 : f32 to vector<1000x64xf32>
    %sub3A_213 = arith.subf %sub3A_212, %slice3A : vector<1000x64xf32>
    %div3A_214 = arith.constant 0.400000095 : f32
    %div3A_215 = vector.broadcast %div3A_214 : f32 to vector<1000x64xf32>
    %div3A_216 = arith.divf %sub3A_213, %div3A_215 : vector<1000x64xf32>
    %mul3A_217 = arith.mulf %div3A_216, %convert_element_type3A_84 : vector<1000x64xf32>
    %add3A_218 = arith.addf %mul3A_210, %mul3A_217 : vector<1000x64xf32>
    %sub3A_219 = arith.constant 1.000000e+00 : f32
    %sub3A_220 = vector.broadcast %sub3A_219 : f32 to vector<1000x64xf32>
    %sub3A_221 = arith.subf %slice3A, %sub3A_220 : vector<1000x64xf32>
    %div3A_222 = arith.constant 0.400000095 : f32
    %div3A_223 = vector.broadcast %div3A_222 : f32 to vector<1000x64xf32>
    %div3A_224 = arith.divf %sub3A_221, %div3A_223 : vector<1000x64xf32>
    %mul3A_225 = arith.mulf %div3A_224, %convert_element_type3A_84 : vector<1000x64xf32>
    %sub3A_226 = arith.constant 1.800000e+00 : f32
    %sub3A_227 = vector.broadcast %sub3A_226 : f32 to vector<1000x64xf32>
    %sub3A_228 = arith.subf %sub3A_227, %slice3A : vector<1000x64xf32>
    %div3A_229 = arith.constant 0.399999857 : f32
    %div3A_230 = vector.broadcast %div3A_229 : f32 to vector<1000x64xf32>
    %div3A_231 = arith.divf %sub3A_228, %div3A_230 : vector<1000x64xf32>
    %mul3A_232 = arith.mulf %div3A_231, %convert_element_type3A_93 : vector<1000x64xf32>
    %add3A_233 = arith.addf %mul3A_225, %mul3A_232 : vector<1000x64xf32>
    %sub3A_234 = arith.constant 1.4000001 : f32
    %sub3A_235 = vector.broadcast %sub3A_234 : f32 to vector<1000x64xf32>
    %sub3A_236 = arith.subf %slice3A, %sub3A_235 : vector<1000x64xf32>
    %div3A_237 = arith.constant 0.399999857 : f32
    %div3A_238 = vector.broadcast %div3A_237 : f32 to vector<1000x64xf32>
    %div3A_239 = arith.divf %sub3A_236, %div3A_238 : vector<1000x64xf32>
    %mul3A_240 = arith.mulf %div3A_239, %convert_element_type3A_93 : vector<1000x64xf32>
    %sub3A_241 = arith.constant 2.200000e+00 : f32
    %sub3A_242 = vector.broadcast %sub3A_241 : f32 to vector<1000x64xf32>
    %sub3A_243 = arith.subf %sub3A_242, %slice3A : vector<1000x64xf32>
    %div3A_244 = arith.constant 0.400000095 : f32
    %div3A_245 = vector.broadcast %div3A_244 : f32 to vector<1000x64xf32>
    %div3A_246 = arith.divf %sub3A_243, %div3A_245 : vector<1000x64xf32>
    %mul3A_247 = arith.mulf %div3A_246, %convert_element_type3A_102 : vector<1000x64xf32>
    %add3A_248 = arith.addf %mul3A_240, %mul3A_247 : vector<1000x64xf32>
    %sub3A_249 = arith.constant -2.200000e+00 : f32
    %sub3A_250 = vector.broadcast %sub3A_249 : f32 to vector<1000x64xf32>
    %sub3A_251 = arith.subf %slice3A, %sub3A_250 : vector<1000x64xf32>
    %div3A_252 = arith.constant 0.800000071 : f32
    %div3A_253 = vector.broadcast %div3A_252 : f32 to vector<1000x64xf32>
    %div3A_254 = arith.divf %sub3A_251, %div3A_253 : vector<1000x64xf32>
    %mul3A_255 = arith.mulf %div3A_254, %add3A : vector<1000x64xf32>
    %sub3A_256 = arith.constant -1.000000e+00 : f32
    %sub3A_257 = vector.broadcast %sub3A_256 : f32 to vector<1000x64xf32>
    %sub3A_258 = arith.subf %sub3A_257, %slice3A : vector<1000x64xf32>
    %div3A_259 = arith.constant 0.799999952 : f32
    %div3A_260 = vector.broadcast %div3A_259 : f32 to vector<1000x64xf32>
    %div3A_261 = arith.divf %sub3A_258, %div3A_260 : vector<1000x64xf32>
    %mul3A_262 = arith.mulf %div3A_261, %add3A_128 : vector<1000x64xf32>
    %add3A_263 = arith.addf %mul3A_255, %mul3A_262 : vector<1000x64xf32>
    %sub3A_264 = arith.constant -1.800000e+00 : f32
    %sub3A_265 = vector.broadcast %sub3A_264 : f32 to vector<1000x64xf32>
    %sub3A_266 = arith.subf %slice3A, %sub3A_265 : vector<1000x64xf32>
    %div3A_267 = arith.constant 0.799999952 : f32
    %div3A_268 = vector.broadcast %div3A_267 : f32 to vector<1000x64xf32>
    %div3A_269 = arith.divf %sub3A_266, %div3A_268 : vector<1000x64xf32>
    %mul3A_270 = arith.mulf %div3A_269, %add3A_128 : vector<1000x64xf32>
    %sub3A_271 = arith.constant -6.000000e-01 : f32
    %sub3A_272 = vector.broadcast %sub3A_271 : f32 to vector<1000x64xf32>
    %sub3A_273 = arith.subf %sub3A_272, %slice3A : vector<1000x64xf32>
    %div3A_274 = arith.constant 0.799999952 : f32
    %div3A_275 = vector.broadcast %div3A_274 : f32 to vector<1000x64xf32>
    %div3A_276 = arith.divf %sub3A_273, %div3A_275 : vector<1000x64xf32>
    %mul3A_277 = arith.mulf %div3A_276, %add3A_143 : vector<1000x64xf32>
    %add3A_278 = arith.addf %mul3A_270, %mul3A_277 : vector<1000x64xf32>
    %sub3A_279 = arith.constant -1.400000e+00 : f32
    %sub3A_280 = vector.broadcast %sub3A_279 : f32 to vector<1000x64xf32>
    %sub3A_281 = arith.subf %slice3A, %sub3A_280 : vector<1000x64xf32>
    %div3A_282 = arith.constant 0.799999952 : f32
    %div3A_283 = vector.broadcast %div3A_282 : f32 to vector<1000x64xf32>
    %div3A_284 = arith.divf %sub3A_281, %div3A_283 : vector<1000x64xf32>
    %mul3A_285 = arith.mulf %div3A_284, %add3A_143 : vector<1000x64xf32>
    %sub3A_286 = arith.constant -0.199999988 : f32
    %sub3A_287 = vector.broadcast %sub3A_286 : f32 to vector<1000x64xf32>
    %sub3A_288 = arith.subf %sub3A_287, %slice3A : vector<1000x64xf32>
    %div3A_289 = arith.constant 8.000000e-01 : f32
    %div3A_290 = vector.broadcast %div3A_289 : f32 to vector<1000x64xf32>
    %div3A_291 = arith.divf %sub3A_288, %div3A_290 : vector<1000x64xf32>
    %mul3A_292 = arith.mulf %div3A_291, %add3A_158 : vector<1000x64xf32>
    %add3A_293 = arith.addf %mul3A_285, %mul3A_292 : vector<1000x64xf32>
    %sub3A_294 = arith.constant -1.000000e+00 : f32
    %sub3A_295 = vector.broadcast %sub3A_294 : f32 to vector<1000x64xf32>
    %sub3A_296 = arith.subf %slice3A, %sub3A_295 : vector<1000x64xf32>
    %div3A_297 = arith.constant 8.000000e-01 : f32
    %div3A_298 = vector.broadcast %div3A_297 : f32 to vector<1000x64xf32>
    %div3A_299 = arith.divf %sub3A_296, %div3A_298 : vector<1000x64xf32>
    %mul3A_300 = arith.mulf %div3A_299, %add3A_158 : vector<1000x64xf32>
    %sub3A_301 = arith.constant 0.200000048 : f32
    %sub3A_302 = vector.broadcast %sub3A_301 : f32 to vector<1000x64xf32>
    %sub3A_303 = arith.subf %sub3A_302, %slice3A : vector<1000x64xf32>
    %div3A_304 = arith.constant 0.800000071 : f32
    %div3A_305 = vector.broadcast %div3A_304 : f32 to vector<1000x64xf32>
    %div3A_306 = arith.divf %sub3A_303, %div3A_305 : vector<1000x64xf32>
    %mul3A_307 = arith.mulf %div3A_306, %add3A_173 : vector<1000x64xf32>
    %add3A_308 = arith.addf %mul3A_300, %mul3A_307 : vector<1000x64xf32>
    %sub3A_309 = arith.constant -6.000000e-01 : f32
    %sub3A_310 = vector.broadcast %sub3A_309 : f32 to vector<1000x64xf32>
    %sub3A_311 = arith.subf %slice3A, %sub3A_310 : vector<1000x64xf32>
    %div3A_312 = arith.constant 0.800000071 : f32
    %div3A_313 = vector.broadcast %div3A_312 : f32 to vector<1000x64xf32>
    %div3A_314 = arith.divf %sub3A_311, %div3A_313 : vector<1000x64xf32>
    %mul3A_315 = arith.mulf %div3A_314, %add3A_173 : vector<1000x64xf32>
    %sub3A_316 = arith.constant 6.000000e-01 : f32
    %sub3A_317 = vector.broadcast %sub3A_316 : f32 to vector<1000x64xf32>
    %sub3A_318 = arith.subf %sub3A_317, %slice3A : vector<1000x64xf32>
    %div3A_319 = arith.constant 8.000000e-01 : f32
    %div3A_320 = vector.broadcast %div3A_319 : f32 to vector<1000x64xf32>
    %div3A_321 = arith.divf %sub3A_318, %div3A_320 : vector<1000x64xf32>
    %mul3A_322 = arith.mulf %div3A_321, %add3A_188 : vector<1000x64xf32>
    %add3A_323 = arith.addf %mul3A_315, %mul3A_322 : vector<1000x64xf32>
    %sub3A_324 = arith.constant -0.199999988 : f32
    %sub3A_325 = vector.broadcast %sub3A_324 : f32 to vector<1000x64xf32>
    %sub3A_326 = arith.subf %slice3A, %sub3A_325 : vector<1000x64xf32>
    %div3A_327 = arith.constant 8.000000e-01 : f32
    %div3A_328 = vector.broadcast %div3A_327 : f32 to vector<1000x64xf32>
    %div3A_329 = arith.divf %sub3A_326, %div3A_328 : vector<1000x64xf32>
    %mul3A_330 = arith.mulf %div3A_329, %add3A_188 : vector<1000x64xf32>
    %sub3A_331 = arith.constant 1.000000e+00 : f32
    %sub3A_332 = vector.broadcast %sub3A_331 : f32 to vector<1000x64xf32>
    %sub3A_333 = arith.subf %sub3A_332, %slice3A : vector<1000x64xf32>
    %div3A_334 = arith.constant 0.799999952 : f32
    %div3A_335 = vector.broadcast %div3A_334 : f32 to vector<1000x64xf32>
    %div3A_336 = arith.divf %sub3A_333, %div3A_335 : vector<1000x64xf32>
    %mul3A_337 = arith.mulf %div3A_336, %add3A_203 : vector<1000x64xf32>
    %add3A_338 = arith.addf %mul3A_330, %mul3A_337 : vector<1000x64xf32>
    %sub3A_339 = arith.constant 0.200000048 : f32
    %sub3A_340 = vector.broadcast %sub3A_339 : f32 to vector<1000x64xf32>
    %sub3A_341 = arith.subf %slice3A, %sub3A_340 : vector<1000x64xf32>
    %div3A_342 = arith.constant 0.799999952 : f32
    %div3A_343 = vector.broadcast %div3A_342 : f32 to vector<1000x64xf32>
    %div3A_344 = arith.divf %sub3A_341, %div3A_343 : vector<1000x64xf32>
    %mul3A_345 = arith.mulf %div3A_344, %add3A_203 : vector<1000x64xf32>
    %sub3A_346 = arith.constant 1.4000001 : f32
    %sub3A_347 = vector.broadcast %sub3A_346 : f32 to vector<1000x64xf32>
    %sub3A_348 = arith.subf %sub3A_347, %slice3A : vector<1000x64xf32>
    %div3A_349 = arith.constant 0.800000071 : f32
    %div3A_350 = vector.broadcast %div3A_349 : f32 to vector<1000x64xf32>
    %div3A_351 = arith.divf %sub3A_348, %div3A_350 : vector<1000x64xf32>
    %mul3A_352 = arith.mulf %div3A_351, %add3A_218 : vector<1000x64xf32>
    %add3A_353 = arith.addf %mul3A_345, %mul3A_352 : vector<1000x64xf32>
    %sub3A_354 = arith.constant 6.000000e-01 : f32
    %sub3A_355 = vector.broadcast %sub3A_354 : f32 to vector<1000x64xf32>
    %sub3A_356 = arith.subf %slice3A, %sub3A_355 : vector<1000x64xf32>
    %div3A_357 = arith.constant 0.800000071 : f32
    %div3A_358 = vector.broadcast %div3A_357 : f32 to vector<1000x64xf32>
    %div3A_359 = arith.divf %sub3A_356, %div3A_358 : vector<1000x64xf32>
    %mul3A_360 = arith.mulf %div3A_359, %add3A_218 : vector<1000x64xf32>
    %sub3A_361 = arith.constant 1.800000e+00 : f32
    %sub3A_362 = vector.broadcast %sub3A_361 : f32 to vector<1000x64xf32>
    %sub3A_363 = arith.subf %sub3A_362, %slice3A : vector<1000x64xf32>
    %div3A_364 = arith.constant 0.799999952 : f32
    %div3A_365 = vector.broadcast %div3A_364 : f32 to vector<1000x64xf32>
    %div3A_366 = arith.divf %sub3A_363, %div3A_365 : vector<1000x64xf32>
    %mul3A_367 = arith.mulf %div3A_366, %add3A_233 : vector<1000x64xf32>
    %add3A_368 = arith.addf %mul3A_360, %mul3A_367 : vector<1000x64xf32>
    %sub3A_369 = arith.constant 1.000000e+00 : f32
    %sub3A_370 = vector.broadcast %sub3A_369 : f32 to vector<1000x64xf32>
    %sub3A_371 = arith.subf %slice3A, %sub3A_370 : vector<1000x64xf32>
    %div3A_372 = arith.constant 0.799999952 : f32
    %div3A_373 = vector.broadcast %div3A_372 : f32 to vector<1000x64xf32>
    %div3A_374 = arith.divf %sub3A_371, %div3A_373 : vector<1000x64xf32>
    %mul3A_375 = arith.mulf %div3A_374, %add3A_233 : vector<1000x64xf32>
    %sub3A_376 = arith.constant 2.200000e+00 : f32
    %sub3A_377 = vector.broadcast %sub3A_376 : f32 to vector<1000x64xf32>
    %sub3A_378 = arith.subf %sub3A_377, %slice3A : vector<1000x64xf32>
    %div3A_379 = arith.constant 0.799999952 : f32
    %div3A_380 = vector.broadcast %div3A_379 : f32 to vector<1000x64xf32>
    %div3A_381 = arith.divf %sub3A_378, %div3A_380 : vector<1000x64xf32>
    %mul3A_382 = arith.mulf %div3A_381, %add3A_248 : vector<1000x64xf32>
    %add3A_383 = arith.addf %mul3A_375, %mul3A_382 : vector<1000x64xf32>
    %sub3A_384 = arith.constant -2.200000e+00 : f32
    %sub3A_385 = vector.broadcast %sub3A_384 : f32 to vector<1000x64xf32>
    %sub3A_386 = arith.subf %slice3A, %sub3A_385 : vector<1000x64xf32>
    %div3A_387 = arith.constant 1.200000e+00 : f32
    %div3A_388 = vector.broadcast %div3A_387 : f32 to vector<1000x64xf32>
    %div3A_389 = arith.divf %sub3A_386, %div3A_388 : vector<1000x64xf32>
    %mul3A_390 = arith.mulf %div3A_389, %add3A_263 : vector<1000x64xf32>
    %sub3A_391 = arith.constant -6.000000e-01 : f32
    %sub3A_392 = vector.broadcast %sub3A_391 : f32 to vector<1000x64xf32>
    %sub3A_393 = arith.subf %sub3A_392, %slice3A : vector<1000x64xf32>
    %div3A_394 = arith.constant 1.19999993 : f32
    %div3A_395 = vector.broadcast %div3A_394 : f32 to vector<1000x64xf32>
    %div3A_396 = arith.divf %sub3A_393, %div3A_395 : vector<1000x64xf32>
    %mul3A_397 = arith.mulf %div3A_396, %add3A_278 : vector<1000x64xf32>
    %add3A_398 = arith.addf %mul3A_390, %mul3A_397 : vector<1000x64xf32>
    %sub3A_399 = arith.constant -1.800000e+00 : f32
    %sub3A_400 = vector.broadcast %sub3A_399 : f32 to vector<1000x64xf32>
    %sub3A_401 = arith.subf %slice3A, %sub3A_400 : vector<1000x64xf32>
    %div3A_402 = arith.constant 1.19999993 : f32
    %div3A_403 = vector.broadcast %div3A_402 : f32 to vector<1000x64xf32>
    %div3A_404 = arith.divf %sub3A_401, %div3A_403 : vector<1000x64xf32>
    %mul3A_405 = arith.mulf %div3A_404, %add3A_278 : vector<1000x64xf32>
    %sub3A_406 = arith.constant -0.199999988 : f32
    %sub3A_407 = vector.broadcast %sub3A_406 : f32 to vector<1000x64xf32>
    %sub3A_408 = arith.subf %sub3A_407, %slice3A : vector<1000x64xf32>
    %div3A_409 = arith.constant 1.200000e+00 : f32
    %div3A_410 = vector.broadcast %div3A_409 : f32 to vector<1000x64xf32>
    %div3A_411 = arith.divf %sub3A_408, %div3A_410 : vector<1000x64xf32>
    %mul3A_412 = arith.mulf %div3A_411, %add3A_293 : vector<1000x64xf32>
    %add3A_413 = arith.addf %mul3A_405, %mul3A_412 : vector<1000x64xf32>
    %sub3A_414 = arith.constant -1.400000e+00 : f32
    %sub3A_415 = vector.broadcast %sub3A_414 : f32 to vector<1000x64xf32>
    %sub3A_416 = arith.subf %slice3A, %sub3A_415 : vector<1000x64xf32>
    %div3A_417 = arith.constant 1.200000e+00 : f32
    %div3A_418 = vector.broadcast %div3A_417 : f32 to vector<1000x64xf32>
    %div3A_419 = arith.divf %sub3A_416, %div3A_418 : vector<1000x64xf32>
    %mul3A_420 = arith.mulf %div3A_419, %add3A_293 : vector<1000x64xf32>
    %sub3A_421 = arith.constant 0.200000048 : f32
    %sub3A_422 = vector.broadcast %sub3A_421 : f32 to vector<1000x64xf32>
    %sub3A_423 = arith.subf %sub3A_422, %slice3A : vector<1000x64xf32>
    %div3A_424 = arith.constant 1.200000e+00 : f32
    %div3A_425 = vector.broadcast %div3A_424 : f32 to vector<1000x64xf32>
    %div3A_426 = arith.divf %sub3A_423, %div3A_425 : vector<1000x64xf32>
    %mul3A_427 = arith.mulf %div3A_426, %add3A_308 : vector<1000x64xf32>
    %add3A_428 = arith.addf %mul3A_420, %mul3A_427 : vector<1000x64xf32>
    %sub3A_429 = arith.constant -1.000000e+00 : f32
    %sub3A_430 = vector.broadcast %sub3A_429 : f32 to vector<1000x64xf32>
    %sub3A_431 = arith.subf %slice3A, %sub3A_430 : vector<1000x64xf32>
    %div3A_432 = arith.constant 1.200000e+00 : f32
    %div3A_433 = vector.broadcast %div3A_432 : f32 to vector<1000x64xf32>
    %div3A_434 = arith.divf %sub3A_431, %div3A_433 : vector<1000x64xf32>
    %mul3A_435 = arith.mulf %div3A_434, %add3A_308 : vector<1000x64xf32>
    %sub3A_436 = arith.constant 6.000000e-01 : f32
    %sub3A_437 = vector.broadcast %sub3A_436 : f32 to vector<1000x64xf32>
    %sub3A_438 = arith.subf %sub3A_437, %slice3A : vector<1000x64xf32>
    %div3A_439 = arith.constant 1.200000e+00 : f32
    %div3A_440 = vector.broadcast %div3A_439 : f32 to vector<1000x64xf32>
    %div3A_441 = arith.divf %sub3A_438, %div3A_440 : vector<1000x64xf32>
    %mul3A_442 = arith.mulf %div3A_441, %add3A_323 : vector<1000x64xf32>
    %add3A_443 = arith.addf %mul3A_435, %mul3A_442 : vector<1000x64xf32>
    %sub3A_444 = arith.constant -6.000000e-01 : f32
    %sub3A_445 = vector.broadcast %sub3A_444 : f32 to vector<1000x64xf32>
    %sub3A_446 = arith.subf %slice3A, %sub3A_445 : vector<1000x64xf32>
    %div3A_447 = arith.constant 1.200000e+00 : f32
    %div3A_448 = vector.broadcast %div3A_447 : f32 to vector<1000x64xf32>
    %div3A_449 = arith.divf %sub3A_446, %div3A_448 : vector<1000x64xf32>
    %mul3A_450 = arith.mulf %div3A_449, %add3A_323 : vector<1000x64xf32>
    %sub3A_451 = arith.constant 1.000000e+00 : f32
    %sub3A_452 = vector.broadcast %sub3A_451 : f32 to vector<1000x64xf32>
    %sub3A_453 = arith.subf %sub3A_452, %slice3A : vector<1000x64xf32>
    %div3A_454 = arith.constant 1.200000e+00 : f32
    %div3A_455 = vector.broadcast %div3A_454 : f32 to vector<1000x64xf32>
    %div3A_456 = arith.divf %sub3A_453, %div3A_455 : vector<1000x64xf32>
    %mul3A_457 = arith.mulf %div3A_456, %add3A_338 : vector<1000x64xf32>
    %add3A_458 = arith.addf %mul3A_450, %mul3A_457 : vector<1000x64xf32>
    %sub3A_459 = arith.constant -0.199999988 : f32
    %sub3A_460 = vector.broadcast %sub3A_459 : f32 to vector<1000x64xf32>
    %sub3A_461 = arith.subf %slice3A, %sub3A_460 : vector<1000x64xf32>
    %div3A_462 = arith.constant 1.200000e+00 : f32
    %div3A_463 = vector.broadcast %div3A_462 : f32 to vector<1000x64xf32>
    %div3A_464 = arith.divf %sub3A_461, %div3A_463 : vector<1000x64xf32>
    %mul3A_465 = arith.mulf %div3A_464, %add3A_338 : vector<1000x64xf32>
    %sub3A_466 = arith.constant 1.4000001 : f32
    %sub3A_467 = vector.broadcast %sub3A_466 : f32 to vector<1000x64xf32>
    %sub3A_468 = arith.subf %sub3A_467, %slice3A : vector<1000x64xf32>
    %div3A_469 = arith.constant 1.200000e+00 : f32
    %div3A_470 = vector.broadcast %div3A_469 : f32 to vector<1000x64xf32>
    %div3A_471 = arith.divf %sub3A_468, %div3A_470 : vector<1000x64xf32>
    %mul3A_472 = arith.mulf %div3A_471, %add3A_353 : vector<1000x64xf32>
    %add3A_473 = arith.addf %mul3A_465, %mul3A_472 : vector<1000x64xf32>
    %sub3A_474 = arith.constant 0.200000048 : f32
    %sub3A_475 = vector.broadcast %sub3A_474 : f32 to vector<1000x64xf32>
    %sub3A_476 = arith.subf %slice3A, %sub3A_475 : vector<1000x64xf32>
    %div3A_477 = arith.constant 1.200000e+00 : f32
    %div3A_478 = vector.broadcast %div3A_477 : f32 to vector<1000x64xf32>
    %div3A_479 = arith.divf %sub3A_476, %div3A_478 : vector<1000x64xf32>
    %mul3A_480 = arith.mulf %div3A_479, %add3A_353 : vector<1000x64xf32>
    %sub3A_481 = arith.constant 1.800000e+00 : f32
    %sub3A_482 = vector.broadcast %sub3A_481 : f32 to vector<1000x64xf32>
    %sub3A_483 = arith.subf %sub3A_482, %slice3A : vector<1000x64xf32>
    %div3A_484 = arith.constant 1.19999993 : f32
    %div3A_485 = vector.broadcast %div3A_484 : f32 to vector<1000x64xf32>
    %div3A_486 = arith.divf %sub3A_483, %div3A_485 : vector<1000x64xf32>
    %mul3A_487 = arith.mulf %div3A_486, %add3A_368 : vector<1000x64xf32>
    %add3A_488 = arith.addf %mul3A_480, %mul3A_487 : vector<1000x64xf32>
    %sub3A_489 = arith.constant 6.000000e-01 : f32
    %sub3A_490 = vector.broadcast %sub3A_489 : f32 to vector<1000x64xf32>
    %sub3A_491 = arith.subf %slice3A, %sub3A_490 : vector<1000x64xf32>
    %div3A_492 = arith.constant 1.19999993 : f32
    %div3A_493 = vector.broadcast %div3A_492 : f32 to vector<1000x64xf32>
    %div3A_494 = arith.divf %sub3A_491, %div3A_493 : vector<1000x64xf32>
    %mul3A_495 = arith.mulf %div3A_494, %add3A_368 : vector<1000x64xf32>
    %sub3A_496 = arith.constant 2.200000e+00 : f32
    %sub3A_497 = vector.broadcast %sub3A_496 : f32 to vector<1000x64xf32>
    %sub3A_498 = arith.subf %sub3A_497, %slice3A : vector<1000x64xf32>
    %div3A_499 = arith.constant 1.200000e+00 : f32
    %div3A_500 = vector.broadcast %div3A_499 : f32 to vector<1000x64xf32>
    %div3A_501 = arith.divf %sub3A_498, %div3A_500 : vector<1000x64xf32>
    %mul3A_502 = arith.mulf %div3A_501, %add3A_383 : vector<1000x64xf32>
    %add3A_503 = arith.addf %mul3A_495, %mul3A_502 : vector<1000x64xf32>
    %concatenate3A = tpu.concatenate %add3A_398, %add3A_413, %add3A_428, %add3A_443, %add3A_458, %add3A_473, %add3A_488, %add3A_503 in 1 : vector<1000x64xf32>, vector<1000x64xf32>, vector<1000x64xf32>, vector<1000x64xf32>, vector<1000x64xf32>, vector<1000x64xf32>, vector<1000x64xf32>, vector<1000x64xf32> -> vector<1000x512xf32>
    %logistic3A = arith.negf %slice3A : vector<1000x64xf32>
    %logistic3A_504 = math.exp %logistic3A : vector<1000x64xf32>
    %logistic3A_505 = arith.constant 1.000000e+00 : f32
    %logistic3A_506 = vector.broadcast %logistic3A_505 : f32 to vector<1000x64xf32>
    %logistic3A_507 = arith.addf %logistic3A_506, %logistic3A_504 : vector<1000x64xf32>
    %logistic3A_508 = arith.divf %logistic3A_506, %logistic3A_507 : vector<1000x64xf32>
    %mul3A_509 = arith.mulf %slice3A, %logistic3A_508 : vector<1000x64xf32>
    %dot_general3A = arith.constant dense<0.000000e+00> : vector<1000x128xf32>
    %dot_general3A_510 = tpu.matmul %mul3A_509, %get3A_4, %dot_general3A {dimension_numbers = #tpu.dot_dimension_numbers<[1], [0], [0], [1], [0, 0, 1, 1], [], []>, transpose_lhs_hint = false} : vector<1000x64xf32>, vector<64x128xf32>, vector<1000x128xf32> -> vector<1000x128xf32>
    %dot_general3A_511 = arith.constant dense<0.000000e+00> : vector<1000x128xf32>
    %dot_general3A_512 = tpu.matmul %concatenate3A, %get3A_7, %dot_general3A_511 {dimension_numbers = #tpu.dot_dimension_numbers<[1], [0], [0], [1], [0, 0, 1, 1], [], []>, transpose_lhs_hint = false} : vector<1000x512xf32>, vector<512x128xf32>, vector<1000x128xf32> -> vector<1000x128xf32>
    %add3A_513 = arith.addf %dot_general3A_510, %dot_general3A_512 : vector<1000x128xf32>
    %get3A_514 = arith.constant 0 : index
    %get3A_515 = arith.constant 0 : index
    %get3A_516 = vector.load %arg4[%get3A_514, %get3A_515] : memref<1x128xf32, #tpu.memory_space<vmem>>, vector<1x128xf32>
    %get3A_517 = arith.constant 0 : index
    %get3A_518 = arith.constant 0 : index
    %get3A_519 = vector.load %arg5[%get3A_517, %get3A_518] : memref<8x128xf32, #tpu.memory_space<vmem>>, vector<8x128xf32>
    %logistic3A_520 = arith.negf %add3A_513 : vector<1000x128xf32>
    %logistic3A_521 = math.exp %logistic3A_520 : vector<1000x128xf32>
    %logistic3A_522 = arith.constant 1.000000e+00 : f32
    %logistic3A_523 = vector.broadcast %logistic3A_522 : f32 to vector<1000x128xf32>
    %logistic3A_524 = arith.addf %logistic3A_523, %logistic3A_521 : vector<1000x128xf32>
    %logistic3A_525 = arith.divf %logistic3A_523, %logistic3A_524 : vector<1000x128xf32>
    %mul3A_526 = arith.mulf %add3A_513, %logistic3A_525 : vector<1000x128xf32>
    %mul3A_527 = vector.broadcast %get3A_516 : vector<1x128xf32> to vector<1000x128xf32>
    %mul3A_528 = arith.mulf %mul3A_526, %mul3A_527 : vector<1000x128xf32>
    %reduce_sum3A = arith.constant dense<0.000000e+00> : vector<1000xf32>
    %reduce_sum3A_529 = vector.multi_reduction <add>, %mul3A_528, %reduce_sum3A [1] : vector<1000x128xf32> to vector<1000xf32>
    %broadcast_in_dim3A = vector.shape_cast %reduce_sum3A_529 : vector<1000xf32> to vector<1000x1xf32>
    %ge3A_530 = arith.constant -2.200000e+00 : f32
    %ge3A_531 = vector.broadcast %ge3A_530 : f32 to vector<1000x128xf32>
    %ge3A_532 = arith.cmpf oge, %add3A_513, %ge3A_531 : vector<1000x128xf32>
    %lt3A_533 = arith.constant -1.800000e+00 : f32
    %lt3A_534 = vector.broadcast %lt3A_533 : f32 to vector<1000x128xf32>
    %lt3A_535 = arith.cmpf olt, %add3A_513, %lt3A_534 : vector<1000x128xf32>
    %and3A_536 = arith.andi %ge3A_532, %lt3A_535 : vector<1000x128xi1>
    %convert_element_type3A_537 = arith.extui %and3A_536 : vector<1000x128xi1> to vector<1000x128xi32>
    %convert_element_type3A_538 = arith.sitofp %convert_element_type3A_537 : vector<1000x128xi32> to vector<1000x128xf32>
    %ge3A_539 = arith.constant -1.800000e+00 : f32
    %ge3A_540 = vector.broadcast %ge3A_539 : f32 to vector<1000x128xf32>
    %ge3A_541 = arith.cmpf oge, %add3A_513, %ge3A_540 : vector<1000x128xf32>
    %lt3A_542 = arith.constant -1.400000e+00 : f32
    %lt3A_543 = vector.broadcast %lt3A_542 : f32 to vector<1000x128xf32>
    %lt3A_544 = arith.cmpf olt, %add3A_513, %lt3A_543 : vector<1000x128xf32>
    %and3A_545 = arith.andi %ge3A_541, %lt3A_544 : vector<1000x128xi1>
    %convert_element_type3A_546 = arith.extui %and3A_545 : vector<1000x128xi1> to vector<1000x128xi32>
    %convert_element_type3A_547 = arith.sitofp %convert_element_type3A_546 : vector<1000x128xi32> to vector<1000x128xf32>
    %ge3A_548 = arith.constant -1.400000e+00 : f32
    %ge3A_549 = vector.broadcast %ge3A_548 : f32 to vector<1000x128xf32>
    %ge3A_550 = arith.cmpf oge, %add3A_513, %ge3A_549 : vector<1000x128xf32>
    %lt3A_551 = arith.constant -1.000000e+00 : f32
    %lt3A_552 = vector.broadcast %lt3A_551 : f32 to vector<1000x128xf32>
    %lt3A_553 = arith.cmpf olt, %add3A_513, %lt3A_552 : vector<1000x128xf32>
    %and3A_554 = arith.andi %ge3A_550, %lt3A_553 : vector<1000x128xi1>
    %convert_element_type3A_555 = arith.extui %and3A_554 : vector<1000x128xi1> to vector<1000x128xi32>
    %convert_element_type3A_556 = arith.sitofp %convert_element_type3A_555 : vector<1000x128xi32> to vector<1000x128xf32>
    %ge3A_557 = arith.constant -1.000000e+00 : f32
    %ge3A_558 = vector.broadcast %ge3A_557 : f32 to vector<1000x128xf32>
    %ge3A_559 = arith.cmpf oge, %add3A_513, %ge3A_558 : vector<1000x128xf32>
    %lt3A_560 = arith.constant -6.000000e-01 : f32
    %lt3A_561 = vector.broadcast %lt3A_560 : f32 to vector<1000x128xf32>
    %lt3A_562 = arith.cmpf olt, %add3A_513, %lt3A_561 : vector<1000x128xf32>
    %and3A_563 = arith.andi %ge3A_559, %lt3A_562 : vector<1000x128xi1>
    %convert_element_type3A_564 = arith.extui %and3A_563 : vector<1000x128xi1> to vector<1000x128xi32>
    %convert_element_type3A_565 = arith.sitofp %convert_element_type3A_564 : vector<1000x128xi32> to vector<1000x128xf32>
    %ge3A_566 = arith.constant -6.000000e-01 : f32
    %ge3A_567 = vector.broadcast %ge3A_566 : f32 to vector<1000x128xf32>
    %ge3A_568 = arith.cmpf oge, %add3A_513, %ge3A_567 : vector<1000x128xf32>
    %lt3A_569 = arith.constant -0.199999988 : f32
    %lt3A_570 = vector.broadcast %lt3A_569 : f32 to vector<1000x128xf32>
    %lt3A_571 = arith.cmpf olt, %add3A_513, %lt3A_570 : vector<1000x128xf32>
    %and3A_572 = arith.andi %ge3A_568, %lt3A_571 : vector<1000x128xi1>
    %convert_element_type3A_573 = arith.extui %and3A_572 : vector<1000x128xi1> to vector<1000x128xi32>
    %convert_element_type3A_574 = arith.sitofp %convert_element_type3A_573 : vector<1000x128xi32> to vector<1000x128xf32>
    %ge3A_575 = arith.constant -0.199999988 : f32
    %ge3A_576 = vector.broadcast %ge3A_575 : f32 to vector<1000x128xf32>
    %ge3A_577 = arith.cmpf oge, %add3A_513, %ge3A_576 : vector<1000x128xf32>
    %lt3A_578 = arith.constant 0.200000048 : f32
    %lt3A_579 = vector.broadcast %lt3A_578 : f32 to vector<1000x128xf32>
    %lt3A_580 = arith.cmpf olt, %add3A_513, %lt3A_579 : vector<1000x128xf32>
    %and3A_581 = arith.andi %ge3A_577, %lt3A_580 : vector<1000x128xi1>
    %convert_element_type3A_582 = arith.extui %and3A_581 : vector<1000x128xi1> to vector<1000x128xi32>
    %convert_element_type3A_583 = arith.sitofp %convert_element_type3A_582 : vector<1000x128xi32> to vector<1000x128xf32>
    %ge3A_584 = arith.constant 0.200000048 : f32
    %ge3A_585 = vector.broadcast %ge3A_584 : f32 to vector<1000x128xf32>
    %ge3A_586 = arith.cmpf oge, %add3A_513, %ge3A_585 : vector<1000x128xf32>
    %lt3A_587 = arith.constant 6.000000e-01 : f32
    %lt3A_588 = vector.broadcast %lt3A_587 : f32 to vector<1000x128xf32>
    %lt3A_589 = arith.cmpf olt, %add3A_513, %lt3A_588 : vector<1000x128xf32>
    %and3A_590 = arith.andi %ge3A_586, %lt3A_589 : vector<1000x128xi1>
    %convert_element_type3A_591 = arith.extui %and3A_590 : vector<1000x128xi1> to vector<1000x128xi32>
    %convert_element_type3A_592 = arith.sitofp %convert_element_type3A_591 : vector<1000x128xi32> to vector<1000x128xf32>
    %ge3A_593 = arith.constant 6.000000e-01 : f32
    %ge3A_594 = vector.broadcast %ge3A_593 : f32 to vector<1000x128xf32>
    %ge3A_595 = arith.cmpf oge, %add3A_513, %ge3A_594 : vector<1000x128xf32>
    %lt3A_596 = arith.constant 1.000000e+00 : f32
    %lt3A_597 = vector.broadcast %lt3A_596 : f32 to vector<1000x128xf32>
    %lt3A_598 = arith.cmpf olt, %add3A_513, %lt3A_597 : vector<1000x128xf32>
    %and3A_599 = arith.andi %ge3A_595, %lt3A_598 : vector<1000x128xi1>
    %convert_element_type3A_600 = arith.extui %and3A_599 : vector<1000x128xi1> to vector<1000x128xi32>
    %convert_element_type3A_601 = arith.sitofp %convert_element_type3A_600 : vector<1000x128xi32> to vector<1000x128xf32>
    %ge3A_602 = arith.constant 1.000000e+00 : f32
    %ge3A_603 = vector.broadcast %ge3A_602 : f32 to vector<1000x128xf32>
    %ge3A_604 = arith.cmpf oge, %add3A_513, %ge3A_603 : vector<1000x128xf32>
    %lt3A_605 = arith.constant 1.4000001 : f32
    %lt3A_606 = vector.broadcast %lt3A_605 : f32 to vector<1000x128xf32>
    %lt3A_607 = arith.cmpf olt, %add3A_513, %lt3A_606 : vector<1000x128xf32>
    %and3A_608 = arith.andi %ge3A_604, %lt3A_607 : vector<1000x128xi1>
    %convert_element_type3A_609 = arith.extui %and3A_608 : vector<1000x128xi1> to vector<1000x128xi32>
    %convert_element_type3A_610 = arith.sitofp %convert_element_type3A_609 : vector<1000x128xi32> to vector<1000x128xf32>
    %ge3A_611 = arith.constant 1.4000001 : f32
    %ge3A_612 = vector.broadcast %ge3A_611 : f32 to vector<1000x128xf32>
    %ge3A_613 = arith.cmpf oge, %add3A_513, %ge3A_612 : vector<1000x128xf32>
    %lt3A_614 = arith.constant 1.800000e+00 : f32
    %lt3A_615 = vector.broadcast %lt3A_614 : f32 to vector<1000x128xf32>
    %lt3A_616 = arith.cmpf olt, %add3A_513, %lt3A_615 : vector<1000x128xf32>
    %and3A_617 = arith.andi %ge3A_613, %lt3A_616 : vector<1000x128xi1>
    %convert_element_type3A_618 = arith.extui %and3A_617 : vector<1000x128xi1> to vector<1000x128xi32>
    %convert_element_type3A_619 = arith.sitofp %convert_element_type3A_618 : vector<1000x128xi32> to vector<1000x128xf32>
    %ge3A_620 = arith.constant 1.800000e+00 : f32
    %ge3A_621 = vector.broadcast %ge3A_620 : f32 to vector<1000x128xf32>
    %ge3A_622 = arith.cmpf oge, %add3A_513, %ge3A_621 : vector<1000x128xf32>
    %lt3A_623 = arith.constant 2.200000e+00 : f32
    %lt3A_624 = vector.broadcast %lt3A_623 : f32 to vector<1000x128xf32>
    %lt3A_625 = arith.cmpf olt, %add3A_513, %lt3A_624 : vector<1000x128xf32>
    %and3A_626 = arith.andi %ge3A_622, %lt3A_625 : vector<1000x128xi1>
    %convert_element_type3A_627 = arith.extui %and3A_626 : vector<1000x128xi1> to vector<1000x128xi32>
    %convert_element_type3A_628 = arith.sitofp %convert_element_type3A_627 : vector<1000x128xi32> to vector<1000x128xf32>
    %sub3A_629 = arith.constant -2.200000e+00 : f32
    %sub3A_630 = vector.broadcast %sub3A_629 : f32 to vector<1000x128xf32>
    %sub3A_631 = arith.subf %add3A_513, %sub3A_630 : vector<1000x128xf32>
    %div3A_632 = arith.constant 0.400000095 : f32
    %div3A_633 = vector.broadcast %div3A_632 : f32 to vector<1000x128xf32>
    %div3A_634 = arith.divf %sub3A_631, %div3A_633 : vector<1000x128xf32>
    %mul3A_635 = arith.mulf %div3A_634, %convert_element_type3A_538 : vector<1000x128xf32>
    %sub3A_636 = arith.constant -1.400000e+00 : f32
    %sub3A_637 = vector.broadcast %sub3A_636 : f32 to vector<1000x128xf32>
    %sub3A_638 = arith.subf %sub3A_637, %add3A_513 : vector<1000x128xf32>
    %div3A_639 = arith.constant 0.399999976 : f32
    %div3A_640 = vector.broadcast %div3A_639 : f32 to vector<1000x128xf32>
    %div3A_641 = arith.divf %sub3A_638, %div3A_640 : vector<1000x128xf32>
    %mul3A_642 = arith.mulf %div3A_641, %convert_element_type3A_547 : vector<1000x128xf32>
    %add3A_643 = arith.addf %mul3A_635, %mul3A_642 : vector<1000x128xf32>
    %sub3A_644 = arith.constant -1.800000e+00 : f32
    %sub3A_645 = vector.broadcast %sub3A_644 : f32 to vector<1000x128xf32>
    %sub3A_646 = arith.subf %add3A_513, %sub3A_645 : vector<1000x128xf32>
    %div3A_647 = arith.constant 0.399999976 : f32
    %div3A_648 = vector.broadcast %div3A_647 : f32 to vector<1000x128xf32>
    %div3A_649 = arith.divf %sub3A_646, %div3A_648 : vector<1000x128xf32>
    %mul3A_650 = arith.mulf %div3A_649, %convert_element_type3A_547 : vector<1000x128xf32>
    %sub3A_651 = arith.constant -1.000000e+00 : f32
    %sub3A_652 = vector.broadcast %sub3A_651 : f32 to vector<1000x128xf32>
    %sub3A_653 = arith.subf %sub3A_652, %add3A_513 : vector<1000x128xf32>
    %div3A_654 = arith.constant 0.399999976 : f32
    %div3A_655 = vector.broadcast %div3A_654 : f32 to vector<1000x128xf32>
    %div3A_656 = arith.divf %sub3A_653, %div3A_655 : vector<1000x128xf32>
    %mul3A_657 = arith.mulf %div3A_656, %convert_element_type3A_556 : vector<1000x128xf32>
    %add3A_658 = arith.addf %mul3A_650, %mul3A_657 : vector<1000x128xf32>
    %sub3A_659 = arith.constant -1.400000e+00 : f32
    %sub3A_660 = vector.broadcast %sub3A_659 : f32 to vector<1000x128xf32>
    %sub3A_661 = arith.subf %add3A_513, %sub3A_660 : vector<1000x128xf32>
    %div3A_662 = arith.constant 0.399999976 : f32
    %div3A_663 = vector.broadcast %div3A_662 : f32 to vector<1000x128xf32>
    %div3A_664 = arith.divf %sub3A_661, %div3A_663 : vector<1000x128xf32>
    %mul3A_665 = arith.mulf %div3A_664, %convert_element_type3A_556 : vector<1000x128xf32>
    %sub3A_666 = arith.constant -6.000000e-01 : f32
    %sub3A_667 = vector.broadcast %sub3A_666 : f32 to vector<1000x128xf32>
    %sub3A_668 = arith.subf %sub3A_667, %add3A_513 : vector<1000x128xf32>
    %div3A_669 = arith.constant 0.399999976 : f32
    %div3A_670 = vector.broadcast %div3A_669 : f32 to vector<1000x128xf32>
    %div3A_671 = arith.divf %sub3A_668, %div3A_670 : vector<1000x128xf32>
    %mul3A_672 = arith.mulf %div3A_671, %convert_element_type3A_565 : vector<1000x128xf32>
    %add3A_673 = arith.addf %mul3A_665, %mul3A_672 : vector<1000x128xf32>
    %sub3A_674 = arith.constant -1.000000e+00 : f32
    %sub3A_675 = vector.broadcast %sub3A_674 : f32 to vector<1000x128xf32>
    %sub3A_676 = arith.subf %add3A_513, %sub3A_675 : vector<1000x128xf32>
    %div3A_677 = arith.constant 0.399999976 : f32
    %div3A_678 = vector.broadcast %div3A_677 : f32 to vector<1000x128xf32>
    %div3A_679 = arith.divf %sub3A_676, %div3A_678 : vector<1000x128xf32>
    %mul3A_680 = arith.mulf %div3A_679, %convert_element_type3A_565 : vector<1000x128xf32>
    %sub3A_681 = arith.constant -0.199999988 : f32
    %sub3A_682 = vector.broadcast %sub3A_681 : f32 to vector<1000x128xf32>
    %sub3A_683 = arith.subf %sub3A_682, %add3A_513 : vector<1000x128xf32>
    %div3A_684 = arith.constant 0.400000036 : f32
    %div3A_685 = vector.broadcast %div3A_684 : f32 to vector<1000x128xf32>
    %div3A_686 = arith.divf %sub3A_683, %div3A_685 : vector<1000x128xf32>
    %mul3A_687 = arith.mulf %div3A_686, %convert_element_type3A_574 : vector<1000x128xf32>
    %add3A_688 = arith.addf %mul3A_680, %mul3A_687 : vector<1000x128xf32>
    %sub3A_689 = arith.constant -6.000000e-01 : f32
    %sub3A_690 = vector.broadcast %sub3A_689 : f32 to vector<1000x128xf32>
    %sub3A_691 = arith.subf %add3A_513, %sub3A_690 : vector<1000x128xf32>
    %div3A_692 = arith.constant 0.400000036 : f32
    %div3A_693 = vector.broadcast %div3A_692 : f32 to vector<1000x128xf32>
    %div3A_694 = arith.divf %sub3A_691, %div3A_693 : vector<1000x128xf32>
    %mul3A_695 = arith.mulf %div3A_694, %convert_element_type3A_574 : vector<1000x128xf32>
    %sub3A_696 = arith.constant 0.200000048 : f32
    %sub3A_697 = vector.broadcast %sub3A_696 : f32 to vector<1000x128xf32>
    %sub3A_698 = arith.subf %sub3A_697, %add3A_513 : vector<1000x128xf32>
    %div3A_699 = arith.constant 0.400000036 : f32
    %div3A_700 = vector.broadcast %div3A_699 : f32 to vector<1000x128xf32>
    %div3A_701 = arith.divf %sub3A_698, %div3A_700 : vector<1000x128xf32>
    %mul3A_702 = arith.mulf %div3A_701, %convert_element_type3A_583 : vector<1000x128xf32>
    %add3A_703 = arith.addf %mul3A_695, %mul3A_702 : vector<1000x128xf32>
    %sub3A_704 = arith.constant -0.199999988 : f32
    %sub3A_705 = vector.broadcast %sub3A_704 : f32 to vector<1000x128xf32>
    %sub3A_706 = arith.subf %add3A_513, %sub3A_705 : vector<1000x128xf32>
    %div3A_707 = arith.constant 0.400000036 : f32
    %div3A_708 = vector.broadcast %div3A_707 : f32 to vector<1000x128xf32>
    %div3A_709 = arith.divf %sub3A_706, %div3A_708 : vector<1000x128xf32>
    %mul3A_710 = arith.mulf %div3A_709, %convert_element_type3A_583 : vector<1000x128xf32>
    %sub3A_711 = arith.constant 6.000000e-01 : f32
    %sub3A_712 = vector.broadcast %sub3A_711 : f32 to vector<1000x128xf32>
    %sub3A_713 = arith.subf %sub3A_712, %add3A_513 : vector<1000x128xf32>
    %div3A_714 = arith.constant 0.399999976 : f32
    %div3A_715 = vector.broadcast %div3A_714 : f32 to vector<1000x128xf32>
    %div3A_716 = arith.divf %sub3A_713, %div3A_715 : vector<1000x128xf32>
    %mul3A_717 = arith.mulf %div3A_716, %convert_element_type3A_592 : vector<1000x128xf32>
    %add3A_718 = arith.addf %mul3A_710, %mul3A_717 : vector<1000x128xf32>
    %sub3A_719 = arith.constant 0.200000048 : f32
    %sub3A_720 = vector.broadcast %sub3A_719 : f32 to vector<1000x128xf32>
    %sub3A_721 = arith.subf %add3A_513, %sub3A_720 : vector<1000x128xf32>
    %div3A_722 = arith.constant 0.399999976 : f32
    %div3A_723 = vector.broadcast %div3A_722 : f32 to vector<1000x128xf32>
    %div3A_724 = arith.divf %sub3A_721, %div3A_723 : vector<1000x128xf32>
    %mul3A_725 = arith.mulf %div3A_724, %convert_element_type3A_592 : vector<1000x128xf32>
    %sub3A_726 = arith.constant 1.000000e+00 : f32
    %sub3A_727 = vector.broadcast %sub3A_726 : f32 to vector<1000x128xf32>
    %sub3A_728 = arith.subf %sub3A_727, %add3A_513 : vector<1000x128xf32>
    %div3A_729 = arith.constant 0.399999976 : f32
    %div3A_730 = vector.broadcast %div3A_729 : f32 to vector<1000x128xf32>
    %div3A_731 = arith.divf %sub3A_728, %div3A_730 : vector<1000x128xf32>
    %mul3A_732 = arith.mulf %div3A_731, %convert_element_type3A_601 : vector<1000x128xf32>
    %add3A_733 = arith.addf %mul3A_725, %mul3A_732 : vector<1000x128xf32>
    %sub3A_734 = arith.constant 6.000000e-01 : f32
    %sub3A_735 = vector.broadcast %sub3A_734 : f32 to vector<1000x128xf32>
    %sub3A_736 = arith.subf %add3A_513, %sub3A_735 : vector<1000x128xf32>
    %div3A_737 = arith.constant 0.399999976 : f32
    %div3A_738 = vector.broadcast %div3A_737 : f32 to vector<1000x128xf32>
    %div3A_739 = arith.divf %sub3A_736, %div3A_738 : vector<1000x128xf32>
    %mul3A_740 = arith.mulf %div3A_739, %convert_element_type3A_601 : vector<1000x128xf32>
    %sub3A_741 = arith.constant 1.4000001 : f32
    %sub3A_742 = vector.broadcast %sub3A_741 : f32 to vector<1000x128xf32>
    %sub3A_743 = arith.subf %sub3A_742, %add3A_513 : vector<1000x128xf32>
    %div3A_744 = arith.constant 0.400000095 : f32
    %div3A_745 = vector.broadcast %div3A_744 : f32 to vector<1000x128xf32>
    %div3A_746 = arith.divf %sub3A_743, %div3A_745 : vector<1000x128xf32>
    %mul3A_747 = arith.mulf %div3A_746, %convert_element_type3A_610 : vector<1000x128xf32>
    %add3A_748 = arith.addf %mul3A_740, %mul3A_747 : vector<1000x128xf32>
    %sub3A_749 = arith.constant 1.000000e+00 : f32
    %sub3A_750 = vector.broadcast %sub3A_749 : f32 to vector<1000x128xf32>
    %sub3A_751 = arith.subf %add3A_513, %sub3A_750 : vector<1000x128xf32>
    %div3A_752 = arith.constant 0.400000095 : f32
    %div3A_753 = vector.broadcast %div3A_752 : f32 to vector<1000x128xf32>
    %div3A_754 = arith.divf %sub3A_751, %div3A_753 : vector<1000x128xf32>
    %mul3A_755 = arith.mulf %div3A_754, %convert_element_type3A_610 : vector<1000x128xf32>
    %sub3A_756 = arith.constant 1.800000e+00 : f32
    %sub3A_757 = vector.broadcast %sub3A_756 : f32 to vector<1000x128xf32>
    %sub3A_758 = arith.subf %sub3A_757, %add3A_513 : vector<1000x128xf32>
    %div3A_759 = arith.constant 0.399999857 : f32
    %div3A_760 = vector.broadcast %div3A_759 : f32 to vector<1000x128xf32>
    %div3A_761 = arith.divf %sub3A_758, %div3A_760 : vector<1000x128xf32>
    %mul3A_762 = arith.mulf %div3A_761, %convert_element_type3A_619 : vector<1000x128xf32>
    %add3A_763 = arith.addf %mul3A_755, %mul3A_762 : vector<1000x128xf32>
    %sub3A_764 = arith.constant 1.4000001 : f32
    %sub3A_765 = vector.broadcast %sub3A_764 : f32 to vector<1000x128xf32>
    %sub3A_766 = arith.subf %add3A_513, %sub3A_765 : vector<1000x128xf32>
    %div3A_767 = arith.constant 0.399999857 : f32
    %div3A_768 = vector.broadcast %div3A_767 : f32 to vector<1000x128xf32>
    %div3A_769 = arith.divf %sub3A_766, %div3A_768 : vector<1000x128xf32>
    %mul3A_770 = arith.mulf %div3A_769, %convert_element_type3A_619 : vector<1000x128xf32>
    %sub3A_771 = arith.constant 2.200000e+00 : f32
    %sub3A_772 = vector.broadcast %sub3A_771 : f32 to vector<1000x128xf32>
    %sub3A_773 = arith.subf %sub3A_772, %add3A_513 : vector<1000x128xf32>
    %div3A_774 = arith.constant 0.400000095 : f32
    %div3A_775 = vector.broadcast %div3A_774 : f32 to vector<1000x128xf32>
    %div3A_776 = arith.divf %sub3A_773, %div3A_775 : vector<1000x128xf32>
    %mul3A_777 = arith.mulf %div3A_776, %convert_element_type3A_628 : vector<1000x128xf32>
    %add3A_778 = arith.addf %mul3A_770, %mul3A_777 : vector<1000x128xf32>
    %sub3A_779 = arith.constant -2.200000e+00 : f32
    %sub3A_780 = vector.broadcast %sub3A_779 : f32 to vector<1000x128xf32>
    %sub3A_781 = arith.subf %add3A_513, %sub3A_780 : vector<1000x128xf32>
    %div3A_782 = arith.constant 0.800000071 : f32
    %div3A_783 = vector.broadcast %div3A_782 : f32 to vector<1000x128xf32>
    %div3A_784 = arith.divf %sub3A_781, %div3A_783 : vector<1000x128xf32>
    %mul3A_785 = arith.mulf %div3A_784, %add3A_643 : vector<1000x128xf32>
    %sub3A_786 = arith.constant -1.000000e+00 : f32
    %sub3A_787 = vector.broadcast %sub3A_786 : f32 to vector<1000x128xf32>
    %sub3A_788 = arith.subf %sub3A_787, %add3A_513 : vector<1000x128xf32>
    %div3A_789 = arith.constant 0.799999952 : f32
    %div3A_790 = vector.broadcast %div3A_789 : f32 to vector<1000x128xf32>
    %div3A_791 = arith.divf %sub3A_788, %div3A_790 : vector<1000x128xf32>
    %mul3A_792 = arith.mulf %div3A_791, %add3A_658 : vector<1000x128xf32>
    %add3A_793 = arith.addf %mul3A_785, %mul3A_792 : vector<1000x128xf32>
    %sub3A_794 = arith.constant -1.800000e+00 : f32
    %sub3A_795 = vector.broadcast %sub3A_794 : f32 to vector<1000x128xf32>
    %sub3A_796 = arith.subf %add3A_513, %sub3A_795 : vector<1000x128xf32>
    %div3A_797 = arith.constant 0.799999952 : f32
    %div3A_798 = vector.broadcast %div3A_797 : f32 to vector<1000x128xf32>
    %div3A_799 = arith.divf %sub3A_796, %div3A_798 : vector<1000x128xf32>
    %mul3A_800 = arith.mulf %div3A_799, %add3A_658 : vector<1000x128xf32>
    %sub3A_801 = arith.constant -6.000000e-01 : f32
    %sub3A_802 = vector.broadcast %sub3A_801 : f32 to vector<1000x128xf32>
    %sub3A_803 = arith.subf %sub3A_802, %add3A_513 : vector<1000x128xf32>
    %div3A_804 = arith.constant 0.799999952 : f32
    %div3A_805 = vector.broadcast %div3A_804 : f32 to vector<1000x128xf32>
    %div3A_806 = arith.divf %sub3A_803, %div3A_805 : vector<1000x128xf32>
    %mul3A_807 = arith.mulf %div3A_806, %add3A_673 : vector<1000x128xf32>
    %add3A_808 = arith.addf %mul3A_800, %mul3A_807 : vector<1000x128xf32>
    %sub3A_809 = arith.constant -1.400000e+00 : f32
    %sub3A_810 = vector.broadcast %sub3A_809 : f32 to vector<1000x128xf32>
    %sub3A_811 = arith.subf %add3A_513, %sub3A_810 : vector<1000x128xf32>
    %div3A_812 = arith.constant 0.799999952 : f32
    %div3A_813 = vector.broadcast %div3A_812 : f32 to vector<1000x128xf32>
    %div3A_814 = arith.divf %sub3A_811, %div3A_813 : vector<1000x128xf32>
    %mul3A_815 = arith.mulf %div3A_814, %add3A_673 : vector<1000x128xf32>
    %sub3A_816 = arith.constant -0.199999988 : f32
    %sub3A_817 = vector.broadcast %sub3A_816 : f32 to vector<1000x128xf32>
    %sub3A_818 = arith.subf %sub3A_817, %add3A_513 : vector<1000x128xf32>
    %div3A_819 = arith.constant 8.000000e-01 : f32
    %div3A_820 = vector.broadcast %div3A_819 : f32 to vector<1000x128xf32>
    %div3A_821 = arith.divf %sub3A_818, %div3A_820 : vector<1000x128xf32>
    %mul3A_822 = arith.mulf %div3A_821, %add3A_688 : vector<1000x128xf32>
    %add3A_823 = arith.addf %mul3A_815, %mul3A_822 : vector<1000x128xf32>
    %sub3A_824 = arith.constant -1.000000e+00 : f32
    %sub3A_825 = vector.broadcast %sub3A_824 : f32 to vector<1000x128xf32>
    %sub3A_826 = arith.subf %add3A_513, %sub3A_825 : vector<1000x128xf32>
    %div3A_827 = arith.constant 8.000000e-01 : f32
    %div3A_828 = vector.broadcast %div3A_827 : f32 to vector<1000x128xf32>
    %div3A_829 = arith.divf %sub3A_826, %div3A_828 : vector<1000x128xf32>
    %mul3A_830 = arith.mulf %div3A_829, %add3A_688 : vector<1000x128xf32>
    %sub3A_831 = arith.constant 0.200000048 : f32
    %sub3A_832 = vector.broadcast %sub3A_831 : f32 to vector<1000x128xf32>
    %sub3A_833 = arith.subf %sub3A_832, %add3A_513 : vector<1000x128xf32>
    %div3A_834 = arith.constant 0.800000071 : f32
    %div3A_835 = vector.broadcast %div3A_834 : f32 to vector<1000x128xf32>
    %div3A_836 = arith.divf %sub3A_833, %div3A_835 : vector<1000x128xf32>
    %mul3A_837 = arith.mulf %div3A_836, %add3A_703 : vector<1000x128xf32>
    %add3A_838 = arith.addf %mul3A_830, %mul3A_837 : vector<1000x128xf32>
    %sub3A_839 = arith.constant -6.000000e-01 : f32
    %sub3A_840 = vector.broadcast %sub3A_839 : f32 to vector<1000x128xf32>
    %sub3A_841 = arith.subf %add3A_513, %sub3A_840 : vector<1000x128xf32>
    %div3A_842 = arith.constant 0.800000071 : f32
    %div3A_843 = vector.broadcast %div3A_842 : f32 to vector<1000x128xf32>
    %div3A_844 = arith.divf %sub3A_841, %div3A_843 : vector<1000x128xf32>
    %mul3A_845 = arith.mulf %div3A_844, %add3A_703 : vector<1000x128xf32>
    %sub3A_846 = arith.constant 6.000000e-01 : f32
    %sub3A_847 = vector.broadcast %sub3A_846 : f32 to vector<1000x128xf32>
    %sub3A_848 = arith.subf %sub3A_847, %add3A_513 : vector<1000x128xf32>
    %div3A_849 = arith.constant 8.000000e-01 : f32
    %div3A_850 = vector.broadcast %div3A_849 : f32 to vector<1000x128xf32>
    %div3A_851 = arith.divf %sub3A_848, %div3A_850 : vector<1000x128xf32>
    %mul3A_852 = arith.mulf %div3A_851, %add3A_718 : vector<1000x128xf32>
    %add3A_853 = arith.addf %mul3A_845, %mul3A_852 : vector<1000x128xf32>
    %sub3A_854 = arith.constant -0.199999988 : f32
    %sub3A_855 = vector.broadcast %sub3A_854 : f32 to vector<1000x128xf32>
    %sub3A_856 = arith.subf %add3A_513, %sub3A_855 : vector<1000x128xf32>
    %div3A_857 = arith.constant 8.000000e-01 : f32
    %div3A_858 = vector.broadcast %div3A_857 : f32 to vector<1000x128xf32>
    %div3A_859 = arith.divf %sub3A_856, %div3A_858 : vector<1000x128xf32>
    %mul3A_860 = arith.mulf %div3A_859, %add3A_718 : vector<1000x128xf32>
    %sub3A_861 = arith.constant 1.000000e+00 : f32
    %sub3A_862 = vector.broadcast %sub3A_861 : f32 to vector<1000x128xf32>
    %sub3A_863 = arith.subf %sub3A_862, %add3A_513 : vector<1000x128xf32>
    %div3A_864 = arith.constant 0.799999952 : f32
    %div3A_865 = vector.broadcast %div3A_864 : f32 to vector<1000x128xf32>
    %div3A_866 = arith.divf %sub3A_863, %div3A_865 : vector<1000x128xf32>
    %mul3A_867 = arith.mulf %div3A_866, %add3A_733 : vector<1000x128xf32>
    %add3A_868 = arith.addf %mul3A_860, %mul3A_867 : vector<1000x128xf32>
    %sub3A_869 = arith.constant 0.200000048 : f32
    %sub3A_870 = vector.broadcast %sub3A_869 : f32 to vector<1000x128xf32>
    %sub3A_871 = arith.subf %add3A_513, %sub3A_870 : vector<1000x128xf32>
    %div3A_872 = arith.constant 0.799999952 : f32
    %div3A_873 = vector.broadcast %div3A_872 : f32 to vector<1000x128xf32>
    %div3A_874 = arith.divf %sub3A_871, %div3A_873 : vector<1000x128xf32>
    %mul3A_875 = arith.mulf %div3A_874, %add3A_733 : vector<1000x128xf32>
    %sub3A_876 = arith.constant 1.4000001 : f32
    %sub3A_877 = vector.broadcast %sub3A_876 : f32 to vector<1000x128xf32>
    %sub3A_878 = arith.subf %sub3A_877, %add3A_513 : vector<1000x128xf32>
    %div3A_879 = arith.constant 0.800000071 : f32
    %div3A_880 = vector.broadcast %div3A_879 : f32 to vector<1000x128xf32>
    %div3A_881 = arith.divf %sub3A_878, %div3A_880 : vector<1000x128xf32>
    %mul3A_882 = arith.mulf %div3A_881, %add3A_748 : vector<1000x128xf32>
    %add3A_883 = arith.addf %mul3A_875, %mul3A_882 : vector<1000x128xf32>
    %sub3A_884 = arith.constant 6.000000e-01 : f32
    %sub3A_885 = vector.broadcast %sub3A_884 : f32 to vector<1000x128xf32>
    %sub3A_886 = arith.subf %add3A_513, %sub3A_885 : vector<1000x128xf32>
    %div3A_887 = arith.constant 0.800000071 : f32
    %div3A_888 = vector.broadcast %div3A_887 : f32 to vector<1000x128xf32>
    %div3A_889 = arith.divf %sub3A_886, %div3A_888 : vector<1000x128xf32>
    %mul3A_890 = arith.mulf %div3A_889, %add3A_748 : vector<1000x128xf32>
    %sub3A_891 = arith.constant 1.800000e+00 : f32
    %sub3A_892 = vector.broadcast %sub3A_891 : f32 to vector<1000x128xf32>
    %sub3A_893 = arith.subf %sub3A_892, %add3A_513 : vector<1000x128xf32>
    %div3A_894 = arith.constant 0.799999952 : f32
    %div3A_895 = vector.broadcast %div3A_894 : f32 to vector<1000x128xf32>
    %div3A_896 = arith.divf %sub3A_893, %div3A_895 : vector<1000x128xf32>
    %mul3A_897 = arith.mulf %div3A_896, %add3A_763 : vector<1000x128xf32>
    %add3A_898 = arith.addf %mul3A_890, %mul3A_897 : vector<1000x128xf32>
    %sub3A_899 = arith.constant 1.000000e+00 : f32
    %sub3A_900 = vector.broadcast %sub3A_899 : f32 to vector<1000x128xf32>
    %sub3A_901 = arith.subf %add3A_513, %sub3A_900 : vector<1000x128xf32>
    %div3A_902 = arith.constant 0.799999952 : f32
    %div3A_903 = vector.broadcast %div3A_902 : f32 to vector<1000x128xf32>
    %div3A_904 = arith.divf %sub3A_901, %div3A_903 : vector<1000x128xf32>
    %mul3A_905 = arith.mulf %div3A_904, %add3A_763 : vector<1000x128xf32>
    %sub3A_906 = arith.constant 2.200000e+00 : f32
    %sub3A_907 = vector.broadcast %sub3A_906 : f32 to vector<1000x128xf32>
    %sub3A_908 = arith.subf %sub3A_907, %add3A_513 : vector<1000x128xf32>
    %div3A_909 = arith.constant 0.799999952 : f32
    %div3A_910 = vector.broadcast %div3A_909 : f32 to vector<1000x128xf32>
    %div3A_911 = arith.divf %sub3A_908, %div3A_910 : vector<1000x128xf32>
    %mul3A_912 = arith.mulf %div3A_911, %add3A_778 : vector<1000x128xf32>
    %add3A_913 = arith.addf %mul3A_905, %mul3A_912 : vector<1000x128xf32>
    %sub3A_914 = arith.constant -2.200000e+00 : f32
    %sub3A_915 = vector.broadcast %sub3A_914 : f32 to vector<1000x128xf32>
    %sub3A_916 = arith.subf %add3A_513, %sub3A_915 : vector<1000x128xf32>
    %div3A_917 = arith.constant 1.200000e+00 : f32
    %div3A_918 = vector.broadcast %div3A_917 : f32 to vector<1000x128xf32>
    %div3A_919 = arith.divf %sub3A_916, %div3A_918 : vector<1000x128xf32>
    %mul3A_920 = arith.mulf %div3A_919, %add3A_793 : vector<1000x128xf32>
    %sub3A_921 = arith.constant -6.000000e-01 : f32
    %sub3A_922 = vector.broadcast %sub3A_921 : f32 to vector<1000x128xf32>
    %sub3A_923 = arith.subf %sub3A_922, %add3A_513 : vector<1000x128xf32>
    %div3A_924 = arith.constant 1.19999993 : f32
    %div3A_925 = vector.broadcast %div3A_924 : f32 to vector<1000x128xf32>
    %div3A_926 = arith.divf %sub3A_923, %div3A_925 : vector<1000x128xf32>
    %mul3A_927 = arith.mulf %div3A_926, %add3A_808 : vector<1000x128xf32>
    %add3A_928 = arith.addf %mul3A_920, %mul3A_927 : vector<1000x128xf32>
    %sub3A_929 = arith.constant -1.800000e+00 : f32
    %sub3A_930 = vector.broadcast %sub3A_929 : f32 to vector<1000x128xf32>
    %sub3A_931 = arith.subf %add3A_513, %sub3A_930 : vector<1000x128xf32>
    %div3A_932 = arith.constant 1.19999993 : f32
    %div3A_933 = vector.broadcast %div3A_932 : f32 to vector<1000x128xf32>
    %div3A_934 = arith.divf %sub3A_931, %div3A_933 : vector<1000x128xf32>
    %mul3A_935 = arith.mulf %div3A_934, %add3A_808 : vector<1000x128xf32>
    %sub3A_936 = arith.constant -0.199999988 : f32
    %sub3A_937 = vector.broadcast %sub3A_936 : f32 to vector<1000x128xf32>
    %sub3A_938 = arith.subf %sub3A_937, %add3A_513 : vector<1000x128xf32>
    %div3A_939 = arith.constant 1.200000e+00 : f32
    %div3A_940 = vector.broadcast %div3A_939 : f32 to vector<1000x128xf32>
    %div3A_941 = arith.divf %sub3A_938, %div3A_940 : vector<1000x128xf32>
    %mul3A_942 = arith.mulf %div3A_941, %add3A_823 : vector<1000x128xf32>
    %add3A_943 = arith.addf %mul3A_935, %mul3A_942 : vector<1000x128xf32>
    %sub3A_944 = arith.constant -1.400000e+00 : f32
    %sub3A_945 = vector.broadcast %sub3A_944 : f32 to vector<1000x128xf32>
    %sub3A_946 = arith.subf %add3A_513, %sub3A_945 : vector<1000x128xf32>
    %div3A_947 = arith.constant 1.200000e+00 : f32
    %div3A_948 = vector.broadcast %div3A_947 : f32 to vector<1000x128xf32>
    %div3A_949 = arith.divf %sub3A_946, %div3A_948 : vector<1000x128xf32>
    %mul3A_950 = arith.mulf %div3A_949, %add3A_823 : vector<1000x128xf32>
    %sub3A_951 = arith.constant 0.200000048 : f32
    %sub3A_952 = vector.broadcast %sub3A_951 : f32 to vector<1000x128xf32>
    %sub3A_953 = arith.subf %sub3A_952, %add3A_513 : vector<1000x128xf32>
    %div3A_954 = arith.constant 1.200000e+00 : f32
    %div3A_955 = vector.broadcast %div3A_954 : f32 to vector<1000x128xf32>
    %div3A_956 = arith.divf %sub3A_953, %div3A_955 : vector<1000x128xf32>
    %mul3A_957 = arith.mulf %div3A_956, %add3A_838 : vector<1000x128xf32>
    %add3A_958 = arith.addf %mul3A_950, %mul3A_957 : vector<1000x128xf32>
    %sub3A_959 = arith.constant -1.000000e+00 : f32
    %sub3A_960 = vector.broadcast %sub3A_959 : f32 to vector<1000x128xf32>
    %sub3A_961 = arith.subf %add3A_513, %sub3A_960 : vector<1000x128xf32>
    %div3A_962 = arith.constant 1.200000e+00 : f32
    %div3A_963 = vector.broadcast %div3A_962 : f32 to vector<1000x128xf32>
    %div3A_964 = arith.divf %sub3A_961, %div3A_963 : vector<1000x128xf32>
    %mul3A_965 = arith.mulf %div3A_964, %add3A_838 : vector<1000x128xf32>
    %sub3A_966 = arith.constant 6.000000e-01 : f32
    %sub3A_967 = vector.broadcast %sub3A_966 : f32 to vector<1000x128xf32>
    %sub3A_968 = arith.subf %sub3A_967, %add3A_513 : vector<1000x128xf32>
    %div3A_969 = arith.constant 1.200000e+00 : f32
    %div3A_970 = vector.broadcast %div3A_969 : f32 to vector<1000x128xf32>
    %div3A_971 = arith.divf %sub3A_968, %div3A_970 : vector<1000x128xf32>
    %mul3A_972 = arith.mulf %div3A_971, %add3A_853 : vector<1000x128xf32>
    %add3A_973 = arith.addf %mul3A_965, %mul3A_972 : vector<1000x128xf32>
    %sub3A_974 = arith.constant -6.000000e-01 : f32
    %sub3A_975 = vector.broadcast %sub3A_974 : f32 to vector<1000x128xf32>
    %sub3A_976 = arith.subf %add3A_513, %sub3A_975 : vector<1000x128xf32>
    %div3A_977 = arith.constant 1.200000e+00 : f32
    %div3A_978 = vector.broadcast %div3A_977 : f32 to vector<1000x128xf32>
    %div3A_979 = arith.divf %sub3A_976, %div3A_978 : vector<1000x128xf32>
    %mul3A_980 = arith.mulf %div3A_979, %add3A_853 : vector<1000x128xf32>
    %sub3A_981 = arith.constant 1.000000e+00 : f32
    %sub3A_982 = vector.broadcast %sub3A_981 : f32 to vector<1000x128xf32>
    %sub3A_983 = arith.subf %sub3A_982, %add3A_513 : vector<1000x128xf32>
    %div3A_984 = arith.constant 1.200000e+00 : f32
    %div3A_985 = vector.broadcast %div3A_984 : f32 to vector<1000x128xf32>
    %div3A_986 = arith.divf %sub3A_983, %div3A_985 : vector<1000x128xf32>
    %mul3A_987 = arith.mulf %div3A_986, %add3A_868 : vector<1000x128xf32>
    %add3A_988 = arith.addf %mul3A_980, %mul3A_987 : vector<1000x128xf32>
    %sub3A_989 = arith.constant -0.199999988 : f32
    %sub3A_990 = vector.broadcast %sub3A_989 : f32 to vector<1000x128xf32>
    %sub3A_991 = arith.subf %add3A_513, %sub3A_990 : vector<1000x128xf32>
    %div3A_992 = arith.constant 1.200000e+00 : f32
    %div3A_993 = vector.broadcast %div3A_992 : f32 to vector<1000x128xf32>
    %div3A_994 = arith.divf %sub3A_991, %div3A_993 : vector<1000x128xf32>
    %mul3A_995 = arith.mulf %div3A_994, %add3A_868 : vector<1000x128xf32>
    %sub3A_996 = arith.constant 1.4000001 : f32
    %sub3A_997 = vector.broadcast %sub3A_996 : f32 to vector<1000x128xf32>
    %sub3A_998 = arith.subf %sub3A_997, %add3A_513 : vector<1000x128xf32>
    %div3A_999 = arith.constant 1.200000e+00 : f32
    %div3A_1000 = vector.broadcast %div3A_999 : f32 to vector<1000x128xf32>
    %div3A_1001 = arith.divf %sub3A_998, %div3A_1000 : vector<1000x128xf32>
    %mul3A_1002 = arith.mulf %div3A_1001, %add3A_883 : vector<1000x128xf32>
    %add3A_1003 = arith.addf %mul3A_995, %mul3A_1002 : vector<1000x128xf32>
    %sub3A_1004 = arith.constant 0.200000048 : f32
    %sub3A_1005 = vector.broadcast %sub3A_1004 : f32 to vector<1000x128xf32>
    %sub3A_1006 = arith.subf %add3A_513, %sub3A_1005 : vector<1000x128xf32>
    %div3A_1007 = arith.constant 1.200000e+00 : f32
    %div3A_1008 = vector.broadcast %div3A_1007 : f32 to vector<1000x128xf32>
    %div3A_1009 = arith.divf %sub3A_1006, %div3A_1008 : vector<1000x128xf32>
    %mul3A_1010 = arith.mulf %div3A_1009, %add3A_883 : vector<1000x128xf32>
    %sub3A_1011 = arith.constant 1.800000e+00 : f32
    %sub3A_1012 = vector.broadcast %sub3A_1011 : f32 to vector<1000x128xf32>
    %sub3A_1013 = arith.subf %sub3A_1012, %add3A_513 : vector<1000x128xf32>
    %div3A_1014 = arith.constant 1.19999993 : f32
    %div3A_1015 = vector.broadcast %div3A_1014 : f32 to vector<1000x128xf32>
    %div3A_1016 = arith.divf %sub3A_1013, %div3A_1015 : vector<1000x128xf32>
    %mul3A_1017 = arith.mulf %div3A_1016, %add3A_898 : vector<1000x128xf32>
    %add3A_1018 = arith.addf %mul3A_1010, %mul3A_1017 : vector<1000x128xf32>
    %sub3A_1019 = arith.constant 6.000000e-01 : f32
    %sub3A_1020 = vector.broadcast %sub3A_1019 : f32 to vector<1000x128xf32>
    %sub3A_1021 = arith.subf %add3A_513, %sub3A_1020 : vector<1000x128xf32>
    %div3A_1022 = arith.constant 1.19999993 : f32
    %div3A_1023 = vector.broadcast %div3A_1022 : f32 to vector<1000x128xf32>
    %div3A_1024 = arith.divf %sub3A_1021, %div3A_1023 : vector<1000x128xf32>
    %mul3A_1025 = arith.mulf %div3A_1024, %add3A_898 : vector<1000x128xf32>
    %sub3A_1026 = arith.constant 2.200000e+00 : f32
    %sub3A_1027 = vector.broadcast %sub3A_1026 : f32 to vector<1000x128xf32>
    %sub3A_1028 = arith.subf %sub3A_1027, %add3A_513 : vector<1000x128xf32>
    %div3A_1029 = arith.constant 1.200000e+00 : f32
    %div3A_1030 = vector.broadcast %div3A_1029 : f32 to vector<1000x128xf32>
    %div3A_1031 = arith.divf %sub3A_1028, %div3A_1030 : vector<1000x128xf32>
    %mul3A_1032 = arith.mulf %div3A_1031, %add3A_913 : vector<1000x128xf32>
    %add3A_1033 = arith.addf %mul3A_1025, %mul3A_1032 : vector<1000x128xf32>
    %slice3A_1034 = vector.extract_strided_slice %get3A_519 {offsets = [0, 0], sizes = [1, 128], strides = [1, 1]} : vector<8x128xf32> to vector<1x128xf32>
    %mul3A_1035 = vector.broadcast %slice3A_1034 : vector<1x128xf32> to vector<1000x128xf32>
    %mul3A_1036 = arith.mulf %add3A_928, %mul3A_1035 : vector<1000x128xf32>
    %reduce_sum3A_1037 = arith.constant dense<0.000000e+00> : vector<1000xf32>
    %reduce_sum3A_1038 = vector.multi_reduction <add>, %mul3A_1036, %reduce_sum3A_1037 [1] : vector<1000x128xf32> to vector<1000xf32>
    %broadcast_in_dim3A_1039 = vector.shape_cast %reduce_sum3A_1038 : vector<1000xf32> to vector<1000x1xf32>
    %add3A_1040 = arith.addf %broadcast_in_dim3A, %broadcast_in_dim3A_1039 : vector<1000x1xf32>
    %slice3A_1041 = vector.extract_strided_slice %get3A_519 {offsets = [1, 0], sizes = [1, 128], strides = [1, 1]} : vector<8x128xf32> to vector<1x128xf32>
    %mul3A_1042 = vector.broadcast %slice3A_1041 : vector<1x128xf32> to vector<1000x128xf32>
    %mul3A_1043 = arith.mulf %add3A_943, %mul3A_1042 : vector<1000x128xf32>
    %reduce_sum3A_1044 = arith.constant dense<0.000000e+00> : vector<1000xf32>
    %reduce_sum3A_1045 = vector.multi_reduction <add>, %mul3A_1043, %reduce_sum3A_1044 [1] : vector<1000x128xf32> to vector<1000xf32>
    %broadcast_in_dim3A_1046 = vector.shape_cast %reduce_sum3A_1045 : vector<1000xf32> to vector<1000x1xf32>
    %add3A_1047 = arith.addf %add3A_1040, %broadcast_in_dim3A_1046 : vector<1000x1xf32>
    %slice3A_1048 = vector.extract_strided_slice %get3A_519 {offsets = [2, 0], sizes = [1, 128], strides = [1, 1]} : vector<8x128xf32> to vector<1x128xf32>
    %mul3A_1049 = vector.broadcast %slice3A_1048 : vector<1x128xf32> to vector<1000x128xf32>
    %mul3A_1050 = arith.mulf %add3A_958, %mul3A_1049 : vector<1000x128xf32>
    %reduce_sum3A_1051 = arith.constant dense<0.000000e+00> : vector<1000xf32>
    %reduce_sum3A_1052 = vector.multi_reduction <add>, %mul3A_1050, %reduce_sum3A_1051 [1] : vector<1000x128xf32> to vector<1000xf32>
    %broadcast_in_dim3A_1053 = vector.shape_cast %reduce_sum3A_1052 : vector<1000xf32> to vector<1000x1xf32>
    %add3A_1054 = arith.addf %add3A_1047, %broadcast_in_dim3A_1053 : vector<1000x1xf32>
    %slice3A_1055 = vector.extract_strided_slice %get3A_519 {offsets = [3, 0], sizes = [1, 128], strides = [1, 1]} : vector<8x128xf32> to vector<1x128xf32>
    %mul3A_1056 = vector.broadcast %slice3A_1055 : vector<1x128xf32> to vector<1000x128xf32>
    %mul3A_1057 = arith.mulf %add3A_973, %mul3A_1056 : vector<1000x128xf32>
    %reduce_sum3A_1058 = arith.constant dense<0.000000e+00> : vector<1000xf32>
    %reduce_sum3A_1059 = vector.multi_reduction <add>, %mul3A_1057, %reduce_sum3A_1058 [1] : vector<1000x128xf32> to vector<1000xf32>
    %broadcast_in_dim3A_1060 = vector.shape_cast %reduce_sum3A_1059 : vector<1000xf32> to vector<1000x1xf32>
    %add3A_1061 = arith.addf %add3A_1054, %broadcast_in_dim3A_1060 : vector<1000x1xf32>
    %slice3A_1062 = vector.extract_strided_slice %get3A_519 {offsets = [4, 0], sizes = [1, 128], strides = [1, 1]} : vector<8x128xf32> to vector<1x128xf32>
    %mul3A_1063 = vector.broadcast %slice3A_1062 : vector<1x128xf32> to vector<1000x128xf32>
    %mul3A_1064 = arith.mulf %add3A_988, %mul3A_1063 : vector<1000x128xf32>
    %reduce_sum3A_1065 = arith.constant dense<0.000000e+00> : vector<1000xf32>
    %reduce_sum3A_1066 = vector.multi_reduction <add>, %mul3A_1064, %reduce_sum3A_1065 [1] : vector<1000x128xf32> to vector<1000xf32>
    %broadcast_in_dim3A_1067 = vector.shape_cast %reduce_sum3A_1066 : vector<1000xf32> to vector<1000x1xf32>
    %add3A_1068 = arith.addf %add3A_1061, %broadcast_in_dim3A_1067 : vector<1000x1xf32>
    %slice3A_1069 = vector.extract_strided_slice %get3A_519 {offsets = [5, 0], sizes = [1, 128], strides = [1, 1]} : vector<8x128xf32> to vector<1x128xf32>
    %mul3A_1070 = vector.broadcast %slice3A_1069 : vector<1x128xf32> to vector<1000x128xf32>
    %mul3A_1071 = arith.mulf %add3A_1003, %mul3A_1070 : vector<1000x128xf32>
    %reduce_sum3A_1072 = arith.constant dense<0.000000e+00> : vector<1000xf32>
    %reduce_sum3A_1073 = vector.multi_reduction <add>, %mul3A_1071, %reduce_sum3A_1072 [1] : vector<1000x128xf32> to vector<1000xf32>
    %broadcast_in_dim3A_1074 = vector.shape_cast %reduce_sum3A_1073 : vector<1000xf32> to vector<1000x1xf32>
    %add3A_1075 = arith.addf %add3A_1068, %broadcast_in_dim3A_1074 : vector<1000x1xf32>
    %slice3A_1076 = vector.extract_strided_slice %get3A_519 {offsets = [6, 0], sizes = [1, 128], strides = [1, 1]} : vector<8x128xf32> to vector<1x128xf32>
    %mul3A_1077 = vector.broadcast %slice3A_1076 : vector<1x128xf32> to vector<1000x128xf32>
    %mul3A_1078 = arith.mulf %add3A_1018, %mul3A_1077 : vector<1000x128xf32>
    %reduce_sum3A_1079 = arith.constant dense<0.000000e+00> : vector<1000xf32>
    %reduce_sum3A_1080 = vector.multi_reduction <add>, %mul3A_1078, %reduce_sum3A_1079 [1] : vector<1000x128xf32> to vector<1000xf32>
    %broadcast_in_dim3A_1081 = vector.shape_cast %reduce_sum3A_1080 : vector<1000xf32> to vector<1000x1xf32>
    %add3A_1082 = arith.addf %add3A_1075, %broadcast_in_dim3A_1081 : vector<1000x1xf32>
    %slice3A_1083 = vector.extract_strided_slice %get3A_519 {offsets = [7, 0], sizes = [1, 128], strides = [1, 1]} : vector<8x128xf32> to vector<1x128xf32>
    %mul3A_1084 = vector.broadcast %slice3A_1083 : vector<1x128xf32> to vector<1000x128xf32>
    %mul3A_1085 = arith.mulf %add3A_1033, %mul3A_1084 : vector<1000x128xf32>
    %reduce_sum3A_1086 = arith.constant dense<0.000000e+00> : vector<1000xf32>
    %reduce_sum3A_1087 = vector.multi_reduction <add>, %mul3A_1085, %reduce_sum3A_1086 [1] : vector<1000x128xf32> to vector<1000xf32>
    %broadcast_in_dim3A_1088 = vector.shape_cast %reduce_sum3A_1087 : vector<1000xf32> to vector<1000x1xf32>
    %add3A_1089 = arith.addf %add3A_1082, %broadcast_in_dim3A_1088 : vector<1000x1xf32>
    %logistic3A_1090 = arith.negf %add3A_1089 : vector<1000x1xf32>
    %logistic3A_1091 = math.exp %logistic3A_1090 : vector<1000x1xf32>
    %logistic3A_1092 = arith.constant 1.000000e+00 : f32
    %logistic3A_1093 = vector.broadcast %logistic3A_1092 : f32 to vector<1000x1xf32>
    %logistic3A_1094 = arith.addf %logistic3A_1093, %logistic3A_1091 : vector<1000x1xf32>
    %logistic3A_1095 = arith.divf %logistic3A_1093, %logistic3A_1094 : vector<1000x1xf32>
    %swap3A = arith.constant 0 : index
    %swap3A_1096 = arith.constant 0 : index
    %swap3A_1097 = vector.load %arg6[%swap3A, %swap3A_1096] : memref<1000x1xf32, #tpu.memory_space<vmem>>, vector<1000x1xf32>
    tpu.vector_store %arg6[%swap3A, %swap3A_1096], %logistic3A_1095 {strides = array<i32>} : memref<1000x1xf32, #tpu.memory_space<vmem>>, vector<1000x1xf32>,
    return
  }
  func.func @transform_0(%arg0: i32) -> (i32, i32) {
    %c0_i32 = arith.constant 0 : i32
    %c0_i32_0 = arith.constant 0 : i32
    return %arg0, %c0_i32 : i32, i32
  }
  func.func @transform_1(%arg0: i32) -> (i32, i32) {
    %c0_i32 = arith.constant 0 : i32
    %c0_i32_0 = arith.constant 0 : i32
    %c0_i32_1 = arith.constant 0 : i32
    return %c0_i32, %c0_i32_0 : i32, i32
  }
  func.func @transform_2(%arg0: i32) -> (i32, i32) {
    %c0_i32 = arith.constant 0 : i32
    %c0_i32_0 = arith.constant 0 : i32
    %c0_i32_1 = arith.constant 0 : i32
    return %c0_i32, %c0_i32_0 : i32, i32
  }
  func.func @transform_3(%arg0: i32) -> (i32, i32) {
    %c0_i32 = arith.constant 0 : i32
    %c0_i32_0 = arith.constant 0 : i32
    %c0_i32_1 = arith.constant 0 : i32
    return %c0_i32, %c0_i32_0 : i32, i32
  }
  func.func @transform_4(%arg0: i32) -> (i32, i32) {
    %c0_i32 = arith.constant 0 : i32
    %c0_i32_0 = arith.constant 0 : i32
    %c0_i32_1 = arith.constant 0 : i32
    return %c0_i32, %c0_i32_0 : i32, i32
  }
  func.func @transform_5(%arg0: i32) -> (i32, i32) {
    %c0_i32 = arith.constant 0 : i32
    %c0_i32_0 = arith.constant 0 : i32
    return %arg0, %c0_i32 : i32, i32
  }
}

module attributes {stable_mosaic.version = 14 : i64} {
  func.func @body(%arg0: i32, %arg1: memref<2x400x128xf32, #tpu.memory_space<vmem>>, %arg2: memref<400x128xf32, #tpu.memory_space<vmem>>, %arg3: memref<2x400x128xf32, #tpu.memory_space<vmem>>, %arg4: memref<1x128xf32, #tpu.memory_space<vmem>>, %arg5: memref<128x128xf32, #tpu.memory_space<vmem>>, %arg6: memref<1024x128xf32, #tpu.memory_space<vmem>>, %arg7: memref<400x128xf32, #tpu.memory_space<vmem>>) attributes {dimension_semantics = [#tpu.dimension_semantics<arbitrary>], iteration_bounds = array<i64: 25>, scalar_prefetch = 0 : i64, scratch_operands = 0 : i64, tpu.core_type = #tpu.core_type<tc>, window_params = [{transform_indices = @transform_0, window_bounds = array<i64: 2, 400, 128>}, {transform_indices = @transform_1, window_bounds = array<i64: 400, 128>}, {transform_indices = @transform_2, window_bounds = array<i64: 2, 400, 128>}, {pipeline_mode = #tpu.pipeline_mode<synchronous>, transform_indices = @transform_3, window_bounds = array<i64: 1, 128>}, {pipeline_mode = #tpu.pipeline_mode<synchronous>, transform_indices = @transform_4, window_bounds = array<i64: 128, 128>}, {pipeline_mode = #tpu.pipeline_mode<synchronous>, transform_indices = @transform_5, window_bounds = array<i64: 1024, 128>}, {transform_indices = @transform_6, window_bounds = array<i64: 400, 128>}]} {
    %get3A = arith.constant 0 : index
    %get3A_0 = arith.constant 0 : index
    %get3A_1 = arith.constant 0 : index
    %get3A_2 = vector.load %arg1[%get3A, %get3A_0, %get3A_1] : memref<2x400x128xf32, #tpu.memory_space<vmem>>, vector<2x400x128xf32>
    %get3A_3 = arith.constant 0 : index
    %get3A_4 = arith.constant 0 : index
    %get3A_5 = arith.constant 0 : index
    %get3A_6 = vector.load %arg3[%get3A_3, %get3A_4, %get3A_5] : memref<2x400x128xf32, #tpu.memory_space<vmem>>, vector<2x400x128xf32>
    %slice3A = vector.extract_strided_slice %get3A_6 {offsets = [0, 0, 0], sizes = [1, 400, 1], strides = [1, 1, 1]} : vector<2x400x128xf32> to vector<1x400x1xf32>
    %squeeze3A = vector.shape_cast %slice3A : vector<1x400x1xf32> to vector<400x1xf32>
    %slice3A_7 = vector.extract_strided_slice %get3A_6 {offsets = [1, 0, 0], sizes = [1, 400, 1], strides = [1, 1, 1]} : vector<2x400x128xf32> to vector<1x400x1xf32>
    %squeeze3A_8 = vector.shape_cast %slice3A_7 : vector<1x400x1xf32> to vector<400x1xf32>
    %add3A = arith.addf %squeeze3A, %squeeze3A_8 : vector<400x1xf32>
    %add3A_9 = arith.constant 1.000000e+00 : f32
    %add3A_10 = vector.broadcast %add3A_9 : f32 to vector<400x1xf32>
    %add3A_11 = arith.addf %add3A, %add3A_10 : vector<400x1xf32>
    %rsqrt3A = math.rsqrt %add3A_11 : vector<400x1xf32>
    %slice3A_12 = vector.extract_strided_slice %get3A_2 {offsets = [0, 0, 0], sizes = [1, 400, 128], strides = [1, 1, 1]} : vector<2x400x128xf32> to vector<1x400x128xf32>
    %squeeze3A_13 = vector.shape_cast %slice3A_12 : vector<1x400x128xf32> to vector<400x128xf32>
    %slice3A_14 = vector.extract_strided_slice %get3A_2 {offsets = [1, 0, 0], sizes = [1, 400, 128], strides = [1, 1, 1]} : vector<2x400x128xf32> to vector<1x400x128xf32>
    %squeeze3A_15 = vector.shape_cast %slice3A_14 : vector<1x400x128xf32> to vector<400x128xf32>
    %add3A_16 = arith.addf %squeeze3A_13, %squeeze3A_15 : vector<400x128xf32>
    %get3A_17 = arith.constant 0 : index
    %get3A_18 = arith.constant 0 : index
    %get3A_19 = vector.load %arg2[%get3A_17, %get3A_18] : memref<400x128xf32, #tpu.memory_space<vmem>>, vector<400x128xf32>
    %add3A_20 = arith.addf %add3A_16, %get3A_19 : vector<400x128xf32>
    %mul3A = vector.broadcast %rsqrt3A : vector<400x1xf32> to vector<400x128xf32>
    %mul3A_21 = arith.mulf %mul3A, %add3A_20 : vector<400x128xf32>
    %get3A_22 = arith.constant 0 : index
    %get3A_23 = arith.constant 0 : index
    %get3A_24 = vector.load %arg4[%get3A_22, %get3A_23] : memref<1x128xf32, #tpu.memory_space<vmem>>, vector<1x128xf32>
    %add3A_25 = vector.broadcast %get3A_24 : vector<1x128xf32> to vector<400x128xf32>
    %add3A_26 = arith.addf %mul3A_21, %add3A_25 : vector<400x128xf32>
    %max3A = arith.constant 0.000000e+00 : f32
    %max3A_27 = vector.broadcast %max3A : f32 to vector<400x128xf32>
    %max3A_28 = arith.maximumf %add3A_26, %max3A_27 : vector<400x128xf32>
    %get3A_29 = arith.constant 0 : index
    %get3A_30 = arith.constant 0 : index
    %get3A_31 = vector.load %arg5[%get3A_29, %get3A_30] : memref<128x128xf32, #tpu.memory_space<vmem>>, vector<128x128xf32>
    %get3A_32 = arith.constant 0 : index
    %get3A_33 = arith.constant 0 : index
    %get3A_34 = vector.load %arg6[%get3A_32, %get3A_33] : memref<1024x128xf32, #tpu.memory_space<vmem>>, vector<1024x128xf32>
    %ge3A = arith.constant -2.200000e+00 : f32
    %ge3A_35 = vector.broadcast %ge3A : f32 to vector<400x128xf32>
    %ge3A_36 = arith.cmpf oge, %max3A_28, %ge3A_35 : vector<400x128xf32>
    %lt3A = arith.constant -1.800000e+00 : f32
    %lt3A_37 = vector.broadcast %lt3A : f32 to vector<400x128xf32>
    %lt3A_38 = arith.cmpf olt, %max3A_28, %lt3A_37 : vector<400x128xf32>
    %and3A = arith.andi %ge3A_36, %lt3A_38 : vector<400x128xi1>
    %convert_element_type3A = arith.extui %and3A : vector<400x128xi1> to vector<400x128xi32>
    %convert_element_type3A_39 = arith.sitofp %convert_element_type3A : vector<400x128xi32> to vector<400x128xf32>
    %ge3A_40 = arith.constant -1.800000e+00 : f32
    %ge3A_41 = vector.broadcast %ge3A_40 : f32 to vector<400x128xf32>
    %ge3A_42 = arith.cmpf oge, %max3A_28, %ge3A_41 : vector<400x128xf32>
    %lt3A_43 = arith.constant -1.400000e+00 : f32
    %lt3A_44 = vector.broadcast %lt3A_43 : f32 to vector<400x128xf32>
    %lt3A_45 = arith.cmpf olt, %max3A_28, %lt3A_44 : vector<400x128xf32>
    %and3A_46 = arith.andi %ge3A_42, %lt3A_45 : vector<400x128xi1>
    %convert_element_type3A_47 = arith.extui %and3A_46 : vector<400x128xi1> to vector<400x128xi32>
    %convert_element_type3A_48 = arith.sitofp %convert_element_type3A_47 : vector<400x128xi32> to vector<400x128xf32>
    %ge3A_49 = arith.constant -1.400000e+00 : f32
    %ge3A_50 = vector.broadcast %ge3A_49 : f32 to vector<400x128xf32>
    %ge3A_51 = arith.cmpf oge, %max3A_28, %ge3A_50 : vector<400x128xf32>
    %lt3A_52 = arith.constant -1.000000e+00 : f32
    %lt3A_53 = vector.broadcast %lt3A_52 : f32 to vector<400x128xf32>
    %lt3A_54 = arith.cmpf olt, %max3A_28, %lt3A_53 : vector<400x128xf32>
    %and3A_55 = arith.andi %ge3A_51, %lt3A_54 : vector<400x128xi1>
    %convert_element_type3A_56 = arith.extui %and3A_55 : vector<400x128xi1> to vector<400x128xi32>
    %convert_element_type3A_57 = arith.sitofp %convert_element_type3A_56 : vector<400x128xi32> to vector<400x128xf32>
    %ge3A_58 = arith.constant -1.000000e+00 : f32
    %ge3A_59 = vector.broadcast %ge3A_58 : f32 to vector<400x128xf32>
    %ge3A_60 = arith.cmpf oge, %max3A_28, %ge3A_59 : vector<400x128xf32>
    %lt3A_61 = arith.constant -6.000000e-01 : f32
    %lt3A_62 = vector.broadcast %lt3A_61 : f32 to vector<400x128xf32>
    %lt3A_63 = arith.cmpf olt, %max3A_28, %lt3A_62 : vector<400x128xf32>
    %and3A_64 = arith.andi %ge3A_60, %lt3A_63 : vector<400x128xi1>
    %convert_element_type3A_65 = arith.extui %and3A_64 : vector<400x128xi1> to vector<400x128xi32>
    %convert_element_type3A_66 = arith.sitofp %convert_element_type3A_65 : vector<400x128xi32> to vector<400x128xf32>
    %ge3A_67 = arith.constant -6.000000e-01 : f32
    %ge3A_68 = vector.broadcast %ge3A_67 : f32 to vector<400x128xf32>
    %ge3A_69 = arith.cmpf oge, %max3A_28, %ge3A_68 : vector<400x128xf32>
    %lt3A_70 = arith.constant -0.199999988 : f32
    %lt3A_71 = vector.broadcast %lt3A_70 : f32 to vector<400x128xf32>
    %lt3A_72 = arith.cmpf olt, %max3A_28, %lt3A_71 : vector<400x128xf32>
    %and3A_73 = arith.andi %ge3A_69, %lt3A_72 : vector<400x128xi1>
    %convert_element_type3A_74 = arith.extui %and3A_73 : vector<400x128xi1> to vector<400x128xi32>
    %convert_element_type3A_75 = arith.sitofp %convert_element_type3A_74 : vector<400x128xi32> to vector<400x128xf32>
    %ge3A_76 = arith.constant -0.199999988 : f32
    %ge3A_77 = vector.broadcast %ge3A_76 : f32 to vector<400x128xf32>
    %ge3A_78 = arith.cmpf oge, %max3A_28, %ge3A_77 : vector<400x128xf32>
    %lt3A_79 = arith.constant 0.200000048 : f32
    %lt3A_80 = vector.broadcast %lt3A_79 : f32 to vector<400x128xf32>
    %lt3A_81 = arith.cmpf olt, %max3A_28, %lt3A_80 : vector<400x128xf32>
    %and3A_82 = arith.andi %ge3A_78, %lt3A_81 : vector<400x128xi1>
    %convert_element_type3A_83 = arith.extui %and3A_82 : vector<400x128xi1> to vector<400x128xi32>
    %convert_element_type3A_84 = arith.sitofp %convert_element_type3A_83 : vector<400x128xi32> to vector<400x128xf32>
    %ge3A_85 = arith.constant 0.200000048 : f32
    %ge3A_86 = vector.broadcast %ge3A_85 : f32 to vector<400x128xf32>
    %ge3A_87 = arith.cmpf oge, %max3A_28, %ge3A_86 : vector<400x128xf32>
    %lt3A_88 = arith.constant 6.000000e-01 : f32
    %lt3A_89 = vector.broadcast %lt3A_88 : f32 to vector<400x128xf32>
    %lt3A_90 = arith.cmpf olt, %max3A_28, %lt3A_89 : vector<400x128xf32>
    %and3A_91 = arith.andi %ge3A_87, %lt3A_90 : vector<400x128xi1>
    %convert_element_type3A_92 = arith.extui %and3A_91 : vector<400x128xi1> to vector<400x128xi32>
    %convert_element_type3A_93 = arith.sitofp %convert_element_type3A_92 : vector<400x128xi32> to vector<400x128xf32>
    %ge3A_94 = arith.constant 6.000000e-01 : f32
    %ge3A_95 = vector.broadcast %ge3A_94 : f32 to vector<400x128xf32>
    %ge3A_96 = arith.cmpf oge, %max3A_28, %ge3A_95 : vector<400x128xf32>
    %lt3A_97 = arith.constant 1.000000e+00 : f32
    %lt3A_98 = vector.broadcast %lt3A_97 : f32 to vector<400x128xf32>
    %lt3A_99 = arith.cmpf olt, %max3A_28, %lt3A_98 : vector<400x128xf32>
    %and3A_100 = arith.andi %ge3A_96, %lt3A_99 : vector<400x128xi1>
    %convert_element_type3A_101 = arith.extui %and3A_100 : vector<400x128xi1> to vector<400x128xi32>
    %convert_element_type3A_102 = arith.sitofp %convert_element_type3A_101 : vector<400x128xi32> to vector<400x128xf32>
    %ge3A_103 = arith.constant 1.000000e+00 : f32
    %ge3A_104 = vector.broadcast %ge3A_103 : f32 to vector<400x128xf32>
    %ge3A_105 = arith.cmpf oge, %max3A_28, %ge3A_104 : vector<400x128xf32>
    %lt3A_106 = arith.constant 1.4000001 : f32
    %lt3A_107 = vector.broadcast %lt3A_106 : f32 to vector<400x128xf32>
    %lt3A_108 = arith.cmpf olt, %max3A_28, %lt3A_107 : vector<400x128xf32>
    %and3A_109 = arith.andi %ge3A_105, %lt3A_108 : vector<400x128xi1>
    %convert_element_type3A_110 = arith.extui %and3A_109 : vector<400x128xi1> to vector<400x128xi32>
    %convert_element_type3A_111 = arith.sitofp %convert_element_type3A_110 : vector<400x128xi32> to vector<400x128xf32>
    %ge3A_112 = arith.constant 1.4000001 : f32
    %ge3A_113 = vector.broadcast %ge3A_112 : f32 to vector<400x128xf32>
    %ge3A_114 = arith.cmpf oge, %max3A_28, %ge3A_113 : vector<400x128xf32>
    %lt3A_115 = arith.constant 1.800000e+00 : f32
    %lt3A_116 = vector.broadcast %lt3A_115 : f32 to vector<400x128xf32>
    %lt3A_117 = arith.cmpf olt, %max3A_28, %lt3A_116 : vector<400x128xf32>
    %and3A_118 = arith.andi %ge3A_114, %lt3A_117 : vector<400x128xi1>
    %convert_element_type3A_119 = arith.extui %and3A_118 : vector<400x128xi1> to vector<400x128xi32>
    %convert_element_type3A_120 = arith.sitofp %convert_element_type3A_119 : vector<400x128xi32> to vector<400x128xf32>
    %ge3A_121 = arith.constant 1.800000e+00 : f32
    %ge3A_122 = vector.broadcast %ge3A_121 : f32 to vector<400x128xf32>
    %ge3A_123 = arith.cmpf oge, %max3A_28, %ge3A_122 : vector<400x128xf32>
    %lt3A_124 = arith.constant 2.200000e+00 : f32
    %lt3A_125 = vector.broadcast %lt3A_124 : f32 to vector<400x128xf32>
    %lt3A_126 = arith.cmpf olt, %max3A_28, %lt3A_125 : vector<400x128xf32>
    %and3A_127 = arith.andi %ge3A_123, %lt3A_126 : vector<400x128xi1>
    %convert_element_type3A_128 = arith.extui %and3A_127 : vector<400x128xi1> to vector<400x128xi32>
    %convert_element_type3A_129 = arith.sitofp %convert_element_type3A_128 : vector<400x128xi32> to vector<400x128xf32>
    %sub3A = arith.constant -2.200000e+00 : f32
    %sub3A_130 = vector.broadcast %sub3A : f32 to vector<400x128xf32>
    %sub3A_131 = arith.subf %max3A_28, %sub3A_130 : vector<400x128xf32>
    %div3A = arith.constant 0.400000095 : f32
    %div3A_132 = vector.broadcast %div3A : f32 to vector<400x128xf32>
    %div3A_133 = arith.divf %sub3A_131, %div3A_132 : vector<400x128xf32>
    %mul3A_134 = arith.mulf %div3A_133, %convert_element_type3A_39 : vector<400x128xf32>
    %sub3A_135 = arith.constant -1.400000e+00 : f32
    %sub3A_136 = vector.broadcast %sub3A_135 : f32 to vector<400x128xf32>
    %sub3A_137 = arith.subf %sub3A_136, %max3A_28 : vector<400x128xf32>
    %div3A_138 = arith.constant 0.399999976 : f32
    %div3A_139 = vector.broadcast %div3A_138 : f32 to vector<400x128xf32>
    %div3A_140 = arith.divf %sub3A_137, %div3A_139 : vector<400x128xf32>
    %mul3A_141 = arith.mulf %div3A_140, %convert_element_type3A_48 : vector<400x128xf32>
    %add3A_142 = arith.addf %mul3A_134, %mul3A_141 : vector<400x128xf32>
    %sub3A_143 = arith.constant -1.800000e+00 : f32
    %sub3A_144 = vector.broadcast %sub3A_143 : f32 to vector<400x128xf32>
    %sub3A_145 = arith.subf %max3A_28, %sub3A_144 : vector<400x128xf32>
    %div3A_146 = arith.constant 0.399999976 : f32
    %div3A_147 = vector.broadcast %div3A_146 : f32 to vector<400x128xf32>
    %div3A_148 = arith.divf %sub3A_145, %div3A_147 : vector<400x128xf32>
    %mul3A_149 = arith.mulf %div3A_148, %convert_element_type3A_48 : vector<400x128xf32>
    %sub3A_150 = arith.constant -1.000000e+00 : f32
    %sub3A_151 = vector.broadcast %sub3A_150 : f32 to vector<400x128xf32>
    %sub3A_152 = arith.subf %sub3A_151, %max3A_28 : vector<400x128xf32>
    %div3A_153 = arith.constant 0.399999976 : f32
    %div3A_154 = vector.broadcast %div3A_153 : f32 to vector<400x128xf32>
    %div3A_155 = arith.divf %sub3A_152, %div3A_154 : vector<400x128xf32>
    %mul3A_156 = arith.mulf %div3A_155, %convert_element_type3A_57 : vector<400x128xf32>
    %add3A_157 = arith.addf %mul3A_149, %mul3A_156 : vector<400x128xf32>
    %sub3A_158 = arith.constant -1.400000e+00 : f32
    %sub3A_159 = vector.broadcast %sub3A_158 : f32 to vector<400x128xf32>
    %sub3A_160 = arith.subf %max3A_28, %sub3A_159 : vector<400x128xf32>
    %div3A_161 = arith.constant 0.399999976 : f32
    %div3A_162 = vector.broadcast %div3A_161 : f32 to vector<400x128xf32>
    %div3A_163 = arith.divf %sub3A_160, %div3A_162 : vector<400x128xf32>
    %mul3A_164 = arith.mulf %div3A_163, %convert_element_type3A_57 : vector<400x128xf32>
    %sub3A_165 = arith.constant -6.000000e-01 : f32
    %sub3A_166 = vector.broadcast %sub3A_165 : f32 to vector<400x128xf32>
    %sub3A_167 = arith.subf %sub3A_166, %max3A_28 : vector<400x128xf32>
    %div3A_168 = arith.constant 0.399999976 : f32
    %div3A_169 = vector.broadcast %div3A_168 : f32 to vector<400x128xf32>
    %div3A_170 = arith.divf %sub3A_167, %div3A_169 : vector<400x128xf32>
    %mul3A_171 = arith.mulf %div3A_170, %convert_element_type3A_66 : vector<400x128xf32>
    %add3A_172 = arith.addf %mul3A_164, %mul3A_171 : vector<400x128xf32>
    %sub3A_173 = arith.constant -1.000000e+00 : f32
    %sub3A_174 = vector.broadcast %sub3A_173 : f32 to vector<400x128xf32>
    %sub3A_175 = arith.subf %max3A_28, %sub3A_174 : vector<400x128xf32>
    %div3A_176 = arith.constant 0.399999976 : f32
    %div3A_177 = vector.broadcast %div3A_176 : f32 to vector<400x128xf32>
    %div3A_178 = arith.divf %sub3A_175, %div3A_177 : vector<400x128xf32>
    %mul3A_179 = arith.mulf %div3A_178, %convert_element_type3A_66 : vector<400x128xf32>
    %sub3A_180 = arith.constant -0.199999988 : f32
    %sub3A_181 = vector.broadcast %sub3A_180 : f32 to vector<400x128xf32>
    %sub3A_182 = arith.subf %sub3A_181, %max3A_28 : vector<400x128xf32>
    %div3A_183 = arith.constant 0.400000036 : f32
    %div3A_184 = vector.broadcast %div3A_183 : f32 to vector<400x128xf32>
    %div3A_185 = arith.divf %sub3A_182, %div3A_184 : vector<400x128xf32>
    %mul3A_186 = arith.mulf %div3A_185, %convert_element_type3A_75 : vector<400x128xf32>
    %add3A_187 = arith.addf %mul3A_179, %mul3A_186 : vector<400x128xf32>
    %sub3A_188 = arith.constant -6.000000e-01 : f32
    %sub3A_189 = vector.broadcast %sub3A_188 : f32 to vector<400x128xf32>
    %sub3A_190 = arith.subf %max3A_28, %sub3A_189 : vector<400x128xf32>
    %div3A_191 = arith.constant 0.400000036 : f32
    %div3A_192 = vector.broadcast %div3A_191 : f32 to vector<400x128xf32>
    %div3A_193 = arith.divf %sub3A_190, %div3A_192 : vector<400x128xf32>
    %mul3A_194 = arith.mulf %div3A_193, %convert_element_type3A_75 : vector<400x128xf32>
    %sub3A_195 = arith.constant 0.200000048 : f32
    %sub3A_196 = vector.broadcast %sub3A_195 : f32 to vector<400x128xf32>
    %sub3A_197 = arith.subf %sub3A_196, %max3A_28 : vector<400x128xf32>
    %div3A_198 = arith.constant 0.400000036 : f32
    %div3A_199 = vector.broadcast %div3A_198 : f32 to vector<400x128xf32>
    %div3A_200 = arith.divf %sub3A_197, %div3A_199 : vector<400x128xf32>
    %mul3A_201 = arith.mulf %div3A_200, %convert_element_type3A_84 : vector<400x128xf32>
    %add3A_202 = arith.addf %mul3A_194, %mul3A_201 : vector<400x128xf32>
    %sub3A_203 = arith.constant -0.199999988 : f32
    %sub3A_204 = vector.broadcast %sub3A_203 : f32 to vector<400x128xf32>
    %sub3A_205 = arith.subf %max3A_28, %sub3A_204 : vector<400x128xf32>
    %div3A_206 = arith.constant 0.400000036 : f32
    %div3A_207 = vector.broadcast %div3A_206 : f32 to vector<400x128xf32>
    %div3A_208 = arith.divf %sub3A_205, %div3A_207 : vector<400x128xf32>
    %mul3A_209 = arith.mulf %div3A_208, %convert_element_type3A_84 : vector<400x128xf32>
    %sub3A_210 = arith.constant 6.000000e-01 : f32
    %sub3A_211 = vector.broadcast %sub3A_210 : f32 to vector<400x128xf32>
    %sub3A_212 = arith.subf %sub3A_211, %max3A_28 : vector<400x128xf32>
    %div3A_213 = arith.constant 0.399999976 : f32
    %div3A_214 = vector.broadcast %div3A_213 : f32 to vector<400x128xf32>
    %div3A_215 = arith.divf %sub3A_212, %div3A_214 : vector<400x128xf32>
    %mul3A_216 = arith.mulf %div3A_215, %convert_element_type3A_93 : vector<400x128xf32>
    %add3A_217 = arith.addf %mul3A_209, %mul3A_216 : vector<400x128xf32>
    %sub3A_218 = arith.constant 0.200000048 : f32
    %sub3A_219 = vector.broadcast %sub3A_218 : f32 to vector<400x128xf32>
    %sub3A_220 = arith.subf %max3A_28, %sub3A_219 : vector<400x128xf32>
    %div3A_221 = arith.constant 0.399999976 : f32
    %div3A_222 = vector.broadcast %div3A_221 : f32 to vector<400x128xf32>
    %div3A_223 = arith.divf %sub3A_220, %div3A_222 : vector<400x128xf32>
    %mul3A_224 = arith.mulf %div3A_223, %convert_element_type3A_93 : vector<400x128xf32>
    %sub3A_225 = arith.constant 1.000000e+00 : f32
    %sub3A_226 = vector.broadcast %sub3A_225 : f32 to vector<400x128xf32>
    %sub3A_227 = arith.subf %sub3A_226, %max3A_28 : vector<400x128xf32>
    %div3A_228 = arith.constant 0.399999976 : f32
    %div3A_229 = vector.broadcast %div3A_228 : f32 to vector<400x128xf32>
    %div3A_230 = arith.divf %sub3A_227, %div3A_229 : vector<400x128xf32>
    %mul3A_231 = arith.mulf %div3A_230, %convert_element_type3A_102 : vector<400x128xf32>
    %add3A_232 = arith.addf %mul3A_224, %mul3A_231 : vector<400x128xf32>
    %sub3A_233 = arith.constant 6.000000e-01 : f32
    %sub3A_234 = vector.broadcast %sub3A_233 : f32 to vector<400x128xf32>
    %sub3A_235 = arith.subf %max3A_28, %sub3A_234 : vector<400x128xf32>
    %div3A_236 = arith.constant 0.399999976 : f32
    %div3A_237 = vector.broadcast %div3A_236 : f32 to vector<400x128xf32>
    %div3A_238 = arith.divf %sub3A_235, %div3A_237 : vector<400x128xf32>
    %mul3A_239 = arith.mulf %div3A_238, %convert_element_type3A_102 : vector<400x128xf32>
    %sub3A_240 = arith.constant 1.4000001 : f32
    %sub3A_241 = vector.broadcast %sub3A_240 : f32 to vector<400x128xf32>
    %sub3A_242 = arith.subf %sub3A_241, %max3A_28 : vector<400x128xf32>
    %div3A_243 = arith.constant 0.400000095 : f32
    %div3A_244 = vector.broadcast %div3A_243 : f32 to vector<400x128xf32>
    %div3A_245 = arith.divf %sub3A_242, %div3A_244 : vector<400x128xf32>
    %mul3A_246 = arith.mulf %div3A_245, %convert_element_type3A_111 : vector<400x128xf32>
    %add3A_247 = arith.addf %mul3A_239, %mul3A_246 : vector<400x128xf32>
    %sub3A_248 = arith.constant 1.000000e+00 : f32
    %sub3A_249 = vector.broadcast %sub3A_248 : f32 to vector<400x128xf32>
    %sub3A_250 = arith.subf %max3A_28, %sub3A_249 : vector<400x128xf32>
    %div3A_251 = arith.constant 0.400000095 : f32
    %div3A_252 = vector.broadcast %div3A_251 : f32 to vector<400x128xf32>
    %div3A_253 = arith.divf %sub3A_250, %div3A_252 : vector<400x128xf32>
    %mul3A_254 = arith.mulf %div3A_253, %convert_element_type3A_111 : vector<400x128xf32>
    %sub3A_255 = arith.constant 1.800000e+00 : f32
    %sub3A_256 = vector.broadcast %sub3A_255 : f32 to vector<400x128xf32>
    %sub3A_257 = arith.subf %sub3A_256, %max3A_28 : vector<400x128xf32>
    %div3A_258 = arith.constant 0.399999857 : f32
    %div3A_259 = vector.broadcast %div3A_258 : f32 to vector<400x128xf32>
    %div3A_260 = arith.divf %sub3A_257, %div3A_259 : vector<400x128xf32>
    %mul3A_261 = arith.mulf %div3A_260, %convert_element_type3A_120 : vector<400x128xf32>
    %add3A_262 = arith.addf %mul3A_254, %mul3A_261 : vector<400x128xf32>
    %sub3A_263 = arith.constant 1.4000001 : f32
    %sub3A_264 = vector.broadcast %sub3A_263 : f32 to vector<400x128xf32>
    %sub3A_265 = arith.subf %max3A_28, %sub3A_264 : vector<400x128xf32>
    %div3A_266 = arith.constant 0.399999857 : f32
    %div3A_267 = vector.broadcast %div3A_266 : f32 to vector<400x128xf32>
    %div3A_268 = arith.divf %sub3A_265, %div3A_267 : vector<400x128xf32>
    %mul3A_269 = arith.mulf %div3A_268, %convert_element_type3A_120 : vector<400x128xf32>
    %sub3A_270 = arith.constant 2.200000e+00 : f32
    %sub3A_271 = vector.broadcast %sub3A_270 : f32 to vector<400x128xf32>
    %sub3A_272 = arith.subf %sub3A_271, %max3A_28 : vector<400x128xf32>
    %div3A_273 = arith.constant 0.400000095 : f32
    %div3A_274 = vector.broadcast %div3A_273 : f32 to vector<400x128xf32>
    %div3A_275 = arith.divf %sub3A_272, %div3A_274 : vector<400x128xf32>
    %mul3A_276 = arith.mulf %div3A_275, %convert_element_type3A_129 : vector<400x128xf32>
    %add3A_277 = arith.addf %mul3A_269, %mul3A_276 : vector<400x128xf32>
    %sub3A_278 = arith.constant -2.200000e+00 : f32
    %sub3A_279 = vector.broadcast %sub3A_278 : f32 to vector<400x128xf32>
    %sub3A_280 = arith.subf %max3A_28, %sub3A_279 : vector<400x128xf32>
    %div3A_281 = arith.constant 0.800000071 : f32
    %div3A_282 = vector.broadcast %div3A_281 : f32 to vector<400x128xf32>
    %div3A_283 = arith.divf %sub3A_280, %div3A_282 : vector<400x128xf32>
    %mul3A_284 = arith.mulf %div3A_283, %add3A_142 : vector<400x128xf32>
    %sub3A_285 = arith.constant -1.000000e+00 : f32
    %sub3A_286 = vector.broadcast %sub3A_285 : f32 to vector<400x128xf32>
    %sub3A_287 = arith.subf %sub3A_286, %max3A_28 : vector<400x128xf32>
    %div3A_288 = arith.constant 0.799999952 : f32
    %div3A_289 = vector.broadcast %div3A_288 : f32 to vector<400x128xf32>
    %div3A_290 = arith.divf %sub3A_287, %div3A_289 : vector<400x128xf32>
    %mul3A_291 = arith.mulf %div3A_290, %add3A_157 : vector<400x128xf32>
    %add3A_292 = arith.addf %mul3A_284, %mul3A_291 : vector<400x128xf32>
    %sub3A_293 = arith.constant -1.800000e+00 : f32
    %sub3A_294 = vector.broadcast %sub3A_293 : f32 to vector<400x128xf32>
    %sub3A_295 = arith.subf %max3A_28, %sub3A_294 : vector<400x128xf32>
    %div3A_296 = arith.constant 0.799999952 : f32
    %div3A_297 = vector.broadcast %div3A_296 : f32 to vector<400x128xf32>
    %div3A_298 = arith.divf %sub3A_295, %div3A_297 : vector<400x128xf32>
    %mul3A_299 = arith.mulf %div3A_298, %add3A_157 : vector<400x128xf32>
    %sub3A_300 = arith.constant -6.000000e-01 : f32
    %sub3A_301 = vector.broadcast %sub3A_300 : f32 to vector<400x128xf32>
    %sub3A_302 = arith.subf %sub3A_301, %max3A_28 : vector<400x128xf32>
    %div3A_303 = arith.constant 0.799999952 : f32
    %div3A_304 = vector.broadcast %div3A_303 : f32 to vector<400x128xf32>
    %div3A_305 = arith.divf %sub3A_302, %div3A_304 : vector<400x128xf32>
    %mul3A_306 = arith.mulf %div3A_305, %add3A_172 : vector<400x128xf32>
    %add3A_307 = arith.addf %mul3A_299, %mul3A_306 : vector<400x128xf32>
    %sub3A_308 = arith.constant -1.400000e+00 : f32
    %sub3A_309 = vector.broadcast %sub3A_308 : f32 to vector<400x128xf32>
    %sub3A_310 = arith.subf %max3A_28, %sub3A_309 : vector<400x128xf32>
    %div3A_311 = arith.constant 0.799999952 : f32
    %div3A_312 = vector.broadcast %div3A_311 : f32 to vector<400x128xf32>
    %div3A_313 = arith.divf %sub3A_310, %div3A_312 : vector<400x128xf32>
    %mul3A_314 = arith.mulf %div3A_313, %add3A_172 : vector<400x128xf32>
    %sub3A_315 = arith.constant -0.199999988 : f32
    %sub3A_316 = vector.broadcast %sub3A_315 : f32 to vector<400x128xf32>
    %sub3A_317 = arith.subf %sub3A_316, %max3A_28 : vector<400x128xf32>
    %div3A_318 = arith.constant 8.000000e-01 : f32
    %div3A_319 = vector.broadcast %div3A_318 : f32 to vector<400x128xf32>
    %div3A_320 = arith.divf %sub3A_317, %div3A_319 : vector<400x128xf32>
    %mul3A_321 = arith.mulf %div3A_320, %add3A_187 : vector<400x128xf32>
    %add3A_322 = arith.addf %mul3A_314, %mul3A_321 : vector<400x128xf32>
    %sub3A_323 = arith.constant -1.000000e+00 : f32
    %sub3A_324 = vector.broadcast %sub3A_323 : f32 to vector<400x128xf32>
    %sub3A_325 = arith.subf %max3A_28, %sub3A_324 : vector<400x128xf32>
    %div3A_326 = arith.constant 8.000000e-01 : f32
    %div3A_327 = vector.broadcast %div3A_326 : f32 to vector<400x128xf32>
    %div3A_328 = arith.divf %sub3A_325, %div3A_327 : vector<400x128xf32>
    %mul3A_329 = arith.mulf %div3A_328, %add3A_187 : vector<400x128xf32>
    %sub3A_330 = arith.constant 0.200000048 : f32
    %sub3A_331 = vector.broadcast %sub3A_330 : f32 to vector<400x128xf32>
    %sub3A_332 = arith.subf %sub3A_331, %max3A_28 : vector<400x128xf32>
    %div3A_333 = arith.constant 0.800000071 : f32
    %div3A_334 = vector.broadcast %div3A_333 : f32 to vector<400x128xf32>
    %div3A_335 = arith.divf %sub3A_332, %div3A_334 : vector<400x128xf32>
    %mul3A_336 = arith.mulf %div3A_335, %add3A_202 : vector<400x128xf32>
    %add3A_337 = arith.addf %mul3A_329, %mul3A_336 : vector<400x128xf32>
    %sub3A_338 = arith.constant -6.000000e-01 : f32
    %sub3A_339 = vector.broadcast %sub3A_338 : f32 to vector<400x128xf32>
    %sub3A_340 = arith.subf %max3A_28, %sub3A_339 : vector<400x128xf32>
    %div3A_341 = arith.constant 0.800000071 : f32
    %div3A_342 = vector.broadcast %div3A_341 : f32 to vector<400x128xf32>
    %div3A_343 = arith.divf %sub3A_340, %div3A_342 : vector<400x128xf32>
    %mul3A_344 = arith.mulf %div3A_343, %add3A_202 : vector<400x128xf32>
    %sub3A_345 = arith.constant 6.000000e-01 : f32
    %sub3A_346 = vector.broadcast %sub3A_345 : f32 to vector<400x128xf32>
    %sub3A_347 = arith.subf %sub3A_346, %max3A_28 : vector<400x128xf32>
    %div3A_348 = arith.constant 8.000000e-01 : f32
    %div3A_349 = vector.broadcast %div3A_348 : f32 to vector<400x128xf32>
    %div3A_350 = arith.divf %sub3A_347, %div3A_349 : vector<400x128xf32>
    %mul3A_351 = arith.mulf %div3A_350, %add3A_217 : vector<400x128xf32>
    %add3A_352 = arith.addf %mul3A_344, %mul3A_351 : vector<400x128xf32>
    %sub3A_353 = arith.constant -0.199999988 : f32
    %sub3A_354 = vector.broadcast %sub3A_353 : f32 to vector<400x128xf32>
    %sub3A_355 = arith.subf %max3A_28, %sub3A_354 : vector<400x128xf32>
    %div3A_356 = arith.constant 8.000000e-01 : f32
    %div3A_357 = vector.broadcast %div3A_356 : f32 to vector<400x128xf32>
    %div3A_358 = arith.divf %sub3A_355, %div3A_357 : vector<400x128xf32>
    %mul3A_359 = arith.mulf %div3A_358, %add3A_217 : vector<400x128xf32>
    %sub3A_360 = arith.constant 1.000000e+00 : f32
    %sub3A_361 = vector.broadcast %sub3A_360 : f32 to vector<400x128xf32>
    %sub3A_362 = arith.subf %sub3A_361, %max3A_28 : vector<400x128xf32>
    %div3A_363 = arith.constant 0.799999952 : f32
    %div3A_364 = vector.broadcast %div3A_363 : f32 to vector<400x128xf32>
    %div3A_365 = arith.divf %sub3A_362, %div3A_364 : vector<400x128xf32>
    %mul3A_366 = arith.mulf %div3A_365, %add3A_232 : vector<400x128xf32>
    %add3A_367 = arith.addf %mul3A_359, %mul3A_366 : vector<400x128xf32>
    %sub3A_368 = arith.constant 0.200000048 : f32
    %sub3A_369 = vector.broadcast %sub3A_368 : f32 to vector<400x128xf32>
    %sub3A_370 = arith.subf %max3A_28, %sub3A_369 : vector<400x128xf32>
    %div3A_371 = arith.constant 0.799999952 : f32
    %div3A_372 = vector.broadcast %div3A_371 : f32 to vector<400x128xf32>
    %div3A_373 = arith.divf %sub3A_370, %div3A_372 : vector<400x128xf32>
    %mul3A_374 = arith.mulf %div3A_373, %add3A_232 : vector<400x128xf32>
    %sub3A_375 = arith.constant 1.4000001 : f32
    %sub3A_376 = vector.broadcast %sub3A_375 : f32 to vector<400x128xf32>
    %sub3A_377 = arith.subf %sub3A_376, %max3A_28 : vector<400x128xf32>
    %div3A_378 = arith.constant 0.800000071 : f32
    %div3A_379 = vector.broadcast %div3A_378 : f32 to vector<400x128xf32>
    %div3A_380 = arith.divf %sub3A_377, %div3A_379 : vector<400x128xf32>
    %mul3A_381 = arith.mulf %div3A_380, %add3A_247 : vector<400x128xf32>
    %add3A_382 = arith.addf %mul3A_374, %mul3A_381 : vector<400x128xf32>
    %sub3A_383 = arith.constant 6.000000e-01 : f32
    %sub3A_384 = vector.broadcast %sub3A_383 : f32 to vector<400x128xf32>
    %sub3A_385 = arith.subf %max3A_28, %sub3A_384 : vector<400x128xf32>
    %div3A_386 = arith.constant 0.800000071 : f32
    %div3A_387 = vector.broadcast %div3A_386 : f32 to vector<400x128xf32>
    %div3A_388 = arith.divf %sub3A_385, %div3A_387 : vector<400x128xf32>
    %mul3A_389 = arith.mulf %div3A_388, %add3A_247 : vector<400x128xf32>
    %sub3A_390 = arith.constant 1.800000e+00 : f32
    %sub3A_391 = vector.broadcast %sub3A_390 : f32 to vector<400x128xf32>
    %sub3A_392 = arith.subf %sub3A_391, %max3A_28 : vector<400x128xf32>
    %div3A_393 = arith.constant 0.799999952 : f32
    %div3A_394 = vector.broadcast %div3A_393 : f32 to vector<400x128xf32>
    %div3A_395 = arith.divf %sub3A_392, %div3A_394 : vector<400x128xf32>
    %mul3A_396 = arith.mulf %div3A_395, %add3A_262 : vector<400x128xf32>
    %add3A_397 = arith.addf %mul3A_389, %mul3A_396 : vector<400x128xf32>
    %sub3A_398 = arith.constant 1.000000e+00 : f32
    %sub3A_399 = vector.broadcast %sub3A_398 : f32 to vector<400x128xf32>
    %sub3A_400 = arith.subf %max3A_28, %sub3A_399 : vector<400x128xf32>
    %div3A_401 = arith.constant 0.799999952 : f32
    %div3A_402 = vector.broadcast %div3A_401 : f32 to vector<400x128xf32>
    %div3A_403 = arith.divf %sub3A_400, %div3A_402 : vector<400x128xf32>
    %mul3A_404 = arith.mulf %div3A_403, %add3A_262 : vector<400x128xf32>
    %sub3A_405 = arith.constant 2.200000e+00 : f32
    %sub3A_406 = vector.broadcast %sub3A_405 : f32 to vector<400x128xf32>
    %sub3A_407 = arith.subf %sub3A_406, %max3A_28 : vector<400x128xf32>
    %div3A_408 = arith.constant 0.799999952 : f32
    %div3A_409 = vector.broadcast %div3A_408 : f32 to vector<400x128xf32>
    %div3A_410 = arith.divf %sub3A_407, %div3A_409 : vector<400x128xf32>
    %mul3A_411 = arith.mulf %div3A_410, %add3A_277 : vector<400x128xf32>
    %add3A_412 = arith.addf %mul3A_404, %mul3A_411 : vector<400x128xf32>
    %sub3A_413 = arith.constant -2.200000e+00 : f32
    %sub3A_414 = vector.broadcast %sub3A_413 : f32 to vector<400x128xf32>
    %sub3A_415 = arith.subf %max3A_28, %sub3A_414 : vector<400x128xf32>
    %div3A_416 = arith.constant 1.200000e+00 : f32
    %div3A_417 = vector.broadcast %div3A_416 : f32 to vector<400x128xf32>
    %div3A_418 = arith.divf %sub3A_415, %div3A_417 : vector<400x128xf32>
    %mul3A_419 = arith.mulf %div3A_418, %add3A_292 : vector<400x128xf32>
    %sub3A_420 = arith.constant -6.000000e-01 : f32
    %sub3A_421 = vector.broadcast %sub3A_420 : f32 to vector<400x128xf32>
    %sub3A_422 = arith.subf %sub3A_421, %max3A_28 : vector<400x128xf32>
    %div3A_423 = arith.constant 1.19999993 : f32
    %div3A_424 = vector.broadcast %div3A_423 : f32 to vector<400x128xf32>
    %div3A_425 = arith.divf %sub3A_422, %div3A_424 : vector<400x128xf32>
    %mul3A_426 = arith.mulf %div3A_425, %add3A_307 : vector<400x128xf32>
    %add3A_427 = arith.addf %mul3A_419, %mul3A_426 : vector<400x128xf32>
    %sub3A_428 = arith.constant -1.800000e+00 : f32
    %sub3A_429 = vector.broadcast %sub3A_428 : f32 to vector<400x128xf32>
    %sub3A_430 = arith.subf %max3A_28, %sub3A_429 : vector<400x128xf32>
    %div3A_431 = arith.constant 1.19999993 : f32
    %div3A_432 = vector.broadcast %div3A_431 : f32 to vector<400x128xf32>
    %div3A_433 = arith.divf %sub3A_430, %div3A_432 : vector<400x128xf32>
    %mul3A_434 = arith.mulf %div3A_433, %add3A_307 : vector<400x128xf32>
    %sub3A_435 = arith.constant -0.199999988 : f32
    %sub3A_436 = vector.broadcast %sub3A_435 : f32 to vector<400x128xf32>
    %sub3A_437 = arith.subf %sub3A_436, %max3A_28 : vector<400x128xf32>
    %div3A_438 = arith.constant 1.200000e+00 : f32
    %div3A_439 = vector.broadcast %div3A_438 : f32 to vector<400x128xf32>
    %div3A_440 = arith.divf %sub3A_437, %div3A_439 : vector<400x128xf32>
    %mul3A_441 = arith.mulf %div3A_440, %add3A_322 : vector<400x128xf32>
    %add3A_442 = arith.addf %mul3A_434, %mul3A_441 : vector<400x128xf32>
    %sub3A_443 = arith.constant -1.400000e+00 : f32
    %sub3A_444 = vector.broadcast %sub3A_443 : f32 to vector<400x128xf32>
    %sub3A_445 = arith.subf %max3A_28, %sub3A_444 : vector<400x128xf32>
    %div3A_446 = arith.constant 1.200000e+00 : f32
    %div3A_447 = vector.broadcast %div3A_446 : f32 to vector<400x128xf32>
    %div3A_448 = arith.divf %sub3A_445, %div3A_447 : vector<400x128xf32>
    %mul3A_449 = arith.mulf %div3A_448, %add3A_322 : vector<400x128xf32>
    %sub3A_450 = arith.constant 0.200000048 : f32
    %sub3A_451 = vector.broadcast %sub3A_450 : f32 to vector<400x128xf32>
    %sub3A_452 = arith.subf %sub3A_451, %max3A_28 : vector<400x128xf32>
    %div3A_453 = arith.constant 1.200000e+00 : f32
    %div3A_454 = vector.broadcast %div3A_453 : f32 to vector<400x128xf32>
    %div3A_455 = arith.divf %sub3A_452, %div3A_454 : vector<400x128xf32>
    %mul3A_456 = arith.mulf %div3A_455, %add3A_337 : vector<400x128xf32>
    %add3A_457 = arith.addf %mul3A_449, %mul3A_456 : vector<400x128xf32>
    %sub3A_458 = arith.constant -1.000000e+00 : f32
    %sub3A_459 = vector.broadcast %sub3A_458 : f32 to vector<400x128xf32>
    %sub3A_460 = arith.subf %max3A_28, %sub3A_459 : vector<400x128xf32>
    %div3A_461 = arith.constant 1.200000e+00 : f32
    %div3A_462 = vector.broadcast %div3A_461 : f32 to vector<400x128xf32>
    %div3A_463 = arith.divf %sub3A_460, %div3A_462 : vector<400x128xf32>
    %mul3A_464 = arith.mulf %div3A_463, %add3A_337 : vector<400x128xf32>
    %sub3A_465 = arith.constant 6.000000e-01 : f32
    %sub3A_466 = vector.broadcast %sub3A_465 : f32 to vector<400x128xf32>
    %sub3A_467 = arith.subf %sub3A_466, %max3A_28 : vector<400x128xf32>
    %div3A_468 = arith.constant 1.200000e+00 : f32
    %div3A_469 = vector.broadcast %div3A_468 : f32 to vector<400x128xf32>
    %div3A_470 = arith.divf %sub3A_467, %div3A_469 : vector<400x128xf32>
    %mul3A_471 = arith.mulf %div3A_470, %add3A_352 : vector<400x128xf32>
    %add3A_472 = arith.addf %mul3A_464, %mul3A_471 : vector<400x128xf32>
    %sub3A_473 = arith.constant -6.000000e-01 : f32
    %sub3A_474 = vector.broadcast %sub3A_473 : f32 to vector<400x128xf32>
    %sub3A_475 = arith.subf %max3A_28, %sub3A_474 : vector<400x128xf32>
    %div3A_476 = arith.constant 1.200000e+00 : f32
    %div3A_477 = vector.broadcast %div3A_476 : f32 to vector<400x128xf32>
    %div3A_478 = arith.divf %sub3A_475, %div3A_477 : vector<400x128xf32>
    %mul3A_479 = arith.mulf %div3A_478, %add3A_352 : vector<400x128xf32>
    %sub3A_480 = arith.constant 1.000000e+00 : f32
    %sub3A_481 = vector.broadcast %sub3A_480 : f32 to vector<400x128xf32>
    %sub3A_482 = arith.subf %sub3A_481, %max3A_28 : vector<400x128xf32>
    %div3A_483 = arith.constant 1.200000e+00 : f32
    %div3A_484 = vector.broadcast %div3A_483 : f32 to vector<400x128xf32>
    %div3A_485 = arith.divf %sub3A_482, %div3A_484 : vector<400x128xf32>
    %mul3A_486 = arith.mulf %div3A_485, %add3A_367 : vector<400x128xf32>
    %add3A_487 = arith.addf %mul3A_479, %mul3A_486 : vector<400x128xf32>
    %sub3A_488 = arith.constant -0.199999988 : f32
    %sub3A_489 = vector.broadcast %sub3A_488 : f32 to vector<400x128xf32>
    %sub3A_490 = arith.subf %max3A_28, %sub3A_489 : vector<400x128xf32>
    %div3A_491 = arith.constant 1.200000e+00 : f32
    %div3A_492 = vector.broadcast %div3A_491 : f32 to vector<400x128xf32>
    %div3A_493 = arith.divf %sub3A_490, %div3A_492 : vector<400x128xf32>
    %mul3A_494 = arith.mulf %div3A_493, %add3A_367 : vector<400x128xf32>
    %sub3A_495 = arith.constant 1.4000001 : f32
    %sub3A_496 = vector.broadcast %sub3A_495 : f32 to vector<400x128xf32>
    %sub3A_497 = arith.subf %sub3A_496, %max3A_28 : vector<400x128xf32>
    %div3A_498 = arith.constant 1.200000e+00 : f32
    %div3A_499 = vector.broadcast %div3A_498 : f32 to vector<400x128xf32>
    %div3A_500 = arith.divf %sub3A_497, %div3A_499 : vector<400x128xf32>
    %mul3A_501 = arith.mulf %div3A_500, %add3A_382 : vector<400x128xf32>
    %add3A_502 = arith.addf %mul3A_494, %mul3A_501 : vector<400x128xf32>
    %sub3A_503 = arith.constant 0.200000048 : f32
    %sub3A_504 = vector.broadcast %sub3A_503 : f32 to vector<400x128xf32>
    %sub3A_505 = arith.subf %max3A_28, %sub3A_504 : vector<400x128xf32>
    %div3A_506 = arith.constant 1.200000e+00 : f32
    %div3A_507 = vector.broadcast %div3A_506 : f32 to vector<400x128xf32>
    %div3A_508 = arith.divf %sub3A_505, %div3A_507 : vector<400x128xf32>
    %mul3A_509 = arith.mulf %div3A_508, %add3A_382 : vector<400x128xf32>
    %sub3A_510 = arith.constant 1.800000e+00 : f32
    %sub3A_511 = vector.broadcast %sub3A_510 : f32 to vector<400x128xf32>
    %sub3A_512 = arith.subf %sub3A_511, %max3A_28 : vector<400x128xf32>
    %div3A_513 = arith.constant 1.19999993 : f32
    %div3A_514 = vector.broadcast %div3A_513 : f32 to vector<400x128xf32>
    %div3A_515 = arith.divf %sub3A_512, %div3A_514 : vector<400x128xf32>
    %mul3A_516 = arith.mulf %div3A_515, %add3A_397 : vector<400x128xf32>
    %add3A_517 = arith.addf %mul3A_509, %mul3A_516 : vector<400x128xf32>
    %sub3A_518 = arith.constant 6.000000e-01 : f32
    %sub3A_519 = vector.broadcast %sub3A_518 : f32 to vector<400x128xf32>
    %sub3A_520 = arith.subf %max3A_28, %sub3A_519 : vector<400x128xf32>
    %div3A_521 = arith.constant 1.19999993 : f32
    %div3A_522 = vector.broadcast %div3A_521 : f32 to vector<400x128xf32>
    %div3A_523 = arith.divf %sub3A_520, %div3A_522 : vector<400x128xf32>
    %mul3A_524 = arith.mulf %div3A_523, %add3A_397 : vector<400x128xf32>
    %sub3A_525 = arith.constant 2.200000e+00 : f32
    %sub3A_526 = vector.broadcast %sub3A_525 : f32 to vector<400x128xf32>
    %sub3A_527 = arith.subf %sub3A_526, %max3A_28 : vector<400x128xf32>
    %div3A_528 = arith.constant 1.200000e+00 : f32
    %div3A_529 = vector.broadcast %div3A_528 : f32 to vector<400x128xf32>
    %div3A_530 = arith.divf %sub3A_527, %div3A_529 : vector<400x128xf32>
    %mul3A_531 = arith.mulf %div3A_530, %add3A_412 : vector<400x128xf32>
    %add3A_532 = arith.addf %mul3A_524, %mul3A_531 : vector<400x128xf32>
    %concatenate3A = tpu.concatenate %add3A_427, %add3A_442, %add3A_457, %add3A_472, %add3A_487, %add3A_502, %add3A_517, %add3A_532 in 1 : vector<400x128xf32>, vector<400x128xf32>, vector<400x128xf32>, vector<400x128xf32>, vector<400x128xf32>, vector<400x128xf32>, vector<400x128xf32>, vector<400x128xf32> -> vector<400x1024xf32>
    %logistic3A = arith.negf %max3A_28 : vector<400x128xf32>
    %logistic3A_533 = math.exp %logistic3A : vector<400x128xf32>
    %logistic3A_534 = arith.constant 1.000000e+00 : f32
    %logistic3A_535 = vector.broadcast %logistic3A_534 : f32 to vector<400x128xf32>
    %logistic3A_536 = arith.addf %logistic3A_535, %logistic3A_533 : vector<400x128xf32>
    %logistic3A_537 = arith.divf %logistic3A_535, %logistic3A_536 : vector<400x128xf32>
    %mul3A_538 = arith.mulf %max3A_28, %logistic3A_537 : vector<400x128xf32>
    %dot_general3A = arith.constant dense<0.000000e+00> : vector<400x128xf32>
    %dot_general3A_539 = tpu.matmul %mul3A_538, %get3A_31, %dot_general3A {dimension_numbers = #tpu.dot_dimension_numbers<[1], [0], [0], [1], [0, 0, 1, 1], [], []>, transpose_lhs_hint = false} : vector<400x128xf32>, vector<128x128xf32>, vector<400x128xf32> -> vector<400x128xf32>
    %dot_general3A_540 = arith.constant dense<0.000000e+00> : vector<400x128xf32>
    %dot_general3A_541 = tpu.matmul %concatenate3A, %get3A_34, %dot_general3A_540 {dimension_numbers = #tpu.dot_dimension_numbers<[1], [0], [0], [1], [0, 0, 1, 1], [], []>, transpose_lhs_hint = false} : vector<400x1024xf32>, vector<1024x128xf32>, vector<400x128xf32> -> vector<400x128xf32>
    %add3A_542 = arith.addf %dot_general3A_539, %dot_general3A_541 : vector<400x128xf32>
    %swap3A = arith.constant 0 : index
    %swap3A_543 = arith.constant 0 : index
    %swap3A_544 = vector.load %arg7[%swap3A, %swap3A_543] : memref<400x128xf32, #tpu.memory_space<vmem>>, vector<400x128xf32>
    tpu.vector_store %arg7[%swap3A, %swap3A_543], %add3A_542 {strides = array<i32>} : memref<400x128xf32, #tpu.memory_space<vmem>>, vector<400x128xf32>,
    return
  }
  func.func @transform_0(%arg0: i32) -> (i32, i32, i32) {
    %c0_i32 = arith.constant 0 : i32
    %c0_i32_0 = arith.constant 0 : i32
    %c0_i32_1 = arith.constant 0 : i32
    return %c0_i32, %arg0, %c0_i32_0 : i32, i32, i32
  }
  func.func @transform_1(%arg0: i32) -> (i32, i32) {
    %c0_i32 = arith.constant 0 : i32
    %c0_i32_0 = arith.constant 0 : i32
    return %arg0, %c0_i32 : i32, i32
  }
  func.func @transform_2(%arg0: i32) -> (i32, i32, i32) {
    %c0_i32 = arith.constant 0 : i32
    %c0_i32_0 = arith.constant 0 : i32
    %c0_i32_1 = arith.constant 0 : i32
    return %c0_i32, %arg0, %c0_i32_0 : i32, i32, i32
  }
  func.func @transform_3(%arg0: i32) -> (i32, i32) {
    %c0_i32 = arith.constant 0 : i32
    %c0_i32_0 = arith.constant 0 : i32
    %c0_i32_1 = arith.constant 0 : i32
    return %c0_i32, %c0_i32_0 : i32, i32
  }
  func.func @transform_4(%arg0: i32) -> (i32, i32) {
    %c0_i32 = arith.constant 0 : i32
    %c0_i32_0 = arith.constant 0 : i32
    %c0_i32_1 = arith.constant 0 : i32
    return %c0_i32, %c0_i32_0 : i32, i32
  }
  func.func @transform_5(%arg0: i32) -> (i32, i32) {
    %c0_i32 = arith.constant 0 : i32
    %c0_i32_0 = arith.constant 0 : i32
    %c0_i32_1 = arith.constant 0 : i32
    return %c0_i32, %c0_i32_0 : i32, i32
  }
  func.func @transform_6(%arg0: i32) -> (i32, i32) {
    %c0_i32 = arith.constant 0 : i32
    %c0_i32_0 = arith.constant 0 : i32
    return %arg0, %c0_i32 : i32, i32
  }
}

</mosaic_0001>

<sc_bundles>
// kernel: kernel.13.cloned.1.call-start
scs
__scs_entry_jumppad:
0x0: {  	(pc) =	sbr.rel $0x88, $3  }
0x1: {  	(tag) =	ssettag $0x0;
	lr =	simm.s32 $0x1  }
0x2: {  	[smem:$0x3F8C] =	sst lr;
	_ =	strace $0xD0000000  }
0x3: {  	_ = 	snop  }
0x4: {  	_ = 	snop  }
0x5: {  	_ = 	snop  }
0x6: {  	_ = 	snop  }
0x7: {  	_ = 	snop  }
__scs_overlays_trampoline_lowered:
0x8: {  	[smem:$0x3F9B] =	sst s0  }
0x9: {  	[smem:$0x3F9C] =	sst s1  }
0xa: {  	[smem:$0x3F9D] =	sst s2  }
0xb: {  	[smem:$0x3F9E] =	sst s3  }
0xc: {  	[smem:$0x3F9F] =	sst s4  }
0xd: {  	[smem:$0x3FA0] =	sst s5  }
0xe: {  	[smem:$0x3FA1] =	sst s6  }
0xf: {  	[smem:$0x3FA2] =	sst s7  }
0x10: {  	[smem:$0x3FA3] =	sst s8  }
0x11: {  	[smem:$0x3FA4] =	sst s9;
	s0 =	simm.s32 @!p0 $0x0  }
0x12: {  	s1 =	sld [smem:$0x3F8A];
	s0 =	simm.s32 @p0 $0x1  }
0x13: {  	[smem:$0x3FA5] =	sst s0;
	s0 =	simm.s32 @!p1 $0x0  }
0x14: {  	s2 =	sld [smem:$0x3F89];
	s0 =	simm.s32 @p1 $0x1  }
0x15: {  	[smem:$0x3FA6] =	sst s0;
	s0 =	simm.s32 @!p2 $0x0  }
0x16: {  	s3 =	sld [smem:$0x3FDB];
	s0 =	simm.s32 @p2 $0x1  }
0x17: {  	s4 =	simm.s32 $0x1BF5;
	[smem:$0x3FA8] =	sst s0  }
0x18: {  	s0 =	sld [smem:$0x3F8B];
	_ =	swait.ge [sflag:s4], $0x0  }
0x19: {  	s7 =	sld [smem:$0x3F8C]  }
0x1a: {  	s8 =	sadd.s32 $0xFFFFE003, lr  }
0x1b: {  	s9 =	sadd.s32 $0xFFFFFEF7, lr;
	s5 =	simm.s32 $0xFFFFFFFF;
	p2 =	slt.u32 s8, $0xFFFFF086  }
0x1c: {  	p1 =	slt.u32 s9, $0xF7A;
	s5 =	simm.s32 @!p2 $0x0  }
0x1d: {  	s5 =	simm.s32 @p1 $0x1;
	p0 =	seq.s32 s7, s2  }
0x1e: {  	s7 =	smul.u32 @!p0 $0xF7A, s2;
	p2 =	seq.s32 @!p0 s5, $0x0  }
0x1f: {  	s9 =	smul.u32 $0xF7A, s1;
	s8 =	simm.s32 @!p0 $0x1BF5;
	p2 =	por !p2, p0  }
0x20: {  	[sflag:s8] =	ssyncset.s32 @!p0 $0xFFFFF086;
	s6 =	sadd.s32 @!p0 s3, s7;
	s7 =	simm.s32 @!p0 $0x108  }
0x21: {  	s3 =	sadd.s32 s3, s9;
	s6 =	sadd.s32 @!p0 $0x88, s6;
	s7 =	simm.s32 @p2 $0x1082  }
0x22: {  	[simem:s7], [sflag:s8] =	dma.local @!p0 [hbm:s6], $0xF7A  }
0x23: {  	s9 =	sor.u32 $0xD0000000, s2;
	s6 =	simm.s32 $0x108;
	_ =	swait.ge @!p0 [sflag:s8], $0x0  }
0x24: {  	s3 =	sadd.s32 $0x88, s3;
	s6 =	simm.s32 @!p1 $0x1082;
	[sflag:s4] =	ssyncset.s32 $0xFFFFF086  }
0x25: {  	[simem:s6], [sflag:s4] =	dma.local [hbm:s3], $0xF7A  }
0x26: {  	[smem:$0x3F8C] =	sst s1;
	(tag) =	ssettag s2;
	_ =	strace s9  }
0x27: {  	s1 =	sld [smem:$0x3F9C]  }
0x28: {  	s2 =	sld [smem:$0x3F9D]  }
0x29: {  	s4 =	sld [smem:$0x3F9F]  }
0x2a: {  	p0 =	seq.s32 s5, $0x0;
	s5 =	sld [smem:$0x3FA0]  }
0x2b: {  	s6 =	sld [smem:$0x3FA1]  }
0x2c: {  	s7 =	sld [smem:$0x3FA2]  }
0x2d: {  	s3 =	simm.s32 $0x108;
	s8 =	sld [smem:$0x3FA3]  }
0x2e: {  	s3 =	simm.s32 @!p0 $0x1082;
	s9 =	sld [smem:$0x3FA4]  }
0x2f: {  	lr =	sadd.s32 s0, s3;
	s0 =	sld [smem:$0x3F9B]  }
0x30: {  	s3 =	sld [smem:$0x3F9E]  }
0x31: {  	[smem:$0x3FA7] =	sst s10  }
0x32: {  	s10 =	sld [smem:$0x3FA5];
	_ =	sdelay $0x3  }
0x33: {  	p0 =	seq.s32 s10, $0x1;
	s10 =	sld [smem:$0x3FA7];
	_ =	sdelay $0x3  }
0x34: {  	[smem:$0x3FA7] =	sst s10  }
0x35: {  	s10 =	sld [smem:$0x3FA6];
	_ =	sdelay $0x3  }
0x36: {  	p1 =	seq.s32 s10, $0x1;
	s10 =	sld [smem:$0x3FA7];
	_ =	sdelay $0x3  }
0x37: {  	[smem:$0x3FA7] =	sst s10  }
0x38: {  	s10 =	sld [smem:$0x3FA8]  }
0x39: {  	_ = 	snop;
	(pc) =	sbr.ind lr, $3  }
0x3a: {  	_ = 	snop  }
0x3b: {  	_ = 	snop  }
0x3c: {  	p2 =	seq.s32 s10, $0x1;
	s10 =	sld [smem:$0x3FA7]  }
0x3d: {  	_ =	shalt  }
0x3e: {  	_ =	shalt  }
0x3f: {  	_ =	shalt  }
0x40: {  	_ =	shalt  }
0x41: {  	_ =	shalt  }
0x42: {  	_ =	shalt  }
0x43: {  	_ =	shalt  }
0x44: {  	_ =	shalt  }
0x45: {  	_ =	shalt  }
0x46: {  	_ =	shalt  }
0x47: {  	_ =	shalt  }
0x48: {  	_ =	shalt  }
0x49: {  	_ =	shalt  }
0x4a: {  	_ =	shalt  }
0x4b: {  	_ =	shalt  }
0x4c: {  	_ =	shalt  }
0x4d: {  	_ =	shalt  }
0x4e: {  	_ =	shalt  }
0x4f: {  	_ =	shalt  }
0x50: {  	_ =	shalt  }
0x51: {  	_ =	shalt  }
0x52: {  	_ =	shalt  }
0x53: {  	_ =	shalt  }
0x54: {  	_ =	shalt  }
0x55: {  	_ =	shalt  }
0x56: {  	_ =	shalt  }
0x57: {  	_ =	shalt  }
0x58: {  	_ =	shalt  }
0x59: {  	_ =	shalt  }
0x5a: {  	_ =	shalt  }
0x5b: {  	_ =	shalt  }
0x5c: {  	_ =	shalt  }
0x5d: {  	_ =	shalt  }
0x5e: {  	_ =	shalt  }
0x5f: {  	_ =	shalt  }
0x60: {  	_ =	shalt  }
0x61: {  	_ =	shalt  }
0x62: {  	_ =	shalt  }
0x63: {  	_ =	shalt  }
0x64: {  	_ =	shalt  }
0x65: {  	_ =	shalt  }
0x66: {  	_ =	shalt  }
0x67: {  	_ =	shalt  }
0x68: {  	_ =	shalt  }
0x69: {  	_ =	shalt  }
0x6a: {  	_ =	shalt  }
0x6b: {  	_ =	shalt  }
0x6c: {  	_ =	shalt  }
0x6d: {  	_ =	shalt  }
0x6e: {  	_ =	shalt  }
0x6f: {  	_ =	shalt  }
0x70: {  	_ =	shalt  }
0x71: {  	_ =	shalt  }
0x72: {  	_ =	shalt  }
0x73: {  	_ =	shalt  }
0x74: {  	_ =	shalt  }
0x75: {  	_ =	shalt  }
0x76: {  	_ =	shalt  }
0x77: {  	_ =	shalt  }
0x78: {  	_ =	shalt  }
0x79: {  	_ =	shalt  }
0x7a: {  	_ =	shalt  }
0x7b: {  	_ =	shalt  }
0x7c: {  	_ =	shalt  }
0x7d: {  	_ =	shalt  }
0x7e: {  	_ =	shalt  }
0x7f: {  	_ =	shalt  }
0x80: {  	_ =	shalt  }
0x81: {  	_ =	shalt  }
0x82: {  	_ =	shalt  }
0x83: {  	_ =	shalt  }
0x84: {  	_ =	shalt  }
0x85: {  	_ =	shalt  }
0x86: {  	_ =	shalt  }
0x87: {  	_ =	shalt  }
.Lfunc_end0:
.L_simem_size_0:
called_computation_lowered:
.L_overlay_start_0:
0x88: {  	s2 =	sld [smem:$0x3FD9]  }
0x89: {  	s3 =	sld [smem:$0x3FFE];
	_ =	sdelay $0x1  }
0x8a: {  	s1 =	srdreg.scid  }
0x8b: {  	s0 =	sand.u32 $0x1, s1  }
0x8c: {  	s14 =	sshll.u32 s0, $0xA;
	s2 =	sadd.s32 s3, s2  }
0x8d: {  	s2 =	sadd.s32 s2, s14  }
0x8e: {  	[smem:$0x3FB3] =	sst s2  }
0x8f: {  	_ = 	snop  }
0x90: {  	s2 =	sld [smem:$0x3FD0];
	_ =	sdelay $0x2  }
0x91: {  	s15 =	simm.s32 $0xB;
	s4 =	simm.s32 $0x10  }
0x92: {  	[smem:s4], [sflag:s15] =	dma.local [hbm:s2], $0x1  }
0x93: {  	_ =	swait.eq [sflag:s15], $0x1  }
0x94: {  	[sflag:s15] =	ssyncset.done $0x0  }
0x95: {  	[sflag:s15] =	ssyncadd.s32 $0xFFFFFFFF  }
0x96: {  	s16 =	sld [smem:$0x12];
	(tm) =	ssettm $0x1  }
0x97: {  	s17 =	sld [smem:$0x3FFB];
	_ =	sdelay $0x3  }
0x98: {  	_ =	strace s17  }
0x99: {  	s3 =	sld [smem:$0x3FFC];
	_ =	sdelay $0x3  }
0x9a: {  	_ =	strace s3  }
0x9b: {  	s3 =	sld [smem:$0x3FFD];
	_ =	sdelay $0x3  }
0x9c: {  	_ =	strace s3  }
0x9d: {  	_ =	strace $0x8FFFFFFF  }
0x9e: {  	s18 =	sld [smem:$0x3FDB];
	_ =	sdelay $0x1  }
0x9f: {  	s19 =	simm.s32 $_scs_section_size  }
0xa0: {  	s5 =	simm.s32 $_size__tile_overlayer_lowered;
	s6 =	simm.s32 $_tile_overlayer_lowered  }
0xa1: {  	s22 =	simm.s32 $0x1BFF;
	s21 =	sshll.u32 s6, $0x1;
	s3 =	sadd.s32 s19, s18  }
0xa2: {  	s7 =	simm.s32 $0x0;
	s20 =	sshll.u32 s5, $0x1;
	s5 =	sadd.s32 s21, s3  }
0xa3: {  	[timem:s7], [sflag:s22] =	dma.local [hbm:s5], s20  }
0xa4: {  	_ =	swait.ge [sflag:s22], s20  }
0xa5: {  	s4 =	ssub.s32 $0x0, s20;
	[sflag:s22] =	ssyncset.done $0x0  }
0xa6: {  	[sflag:s22] =	ssyncadd.s32 s4;
	_ =	sdelay $0x1  }
0xa7: {  	s23 =	simm.s32 $0x1B8B  }
0xa8: {  	_ =	swait.ge [sflag:s23], $0x1  }
0xa9: {  	[sflag:s23] =	ssyncset.done $0x0  }
0xaa: {  	s25 =	simm.s32 $0x1B8E;
	s24 =	sld [smem:$0x3FFE];
	[sflag:s23] =	ssyncadd.s32 $0xFFFFFFFF  }
0xab: {  	s26 =	simm.s32 $execute0_lowered;
	[smem:$0x3FD2] =	sst s25  }
0xac: {  	s5 =	sshll.u32 s26, $0x1;
	_ =	strace $0x80000046;
	[dreg:$0x1] =	wrdreg $0xFFFFFFFF  }
0xad: {  	s28 =	simm.s32 $_size_execute0_lowered;
	s3 =	sadd.s32 s3, s5;
	[dreg:$0x0] =	wrdreg $0x0  }
0xae: {  	s5 =	sshll.u32 s28, $0x1;
	[dreg:$0x2] =	wrdreg s3  }
0xaf: {  	[dreg:$0x3] =	wrdreg s5  }
0xb0: {  	[dreg:$0x4] =	wrdreg $0xC0  }
0xb1: {  	_ =	task [dreg:s7], $0x5FFFF  }
0xb2: {  	[dreg:$0x1] =	wrdreg $0xFFFFFFFF  }
0xb3: {  	[dreg:$0x0] =	wrdreg $0x60  }
0xb4: {  	[dreg:$0x2] =	wrdreg s24  }
0xb5: {  	[dreg:$0x3] =	wrdreg s16  }
0xb6: {  	[dreg:$0x4] =	wrdreg $0x68000  }
0xb7: {  	[dreg:$0x5] =	wrdreg $0x9  }
0xb8: {  	_ =	task.clear_ibuf [dreg:s7], $0x6FFFF;
	_ =	strace $0x90000046  }
0xb9: {  	s29 =	simm.s32 $0x9;
	_ =	strace $0x80000048  }
0xba: {  	_ =	swait.ge [sflag:s29], $0x1  }
0xbb: {  	[sflag:s29] =	ssyncadd.s32 $0xFFFFFFFF  }
0xbc: {  	_ =	strace $0x90000048  }
0xbd: {  	_ =	sfence  }
0xbe: {  	s30 =	sld [smem:$0x0];
	_ =	sdelay $0x2  }
0xbf: {  	s31 =	sshll.u32 s1, $0xD;
	s1 =	sshrl.u32 s1, $0x2  }
0xc0: {  	s3 =	sand.u32 $0x4000, s31;
	s1 =	sadd.s32 s1, s30  }
0xc1: {  	s0 =	sor.u32 s3, s0;
	s1 =	sshll.u32 s1, $0x11  }
0xc2: {  	s0 =	sor.u32 s1, s0  }
0xc3: {  	s0 =	sadd.s32 $0x8F2B, s0  }
0xc4: {  	[sflag:s0] =	ssyncadd.remote.s32 $0x1  }
0xc5: {  	_ =	sfence.sel $0xFFFF  }
0xc6: {  	[dreg:$0x0] =	wrdreg $0xFFFFFFFF;
	(pc) =	sbr.abs _section_cstart, $3  }
0xc7: {  	[dreg:$0x1] =	wrdreg $0xFFFFFFFF  }
0xc8: {  	_ =	task.clear_ibuf [dreg:s7], $0x2FFFF;
	_ =	strace $0x9FFFFFFF  }
0xc9: {  	(tm) =	ssettm $0x7FFFFFFF  }
tec
execute0_lowered:
.L_overlay_start_1:
0x0: {  	(tag) =	ssettag $0x1  }
0x1: {  	s6 =	rddreg [dreg:$0x0]  }
0x2: {  	s2 =	rddreg [dreg:$0x1];
	s0 =	srdreg.scid  }
0x3: {  	s3 =	rddreg [dreg:$0x2];
	s1 =	stileid.u32;
	s4 =	simm.s32 $0x0  }
0x4: {  	s13 =	simm.s32 $0x50;
	s7 =	sand.u32 $0x1, s0;
	s0 =	rddreg [dreg:$0x3]  }
0x5: {  	s14 =	simm.s32 $0x0;
	s8 =	smul.u32 $0x14000, s1;
	[smem:$0x7FF] =	sst s4  }
0x6: {  	s9 =	sshll.u32 s1, $0xB;
	s10 =	smul.u32 $0x50000, s1;
	s31 =	sshll.u32 s1, $0x6  }
0x7: {  	s5 =	smul.u32 $0x140000, s7;
	_ =	strace $0x80000047;
	s28 =	ssub.s32 $0x2, s7  }
0x8: {  	s9 =	sadd.s32 s9, s6;
	s7 =	sshll.u32 s7, $0xF;
	s11 =	sshrl.u32 s28, $0x1  }
0x9: {  	s7 =	sadd.s32 s7, s9;
	s29 =	sshrl.u32 s10, $0x2;
	s9 =	simm.s32 $0x1  }
0xa: {  	s10 =	simm.s32 $0x4000;
	s8 =	sadd.s32 s8, s5;
	s5 =	sadd.s32 $0x14A00, s6  }
0xb: {  	s30 =	ssub.s32 s28, s11;
	s12 =	sadd.s32 s29, s3;
	s8 =	sshrl.u32 s8, $0x3  }
0xc: {  	s11 =	sor.u32 $0x1C01, s31;
	s12 =	sshrl.u32 s12, $0x3;
	s8 =	sadd.s32 s8, s6  }
0xd: {  	s6 =	sadd.s32 $0x4A00, s7;
	s7 =	sadd.s32 $0x17200, s8;
	s8 =	smax.u32 s30, $0x1  }
.LBB2_1:
0xe: {  	[tilespmem:s4], [sflag:$0x1] =	stream.linear.gather [hbm4b:s6+s4], $0x3E80, $0x38;
	[tilespmem:$0x1A800] =	vst v63  }
0xf: {  	_ =	swait.ge [sflag:s9], $0x3E80  }
0x10: {  	[sflag:s9] =	ssyncset.done $0x0  }
0x11: {  	[sflag:s9] =	ssyncadd.s32 $0xFFFFC180  }
0x12: {  	[tilespmem:s10], [sflag:$0x1] =	stream.linear.gather [hbm4b:s2+s4], $0x2800, $0x38;
	[tilespmem:$0x1A800] =	vst v63  }
0x13: {  	_ =	swait.ge [sflag:s9], $0x2800  }
0x14: {  	[sflag:s9] =	ssyncset.done $0x0  }
0x15: {  	[sflag:s9] =	ssyncadd.s32 $0xFFFFD800  }
0x16: {  	[spmem:s12], [sflag:s11] =	dma.local [hbm:s5], $0x2800  }
0x17: {  	_ =	swait.ge [sflag:s9], $0x2800  }
0x18: {  	[sflag:s9] =	ssyncset.done $0x0  }
0x19: {  	[sflag:s9] =	ssyncadd.s32 $0xFFFFD800  }
0x1a: {  	s15 =	simm.s32 $0x0;
	[bflag:$0x0] =	sbarrier.arrive $0xFFFF  }
0x1b: {  	[spmem:s3] =	stream.indirect.scatter.add.f32 [tilespmem:s10], [sflag:$0x1], $0x80, s15, s13, $0xb8;
	[tilespmem:$0x1A800] =	vst v63  }
0x1c: {  	_ =	swait.ge [sflag:s9], $0x2800  }
0x1d: {  	s15 =	simm.s32 $0x200;
	[sflag:s9] =	ssyncset.done $0x0  }
.LBB2_2:
0x1e: {  	s16 =	sshra.s32 s15, $0x2;
	[sflag:s9] =	ssyncadd.s32 $0xFFFFD800;
	p0 =	sne.s32 s15, $0xF800  }
0x1f: {  	[spmem:s3] =	stream.indirect.scatter.add.f32 [tilespmem:s10], [sflag:$0x1], $0x80, s16, s13, $0xb8;
	[tilespmem:$0x1A800] =	vst v63  }
.Ltmp0:
0x20: {  	_ = 	snop;
	(pc) =	sbr.rel @p0 .LBB2_2-.Ltmp0, $4  }
0x21: {  	_ = 	snop  }
0x22: {  	s15 =	sadd.s32 $0x200, s15  }
0x23: {  	_ =	swait.ge [sflag:s9], $0x2800  }
0x24: {  	[sflag:s9] =	ssyncset.done $0x0  }
0x25: {  	s14 =	sadd.s32 $0x1, s14  }
0x26: {  	[sflag:s9] =	ssyncadd.s32 $0xFFFFD800;
	p0 =	sne.s32 s14, s8  }
.Ltmp1:
0x27: {  	[bflag:$0x0] =	sbarrier.arrive $0xFFFF;
	(pc) =	sbr.rel @p0 .LBB2_1-.Ltmp1, $4  }
0x28: {  	[hbm:s7], [sflag:s11] =	dma.local [spmem:s12], $0x2800  }
0x29: {  	_ =	swait.ge [sflag:s9], $0x2800  }
0x2a: {  	[sflag:s9] =	ssyncset.done $0x0  }
0x2b: {  	[sflag:s9] =	ssyncadd.s32 $0xFFFFD800  }
0x2c: {  	_ =	sfence.sel $0x180000  }
0x2d: {  	[bflag:$0x0] =	sbarrier.arrive $0xFFFF  }
0x2e: {  	p0 =	sne.s32 s1, $0x0;
	_ =	strace $0x90000047  }
0x2f: {  	s0 =	sadd.s32 @!p0 $0x100000, s0;
	[bflag:$0x2] =	sbarrier.arrive $0xFFFF  }
0x30: {  	[sflag:s0] =	ssyncadd.tile.s32 @!p0 $0x1;
	_ =	shalt  }
.Lfunc_end2:
_tile_overlayer_lowered:
.L_overlay_start_2:
0x31: {  	(tag) =	ssettag $0x2  }
0x32: {  	s0 =	rddreg [dreg:$0x0];
	s2 =	stileid.u32  }
0x33: {  	s1 =	rddreg [dreg:$0x1];
	p0 =	sne.s32 s2, $0x0  }
0x34: {  	s3 =	rddreg [dreg:$0x2];
	[bflag:$0x3] =	sbarrier.arrive $0xFFFF;
	s2 =	simm.s32 @!p0 $0x1C01  }
0x35: {  	[timem:s3], [sflag:s2] =	dma.local @!p0 [hbm:s0], s1  }
0x36: {  	s0 =	simm.s32 @!p0 $0x1  }
0x37: {  	_ =	swait.ge @!p0 [sflag:s0], s1  }
0x38: {  	s1 =	ssub.s32 @!p0 $0x0, s1;
	[sflag:s0] =	ssyncset.done @!p0 $0x0  }
0x39: {  	[sflag:s0] =	ssyncadd.s32 @!p0 s1  }
0x3a: {  	[bflag:$0x3] =	sbarrier.arrive $0xFFFF  }
0x3b: {  	_ =	shalt  }

// kernel: kernel.16.cloned.1.call-start
scs
__scs_entry_jumppad:
0x0: {  	(pc) =	sbr.rel $0x88, $3  }
0x1: {  	(tag) =	ssettag $0x0;
	lr =	simm.s32 $0x1  }
0x2: {  	[smem:$0x3F8C] =	sst lr;
	_ =	strace $0xD0000000  }
0x3: {  	_ = 	snop  }
0x4: {  	_ = 	snop  }
0x5: {  	_ = 	snop  }
0x6: {  	_ = 	snop  }
0x7: {  	_ = 	snop  }
__scs_overlays_trampoline_lowered:
0x8: {  	[smem:$0x3F9B] =	sst s0  }
0x9: {  	[smem:$0x3F9C] =	sst s1  }
0xa: {  	[smem:$0x3F9D] =	sst s2  }
0xb: {  	[smem:$0x3F9E] =	sst s3  }
0xc: {  	[smem:$0x3F9F] =	sst s4  }
0xd: {  	[smem:$0x3FA0] =	sst s5  }
0xe: {  	[smem:$0x3FA1] =	sst s6  }
0xf: {  	[smem:$0x3FA2] =	sst s7  }
0x10: {  	[smem:$0x3FA3] =	sst s8  }
0x11: {  	[smem:$0x3FA4] =	sst s9;
	s0 =	simm.s32 @!p0 $0x0  }
0x12: {  	s1 =	sld [smem:$0x3F8A];
	s0 =	simm.s32 @p0 $0x1  }
0x13: {  	[smem:$0x3FA5] =	sst s0;
	s0 =	simm.s32 @!p1 $0x0  }
0x14: {  	s2 =	sld [smem:$0x3F89];
	s0 =	simm.s32 @p1 $0x1  }
0x15: {  	[smem:$0x3FA6] =	sst s0;
	s0 =	simm.s32 @!p2 $0x0  }
0x16: {  	s3 =	sld [smem:$0x3FDB];
	s0 =	simm.s32 @p2 $0x1  }
0x17: {  	s4 =	simm.s32 $0x1BF5;
	[smem:$0x3FA8] =	sst s0  }
0x18: {  	s0 =	sld [smem:$0x3F8B];
	_ =	swait.ge [sflag:s4], $0x0  }
0x19: {  	s7 =	sld [smem:$0x3F8C]  }
0x1a: {  	s8 =	sadd.s32 $0xFFFFE003, lr  }
0x1b: {  	s9 =	sadd.s32 $0xFFFFFEF7, lr;
	s5 =	simm.s32 $0xFFFFFFFF;
	p2 =	slt.u32 s8, $0xFFFFF086  }
0x1c: {  	p1 =	slt.u32 s9, $0xF7A;
	s5 =	simm.s32 @!p2 $0x0  }
0x1d: {  	s5 =	simm.s32 @p1 $0x1;
	p0 =	seq.s32 s7, s2  }
0x1e: {  	s7 =	smul.u32 @!p0 $0xF7A, s2;
	p2 =	seq.s32 @!p0 s5, $0x0  }
0x1f: {  	s9 =	smul.u32 $0xF7A, s1;
	s8 =	simm.s32 @!p0 $0x1BF5;
	p2 =	por !p2, p0  }
0x20: {  	[sflag:s8] =	ssyncset.s32 @!p0 $0xFFFFF086;
	s6 =	sadd.s32 @!p0 s3, s7;
	s7 =	simm.s32 @!p0 $0x108  }
0x21: {  	s3 =	sadd.s32 s3, s9;
	s6 =	sadd.s32 @!p0 $0x88, s6;
	s7 =	simm.s32 @p2 $0x1082  }
0x22: {  	[simem:s7], [sflag:s8] =	dma.local @!p0 [hbm:s6], $0xF7A  }
0x23: {  	s9 =	sor.u32 $0xD0000000, s2;
	s6 =	simm.s32 $0x108;
	_ =	swait.ge @!p0 [sflag:s8], $0x0  }
0x24: {  	s3 =	sadd.s32 $0x88, s3;
	s6 =	simm.s32 @!p1 $0x1082;
	[sflag:s4] =	ssyncset.s32 $0xFFFFF086  }
0x25: {  	[simem:s6], [sflag:s4] =	dma.local [hbm:s3], $0xF7A  }
0x26: {  	[smem:$0x3F8C] =	sst s1;
	(tag) =	ssettag s2;
	_ =	strace s9  }
0x27: {  	s1 =	sld [smem:$0x3F9C]  }
0x28: {  	s2 =	sld [smem:$0x3F9D]  }
0x29: {  	s4 =	sld [smem:$0x3F9F]  }
0x2a: {  	p0 =	seq.s32 s5, $0x0;
	s5 =	sld [smem:$0x3FA0]  }
0x2b: {  	s6 =	sld [smem:$0x3FA1]  }
0x2c: {  	s7 =	sld [smem:$0x3FA2]  }
0x2d: {  	s3 =	simm.s32 $0x108;
	s8 =	sld [smem:$0x3FA3]  }
0x2e: {  	s3 =	simm.s32 @!p0 $0x1082;
	s9 =	sld [smem:$0x3FA4]  }
0x2f: {  	lr =	sadd.s32 s0, s3;
	s0 =	sld [smem:$0x3F9B]  }
0x30: {  	s3 =	sld [smem:$0x3F9E]  }
0x31: {  	[smem:$0x3FA7] =	sst s10  }
0x32: {  	s10 =	sld [smem:$0x3FA5];
	_ =	sdelay $0x3  }
0x33: {  	p0 =	seq.s32 s10, $0x1;
	s10 =	sld [smem:$0x3FA7];
	_ =	sdelay $0x3  }
0x34: {  	[smem:$0x3FA7] =	sst s10  }
0x35: {  	s10 =	sld [smem:$0x3FA6];
	_ =	sdelay $0x3  }
0x36: {  	p1 =	seq.s32 s10, $0x1;
	s10 =	sld [smem:$0x3FA7];
	_ =	sdelay $0x3  }
0x37: {  	[smem:$0x3FA7] =	sst s10  }
0x38: {  	s10 =	sld [smem:$0x3FA8]  }
0x39: {  	_ = 	snop;
	(pc) =	sbr.ind lr, $3  }
0x3a: {  	_ = 	snop  }
0x3b: {  	_ = 	snop  }
0x3c: {  	p2 =	seq.s32 s10, $0x1;
	s10 =	sld [smem:$0x3FA7]  }
0x3d: {  	_ =	shalt  }
0x3e: {  	_ =	shalt  }
0x3f: {  	_ =	shalt  }
0x40: {  	_ =	shalt  }
0x41: {  	_ =	shalt  }
0x42: {  	_ =	shalt  }
0x43: {  	_ =	shalt  }
0x44: {  	_ =	shalt  }
0x45: {  	_ =	shalt  }
0x46: {  	_ =	shalt  }
0x47: {  	_ =	shalt  }
0x48: {  	_ =	shalt  }
0x49: {  	_ =	shalt  }
0x4a: {  	_ =	shalt  }
0x4b: {  	_ =	shalt  }
0x4c: {  	_ =	shalt  }
0x4d: {  	_ =	shalt  }
0x4e: {  	_ =	shalt  }
0x4f: {  	_ =	shalt  }
0x50: {  	_ =	shalt  }
0x51: {  	_ =	shalt  }
0x52: {  	_ =	shalt  }
0x53: {  	_ =	shalt  }
0x54: {  	_ =	shalt  }
0x55: {  	_ =	shalt  }
0x56: {  	_ =	shalt  }
0x57: {  	_ =	shalt  }
0x58: {  	_ =	shalt  }
0x59: {  	_ =	shalt  }
0x5a: {  	_ =	shalt  }
0x5b: {  	_ =	shalt  }
0x5c: {  	_ =	shalt  }
0x5d: {  	_ =	shalt  }
0x5e: {  	_ =	shalt  }
0x5f: {  	_ =	shalt  }
0x60: {  	_ =	shalt  }
0x61: {  	_ =	shalt  }
0x62: {  	_ =	shalt  }
0x63: {  	_ =	shalt  }
0x64: {  	_ =	shalt  }
0x65: {  	_ =	shalt  }
0x66: {  	_ =	shalt  }
0x67: {  	_ =	shalt  }
0x68: {  	_ =	shalt  }
0x69: {  	_ =	shalt  }
0x6a: {  	_ =	shalt  }
0x6b: {  	_ =	shalt  }
0x6c: {  	_ =	shalt  }
0x6d: {  	_ =	shalt  }
0x6e: {  	_ =	shalt  }
0x6f: {  	_ =	shalt  }
0x70: {  	_ =	shalt  }
0x71: {  	_ =	shalt  }
0x72: {  	_ =	shalt  }
0x73: {  	_ =	shalt  }
0x74: {  	_ =	shalt  }
0x75: {  	_ =	shalt  }
0x76: {  	_ =	shalt  }
0x77: {  	_ =	shalt  }
0x78: {  	_ =	shalt  }
0x79: {  	_ =	shalt  }
0x7a: {  	_ =	shalt  }
0x7b: {  	_ =	shalt  }
0x7c: {  	_ =	shalt  }
0x7d: {  	_ =	shalt  }
0x7e: {  	_ =	shalt  }
0x7f: {  	_ =	shalt  }
0x80: {  	_ =	shalt  }
0x81: {  	_ =	shalt  }
0x82: {  	_ =	shalt  }
0x83: {  	_ =	shalt  }
0x84: {  	_ =	shalt  }
0x85: {  	_ =	shalt  }
0x86: {  	_ =	shalt  }
0x87: {  	_ =	shalt  }
.Lfunc_end0:
.L_simem_size_0:
called_computation.1_lowered:
.L_overlay_start_0:
0x88: {  	s2 =	sld [smem:$0x3FD9]  }
0x89: {  	s3 =	sld [smem:$0x3FFE];
	_ =	sdelay $0x1  }
0x8a: {  	s1 =	srdreg.scid  }
0x8b: {  	s0 =	sand.u32 $0x1, s1  }
0x8c: {  	s14 =	sshll.u32 s0, $0xA;
	s2 =	sadd.s32 s3, s2  }
0x8d: {  	s2 =	sadd.s32 s2, s14  }
0x8e: {  	[smem:$0x3FB3] =	sst s2  }
0x8f: {  	_ = 	snop  }
0x90: {  	s2 =	sld [smem:$0x3FD0];
	_ =	sdelay $0x2  }
0x91: {  	s15 =	simm.s32 $0xB;
	s4 =	simm.s32 $0x10  }
0x92: {  	[smem:s4], [sflag:s15] =	dma.local [hbm:s2], $0x1  }
0x93: {  	_ =	swait.eq [sflag:s15], $0x1  }
0x94: {  	[sflag:s15] =	ssyncset.done $0x0  }
0x95: {  	[sflag:s15] =	ssyncadd.s32 $0xFFFFFFFF  }
0x96: {  	s16 =	sld [smem:$0x10];
	(tm) =	ssettm $0x1  }
0x97: {  	s17 =	sld [smem:$0x3FFB];
	_ =	sdelay $0x3  }
0x98: {  	_ =	strace s17  }
0x99: {  	s3 =	sld [smem:$0x3FFC];
	_ =	sdelay $0x3  }
0x9a: {  	_ =	strace s3  }
0x9b: {  	s3 =	sld [smem:$0x3FFD];
	_ =	sdelay $0x3  }
0x9c: {  	_ =	strace s3  }
0x9d: {  	_ =	strace $0x8FFFFFFF  }
0x9e: {  	s18 =	sld [smem:$0x3FDB];
	_ =	sdelay $0x1  }
0x9f: {  	s19 =	simm.s32 $_scs_section_size  }
0xa0: {  	s5 =	simm.s32 $_size__tile_overlayer_lowered;
	s6 =	simm.s32 $_tile_overlayer_lowered  }
0xa1: {  	s22 =	simm.s32 $0x1BFF;
	s21 =	sshll.u32 s6, $0x1;
	s3 =	sadd.s32 s19, s18  }
0xa2: {  	s7 =	simm.s32 $0x0;
	s20 =	sshll.u32 s5, $0x1;
	s5 =	sadd.s32 s21, s3  }
0xa3: {  	[timem:s7], [sflag:s22] =	dma.local [hbm:s5], s20  }
0xa4: {  	_ =	swait.ge [sflag:s22], s20  }
0xa5: {  	s4 =	ssub.s32 $0x0, s20;
	[sflag:s22] =	ssyncset.done $0x0  }
0xa6: {  	[sflag:s22] =	ssyncadd.s32 s4;
	_ =	sdelay $0x1  }
0xa7: {  	s23 =	simm.s32 $0x1B8B  }
0xa8: {  	_ =	swait.ge [sflag:s23], $0x1  }
0xa9: {  	[sflag:s23] =	ssyncset.done $0x0  }
0xaa: {  	s25 =	simm.s32 $0x1B8E;
	s24 =	sld [smem:$0x3FFE];
	[sflag:s23] =	ssyncadd.s32 $0xFFFFFFFF  }
0xab: {  	s26 =	simm.s32 $execute0_lowered;
	[smem:$0x3FD2] =	sst s25  }
0xac: {  	s5 =	sshll.u32 s26, $0x1;
	_ =	strace $0x80000049;
	[dreg:$0x1] =	wrdreg $0xFFFFFFFF  }
0xad: {  	s28 =	simm.s32 $_size_execute0_lowered;
	s3 =	sadd.s32 s3, s5;
	[dreg:$0x0] =	wrdreg $0x0  }
0xae: {  	s5 =	sshll.u32 s28, $0x1;
	[dreg:$0x2] =	wrdreg s3  }
0xaf: {  	[dreg:$0x3] =	wrdreg s5  }
0xb0: {  	[dreg:$0x4] =	wrdreg $0xC0  }
0xb1: {  	_ =	task [dreg:s7], $0x5FFFF  }
0xb2: {  	[dreg:$0x1] =	wrdreg $0xFFFFFFFF  }
0xb3: {  	[dreg:$0x0] =	wrdreg $0x60  }
0xb4: {  	[dreg:$0x2] =	wrdreg s16  }
0xb5: {  	[dreg:$0x3] =	wrdreg s24  }
0xb6: {  	[dreg:$0x4] =	wrdreg $0xA8000  }
0xb7: {  	[dreg:$0x5] =	wrdreg $0x9  }
0xb8: {  	_ =	task.clear_ibuf [dreg:s7], $0x6FFFF;
	_ =	strace $0x90000049  }
0xb9: {  	s29 =	simm.s32 $0x9;
	_ =	strace $0x8000004B  }
0xba: {  	_ =	swait.ge [sflag:s29], $0x1  }
0xbb: {  	[sflag:s29] =	ssyncadd.s32 $0xFFFFFFFF  }
0xbc: {  	_ =	strace $0x9000004B  }
0xbd: {  	_ =	sfence  }
0xbe: {  	s30 =	sld [smem:$0x0];
	_ =	sdelay $0x2  }
0xbf: {  	s31 =	sshll.u32 s1, $0xD;
	s1 =	sshrl.u32 s1, $0x2  }
0xc0: {  	s3 =	sand.u32 $0x4000, s31;
	s1 =	sadd.s32 s1, s30  }
0xc1: {  	s0 =	sor.u32 s3, s0;
	s1 =	sshll.u32 s1, $0x11  }
0xc2: {  	s0 =	sor.u32 s1, s0  }
0xc3: {  	s0 =	sadd.s32 $0x8F2B, s0  }
0xc4: {  	[sflag:s0] =	ssyncadd.remote.s32 $0x1  }
0xc5: {  	_ =	sfence.sel $0xFFFF  }
0xc6: {  	[dreg:$0x0] =	wrdreg $0xFFFFFFFF;
	(pc) =	sbr.abs _section_cstart, $3  }
0xc7: {  	[dreg:$0x1] =	wrdreg $0xFFFFFFFF  }
0xc8: {  	_ =	task.clear_ibuf [dreg:s7], $0x2FFFF;
	_ =	strace $0x9FFFFFFF  }
0xc9: {  	(tm) =	ssettm $0x7FFFFFFF  }
tec
execute0_lowered:
.L_overlay_start_1:
0x0: {  	(tag) =	ssettag $0x1  }
0x1: {  	s1 =	rddreg [dreg:$0x0]  }
0x2: {  	s6 =	rddreg [dreg:$0x1]  }
0x3: {  	s2 =	rddreg [dreg:$0x2]  }
0x4: {  	s0 =	rddreg [dreg:$0x3];
	s4 =	simm.s32 $0x0;
	s3 =	srdreg.scid  }
0x5: {  	s14 =	simm.s32 $0x50;
	s15 =	simm.s32 $0x8000;
	s16 =	simm.s32 $0x1  }
0x6: {  	s17 =	simm.s32 $0x0;
	[smem:$0x7FF] =	sst s4;
	s5 =	sand.u32 $0x1, s3  }
0x7: {  	s3 =	stileid.u32;
	s7 =	smul.u32 $0x140000, s5;
	s8 =	sshll.u32 s5, $0xF  }
0x8: {  	s9 =	sshll.u32 s3, $0xB;
	s10 =	smul.u32 $0x14000, s3;
	_ =	strace $0x8000004A  }
0x9: {  	s28 =	ssub.s32 $0x2, s5;
	s11 =	smul.u32 $0x50000, s3;
	s5 =	sadd.s32 $0x14A00, s6  }
0xa: {  	s31 =	sshll.u32 s3, $0x6;
	s8 =	sor.u32 s9, s8;
	s29 =	sshrl.u32 s28, $0x1  }
0xb: {  	s8 =	sadd.s32 s8, s6;
	s7 =	sadd.s32 s10, s7;
	s9 =	ssub.s32 s28, s29  }
0xc: {  	s30 =	sshrl.u32 s11, $0x2;
	s10 =	simm.s32 $0x2;
	s11 =	simm.s32 $0x4000  }
0xd: {  	s7 =	sshrl.u32 s7, $0x3;
	s13 =	sadd.s32 s30, s2;
	s9 =	smax.u32 s9, $0x1  }
0xe: {  	s12 =	sadd.s32 s7, s6;
	s6 =	sadd.s32 $0x67200, s8;
	s7 =	sadd.s32 $0x4A00, s8  }
0xf: {  	s13 =	sshrl.u32 s13, $0x3;
	s8 =	sadd.s32 $0x77200, s12;
	s12 =	sor.u32 $0x1C02, s31  }
.LBB2_1:
0x10: {  	[tilespmem:s4], [sflag:$0x2] =	stream.linear.gather [hbm4b:s6+s4], $0x3E80, $0x38;
	[tilespmem:$0x1E800] =	vst v63  }
0x11: {  	_ =	swait.ge [sflag:s10], $0x3E80  }
0x12: {  	[sflag:s10] =	ssyncset.done $0x0  }
0x13: {  	[sflag:s10] =	ssyncadd.s32 $0xFFFFC180  }
0x14: {  	[tilespmem:s11], [sflag:$0x2] =	stream.linear.gather [hbm4b:s7+s4], $0x3E80, $0x38;
	[tilespmem:$0x1E800] =	vst v63  }
0x15: {  	_ =	swait.ge [sflag:s10], $0x3E80  }
0x16: {  	[sflag:s10] =	ssyncset.done $0x0  }
0x17: {  	[sflag:s10] =	ssyncadd.s32 $0xFFFFC180  }
0x18: {  	[spmem:s13], [sflag:s12] =	dma.local [hbm:s5], $0x2800  }
0x19: {  	_ =	swait.ge [sflag:s10], $0x2800  }
0x1a: {  	[sflag:s10] =	ssyncset.done $0x0  }
0x1b: {  	[sflag:s10] =	ssyncadd.s32 $0xFFFFD800  }
0x1c: {  	s18 =	simm.s32 $0x0;
	[bflag:$0x0] =	sbarrier.arrive $0xFFFF  }
0x1d: {  	[tilespmem:s15], [sflag:$0x1] =	stream.indirect.gather [hbm4b:s1+s14], $0x80, s18, s14, $0xb8;
	[tilespmem:$0x1E800] =	vst v63  }
0x1e: {  	_ =	swait.ge [sflag:s16], $0x2800  }
0x1f: {  	[sflag:s16] =	ssyncset.done $0x0  }
0x20: {  	s31 =	simm.s32 $0x4000;
	[sflag:s16] =	ssyncadd.s32 $0xFFFFD800  }
0x21: {  	[spmem:s2] =	stream.indirect.scatter.add.f32 [tilespmem:s15], [sflag:$0x2], $0x80, s31, s14, $0xb8;
	[tilespmem:$0x1E800] =	vst v63  }
0x22: {  	_ =	swait.ge [sflag:s10], $0x2800  }
0x23: {  	s19 =	simm.s32 $0x400;
	s18 =	simm.s32 $0x200;
	[sflag:s10] =	ssyncset.done $0x0  }
.LBB2_2:
0x24: {  	s20 =	sshra.s32 s18, $0x2  }
0x25: {  	[sflag:s10] =	ssyncadd.s32 $0xFFFFD800;
	s18 =	smov.u32 s19;
	s21 =	sadd.s32 $0x200, s19  }
0x26: {  	[tilespmem:s15], [sflag:$0x1] =	stream.indirect.gather [hbm4b:s1+s14], $0x80, s20, s14, $0xb8;
	[tilespmem:$0x1E800] =	vst v63  }
0x27: {  	p0 =	sne.s32 s19, $0xF800;
	_ =	swait.ge [sflag:s16], $0x2800  }
.Ltmp0:
0x28: {  	[sflag:s16] =	ssyncset.done $0x0;
	(pc) =	sbr.rel @p0 .LBB2_2-.Ltmp0, $4  }
0x29: {  	s19 =	sadd.s32 $0x4000, s20;
	[sflag:s16] =	ssyncadd.s32 $0xFFFFD800  }
0x2a: {  	[spmem:s2] =	stream.indirect.scatter.add.f32 [tilespmem:s15], [sflag:$0x2], $0x80, s19, s14, $0xb8;
	[tilespmem:$0x1E800] =	vst v63  }
0x2b: {  	_ =	swait.ge [sflag:s10], $0x2800  }
0x2c: {  	s19 =	smov.u32 s21;
	[sflag:s10] =	ssyncset.done $0x0  }
0x2d: {  	s18 =	sshra.s32 s18, $0x2;
	[sflag:s10] =	ssyncadd.s32 $0xFFFFD800  }
0x2e: {  	[tilespmem:s15], [sflag:$0x1] =	stream.indirect.gather [hbm4b:s1+s14], $0x80, s18, s14, $0xb8;
	[tilespmem:$0x1E800] =	vst v63  }
0x2f: {  	_ =	swait.ge [sflag:s16], $0x2800  }
0x30: {  	[sflag:s16] =	ssyncset.done $0x0  }
0x31: {  	s18 =	sadd.s32 $0x4000, s18;
	[sflag:s16] =	ssyncadd.s32 $0xFFFFD800  }
0x32: {  	[spmem:s2] =	stream.indirect.scatter.add.f32 [tilespmem:s15], [sflag:$0x2], $0x80, s18, s14, $0xb8;
	[tilespmem:$0x1E800] =	vst v63  }
0x33: {  	_ =	swait.ge [sflag:s10], $0x2800  }
0x34: {  	s17 =	sadd.s32 $0x1, s17;
	[sflag:s10] =	ssyncset.done $0x0  }
0x35: {  	p0 =	sne.s32 s17, s9;
	[sflag:s10] =	ssyncadd.s32 $0xFFFFD800  }
.Ltmp1:
0x36: {  	[bflag:$0x0] =	sbarrier.arrive $0xFFFF;
	(pc) =	sbr.rel @p0 .LBB2_1-.Ltmp1, $4  }
0x37: {  	[hbm:s8], [sflag:s12] =	dma.local [spmem:s13], $0x2800  }
0x38: {  	_ =	swait.ge [sflag:s10], $0x2800  }
0x39: {  	[sflag:s10] =	ssyncset.done $0x0  }
0x3a: {  	[sflag:s10] =	ssyncadd.s32 $0xFFFFD800  }
0x3b: {  	_ =	sfence.sel $0x180000  }
0x3c: {  	[bflag:$0x0] =	sbarrier.arrive $0xFFFF  }
0x3d: {  	p0 =	sne.s32 s3, $0x0;
	_ =	strace $0x9000004A  }
0x3e: {  	s0 =	sadd.s32 @!p0 $0x100000, s0;
	[bflag:$0x2] =	sbarrier.arrive $0xFFFF  }
0x3f: {  	[sflag:s0] =	ssyncadd.tile.s32 @!p0 $0x1;
	_ =	shalt  }
.Lfunc_end2:
_tile_overlayer_lowered:
.L_overlay_start_2:
0x40: {  	(tag) =	ssettag $0x2  }
0x41: {  	s0 =	rddreg [dreg:$0x0];
	s2 =	stileid.u32  }
0x42: {  	s1 =	rddreg [dreg:$0x1];
	p0 =	sne.s32 s2, $0x0  }
0x43: {  	s3 =	rddreg [dreg:$0x2];
	[bflag:$0x3] =	sbarrier.arrive $0xFFFF;
	s2 =	simm.s32 @!p0 $0x1C02  }
0x44: {  	[timem:s3], [sflag:s2] =	dma.local @!p0 [hbm:s0], s1  }
0x45: {  	s0 =	simm.s32 @!p0 $0x2  }
0x46: {  	_ =	swait.ge @!p0 [sflag:s0], s1  }
0x47: {  	s1 =	ssub.s32 @!p0 $0x0, s1;
	[sflag:s0] =	ssyncset.done @!p0 $0x0  }
0x48: {  	[sflag:s0] =	ssyncadd.s32 @!p0 s1  }
0x49: {  	[bflag:$0x3] =	sbarrier.arrive $0xFFFF  }
0x4a: {  	_ =	shalt  }

// kernel: kernel.19.cloned.1.call-start
scs
__scs_entry_jumppad:
0x0: {  	(pc) =	sbr.rel $0x88, $3  }
0x1: {  	(tag) =	ssettag $0x0;
	lr =	simm.s32 $0x1  }
0x2: {  	[smem:$0x3F8C] =	sst lr;
	_ =	strace $0xD0000000  }
0x3: {  	_ = 	snop  }
0x4: {  	_ = 	snop  }
0x5: {  	_ = 	snop  }
0x6: {  	_ = 	snop  }
0x7: {  	_ = 	snop  }
__scs_overlays_trampoline_lowered:
0x8: {  	[smem:$0x3F9B] =	sst s0  }
0x9: {  	[smem:$0x3F9C] =	sst s1  }
0xa: {  	[smem:$0x3F9D] =	sst s2  }
0xb: {  	[smem:$0x3F9E] =	sst s3  }
0xc: {  	[smem:$0x3F9F] =	sst s4  }
0xd: {  	[smem:$0x3FA0] =	sst s5  }
0xe: {  	[smem:$0x3FA1] =	sst s6  }
0xf: {  	[smem:$0x3FA2] =	sst s7  }
0x10: {  	[smem:$0x3FA3] =	sst s8  }
0x11: {  	[smem:$0x3FA4] =	sst s9;
	s0 =	simm.s32 @!p0 $0x0  }
0x12: {  	s1 =	sld [smem:$0x3F8A];
	s0 =	simm.s32 @p0 $0x1  }
0x13: {  	[smem:$0x3FA5] =	sst s0;
	s0 =	simm.s32 @!p1 $0x0  }
0x14: {  	s2 =	sld [smem:$0x3F89];
	s0 =	simm.s32 @p1 $0x1  }
0x15: {  	[smem:$0x3FA6] =	sst s0;
	s0 =	simm.s32 @!p2 $0x0  }
0x16: {  	s3 =	sld [smem:$0x3FDB];
	s0 =	simm.s32 @p2 $0x1  }
0x17: {  	s4 =	simm.s32 $0x1BF5;
	[smem:$0x3FA8] =	sst s0  }
0x18: {  	s0 =	sld [smem:$0x3F8B];
	_ =	swait.ge [sflag:s4], $0x0  }
0x19: {  	s7 =	sld [smem:$0x3F8C]  }
0x1a: {  	s8 =	sadd.s32 $0xFFFFE003, lr  }
0x1b: {  	s9 =	sadd.s32 $0xFFFFFEF7, lr;
	s5 =	simm.s32 $0xFFFFFFFF;
	p2 =	slt.u32 s8, $0xFFFFF086  }
0x1c: {  	p1 =	slt.u32 s9, $0xF7A;
	s5 =	simm.s32 @!p2 $0x0  }
0x1d: {  	s5 =	simm.s32 @p1 $0x1;
	p0 =	seq.s32 s7, s2  }
0x1e: {  	s7 =	smul.u32 @!p0 $0xF7A, s2;
	p2 =	seq.s32 @!p0 s5, $0x0  }
0x1f: {  	s9 =	smul.u32 $0xF7A, s1;
	s8 =	simm.s32 @!p0 $0x1BF5;
	p2 =	por !p2, p0  }
0x20: {  	[sflag:s8] =	ssyncset.s32 @!p0 $0xFFFFF086;
	s6 =	sadd.s32 @!p0 s3, s7;
	s7 =	simm.s32 @!p0 $0x108  }
0x21: {  	s3 =	sadd.s32 s3, s9;
	s6 =	sadd.s32 @!p0 $0x88, s6;
	s7 =	simm.s32 @p2 $0x1082  }
0x22: {  	[simem:s7], [sflag:s8] =	dma.local @!p0 [hbm:s6], $0xF7A  }
0x23: {  	s9 =	sor.u32 $0xD0000000, s2;
	s6 =	simm.s32 $0x108;
	_ =	swait.ge @!p0 [sflag:s8], $0x0  }
0x24: {  	s3 =	sadd.s32 $0x88, s3;
	s6 =	simm.s32 @!p1 $0x1082;
	[sflag:s4] =	ssyncset.s32 $0xFFFFF086  }
0x25: {  	[simem:s6], [sflag:s4] =	dma.local [hbm:s3], $0xF7A  }
0x26: {  	[smem:$0x3F8C] =	sst s1;
	(tag) =	ssettag s2;
	_ =	strace s9  }
0x27: {  	s1 =	sld [smem:$0x3F9C]  }
0x28: {  	s2 =	sld [smem:$0x3F9D]  }
0x29: {  	s4 =	sld [smem:$0x3F9F]  }
0x2a: {  	p0 =	seq.s32 s5, $0x0;
	s5 =	sld [smem:$0x3FA0]  }
0x2b: {  	s6 =	sld [smem:$0x3FA1]  }
0x2c: {  	s7 =	sld [smem:$0x3FA2]  }
0x2d: {  	s3 =	simm.s32 $0x108;
	s8 =	sld [smem:$0x3FA3]  }
0x2e: {  	s3 =	simm.s32 @!p0 $0x1082;
	s9 =	sld [smem:$0x3FA4]  }
0x2f: {  	lr =	sadd.s32 s0, s3;
	s0 =	sld [smem:$0x3F9B]  }
0x30: {  	s3 =	sld [smem:$0x3F9E]  }
0x31: {  	[smem:$0x3FA7] =	sst s10  }
0x32: {  	s10 =	sld [smem:$0x3FA5];
	_ =	sdelay $0x3  }
0x33: {  	p0 =	seq.s32 s10, $0x1;
	s10 =	sld [smem:$0x3FA7];
	_ =	sdelay $0x3  }
0x34: {  	[smem:$0x3FA7] =	sst s10  }
0x35: {  	s10 =	sld [smem:$0x3FA6];
	_ =	sdelay $0x3  }
0x36: {  	p1 =	seq.s32 s10, $0x1;
	s10 =	sld [smem:$0x3FA7];
	_ =	sdelay $0x3  }
0x37: {  	[smem:$0x3FA7] =	sst s10  }
0x38: {  	s10 =	sld [smem:$0x3FA8]  }
0x39: {  	_ = 	snop;
	(pc) =	sbr.ind lr, $3  }
0x3a: {  	_ = 	snop  }
0x3b: {  	_ = 	snop  }
0x3c: {  	p2 =	seq.s32 s10, $0x1;
	s10 =	sld [smem:$0x3FA7]  }
0x3d: {  	_ =	shalt  }
0x3e: {  	_ =	shalt  }
0x3f: {  	_ =	shalt  }
0x40: {  	_ =	shalt  }
0x41: {  	_ =	shalt  }
0x42: {  	_ =	shalt  }
0x43: {  	_ =	shalt  }
0x44: {  	_ =	shalt  }
0x45: {  	_ =	shalt  }
0x46: {  	_ =	shalt  }
0x47: {  	_ =	shalt  }
0x48: {  	_ =	shalt  }
0x49: {  	_ =	shalt  }
0x4a: {  	_ =	shalt  }
0x4b: {  	_ =	shalt  }
0x4c: {  	_ =	shalt  }
0x4d: {  	_ =	shalt  }
0x4e: {  	_ =	shalt  }
0x4f: {  	_ =	shalt  }
0x50: {  	_ =	shalt  }
0x51: {  	_ =	shalt  }
0x52: {  	_ =	shalt  }
0x53: {  	_ =	shalt  }
0x54: {  	_ =	shalt  }
0x55: {  	_ =	shalt  }
0x56: {  	_ =	shalt  }
0x57: {  	_ =	shalt  }
0x58: {  	_ =	shalt  }
0x59: {  	_ =	shalt  }
0x5a: {  	_ =	shalt  }
0x5b: {  	_ =	shalt  }
0x5c: {  	_ =	shalt  }
0x5d: {  	_ =	shalt  }
0x5e: {  	_ =	shalt  }
0x5f: {  	_ =	shalt  }
0x60: {  	_ =	shalt  }
0x61: {  	_ =	shalt  }
0x62: {  	_ =	shalt  }
0x63: {  	_ =	shalt  }
0x64: {  	_ =	shalt  }
0x65: {  	_ =	shalt  }
0x66: {  	_ =	shalt  }
0x67: {  	_ =	shalt  }
0x68: {  	_ =	shalt  }
0x69: {  	_ =	shalt  }
0x6a: {  	_ =	shalt  }
0x6b: {  	_ =	shalt  }
0x6c: {  	_ =	shalt  }
0x6d: {  	_ =	shalt  }
0x6e: {  	_ =	shalt  }
0x6f: {  	_ =	shalt  }
0x70: {  	_ =	shalt  }
0x71: {  	_ =	shalt  }
0x72: {  	_ =	shalt  }
0x73: {  	_ =	shalt  }
0x74: {  	_ =	shalt  }
0x75: {  	_ =	shalt  }
0x76: {  	_ =	shalt  }
0x77: {  	_ =	shalt  }
0x78: {  	_ =	shalt  }
0x79: {  	_ =	shalt  }
0x7a: {  	_ =	shalt  }
0x7b: {  	_ =	shalt  }
0x7c: {  	_ =	shalt  }
0x7d: {  	_ =	shalt  }
0x7e: {  	_ =	shalt  }
0x7f: {  	_ =	shalt  }
0x80: {  	_ =	shalt  }
0x81: {  	_ =	shalt  }
0x82: {  	_ =	shalt  }
0x83: {  	_ =	shalt  }
0x84: {  	_ =	shalt  }
0x85: {  	_ =	shalt  }
0x86: {  	_ =	shalt  }
0x87: {  	_ =	shalt  }
.Lfunc_end0:
.L_simem_size_0:
called_computation.2_lowered:
.L_overlay_start_0:
0x88: {  	s2 =	sld [smem:$0x3FD9]  }
0x89: {  	s3 =	sld [smem:$0x3FFE];
	_ =	sdelay $0x1  }
0x8a: {  	s1 =	srdreg.scid  }
0x8b: {  	s0 =	sand.u32 $0x1, s1  }
0x8c: {  	s14 =	sshll.u32 s0, $0xA;
	s2 =	sadd.s32 s3, s2  }
0x8d: {  	s2 =	sadd.s32 s2, s14  }
0x8e: {  	[smem:$0x3FB3] =	sst s2  }
0x8f: {  	_ = 	snop  }
0x90: {  	s2 =	sld [smem:$0x3FD0];
	_ =	sdelay $0x2  }
0x91: {  	s15 =	simm.s32 $0xB;
	s4 =	simm.s32 $0x10  }
0x92: {  	[smem:s4], [sflag:s15] =	dma.local [hbm:s2], $0x1  }
0x93: {  	_ =	swait.eq [sflag:s15], $0x1  }
0x94: {  	[sflag:s15] =	ssyncset.done $0x0  }
0x95: {  	[sflag:s15] =	ssyncadd.s32 $0xFFFFFFFF  }
0x96: {  	s16 =	sld [smem:$0x10];
	(tm) =	ssettm $0x1  }
0x97: {  	s17 =	sld [smem:$0x3FFB];
	_ =	sdelay $0x3  }
0x98: {  	_ =	strace s17  }
0x99: {  	s3 =	sld [smem:$0x3FFC];
	_ =	sdelay $0x3  }
0x9a: {  	_ =	strace s3  }
0x9b: {  	s3 =	sld [smem:$0x3FFD];
	_ =	sdelay $0x3  }
0x9c: {  	_ =	strace s3  }
0x9d: {  	_ =	strace $0x8FFFFFFF  }
0x9e: {  	s18 =	sld [smem:$0x3FDB];
	_ =	sdelay $0x1  }
0x9f: {  	s19 =	simm.s32 $_scs_section_size  }
0xa0: {  	s5 =	simm.s32 $_size__tile_overlayer_lowered;
	s6 =	simm.s32 $_tile_overlayer_lowered  }
0xa1: {  	s22 =	simm.s32 $0x1BFF;
	s21 =	sshll.u32 s6, $0x1;
	s3 =	sadd.s32 s19, s18  }
0xa2: {  	s7 =	simm.s32 $0x0;
	s20 =	sshll.u32 s5, $0x1;
	s5 =	sadd.s32 s21, s3  }
0xa3: {  	[timem:s7], [sflag:s22] =	dma.local [hbm:s5], s20  }
0xa4: {  	_ =	swait.ge [sflag:s22], s20  }
0xa5: {  	s4 =	ssub.s32 $0x0, s20;
	[sflag:s22] =	ssyncset.done $0x0  }
0xa6: {  	[sflag:s22] =	ssyncadd.s32 s4;
	_ =	sdelay $0x1  }
0xa7: {  	s23 =	simm.s32 $0x1B8B  }
0xa8: {  	_ =	swait.ge [sflag:s23], $0x1  }
0xa9: {  	[sflag:s23] =	ssyncset.done $0x0  }
0xaa: {  	s25 =	simm.s32 $0x1B8E;
	s24 =	sld [smem:$0x3FFE];
	[sflag:s23] =	ssyncadd.s32 $0xFFFFFFFF  }
0xab: {  	s26 =	simm.s32 $execute0_lowered;
	[smem:$0x3FD2] =	sst s25  }
0xac: {  	s5 =	sshll.u32 s26, $0x1;
	_ =	strace $0x8000004C;
	[dreg:$0x1] =	wrdreg $0xFFFFFFFF  }
0xad: {  	s28 =	simm.s32 $_size_execute0_lowered;
	s3 =	sadd.s32 s3, s5;
	[dreg:$0x0] =	wrdreg $0x0  }
0xae: {  	s5 =	sshll.u32 s28, $0x1;
	[dreg:$0x2] =	wrdreg s3  }
0xaf: {  	[dreg:$0x3] =	wrdreg s5  }
0xb0: {  	[dreg:$0x4] =	wrdreg $0xC0  }
0xb1: {  	_ =	task [dreg:s7], $0x5FFFF  }
0xb2: {  	[dreg:$0x1] =	wrdreg $0xFFFFFFFF  }
0xb3: {  	[dreg:$0x0] =	wrdreg $0x60  }
0xb4: {  	[dreg:$0x2] =	wrdreg s16  }
0xb5: {  	[dreg:$0x3] =	wrdreg s24  }
0xb6: {  	[dreg:$0x4] =	wrdreg $0xA8000  }
0xb7: {  	[dreg:$0x5] =	wrdreg $0x9  }
0xb8: {  	_ =	task.clear_ibuf [dreg:s7], $0x6FFFF;
	_ =	strace $0x9000004C  }
0xb9: {  	s29 =	simm.s32 $0x9;
	_ =	strace $0x8000004E  }
0xba: {  	_ =	swait.ge [sflag:s29], $0x1  }
0xbb: {  	[sflag:s29] =	ssyncadd.s32 $0xFFFFFFFF  }
0xbc: {  	_ =	strace $0x9000004E  }
0xbd: {  	_ =	sfence  }
0xbe: {  	s30 =	sld [smem:$0x0];
	_ =	sdelay $0x2  }
0xbf: {  	s31 =	sshll.u32 s1, $0xD;
	s1 =	sshrl.u32 s1, $0x2  }
0xc0: {  	s3 =	sand.u32 $0x4000, s31;
	s1 =	sadd.s32 s1, s30  }
0xc1: {  	s0 =	sor.u32 s3, s0;
	s1 =	sshll.u32 s1, $0x11  }
0xc2: {  	s0 =	sor.u32 s1, s0  }
0xc3: {  	s0 =	sadd.s32 $0x8F2B, s0  }
0xc4: {  	[sflag:s0] =	ssyncadd.remote.s32 $0x1  }
0xc5: {  	_ =	sfence.sel $0xFFFF  }
0xc6: {  	[dreg:$0x0] =	wrdreg $0xFFFFFFFF;
	(pc) =	sbr.abs _section_cstart, $3  }
0xc7: {  	[dreg:$0x1] =	wrdreg $0xFFFFFFFF  }
0xc8: {  	_ =	task.clear_ibuf [dreg:s7], $0x2FFFF;
	_ =	strace $0x9FFFFFFF  }
0xc9: {  	(tm) =	ssettm $0x7FFFFFFF  }
tec
execute0_lowered:
.L_overlay_start_1:
0x0: {  	(tag) =	ssettag $0x1  }
0x1: {  	s1 =	rddreg [dreg:$0x0]  }
0x2: {  	s6 =	rddreg [dreg:$0x1]  }
0x3: {  	s2 =	rddreg [dreg:$0x2]  }
0x4: {  	s0 =	rddreg [dreg:$0x3];
	s4 =	simm.s32 $0x0;
	s3 =	srdreg.scid  }
0x5: {  	s14 =	simm.s32 $0x50;
	s15 =	simm.s32 $0x8000;
	s16 =	simm.s32 $0x1  }
0x6: {  	s17 =	simm.s32 $0x0;
	[smem:$0x7FF] =	sst s4;
	s5 =	sand.u32 $0x1, s3  }
0x7: {  	s3 =	stileid.u32;
	s7 =	smul.u32 $0x140000, s5;
	s8 =	sshll.u32 s5, $0xF  }
0x8: {  	s9 =	sshll.u32 s3, $0xB;
	s10 =	smul.u32 $0x14000, s3;
	_ =	strace $0x8000004D  }
0x9: {  	s28 =	ssub.s32 $0x2, s5;
	s11 =	smul.u32 $0x50000, s3;
	s5 =	sadd.s32 $0x14A00, s6  }
0xa: {  	s31 =	sshll.u32 s3, $0x6;
	s8 =	sor.u32 s9, s8;
	s29 =	sshrl.u32 s28, $0x1  }
0xb: {  	s8 =	sadd.s32 s8, s6;
	s7 =	sadd.s32 s10, s7;
	s9 =	ssub.s32 s28, s29  }
0xc: {  	s30 =	sshrl.u32 s11, $0x2;
	s10 =	simm.s32 $0x2;
	s11 =	simm.s32 $0x4000  }
0xd: {  	s7 =	sshrl.u32 s7, $0x3;
	s13 =	sadd.s32 s30, s2;
	s9 =	smax.u32 s9, $0x1  }
0xe: {  	s12 =	sadd.s32 s7, s6;
	s6 =	sadd.s32 $0x67200, s8;
	s7 =	sadd.s32 $0x4A00, s8  }
0xf: {  	s13 =	sshrl.u32 s13, $0x3;
	s8 =	sadd.s32 $0x77200, s12;
	s12 =	sor.u32 $0x1C02, s31  }
.LBB2_1:
0x10: {  	[tilespmem:s4], [sflag:$0x2] =	stream.linear.gather [hbm4b:s6+s4], $0x3E80, $0x38;
	[tilespmem:$0x1E800] =	vst v63  }
0x11: {  	_ =	swait.ge [sflag:s10], $0x3E80  }
0x12: {  	[sflag:s10] =	ssyncset.done $0x0  }
0x13: {  	[sflag:s10] =	ssyncadd.s32 $0xFFFFC180  }
0x14: {  	[tilespmem:s11], [sflag:$0x2] =	stream.linear.gather [hbm4b:s7+s4], $0x3E80, $0x38;
	[tilespmem:$0x1E800] =	vst v63  }
0x15: {  	_ =	swait.ge [sflag:s10], $0x3E80  }
0x16: {  	[sflag:s10] =	ssyncset.done $0x0  }
0x17: {  	[sflag:s10] =	ssyncadd.s32 $0xFFFFC180  }
0x18: {  	[spmem:s13], [sflag:s12] =	dma.local [hbm:s5], $0x2800  }
0x19: {  	_ =	swait.ge [sflag:s10], $0x2800  }
0x1a: {  	[sflag:s10] =	ssyncset.done $0x0  }
0x1b: {  	[sflag:s10] =	ssyncadd.s32 $0xFFFFD800  }
0x1c: {  	s18 =	simm.s32 $0x0;
	[bflag:$0x0] =	sbarrier.arrive $0xFFFF  }
0x1d: {  	[tilespmem:s15], [sflag:$0x1] =	stream.indirect.gather [hbm4b:s1+s14], $0x80, s18, s14, $0xb8;
	[tilespmem:$0x1E800] =	vst v63  }
0x1e: {  	_ =	swait.ge [sflag:s16], $0x2800  }
0x1f: {  	[sflag:s16] =	ssyncset.done $0x0  }
0x20: {  	s31 =	simm.s32 $0x4000;
	[sflag:s16] =	ssyncadd.s32 $0xFFFFD800  }
0x21: {  	[spmem:s2] =	stream.indirect.scatter.add.f32 [tilespmem:s15], [sflag:$0x2], $0x80, s31, s14, $0xb8;
	[tilespmem:$0x1E800] =	vst v63  }
0x22: {  	_ =	swait.ge [sflag:s10], $0x2800  }
0x23: {  	s19 =	simm.s32 $0x400;
	s18 =	simm.s32 $0x200;
	[sflag:s10] =	ssyncset.done $0x0  }
.LBB2_2:
0x24: {  	s20 =	sshra.s32 s18, $0x2  }
0x25: {  	[sflag:s10] =	ssyncadd.s32 $0xFFFFD800;
	s18 =	smov.u32 s19;
	s21 =	sadd.s32 $0x200, s19  }
0x26: {  	[tilespmem:s15], [sflag:$0x1] =	stream.indirect.gather [hbm4b:s1+s14], $0x80, s20, s14, $0xb8;
	[tilespmem:$0x1E800] =	vst v63  }
0x27: {  	p0 =	sne.s32 s19, $0xF800;
	_ =	swait.ge [sflag:s16], $0x2800  }
.Ltmp0:
0x28: {  	[sflag:s16] =	ssyncset.done $0x0;
	(pc) =	sbr.rel @p0 .LBB2_2-.Ltmp0, $4  }
0x29: {  	s19 =	sadd.s32 $0x4000, s20;
	[sflag:s16] =	ssyncadd.s32 $0xFFFFD800  }
0x2a: {  	[spmem:s2] =	stream.indirect.scatter.add.f32 [tilespmem:s15], [sflag:$0x2], $0x80, s19, s14, $0xb8;
	[tilespmem:$0x1E800] =	vst v63  }
0x2b: {  	_ =	swait.ge [sflag:s10], $0x2800  }
0x2c: {  	s19 =	smov.u32 s21;
	[sflag:s10] =	ssyncset.done $0x0  }
0x2d: {  	s18 =	sshra.s32 s18, $0x2;
	[sflag:s10] =	ssyncadd.s32 $0xFFFFD800  }
0x2e: {  	[tilespmem:s15], [sflag:$0x1] =	stream.indirect.gather [hbm4b:s1+s14], $0x80, s18, s14, $0xb8;
	[tilespmem:$0x1E800] =	vst v63  }
0x2f: {  	_ =	swait.ge [sflag:s16], $0x2800  }
0x30: {  	[sflag:s16] =	ssyncset.done $0x0  }
0x31: {  	s18 =	sadd.s32 $0x4000, s18;
	[sflag:s16] =	ssyncadd.s32 $0xFFFFD800  }
0x32: {  	[spmem:s2] =	stream.indirect.scatter.add.f32 [tilespmem:s15], [sflag:$0x2], $0x80, s18, s14, $0xb8;
	[tilespmem:$0x1E800] =	vst v63  }
0x33: {  	_ =	swait.ge [sflag:s10], $0x2800  }
0x34: {  	s17 =	sadd.s32 $0x1, s17;
	[sflag:s10] =	ssyncset.done $0x0  }
0x35: {  	p0 =	sne.s32 s17, s9;
	[sflag:s10] =	ssyncadd.s32 $0xFFFFD800  }
.Ltmp1:
0x36: {  	[bflag:$0x0] =	sbarrier.arrive $0xFFFF;
	(pc) =	sbr.rel @p0 .LBB2_1-.Ltmp1, $4  }
0x37: {  	[hbm:s8], [sflag:s12] =	dma.local [spmem:s13], $0x2800  }
0x38: {  	_ =	swait.ge [sflag:s10], $0x2800  }
0x39: {  	[sflag:s10] =	ssyncset.done $0x0  }
0x3a: {  	[sflag:s10] =	ssyncadd.s32 $0xFFFFD800  }
0x3b: {  	_ =	sfence.sel $0x180000  }
0x3c: {  	[bflag:$0x0] =	sbarrier.arrive $0xFFFF  }
0x3d: {  	p0 =	sne.s32 s3, $0x0;
	_ =	strace $0x9000004D  }
0x3e: {  	s0 =	sadd.s32 @!p0 $0x100000, s0;
	[bflag:$0x2] =	sbarrier.arrive $0xFFFF  }
0x3f: {  	[sflag:s0] =	ssyncadd.tile.s32 @!p0 $0x1;
	_ =	shalt  }
.Lfunc_end2:
_tile_overlayer_lowered:
.L_overlay_start_2:
0x40: {  	(tag) =	ssettag $0x2  }
0x41: {  	s0 =	rddreg [dreg:$0x0];
	s2 =	stileid.u32  }
0x42: {  	s1 =	rddreg [dreg:$0x1];
	p0 =	sne.s32 s2, $0x0  }
0x43: {  	s3 =	rddreg [dreg:$0x2];
	[bflag:$0x3] =	sbarrier.arrive $0xFFFF;
	s2 =	simm.s32 @!p0 $0x1C02  }
0x44: {  	[timem:s3], [sflag:s2] =	dma.local @!p0 [hbm:s0], s1  }
0x45: {  	s0 =	simm.s32 @!p0 $0x2  }
0x46: {  	_ =	swait.ge @!p0 [sflag:s0], s1  }
0x47: {  	s1 =	ssub.s32 @!p0 $0x0, s1;
	[sflag:s0] =	ssyncset.done @!p0 $0x0  }
0x48: {  	[sflag:s0] =	ssyncadd.s32 @!p0 s1  }
0x49: {  	[bflag:$0x3] =	sbarrier.arrive $0xFFFF  }
0x4a: {  	_ =	shalt  }

// kernel: kernel.22.cloned.1.call-start
scs
__scs_entry_jumppad:
0x0: {  	(pc) =	sbr.rel $0x88, $3  }
0x1: {  	(tag) =	ssettag $0x0;
	lr =	simm.s32 $0x1  }
0x2: {  	[smem:$0x3F8C] =	sst lr;
	_ =	strace $0xD0000000  }
0x3: {  	_ = 	snop  }
0x4: {  	_ = 	snop  }
0x5: {  	_ = 	snop  }
0x6: {  	_ = 	snop  }
0x7: {  	_ = 	snop  }
__scs_overlays_trampoline_lowered:
0x8: {  	[smem:$0x3F9B] =	sst s0  }
0x9: {  	[smem:$0x3F9C] =	sst s1  }
0xa: {  	[smem:$0x3F9D] =	sst s2  }
0xb: {  	[smem:$0x3F9E] =	sst s3  }
0xc: {  	[smem:$0x3F9F] =	sst s4  }
0xd: {  	[smem:$0x3FA0] =	sst s5  }
0xe: {  	[smem:$0x3FA1] =	sst s6  }
0xf: {  	[smem:$0x3FA2] =	sst s7  }
0x10: {  	[smem:$0x3FA3] =	sst s8  }
0x11: {  	[smem:$0x3FA4] =	sst s9;
	s0 =	simm.s32 @!p0 $0x0  }
0x12: {  	s1 =	sld [smem:$0x3F8A];
	s0 =	simm.s32 @p0 $0x1  }
0x13: {  	[smem:$0x3FA5] =	sst s0;
	s0 =	simm.s32 @!p1 $0x0  }
0x14: {  	s2 =	sld [smem:$0x3F89];
	s0 =	simm.s32 @p1 $0x1  }
0x15: {  	[smem:$0x3FA6] =	sst s0;
	s0 =	simm.s32 @!p2 $0x0  }
0x16: {  	s3 =	sld [smem:$0x3FDB];
	s0 =	simm.s32 @p2 $0x1  }
0x17: {  	s4 =	simm.s32 $0x1BF5;
	[smem:$0x3FA8] =	sst s0  }
0x18: {  	s0 =	sld [smem:$0x3F8B];
	_ =	swait.ge [sflag:s4], $0x0  }
0x19: {  	s7 =	sld [smem:$0x3F8C]  }
0x1a: {  	s8 =	sadd.s32 $0xFFFFE003, lr  }
0x1b: {  	s9 =	sadd.s32 $0xFFFFFEF7, lr;
	s5 =	simm.s32 $0xFFFFFFFF;
	p2 =	slt.u32 s8, $0xFFFFF086  }
0x1c: {  	p1 =	slt.u32 s9, $0xF7A;
	s5 =	simm.s32 @!p2 $0x0  }
0x1d: {  	s5 =	simm.s32 @p1 $0x1;
	p0 =	seq.s32 s7, s2  }
0x1e: {  	s7 =	smul.u32 @!p0 $0xF7A, s2;
	p2 =	seq.s32 @!p0 s5, $0x0  }
0x1f: {  	s9 =	smul.u32 $0xF7A, s1;
	s8 =	simm.s32 @!p0 $0x1BF5;
	p2 =	por !p2, p0  }
0x20: {  	[sflag:s8] =	ssyncset.s32 @!p0 $0xFFFFF086;
	s6 =	sadd.s32 @!p0 s3, s7;
	s7 =	simm.s32 @!p0 $0x108  }
0x21: {  	s3 =	sadd.s32 s3, s9;
	s6 =	sadd.s32 @!p0 $0x88, s6;
	s7 =	simm.s32 @p2 $0x1082  }
0x22: {  	[simem:s7], [sflag:s8] =	dma.local @!p0 [hbm:s6], $0xF7A  }
0x23: {  	s9 =	sor.u32 $0xD0000000, s2;
	s6 =	simm.s32 $0x108;
	_ =	swait.ge @!p0 [sflag:s8], $0x0  }
0x24: {  	s3 =	sadd.s32 $0x88, s3;
	s6 =	simm.s32 @!p1 $0x1082;
	[sflag:s4] =	ssyncset.s32 $0xFFFFF086  }
0x25: {  	[simem:s6], [sflag:s4] =	dma.local [hbm:s3], $0xF7A  }
0x26: {  	[smem:$0x3F8C] =	sst s1;
	(tag) =	ssettag s2;
	_ =	strace s9  }
0x27: {  	s1 =	sld [smem:$0x3F9C]  }
0x28: {  	s2 =	sld [smem:$0x3F9D]  }
0x29: {  	s4 =	sld [smem:$0x3F9F]  }
0x2a: {  	p0 =	seq.s32 s5, $0x0;
	s5 =	sld [smem:$0x3FA0]  }
0x2b: {  	s6 =	sld [smem:$0x3FA1]  }
0x2c: {  	s7 =	sld [smem:$0x3FA2]  }
0x2d: {  	s3 =	simm.s32 $0x108;
	s8 =	sld [smem:$0x3FA3]  }
0x2e: {  	s3 =	simm.s32 @!p0 $0x1082;
	s9 =	sld [smem:$0x3FA4]  }
0x2f: {  	lr =	sadd.s32 s0, s3;
	s0 =	sld [smem:$0x3F9B]  }
0x30: {  	s3 =	sld [smem:$0x3F9E]  }
0x31: {  	[smem:$0x3FA7] =	sst s10  }
0x32: {  	s10 =	sld [smem:$0x3FA5];
	_ =	sdelay $0x3  }
0x33: {  	p0 =	seq.s32 s10, $0x1;
	s10 =	sld [smem:$0x3FA7];
	_ =	sdelay $0x3  }
0x34: {  	[smem:$0x3FA7] =	sst s10  }
0x35: {  	s10 =	sld [smem:$0x3FA6];
	_ =	sdelay $0x3  }
0x36: {  	p1 =	seq.s32 s10, $0x1;
	s10 =	sld [smem:$0x3FA7];
	_ =	sdelay $0x3  }
0x37: {  	[smem:$0x3FA7] =	sst s10  }
0x38: {  	s10 =	sld [smem:$0x3FA8]  }
0x39: {  	_ = 	snop;
	(pc) =	sbr.ind lr, $3  }
0x3a: {  	_ = 	snop  }
0x3b: {  	_ = 	snop  }
0x3c: {  	p2 =	seq.s32 s10, $0x1;
	s10 =	sld [smem:$0x3FA7]  }
0x3d: {  	_ =	shalt  }
0x3e: {  	_ =	shalt  }
0x3f: {  	_ =	shalt  }
0x40: {  	_ =	shalt  }
0x41: {  	_ =	shalt  }
0x42: {  	_ =	shalt  }
0x43: {  	_ =	shalt  }
0x44: {  	_ =	shalt  }
0x45: {  	_ =	shalt  }
0x46: {  	_ =	shalt  }
0x47: {  	_ =	shalt  }
0x48: {  	_ =	shalt  }
0x49: {  	_ =	shalt  }
0x4a: {  	_ =	shalt  }
0x4b: {  	_ =	shalt  }
0x4c: {  	_ =	shalt  }
0x4d: {  	_ =	shalt  }
0x4e: {  	_ =	shalt  }
0x4f: {  	_ =	shalt  }
0x50: {  	_ =	shalt  }
0x51: {  	_ =	shalt  }
0x52: {  	_ =	shalt  }
0x53: {  	_ =	shalt  }
0x54: {  	_ =	shalt  }
0x55: {  	_ =	shalt  }
0x56: {  	_ =	shalt  }
0x57: {  	_ =	shalt  }
0x58: {  	_ =	shalt  }
0x59: {  	_ =	shalt  }
0x5a: {  	_ =	shalt  }
0x5b: {  	_ =	shalt  }
0x5c: {  	_ =	shalt  }
0x5d: {  	_ =	shalt  }
0x5e: {  	_ =	shalt  }
0x5f: {  	_ =	shalt  }
0x60: {  	_ =	shalt  }
0x61: {  	_ =	shalt  }
0x62: {  	_ =	shalt  }
0x63: {  	_ =	shalt  }
0x64: {  	_ =	shalt  }
0x65: {  	_ =	shalt  }
0x66: {  	_ =	shalt  }
0x67: {  	_ =	shalt  }
0x68: {  	_ =	shalt  }
0x69: {  	_ =	shalt  }
0x6a: {  	_ =	shalt  }
0x6b: {  	_ =	shalt  }
0x6c: {  	_ =	shalt  }
0x6d: {  	_ =	shalt  }
0x6e: {  	_ =	shalt  }
0x6f: {  	_ =	shalt  }
0x70: {  	_ =	shalt  }
0x71: {  	_ =	shalt  }
0x72: {  	_ =	shalt  }
0x73: {  	_ =	shalt  }
0x74: {  	_ =	shalt  }
0x75: {  	_ =	shalt  }
0x76: {  	_ =	shalt  }
0x77: {  	_ =	shalt  }
0x78: {  	_ =	shalt  }
0x79: {  	_ =	shalt  }
0x7a: {  	_ =	shalt  }
0x7b: {  	_ =	shalt  }
0x7c: {  	_ =	shalt  }
0x7d: {  	_ =	shalt  }
0x7e: {  	_ =	shalt  }
0x7f: {  	_ =	shalt  }
0x80: {  	_ =	shalt  }
0x81: {  	_ =	shalt  }
0x82: {  	_ =	shalt  }
0x83: {  	_ =	shalt  }
0x84: {  	_ =	shalt  }
0x85: {  	_ =	shalt  }
0x86: {  	_ =	shalt  }
0x87: {  	_ =	shalt  }
.Lfunc_end0:
.L_simem_size_0:
called_computation.3_lowered:
.L_overlay_start_0:
0x88: {  	s2 =	sld [smem:$0x3FD9]  }
0x89: {  	s3 =	sld [smem:$0x3FFE];
	_ =	sdelay $0x1  }
0x8a: {  	s1 =	srdreg.scid  }
0x8b: {  	s0 =	sand.u32 $0x1, s1  }
0x8c: {  	s15 =	sshll.u32 s0, $0xA;
	s2 =	sadd.s32 s3, s2  }
0x8d: {  	s2 =	sadd.s32 s2, s15  }
0x8e: {  	[smem:$0x3FB3] =	sst s2  }
0x8f: {  	_ = 	snop  }
0x90: {  	s2 =	sld [smem:$0x3FD0];
	_ =	sdelay $0x2  }
0x91: {  	s16 =	simm.s32 $0xB;
	s4 =	simm.s32 $0x10  }
0x92: {  	[smem:s4], [sflag:s16] =	dma.local [hbm:s2], $0x1  }
0x93: {  	_ =	swait.eq [sflag:s16], $0x1  }
0x94: {  	[sflag:s16] =	ssyncset.done $0x0  }
0x95: {  	[sflag:s16] =	ssyncadd.s32 $0xFFFFFFFF  }
0x96: {  	s17 =	sld [smem:$0x10];
	(tm) =	ssettm $0x1  }
0x97: {  	s18 =	sld [smem:$0x3FFB];
	_ =	sdelay $0x3  }
0x98: {  	_ =	strace s18  }
0x99: {  	s2 =	sld [smem:$0x3FFC];
	_ =	sdelay $0x3  }
0x9a: {  	_ =	strace s2  }
0x9b: {  	s2 =	sld [smem:$0x3FFD];
	_ =	sdelay $0x3  }
0x9c: {  	_ =	strace s2  }
0x9d: {  	_ =	strace $0x8FFFFFFF  }
0x9e: {  	s19 =	sld [smem:$0x3FDB];
	_ =	sdelay $0x1  }
0x9f: {  	s20 =	simm.s32 $_scs_section_size  }
0xa0: {  	s5 =	simm.s32 $_size__tile_overlayer_lowered;
	s6 =	simm.s32 $_tile_overlayer_lowered  }
0xa1: {  	s7 =	simm.s32 $0x1BFF;
	s21 =	sshll.u32 s6, $0x1;
	s4 =	sadd.s32 s20, s19  }
0xa2: {  	s22 =	simm.s32 $0x0;
	s5 =	sshll.u32 s5, $0x1;
	s6 =	sadd.s32 s21, s4  }
0xa3: {  	[timem:s22], [sflag:s7] =	dma.local [hbm:s6], s5  }
0xa4: {  	_ =	swait.ge [sflag:s7], s5  }
0xa5: {  	s5 =	ssub.s32 $0x0, s5;
	[sflag:s7] =	ssyncset.done $0x0  }
0xa6: {  	[sflag:s7] =	ssyncadd.s32 s5;
	_ =	sdelay $0x1  }
0xa7: {  	s23 =	simm.s32 $0x1B8B  }
0xa8: {  	_ =	swait.ge [sflag:s23], $0x1  }
0xa9: {  	[sflag:s23] =	ssyncset.done $0x0  }
0xaa: {  	[sflag:s23] =	ssyncadd.s32 $0xFFFFFFFF  }
0xab: {  	s5 =	sld [smem:$0x0]  }
0xac: {  	s6 =	sand.u32 $0xFFFFFFFE, s1  }
0xad: {  	p0 =	sne.s32 s1, s6  }
0xae: {  	s6 =	sshll.u32 @p0 s6, $0xE  }
0xaf: {  	s6 =	sadd.s32 @p0 $0x11B8D, s6;
	s7 =	sshll.u32 @p0 s5, $0x11  }
0xb0: {  	s6 =	sor.u32 @p0 s7, s6  }
0xb1: {  	[sflag:s6] =	ssyncadd.remote.s32 @p0 $0x1;
	_ =	sdelay $0x1  }
0xb2: {  	s6 =	simm.s32 @p0 $0x1B8D  }
0xb3: {  	_ =	swait.eq @p0 [sflag:s6], $0x1  }
0xb4: {  	[sflag:s6] =	ssyncadd.s32 @p0 $0xFFFFFFFF  }
0xb5: {  	s7 =	sshll.u32 @!p0 s1, $0xE  }
0xb6: {  	s7 =	sor.u32 @!p0 $0x4000, s7;
	s6 =	simm.s32 @!p0 $0x1B8D  }
0xb7: {  	s5 =	sshll.u32 @!p0 s5, $0x11;
	s7 =	sadd.s32 @!p0 $0x11B8D, s7;
	_ =	swait.eq @!p0 [sflag:s6], $0x1  }
0xb8: {  	s5 =	sor.u32 @!p0 s5, s7;
	[sflag:s6] =	ssyncadd.s32 @!p0 $0xFFFFFFFF  }
0xb9: {  	s25 =	simm.s32 $0x1B8E;
	s24 =	sld [smem:$0x3FFE];
	[sflag:s5] =	ssyncadd.remote.s32 @!p0 $0x1  }
0xba: {  	s26 =	simm.s32 $execute0_lowered;
	[smem:$0x3FD2] =	sst s25  }
0xbb: {  	s6 =	sshll.u32 s26, $0x1;
	_ =	strace $0x80000052;
	[dreg:$0x1] =	wrdreg $0xFFFFFFFF  }
0xbc: {  	s28 =	simm.s32 $_size_execute0_lowered;
	s4 =	sadd.s32 s4, s6;
	[dreg:$0x0] =	wrdreg $0x0  }
0xbd: {  	s6 =	sshll.u32 s28, $0x1;
	[dreg:$0x2] =	wrdreg s4  }
0xbe: {  	[dreg:$0x3] =	wrdreg s6  }
0xbf: {  	[dreg:$0x4] =	wrdreg $0xC0  }
0xc0: {  	_ =	task [dreg:s22], $0x5FFFF  }
0xc1: {  	[dreg:$0x1] =	wrdreg $0xFFFFFFFF  }
0xc2: {  	[dreg:$0x0] =	wrdreg $0x60  }
0xc3: {  	[dreg:$0x2] =	wrdreg s17  }
0xc4: {  	[dreg:$0x3] =	wrdreg s24  }
0xc5: {  	[dreg:$0x4] =	wrdreg $0xA8000  }
0xc6: {  	[dreg:$0x5] =	wrdreg $0x9  }
0xc7: {  	_ =	task.clear_ibuf [dreg:s22], $0x6FFFF;
	_ =	strace $0x90000052  }
0xc8: {  	s29 =	simm.s32 $0x9;
	_ =	strace $0x80000054  }
0xc9: {  	_ =	swait.ge [sflag:s29], $0x1  }
0xca: {  	[sflag:s29] =	ssyncadd.s32 $0xFFFFFFFF  }
0xcb: {  	_ =	strace $0x90000054  }
0xcc: {  	_ =	sfence  }
0xcd: {  	s30 =	sld [smem:$0x0];
	_ =	sdelay $0x2  }
0xce: {  	s31 =	sshll.u32 s1, $0xD;
	s1 =	sshrl.u32 s1, $0x2  }
0xcf: {  	s4 =	sand.u32 $0x4000, s31;
	s1 =	sadd.s32 s1, s30  }
0xd0: {  	s0 =	sor.u32 s4, s0;
	s1 =	sshll.u32 s1, $0x11  }
0xd1: {  	s0 =	sor.u32 s1, s0  }
0xd2: {  	s0 =	sadd.s32 $0x8F2B, s0  }
0xd3: {  	[sflag:s0] =	ssyncadd.remote.s32 $0x1  }
0xd4: {  	_ =	sfence.sel $0xFFFF  }
0xd5: {  	[dreg:$0x0] =	wrdreg $0xFFFFFFFF;
	(pc) =	sbr.abs _section_cstart, $3  }
0xd6: {  	[dreg:$0x1] =	wrdreg $0xFFFFFFFF  }
0xd7: {  	_ =	task.clear_ibuf [dreg:s22], $0x2FFFF;
	_ =	strace $0x9FFFFFFF  }
0xd8: {  	(tm) =	ssettm $0x7FFFFFFF  }
0xd9: {  	_ =	shalt  }
tec
execute0_lowered:
.L_overlay_start_1:
0x0: {  	(tag) =	ssettag $0x1  }
0x1: {  	s1 =	rddreg [dreg:$0x0]  }
0x2: {  	s6 =	rddreg [dreg:$0x1]  }
0x3: {  	s2 =	rddreg [dreg:$0x2]  }
0x4: {  	s0 =	rddreg [dreg:$0x3];
	s4 =	simm.s32 $0x0;
	s3 =	srdreg.scid  }
0x5: {  	s14 =	simm.s32 $0x50;
	s15 =	simm.s32 $0x8000;
	s16 =	simm.s32 $0x1  }
0x6: {  	s17 =	simm.s32 $0x0;
	[smem:$0x7FF] =	sst s4;
	s5 =	sand.u32 $0x1, s3  }
0x7: {  	s3 =	stileid.u32;
	s7 =	smul.u32 $0x140000, s5;
	s8 =	sshll.u32 s5, $0xF  }
0x8: {  	s9 =	sshll.u32 s3, $0xB;
	s10 =	smul.u32 $0x14000, s3;
	_ =	strace $0x80000053  }
0x9: {  	s28 =	ssub.s32 $0x2, s5;
	s11 =	smul.u32 $0x50000, s3;
	s5 =	sadd.s32 $0x14A00, s6  }
0xa: {  	s31 =	sshll.u32 s3, $0x6;
	s8 =	sor.u32 s9, s8;
	s29 =	sshrl.u32 s28, $0x1  }
0xb: {  	s8 =	sadd.s32 s8, s6;
	s7 =	sadd.s32 s10, s7;
	s9 =	ssub.s32 s28, s29  }
0xc: {  	s30 =	sshrl.u32 s11, $0x2;
	s10 =	simm.s32 $0x2;
	s11 =	simm.s32 $0x4000  }
0xd: {  	s7 =	sshrl.u32 s7, $0x3;
	s13 =	sadd.s32 s30, s2;
	s9 =	smax.u32 s9, $0x1  }
0xe: {  	s12 =	sadd.s32 s7, s6;
	s6 =	sadd.s32 $0x67200, s8;
	s7 =	sadd.s32 $0x4A00, s8  }
0xf: {  	s13 =	sshrl.u32 s13, $0x3;
	s8 =	sadd.s32 $0x5C9200, s12;
	s12 =	sor.u32 $0x1C02, s31  }
.LBB2_1:
0x10: {  	[tilespmem:s4], [sflag:$0x2] =	stream.linear.gather [hbm4b:s6+s4], $0x3E80, $0x38;
	[tilespmem:$0x1E800] =	vst v63  }
0x11: {  	_ =	swait.ge [sflag:s10], $0x3E80  }
0x12: {  	[sflag:s10] =	ssyncset.done $0x0  }
0x13: {  	[sflag:s10] =	ssyncadd.s32 $0xFFFFC180  }
0x14: {  	[tilespmem:s11], [sflag:$0x2] =	stream.linear.gather [hbm4b:s7+s4], $0x3E80, $0x38;
	[tilespmem:$0x1E800] =	vst v63  }
0x15: {  	_ =	swait.ge [sflag:s10], $0x3E80  }
0x16: {  	[sflag:s10] =	ssyncset.done $0x0  }
0x17: {  	[sflag:s10] =	ssyncadd.s32 $0xFFFFC180  }
0x18: {  	[spmem:s13], [sflag:s12] =	dma.local [hbm:s5], $0x2800  }
0x19: {  	_ =	swait.ge [sflag:s10], $0x2800  }
0x1a: {  	[sflag:s10] =	ssyncset.done $0x0  }
0x1b: {  	[sflag:s10] =	ssyncadd.s32 $0xFFFFD800  }
0x1c: {  	s18 =	simm.s32 $0x0;
	[bflag:$0x0] =	sbarrier.arrive $0xFFFF  }
0x1d: {  	[tilespmem:s15], [sflag:$0x1] =	stream.indirect.gather [hbm4b:s1+s14], $0x80, s18, s14, $0xb8;
	[tilespmem:$0x1E800] =	vst v63  }
0x1e: {  	_ =	swait.ge [sflag:s16], $0x2800  }
0x1f: {  	[sflag:s16] =	ssyncset.done $0x0  }
0x20: {  	s31 =	simm.s32 $0x4000;
	[sflag:s16] =	ssyncadd.s32 $0xFFFFD800  }
0x21: {  	[spmem:s2] =	stream.indirect.scatter.add.f32 [tilespmem:s15], [sflag:$0x2], $0x80, s31, s14, $0xb8;
	[tilespmem:$0x1E800] =	vst v63  }
0x22: {  	_ =	swait.ge [sflag:s10], $0x2800  }
0x23: {  	s19 =	simm.s32 $0x400;
	s18 =	simm.s32 $0x200;
	[sflag:s10] =	ssyncset.done $0x0  }
.LBB2_2:
0x24: {  	s20 =	sshra.s32 s18, $0x2  }
0x25: {  	[sflag:s10] =	ssyncadd.s32 $0xFFFFD800;
	s18 =	smov.u32 s19;
	s21 =	sadd.s32 $0x200, s19  }
0x26: {  	[tilespmem:s15], [sflag:$0x1] =	stream.indirect.gather [hbm4b:s1+s14], $0x80, s20, s14, $0xb8;
	[tilespmem:$0x1E800] =	vst v63  }
0x27: {  	p0 =	sne.s32 s19, $0xF800;
	_ =	swait.ge [sflag:s16], $0x2800  }
.Ltmp0:
0x28: {  	[sflag:s16] =	ssyncset.done $0x0;
	(pc) =	sbr.rel @p0 .LBB2_2-.Ltmp0, $4  }
0x29: {  	s19 =	sadd.s32 $0x4000, s20;
	[sflag:s16] =	ssyncadd.s32 $0xFFFFD800  }
0x2a: {  	[spmem:s2] =	stream.indirect.scatter.add.f32 [tilespmem:s15], [sflag:$0x2], $0x80, s19, s14, $0xb8;
	[tilespmem:$0x1E800] =	vst v63  }
0x2b: {  	_ =	swait.ge [sflag:s10], $0x2800  }
0x2c: {  	s19 =	smov.u32 s21;
	[sflag:s10] =	ssyncset.done $0x0  }
0x2d: {  	s18 =	sshra.s32 s18, $0x2;
	[sflag:s10] =	ssyncadd.s32 $0xFFFFD800  }
0x2e: {  	[tilespmem:s15], [sflag:$0x1] =	stream.indirect.gather [hbm4b:s1+s14], $0x80, s18, s14, $0xb8;
	[tilespmem:$0x1E800] =	vst v63  }
0x2f: {  	_ =	swait.ge [sflag:s16], $0x2800  }
0x30: {  	[sflag:s16] =	ssyncset.done $0x0  }
0x31: {  	s18 =	sadd.s32 $0x4000, s18;
	[sflag:s16] =	ssyncadd.s32 $0xFFFFD800  }
0x32: {  	[spmem:s2] =	stream.indirect.scatter.add.f32 [tilespmem:s15], [sflag:$0x2], $0x80, s18, s14, $0xb8;
	[tilespmem:$0x1E800] =	vst v63  }
0x33: {  	_ =	swait.ge [sflag:s10], $0x2800  }
0x34: {  	s17 =	sadd.s32 $0x1, s17;
	[sflag:s10] =	ssyncset.done $0x0  }
0x35: {  	p0 =	sne.s32 s17, s9;
	[sflag:s10] =	ssyncadd.s32 $0xFFFFD800  }
.Ltmp1:
0x36: {  	[bflag:$0x0] =	sbarrier.arrive $0xFFFF;
	(pc) =	sbr.rel @p0 .LBB2_1-.Ltmp1, $4  }
0x37: {  	[hbm:s8], [sflag:s12] =	dma.local [spmem:s13], $0x2800  }
0x38: {  	_ =	swait.ge [sflag:s10], $0x2800  }
0x39: {  	[sflag:s10] =	ssyncset.done $0x0  }
0x3a: {  	[sflag:s10] =	ssyncadd.s32 $0xFFFFD800  }
0x3b: {  	_ =	sfence.sel $0x180000  }
0x3c: {  	[bflag:$0x0] =	sbarrier.arrive $0xFFFF  }
0x3d: {  	p0 =	sne.s32 s3, $0x0;
	_ =	strace $0x90000053  }
0x3e: {  	s0 =	sadd.s32 @!p0 $0x100000, s0;
	[bflag:$0x2] =	sbarrier.arrive $0xFFFF  }
0x3f: {  	[sflag:s0] =	ssyncadd.tile.s32 @!p0 $0x1;
	_ =	shalt  }
.Lfunc_end2:
_tile_overlayer_lowered:
.L_overlay_start_2:
0x40: {  	(tag) =	ssettag $0x2  }
0x41: {  	s0 =	rddreg [dreg:$0x0];
	s2 =	stileid.u32  }
0x42: {  	s1 =	rddreg [dreg:$0x1];
	p0 =	sne.s32 s2, $0x0  }
0x43: {  	s3 =	rddreg [dreg:$0x2];
	[bflag:$0x3] =	sbarrier.arrive $0xFFFF;
	s2 =	simm.s32 @!p0 $0x1C02  }
0x44: {  	[timem:s3], [sflag:s2] =	dma.local @!p0 [hbm:s0], s1  }
0x45: {  	s0 =	simm.s32 @!p0 $0x2  }
0x46: {  	_ =	swait.ge @!p0 [sflag:s0], s1  }
0x47: {  	s1 =	ssub.s32 @!p0 $0x0, s1;
	[sflag:s0] =	ssyncset.done @!p0 $0x0  }
0x48: {  	[sflag:s0] =	ssyncadd.s32 @!p0 s1  }
0x49: {  	[bflag:$0x3] =	sbarrier.arrive $0xFFFF  }
0x4a: {  	_ =	shalt  }

// kernel: kernel.25.cloned.1.call-start
scs
__scs_entry_jumppad:
0x0: {  	(pc) =	sbr.rel $0x88, $3  }
0x1: {  	(tag) =	ssettag $0x0;
	lr =	simm.s32 $0x1  }
0x2: {  	[smem:$0x3F8C] =	sst lr;
	_ =	strace $0xD0000000  }
0x3: {  	_ = 	snop  }
0x4: {  	_ = 	snop  }
0x5: {  	_ = 	snop  }
0x6: {  	_ = 	snop  }
0x7: {  	_ = 	snop  }
__scs_overlays_trampoline_lowered:
0x8: {  	[smem:$0x3F9B] =	sst s0  }
0x9: {  	[smem:$0x3F9C] =	sst s1  }
0xa: {  	[smem:$0x3F9D] =	sst s2  }
0xb: {  	[smem:$0x3F9E] =	sst s3  }
0xc: {  	[smem:$0x3F9F] =	sst s4  }
0xd: {  	[smem:$0x3FA0] =	sst s5  }
0xe: {  	[smem:$0x3FA1] =	sst s6  }
0xf: {  	[smem:$0x3FA2] =	sst s7  }
0x10: {  	[smem:$0x3FA3] =	sst s8  }
0x11: {  	[smem:$0x3FA4] =	sst s9;
	s0 =	simm.s32 @!p0 $0x0  }
0x12: {  	s1 =	sld [smem:$0x3F8A];
	s0 =	simm.s32 @p0 $0x1  }
0x13: {  	[smem:$0x3FA5] =	sst s0;
	s0 =	simm.s32 @!p1 $0x0  }
0x14: {  	s2 =	sld [smem:$0x3F89];
	s0 =	simm.s32 @p1 $0x1  }
0x15: {  	[smem:$0x3FA6] =	sst s0;
	s0 =	simm.s32 @!p2 $0x0  }
0x16: {  	s3 =	sld [smem:$0x3FDB];
	s0 =	simm.s32 @p2 $0x1  }
0x17: {  	s4 =	simm.s32 $0x1BF5;
	[smem:$0x3FA8] =	sst s0  }
0x18: {  	s0 =	sld [smem:$0x3F8B];
	_ =	swait.ge [sflag:s4], $0x0  }
0x19: {  	s7 =	sld [smem:$0x3F8C]  }
0x1a: {  	s8 =	sadd.s32 $0xFFFFE003, lr  }
0x1b: {  	s9 =	sadd.s32 $0xFFFFFEF7, lr;
	s5 =	simm.s32 $0xFFFFFFFF;
	p2 =	slt.u32 s8, $0xFFFFF086  }
0x1c: {  	p1 =	slt.u32 s9, $0xF7A;
	s5 =	simm.s32 @!p2 $0x0  }
0x1d: {  	s5 =	simm.s32 @p1 $0x1;
	p0 =	seq.s32 s7, s2  }
0x1e: {  	s7 =	smul.u32 @!p0 $0xF7A, s2;
	p2 =	seq.s32 @!p0 s5, $0x0  }
0x1f: {  	s9 =	smul.u32 $0xF7A, s1;
	s8 =	simm.s32 @!p0 $0x1BF5;
	p2 =	por !p2, p0  }
0x20: {  	[sflag:s8] =	ssyncset.s32 @!p0 $0xFFFFF086;
	s6 =	sadd.s32 @!p0 s3, s7;
	s7 =	simm.s32 @!p0 $0x108  }
0x21: {  	s3 =	sadd.s32 s3, s9;
	s6 =	sadd.s32 @!p0 $0x88, s6;
	s7 =	simm.s32 @p2 $0x1082  }
0x22: {  	[simem:s7], [sflag:s8] =	dma.local @!p0 [hbm:s6], $0xF7A  }
0x23: {  	s9 =	sor.u32 $0xD0000000, s2;
	s6 =	simm.s32 $0x108;
	_ =	swait.ge @!p0 [sflag:s8], $0x0  }
0x24: {  	s3 =	sadd.s32 $0x88, s3;
	s6 =	simm.s32 @!p1 $0x1082;
	[sflag:s4] =	ssyncset.s32 $0xFFFFF086  }
0x25: {  	[simem:s6], [sflag:s4] =	dma.local [hbm:s3], $0xF7A  }
0x26: {  	[smem:$0x3F8C] =	sst s1;
	(tag) =	ssettag s2;
	_ =	strace s9  }
0x27: {  	s1 =	sld [smem:$0x3F9C]  }
0x28: {  	s2 =	sld [smem:$0x3F9D]  }
0x29: {  	s4 =	sld [smem:$0x3F9F]  }
0x2a: {  	p0 =	seq.s32 s5, $0x0;
	s5 =	sld [smem:$0x3FA0]  }
0x2b: {  	s6 =	sld [smem:$0x3FA1]  }
0x2c: {  	s7 =	sld [smem:$0x3FA2]  }
0x2d: {  	s3 =	simm.s32 $0x108;
	s8 =	sld [smem:$0x3FA3]  }
0x2e: {  	s3 =	simm.s32 @!p0 $0x1082;
	s9 =	sld [smem:$0x3FA4]  }
0x2f: {  	lr =	sadd.s32 s0, s3;
	s0 =	sld [smem:$0x3F9B]  }
0x30: {  	s3 =	sld [smem:$0x3F9E]  }
0x31: {  	[smem:$0x3FA7] =	sst s10  }
0x32: {  	s10 =	sld [smem:$0x3FA5];
	_ =	sdelay $0x3  }
0x33: {  	p0 =	seq.s32 s10, $0x1;
	s10 =	sld [smem:$0x3FA7];
	_ =	sdelay $0x3  }
0x34: {  	[smem:$0x3FA7] =	sst s10  }
0x35: {  	s10 =	sld [smem:$0x3FA6];
	_ =	sdelay $0x3  }
0x36: {  	p1 =	seq.s32 s10, $0x1;
	s10 =	sld [smem:$0x3FA7];
	_ =	sdelay $0x3  }
0x37: {  	[smem:$0x3FA7] =	sst s10  }
0x38: {  	s10 =	sld [smem:$0x3FA8]  }
0x39: {  	_ = 	snop;
	(pc) =	sbr.ind lr, $3  }
0x3a: {  	_ = 	snop  }
0x3b: {  	_ = 	snop  }
0x3c: {  	p2 =	seq.s32 s10, $0x1;
	s10 =	sld [smem:$0x3FA7]  }
0x3d: {  	_ =	shalt  }
0x3e: {  	_ =	shalt  }
0x3f: {  	_ =	shalt  }
0x40: {  	_ =	shalt  }
0x41: {  	_ =	shalt  }
0x42: {  	_ =	shalt  }
0x43: {  	_ =	shalt  }
0x44: {  	_ =	shalt  }
0x45: {  	_ =	shalt  }
0x46: {  	_ =	shalt  }
0x47: {  	_ =	shalt  }
0x48: {  	_ =	shalt  }
0x49: {  	_ =	shalt  }
0x4a: {  	_ =	shalt  }
0x4b: {  	_ =	shalt  }
0x4c: {  	_ =	shalt  }
0x4d: {  	_ =	shalt  }
0x4e: {  	_ =	shalt  }
0x4f: {  	_ =	shalt  }
0x50: {  	_ =	shalt  }
0x51: {  	_ =	shalt  }
0x52: {  	_ =	shalt  }
0x53: {  	_ =	shalt  }
0x54: {  	_ =	shalt  }
0x55: {  	_ =	shalt  }
0x56: {  	_ =	shalt  }
0x57: {  	_ =	shalt  }
0x58: {  	_ =	shalt  }
0x59: {  	_ =	shalt  }
0x5a: {  	_ =	shalt  }
0x5b: {  	_ =	shalt  }
0x5c: {  	_ =	shalt  }
0x5d: {  	_ =	shalt  }
0x5e: {  	_ =	shalt  }
0x5f: {  	_ =	shalt  }
0x60: {  	_ =	shalt  }
0x61: {  	_ =	shalt  }
0x62: {  	_ =	shalt  }
0x63: {  	_ =	shalt  }
0x64: {  	_ =	shalt  }
0x65: {  	_ =	shalt  }
0x66: {  	_ =	shalt  }
0x67: {  	_ =	shalt  }
0x68: {  	_ =	shalt  }
0x69: {  	_ =	shalt  }
0x6a: {  	_ =	shalt  }
0x6b: {  	_ =	shalt  }
0x6c: {  	_ =	shalt  }
0x6d: {  	_ =	shalt  }
0x6e: {  	_ =	shalt  }
0x6f: {  	_ =	shalt  }
0x70: {  	_ =	shalt  }
0x71: {  	_ =	shalt  }
0x72: {  	_ =	shalt  }
0x73: {  	_ =	shalt  }
0x74: {  	_ =	shalt  }
0x75: {  	_ =	shalt  }
0x76: {  	_ =	shalt  }
0x77: {  	_ =	shalt  }
0x78: {  	_ =	shalt  }
0x79: {  	_ =	shalt  }
0x7a: {  	_ =	shalt  }
0x7b: {  	_ =	shalt  }
0x7c: {  	_ =	shalt  }
0x7d: {  	_ =	shalt  }
0x7e: {  	_ =	shalt  }
0x7f: {  	_ =	shalt  }
0x80: {  	_ =	shalt  }
0x81: {  	_ =	shalt  }
0x82: {  	_ =	shalt  }
0x83: {  	_ =	shalt  }
0x84: {  	_ =	shalt  }
0x85: {  	_ =	shalt  }
0x86: {  	_ =	shalt  }
0x87: {  	_ =	shalt  }
.Lfunc_end0:
.L_simem_size_0:
called_computation.4_lowered:
.L_overlay_start_0:
0x88: {  	s2 =	sld [smem:$0x3FD9]  }
0x89: {  	s3 =	sld [smem:$0x3FFE];
	_ =	sdelay $0x1  }
0x8a: {  	s1 =	srdreg.scid  }
0x8b: {  	s0 =	sand.u32 $0x1, s1  }
0x8c: {  	s16 =	sshll.u32 s0, $0xA;
	s2 =	sadd.s32 s3, s2  }
0x8d: {  	s2 =	sadd.s32 s2, s16  }
0x8e: {  	[smem:$0x3FB3] =	sst s2  }
0x8f: {  	_ = 	snop  }
0x90: {  	(tm) =	ssettm $0x1  }
0x91: {  	s17 =	sld [smem:$0x3FFB];
	_ =	sdelay $0x3  }
0x92: {  	_ =	strace s17  }
0x93: {  	s2 =	sld [smem:$0x3FFC];
	_ =	sdelay $0x3  }
0x94: {  	_ =	strace s2  }
0x95: {  	s2 =	sld [smem:$0x3FFD];
	_ =	sdelay $0x3  }
0x96: {  	_ =	strace s2  }
0x97: {  	_ =	strace $0x8FFFFFFF  }
0x98: {  	s18 =	sld [smem:$0x3FDB];
	_ =	sdelay $0x1  }
0x99: {  	s19 =	simm.s32 $_scs_section_size  }
0x9a: {  	s4 =	simm.s32 $_size__tile_overlayer_lowered;
	s5 =	simm.s32 $_tile_overlayer_lowered  }
0x9b: {  	s22 =	simm.s32 $0x1BFF;
	s21 =	sshll.u32 s5, $0x1;
	s2 =	sadd.s32 s19, s18  }
0x9c: {  	s6 =	simm.s32 $0x0;
	s20 =	sshll.u32 s4, $0x1;
	s4 =	sadd.s32 s21, s2  }
0x9d: {  	[timem:s6], [sflag:s22] =	dma.local [hbm:s4], s20  }
0x9e: {  	_ =	swait.ge [sflag:s22], s20  }
0x9f: {  	s3 =	ssub.s32 $0x0, s20;
	[sflag:s22] =	ssyncset.done $0x0  }
0xa0: {  	[sflag:s22] =	ssyncadd.s32 s3;
	_ =	sdelay $0x1  }
0xa1: {  	s23 =	simm.s32 $0x1B8B  }
0xa2: {  	_ =	swait.ge [sflag:s23], $0x1  }
0xa3: {  	[sflag:s23] =	ssyncset.done $0x0  }
0xa4: {  	s25 =	simm.s32 $0x1B8E;
	s24 =	sld [smem:$0x3FFE];
	[sflag:s23] =	ssyncadd.s32 $0xFFFFFFFF  }
0xa5: {  	s26 =	simm.s32 $execute0_lowered;
	[smem:$0x3FD2] =	sst s25  }
0xa6: {  	s4 =	sshll.u32 s26, $0x1;
	_ =	strace $0x8000004F;
	[dreg:$0x1] =	wrdreg $0xFFFFFFFF  }
0xa7: {  	s28 =	simm.s32 $_size_execute0_lowered;
	s2 =	sadd.s32 s2, s4;
	[dreg:$0x0] =	wrdreg $0x0  }
0xa8: {  	s4 =	sshll.u32 s28, $0x1;
	[dreg:$0x2] =	wrdreg s2  }
0xa9: {  	[dreg:$0x3] =	wrdreg s4  }
0xaa: {  	[dreg:$0x4] =	wrdreg $0xC0  }
0xab: {  	_ =	task [dreg:s6], $0x5FFFF  }
0xac: {  	[dreg:$0x1] =	wrdreg $0xFFFFFFFF  }
0xad: {  	[dreg:$0x0] =	wrdreg $0x60  }
0xae: {  	[dreg:$0x2] =	wrdreg s24  }
0xaf: {  	[dreg:$0x3] =	wrdreg $0xA  }
0xb0: {  	_ =	task.clear_ibuf [dreg:s6], $0x4FFFF;
	_ =	strace $0x9000004F  }
0xb1: {  	s29 =	simm.s32 $0xA;
	_ =	strace $0x80000051  }
0xb2: {  	_ =	swait.ge [sflag:s29], $0x1  }
0xb3: {  	[sflag:s29] =	ssyncadd.s32 $0xFFFFFFFF  }
0xb4: {  	_ =	strace $0x90000051  }
0xb5: {  	_ =	sfence  }
0xb6: {  	s30 =	sld [smem:$0x0];
	_ =	sdelay $0x2  }
0xb7: {  	s31 =	sshll.u32 s1, $0xD;
	s1 =	sshrl.u32 s1, $0x2  }
0xb8: {  	s3 =	sand.u32 $0x4000, s31;
	s1 =	sadd.s32 s1, s30  }
0xb9: {  	s0 =	sor.u32 s3, s0;
	s1 =	sshll.u32 s1, $0x11  }
0xba: {  	s0 =	sor.u32 s1, s0  }
0xbb: {  	s0 =	sadd.s32 $0x8F2B, s0  }
0xbc: {  	[sflag:s0] =	ssyncadd.remote.s32 $0x1  }
0xbd: {  	_ =	sfence.sel $0xFFFF  }
0xbe: {  	[dreg:$0x0] =	wrdreg $0xFFFFFFFF;
	(pc) =	sbr.abs _section_cstart, $3  }
0xbf: {  	[dreg:$0x1] =	wrdreg $0xFFFFFFFF  }
0xc0: {  	_ =	task.clear_ibuf [dreg:s6], $0x2FFFF;
	_ =	strace $0x9FFFFFFF  }
0xc1: {  	(tm) =	ssettm $0x7FFFFFFF  }
tec
execute0_lowered:
.L_overlay_start_1:
0x0: {  	(tag) =	ssettag $0x1  }
0x1: {  	s4 =	rddreg [dreg:$0x0]  }
0x2: {  	s1 =	srdreg.scid;
	s0 =	rddreg [dreg:$0x1];
	s2 =	simm.s32 $0x0  }
0x3: {  	s10 =	simm.s32 $0x50;
	s11 =	simm.s32 $0x8000;
	s12 =	simm.s32 $0xA800  }
0x4: {  	s13 =	simm.s32 $0x1;
	s14 =	simm.s32 $0x2;
	s15 =	simm.s32 $0xD000  }
0x5: {  	s16 =	simm.s32 $0x0;
	s3 =	sand.u32 $0x1, s1;
	[smem:$0x7FF] =	sst s2  }
0x6: {  	s1 =	stileid.u32;
	s5 =	sshll.u32 s3, $0x4;
	_ =	strace $0x80000050  }
0x7: {  	s7 =	ssub.s32 $0x2, s3;
	s3 =	sadd.s32 $0x77200, s4;
	s5 =	sor.u32 s1, s5  }
0x8: {  	s8 =	sshrl.u32 s7, $0x1;
	s6 =	sshll.u32 s5, $0xB;
	s5 =	smul.u32 $0x27100, s5  }
0x9: {  	s7 =	ssub.s32 s7, s8;
	s8 =	simm.s32 $0x3;
	s6 =	sadd.s32 s6, s4  }
0xa: {  	s7 =	smax.u32 s7, $0x1;
	s9 =	sadd.s32 s5, s4;
	s4 =	sadd.s32 $0xD7200, s6  }
0xb: {  	s5 =	sadd.s32 $0xC7200, s6;
	s6 =	sadd.s32 $0xE7200, s9;
	s9 =	simm.s32 $0x4000  }
.LBB2_1:
0xc: {  	[tilespmem:s2], [sflag:$0x3] =	stream.linear.gather [hbm4b:s4+s2], $0x3E80, $0x38;
	[tilespmem:$0xF800] =	vst v63  }
0xd: {  	_ =	swait.ge [sflag:s8], $0x3E80  }
0xe: {  	[sflag:s8] =	ssyncset.done $0x0  }
0xf: {  	[sflag:s8] =	ssyncadd.s32 $0xFFFFC180  }
0x10: {  	[tilespmem:s9], [sflag:$0x3] =	stream.linear.gather [hbm4b:s5+s2], $0x3E80, $0x38;
	[tilespmem:$0xF800] =	vst v63  }
0x11: {  	_ =	swait.ge [sflag:s8], $0x3E80  }
0x12: {  	[sflag:s8] =	ssyncset.done $0x0  }
0x13: {  	s17 =	simm.s32 $0x0;
	[sflag:s8] =	ssyncadd.s32 $0xFFFFC180  }
.LBB2_2:
0x14: {  	s18 =	sshll.u32 s17, $0x7  }
0x15: {  	[tilespmem:s11], [sflag:$0x1] =	stream.indirect.gather [hbm4b:s3+s10], $0x80, s18, s10, $0xb8;
	[tilespmem:$0xF800] =	vst v63  }
0x16: {  	s18 =	sadd.s32 $0x4000, s18  }
0x17: {  	[tilespmem:s12], [sflag:$0x2] =	stream.indirect.gather [hbm4b:s3+s10], $0x80, s18, s10, $0xb8;
	[tilespmem:$0xF800] =	vst v63  }
0x18: {  	_ =	swait.ge [sflag:s13], $0x2800  }
0x19: {  	[sflag:s13] =	ssyncset.done $0x0  }
0x1a: {  	[sflag:s13] =	ssyncadd.s32 $0xFFFFD800  }
0x1b: {  	_ =	swait.ge [sflag:s14], $0x2800  }
0x1c: {  	[sflag:s14] =	ssyncset.done $0x0  }
0x1d: {  	s18 =	simm.s32 $0x0;
	[sflag:s14] =	ssyncadd.s32 $0xFFFFD800  }
0x1e: {  	v0 =	vld [tilespmem:s18+$0x8070]  }
0x1f: {  	v1 =	vld [tilespmem:s18+$0xA870]  }
0x20: {  	v2 =	vld [tilespmem:s18+$0x8000]  }
0x21: {  	v3 =	vld [tilespmem:s18+$0xA800]  }
0x22: {  	v4 =	vld [tilespmem:s18+$0x8010]  }
0x23: {  	v5 =	vld [tilespmem:s18+$0xA810]  }
0x24: {  	v6 =	vld [tilespmem:s18+$0x8020]  }
0x25: {  	v7 =	vld [tilespmem:s18+$0x8030]  }
0x26: {  	v0 =	vmul.f32 v1, v0;
	v1 =	vld [tilespmem:s18+$0xA820]  }
0x27: {  	v8 =	vld [tilespmem:s18+$0xA830]  }
0x28: {  	v9 =	vld [tilespmem:s18+$0xA840];
	v2 =	vmul.f32 v3, v2  }
0x29: {  	[tilespmem:s18+$0xD070] =	vst v0;
	v0 =	vmul.f32 v5, v4;
	v5 =	vld [tilespmem:s18+$0x8040]  }
0x2a: {  	v3 =	vld [tilespmem:s18+$0xA850];
	[tilespmem:s18+$0xD000] =	vst v2  }
0x2b: {  	v2 =	vld [tilespmem:s18+$0x8050];
	[tilespmem:s18+$0xD010] =	vst v0;
	v0 =	vmul.f32 v1, v6  }
0x2c: {  	v4 =	vld [tilespmem:s18+$0xA860];
	v6 =	vmul.f32 v8, v7  }
0x2d: {  	s19 =	simm.s32 $0x80;
	[tilespmem:s18+$0xD020] =	vst v0;
	v0 =	vld [tilespmem:s18+$0x8060]  }
0x2e: {  	s20 =	simm.s32 $0x400;
	v5 =	vmul.f32 v9, v5;
	v1 =	vld [tilespmem:s19+$0x8070];
	[tilespmem:s18+$0xD030] =	vst v6  }
.LBB2_3:
0x2f: {  	p0 =	sne.s32 s20, $0x9E00;
	v6 =	vld [tilespmem:s19+$0xA870]  }
0x30: {  	v7 =	vld [tilespmem:s19+$0x8000];
	[tilespmem:s18+$0xD040] =	vst v5;
	v2 =	vmul.f32 v3, v2  }
0x31: {  	v3 =	vld [tilespmem:s19+$0xA800]  }
0x32: {  	v5 =	vld [tilespmem:s19+$0x8010];
	[tilespmem:s18+$0xD050] =	vst v2;
	v0 =	vmul.f32 v4, v0  }
0x33: {  	v2 =	vld [tilespmem:s19+$0xA810]  }
0x34: {  	v4 =	vld [tilespmem:s19+$0x8020];
	v1 =	vmul.f32 v6, v1;
	[tilespmem:s18+$0xD060] =	vst v0;
	s18 =	smov.u32 s19  }
0x35: {  	v0 =	vld [tilespmem:s18+$0xA820]  }
0x36: {  	v3 =	vmul.f32 v3, v7;
	v6 =	vld [tilespmem:s18+$0x8030];
	[tilespmem:s18+$0xD070] =	vst v1  }
0x37: {  	v1 =	vld [tilespmem:s18+$0xA830]  }
0x38: {  	[tilespmem:s18+$0xD000] =	vst v3;
	v2 =	vmul.f32 v2, v5;
	v5 =	vld [tilespmem:s18+$0x8040]  }
0x39: {  	v7 =	vld [tilespmem:s18+$0xA840]  }
.Ltmp0:
0x3a: {  	[tilespmem:s18+$0xD010] =	vst v2;
	v0 =	vmul.f32 v0, v4;
	v2 =	vld [tilespmem:s18+$0x8050];
	(pc) =	sbr.rel @p0 .LBB2_3-.Ltmp0, $4  }
0x3b: {  	v3 =	vld [tilespmem:s18+$0xA850]  }
0x3c: {  	[tilespmem:s18+$0xD020] =	vst v0;
	v6 =	vmul.f32 v1, v6;
	v0 =	vld [tilespmem:s18+$0x8060]  }
0x3d: {  	s19 =	sshra.s32 s20, $0x2;
	v4 =	vld [tilespmem:s18+$0xA860]  }
0x3e: {  	s20 =	sadd.s32 $0x200, s20;
	v1 =	vld [tilespmem:s19+$0x8070];
	[tilespmem:s18+$0xD030] =	vst v6;
	v5 =	vmul.f32 v7, v5  }
0x3f: {  	v6 =	vld [tilespmem:s19+$0xA870]  }
0x40: {  	v7 =	vld [tilespmem:s19+$0x8000];
	[tilespmem:s18+$0xD040] =	vst v5;
	v2 =	vmul.f32 v3, v2  }
0x41: {  	v51 =	vld [tilespmem:s19+$0xA800]  }
0x42: {  	v5 =	vld [tilespmem:s19+$0x8010];
	[tilespmem:s18+$0xD050] =	vst v2;
	v0 =	vmul.f32 v4, v0  }
0x43: {  	v2 =	vld [tilespmem:s19+$0xA810]  }
0x44: {  	v52 =	vld [tilespmem:s19+$0x8020];
	[tilespmem:s18+$0xD060] =	vst v0  }
0x45: {  	v54 =	vld [tilespmem:s19+$0xA820]  }
0x46: {  	v55 =	vld [tilespmem:s19+$0x8030]  }
0x47: {  	v56 =	vld [tilespmem:s19+$0xA830]  }
0x48: {  	v57 =	vld [tilespmem:s19+$0x8040]  }
0x49: {  	v58 =	vld [tilespmem:s19+$0xA840]  }
0x4a: {  	v59 =	vld [tilespmem:s19+$0x8050]  }
0x4b: {  	v53 =	vmul.f32 v6, v1;
	v60 =	vld [tilespmem:s19+$0xA850]  }
0x4c: {  	v61 =	vld [tilespmem:s19+$0x8060];
	v3 =	vmul.f32 v51, v7  }
0x4d: {  	v62 =	vld [tilespmem:s19+$0xA860];
	[tilespmem:s19+$0xD070] =	vst v53;
	v2 =	vmul.f32 v2, v5  }
0x4e: {  	[tilespmem:s19+$0xD000] =	vst v3;
	v1 =	vmul.f32 v54, v52  }
0x4f: {  	[tilespmem:s19+$0xD010] =	vst v2;
	v0 =	vmul.f32 v56, v55  }
0x50: {  	v3 =	vmul.f32 v58, v57;
	[tilespmem:s19+$0xD020] =	vst v1  }
0x51: {  	v63 =	vmul.f32 v60, v59;
	[tilespmem:s19+$0xD030] =	vst v0  }
0x52: {  	s31 =	smul.u32 $0x500, s17;
	s17 =	sadd.s32 $0x1, s17;
	[tilespmem:s19+$0xD040] =	vst v3;
	v1 =	vmul.f32 v62, v61  }
0x53: {  	p0 =	sne.s32 s17, $0x7D;
	[tilespmem:s19+$0xD050] =	vst v63  }
.Ltmp1:
0x54: {  	s18 =	sadd.s32 s6, s31;
	[tilespmem:s19+$0xD060] =	vst v1;
	(pc) =	sbr.rel @p0 .LBB2_2-.Ltmp1, $4  }
0x55: {  	[hbm4b:s18+s2] =	stream.linear.scatter [tilespmem:s15], [sflag:$0x3], $0x2800, $0x38;
	[tilespmem:$0xF800] =	vst v63  }
0x56: {  	_ =	swait.ge [sflag:s8], $0x2800  }
0x57: {  	[sflag:s8] =	ssyncset.done $0x0  }
0x58: {  	[sflag:s8] =	ssyncadd.s32 $0xFFFFD800  }
0x59: {  	s16 =	sadd.s32 $0x1, s16  }
0x5a: {  	p0 =	sne.s32 s16, s7  }
.Ltmp2:
0x5b: {  	_ = 	snop;
	(pc) =	sbr.rel @p0 .LBB2_1-.Ltmp2, $1  }
0x5c: {  	_ =	sdelay $0x3  }
0x5d: {  	_ =	sfence.sel $0x180000  }
0x5e: {  	[bflag:$0x0] =	sbarrier.arrive $0xFFFF  }
0x5f: {  	p0 =	sne.s32 s1, $0x0;
	_ =	strace $0x90000050  }
0x60: {  	s0 =	sadd.s32 @!p0 $0x100000, s0;
	[bflag:$0x2] =	sbarrier.arrive $0xFFFF  }
0x61: {  	[sflag:s0] =	ssyncadd.tile.s32 @!p0 $0x1;
	_ =	shalt  }
.Lfunc_end2:
_tile_overlayer_lowered:
.L_overlay_start_2:
0x62: {  	(tag) =	ssettag $0x2  }
0x63: {  	s0 =	rddreg [dreg:$0x0];
	s2 =	stileid.u32  }
0x64: {  	s1 =	rddreg [dreg:$0x1];
	p0 =	sne.s32 s2, $0x0  }
0x65: {  	s3 =	rddreg [dreg:$0x2];
	[bflag:$0x3] =	sbarrier.arrive $0xFFFF;
	s2 =	simm.s32 @!p0 $0x1C03  }
0x66: {  	[timem:s3], [sflag:s2] =	dma.local @!p0 [hbm:s0], s1  }
0x67: {  	s0 =	simm.s32 @!p0 $0x3  }
0x68: {  	_ =	swait.ge @!p0 [sflag:s0], s1  }
0x69: {  	s1 =	ssub.s32 @!p0 $0x0, s1;
	[sflag:s0] =	ssyncset.done @!p0 $0x0  }
0x6a: {  	[sflag:s0] =	ssyncadd.s32 @!p0 s1  }
0x6b: {  	[bflag:$0x3] =	sbarrier.arrive $0xFFFF  }
0x6c: {  	_ =	shalt  }

</sc_bundles>
